<compile_context>
chip_gen: v7x
topology: tpu7x:2x2x1
jax: 0.10.2.dev20260603
libtpu: 0.0.44.dev20260713+nightly
codegen_flags: <defaults>
</compile_context>

<pallas_src>
import functools

import jax
import jax.numpy as jnp
from jax import lax
from jax.experimental import pallas as pl
from jax.experimental.pallas import tpu as pltpu
from jax.experimental.pallas import tpu_sc as plsc

N = 10000
E = 160000
DN = 128
DE = 16
HID = 128
NUM_MP = 6

NPAD = 10240
BI = 256
EPAD = 163840
ROW_BLK = 2000
EROW_BLK = 2048



def _mm_bias_body(x_ref, w_ref, b_ref, o_ref):
    o_ref[...] = lax.dot_general(
        x_ref[...], w_ref[...], (((1,), (1,)), ((), ()))) + b_ref[...]


def _mm_bias(x, w, b, row_blk):
    n, _ = x.shape
    dout = w.shape[0]
    grid = n // row_blk
    return pl.pallas_call(
        _mm_bias_body,
        grid=(grid,),
        in_specs=[
            pl.BlockSpec((row_blk, x.shape[1]), lambda i: (i, 0)),
            pl.BlockSpec(w.shape, lambda i: (0, 0)),
            pl.BlockSpec((1, dout), lambda i: (0, 0)),
        ],
        out_specs=pl.BlockSpec((row_blk, dout), lambda i: (i, 0)),
        out_shape=jax.ShapeDtypeStruct((n, dout), jnp.float32),
    )(x, w, b.reshape(1, dout))


def _combine_mm_body(sba_ref, sbb_ref, t0_ref, t1_ref, u_ref, w_ref,
                     s_ref, up_ref):
    s = (sba_ref[...] + sbb_ref[...] + t0_ref[...] + t1_ref[...]
         - u_ref[...])
    s_ref[...] = s
    up_ref[...] = lax.dot_general(s, w_ref[...], (((1,), (1,)), ((), ())))


def _combine_mm(sba, sbb, t0, t1, u, wh):
    grid = N // ROW_BLK
    blk = pl.BlockSpec((ROW_BLK, HID), lambda i: (i, 0))
    return pl.pallas_call(
        _combine_mm_body,
        grid=(grid,),
        in_specs=[blk, blk, blk, blk, blk,
                  pl.BlockSpec((HID, HID), lambda i: (0, 0))],
        out_specs=[blk, blk],
        out_shape=[jax.ShapeDtypeStruct((N, HID), jnp.float32),
                   jax.ShapeDtypeStruct((N, HID), jnp.float32)],
    )(sba, sbb, t0, t1, u, wh)


def _mm2_body(a_ref, b_ref, w_ref, o_ref):
    o_ref[...] = lax.dot_general(
        a_ref[...] + b_ref[...], w_ref[...], (((1,), (1,)), ((), ())))


def _mm2(a, b, w):
    grid = N // ROW_BLK
    blk = pl.BlockSpec((ROW_BLK, HID), lambda i: (i, 0))
    return pl.pallas_call(
        _mm2_body,
        grid=(grid,),
        in_specs=[blk, blk, pl.BlockSpec((HID, HID), lambda i: (0, 0))],
        out_specs=blk,
        out_shape=jax.ShapeDtypeStruct((N, HID), jnp.float32),
    )(a, b, w)


def _head_body(p0_ref, s6_ref, w_ref, b_ref, h_ref):
    pre = p0_ref[...] + s6_ref[...]
    h = lax.dot_general(pre, w_ref[...], (((1,), (1,)), ((), ()))) + b_ref[...]
    h_ref[...] = jnp.maximum(h, 0.0)


def _head(p0, s6, wo, wob):
    grid = N // ROW_BLK
    blk = pl.BlockSpec((ROW_BLK, HID), lambda i: (i, 0))
    return pl.pallas_call(
        _head_body,
        grid=(grid,),
        in_specs=[blk, blk, pl.BlockSpec((HID, HID), lambda i: (0, 0)),
                  pl.BlockSpec((1, HID), lambda i: (0, 0))],
        out_specs=blk,
        out_shape=jax.ShapeDtypeStruct((N, HID), jnp.float32),
    )(p0, s6, wo, wob.reshape(1, HID))


def _attn_stats_body(hb_ref, hf_ref, stats_ref):
    hb = hb_ref[...]
    hf = hf_ref[...]
    s = lax.dot_general(hb, hf, (((1,), (1,)), ((), ())))
    col = lax.broadcasted_iota(jnp.int32, s.shape, 1)
    s = jnp.where(col < N, s, -jnp.inf)
    m = jnp.max(s, axis=1)
    z = jnp.sum(jnp.exp(s - m[:, None]), axis=1)
    stats_ref[0:8, :] = jnp.broadcast_to(m[None, :], (8, BI))
    stats_ref[8:16, :] = jnp.broadcast_to(z[None, :], (8, BI))


def _attn_stats(hpad):
    grid = NPAD // BI
    return pl.pallas_call(
        _attn_stats_body,
        grid=(grid,),
        in_specs=[pl.BlockSpec((BI, HID), lambda i: (i, 0)),
                  pl.BlockSpec((NPAD, HID), lambda i: (0, 0))],
        out_specs=pl.BlockSpec((16, BI), lambda i: (0, i)),
        out_shape=jax.ShapeDtypeStruct((16, NPAD), jnp.float32),
    )(hpad, hpad)


def _attn_out_body(hb_ref, hf_ref, stats_ref, o_ref):
    hb = hb_ref[...]
    hf = hf_ref[...]
    s = lax.dot_general(hb, hf, (((1,), (1,)), ((), ())))
    m = stats_ref[0:1, :]
    rz = stats_ref[8:9, :]
    p = jnp.exp(s - m) * rz
    o_ref[...] = lax.dot_general(p, hf, (((1,), (0,)), ((), ()))) + hb


def _attn_out(hpad, stats):
    grid = NPAD // BI
    return pl.pallas_call(
        _attn_out_body,
        grid=(grid,),
        in_specs=[pl.BlockSpec((BI, HID), lambda i: (i, 0)),
                  pl.BlockSpec((NPAD, HID), lambda i: (0, 0)),
                  pl.BlockSpec((16, NPAD), lambda i: (0, 0))],
        out_specs=pl.BlockSpec((BI, HID), lambda i: (i, 0)),
        out_shape=jax.ShapeDtypeStruct((NPAD, HID), jnp.float32),
    )(hpad, hpad, stats)



NACC = 10112
TROWS = NACC // 16
NCHUNK = 40
EC = 80


def _make_edge_body(relu_mode):
    def _edge_body(np_hbm, ep_hbm, srcidx, dstidx, whb_hbm, z_hbm,
                   out_hbm, idxs_v, idxd_v, grows_v, erows_v, whb_v, acc, sem):
        c = lax.axis_index("c")
        s = lax.axis_index("s")
        wid = s * 2 + c
        r0 = s * TROWS
        pltpu.sync_copy(z_hbm.at[pl.ds(r0, TROWS)], acc.at[pl.ds(r0, TROWS)])
        pltpu.sync_copy(srcidx.at[wid], idxs_v)
        pltpu.sync_copy(dstidx.at[wid], idxd_v)
        pltpu.sync_copy(whb_hbm, whb_v)
        plsc.subcore_barrier()

        def chunk(j, carry):
            gd = pltpu.async_copy(np_hbm.at[idxs_v.at[j]], grows_v, sem)
            pltpu.sync_copy(
                ep_hbm.at[pl.ds(wid * (NCHUNK * 128) + j * 128, 128)], erows_v)
            gd.wait()

            def ew(r, carry2):
                for c8 in range(8):
                    sl = pl.ds(c8 * 16, 16)
                    t = grows_v[r, sl] + erows_v[r, sl]
                    if relu_mode:
                        grows_v[r, sl] = jnp.maximum(t, 0.0)
                    else:
                        grows_v[r, sl] = t + whb_v[sl]
                return carry2

            lax.fori_loop(0, 128, ew, 0)
            pltpu.sync_copy(grows_v, acc.at[idxd_v.at[j]], add=True)
            return carry

        lax.fori_loop(0, NCHUNK, chunk, 0)
        plsc.subcore_barrier()
        pltpu.sync_copy(acc.at[pl.ds(r0, TROWS)], out_hbm.at[c, pl.ds(r0, TROWS)])

    return _edge_body


_edge_scratch = [
    pltpu.VMEM((NCHUNK, 128), jnp.int32),
    pltpu.VMEM((NCHUNK, 128), jnp.int32),
    pltpu.VMEM((128, HID), jnp.float32),
    pltpu.VMEM((128, HID), jnp.float32),
    pltpu.VMEM((HID,), jnp.float32),
    pltpu.VMEM_SHARED((NACC, HID), jnp.float32),
    pltpu.SemaphoreType.DMA,
]

_edge_call_relu = pl.kernel(
    _make_edge_body(True),
    out_type=jax.ShapeDtypeStruct((2, NACC, HID), jnp.float32),
    mesh=plsc.VectorSubcoreMesh(core_axis_name="c", subcore_axis_name="s"),
    scratch_types=_edge_scratch,
)

_edge_call_bias = pl.kernel(
    _make_edge_body(False),
    out_type=jax.ShapeDtypeStruct((2, NACC, HID), jnp.float32),
    mesh=plsc.VectorSubcoreMesh(core_axis_name="c", subcore_axis_name="s"),
    scratch_types=_edge_scratch,
)


def _spmm_body(u_hbm, srcidx, dstidx, z_hbm, out_hbm, idxs_v, idxd_v,
               buf_v, acc_sh, gsem):
    c = lax.axis_index("c")
    s = lax.axis_index("s")
    wid = s * 2 + c
    r0 = s * TROWS
    pltpu.sync_copy(z_hbm.at[pl.ds(r0, TROWS)], acc_sh.at[pl.ds(r0, TROWS)])
    pltpu.sync_copy(srcidx.at[wid], idxs_v)
    pltpu.sync_copy(dstidx.at[wid], idxd_v)
    plsc.subcore_barrier()

    def chunk(j, carry):
        pltpu.async_copy(u_hbm.at[idxs_v.at[j]], buf_v, gsem).wait()
        pltpu.sync_copy(buf_v, acc_sh.at[idxd_v.at[j]], add=True)
        return carry

    lax.fori_loop(0, NCHUNK, chunk, 0)
    plsc.subcore_barrier()
    pltpu.sync_copy(acc_sh.at[pl.ds(r0, TROWS)], out_hbm.at[c, pl.ds(r0, TROWS)])


_spmm_call = pl.kernel(
    _spmm_body,
    out_type=jax.ShapeDtypeStruct((2, NACC, HID), jnp.float32),
    mesh=plsc.VectorSubcoreMesh(core_axis_name="c", subcore_axis_name="s"),
    scratch_types=[
        pltpu.VMEM((NCHUNK, 128), jnp.int32),
        pltpu.VMEM((NCHUNK, 128), jnp.int32),
        pltpu.VMEM((128, HID), jnp.float32),
        pltpu.VMEM_SHARED((NACC, HID), jnp.float32),
        pltpu.SemaphoreType.DMA,
    ],
)


def _spmm(u, src_pad, dst_pad, zacc):
    t2 = _spmm_call(u, src_pad, dst_pad, zacc)
    return t2[0, :N], t2[1, :N]



def kernel(node_feats, edge_feats, edge_index, Win_w, Win_b, Wh_w, Wh_b,
           Wah_w, Wah_b, Wo_w, Wo_b):
    src = edge_index[0]
    dst = edge_index[1]

    pad = EPAD - E
    src_pad = jnp.concatenate([src, jnp.zeros((pad,), jnp.int32)]).reshape(32, 40, 128)
    dst_pad = jnp.concatenate([dst, jnp.full((pad,), N, jnp.int32)]).reshape(32, 40, 128)

    win_x = Win_w[:, :DN]
    win_e = Win_w[:, DN:]

    node_proj = _mm_bias(node_feats, win_x, jnp.zeros((HID,), jnp.float32), ROW_BLK)
    p0 = _mm_bias(node_feats, Wah_w, Wah_b, ROW_BLK)

    ef_pad = jnp.concatenate(
        [edge_feats, jnp.zeros((pad, DE), jnp.float32)], axis=0)
    edge_proj_pad = _mm_bias(ef_pad, win_e, Win_b, EROW_BLK)

    zacc = jnp.zeros((NACC, HID), jnp.float32)
    s0o = _edge_call_relu(node_proj, edge_proj_pad, src_pad, dst_pad, Wh_b, zacc)
    sbo = _edge_call_bias(node_proj, edge_proj_pad, src_pad, dst_pad, Wh_b, zacc)
    sba, sbb = sbo[0, :N], sbo[1, :N]
    u = _mm2(s0o[0, :N], s0o[1, :N], Wh_w)
    s = None
    for _ in range(NUM_MP):
        t0, t1 = _spmm(u, src_pad, dst_pad, zacc)
        s, u = _combine_mm(sba, sbb, t0, t1, u, Wh_w)
    s6 = s

    h = _head(p0, s6, Wo_w, Wo_b)

    hpad = jnp.concatenate([h, jnp.zeros((NPAD - N, HID), jnp.float32)], axis=0)
    stats = _attn_stats(hpad)
    valid = (lax.broadcasted_iota(jnp.int32, (1, NPAD), 1) < N)
    m_f = jnp.where(valid, stats[0:8], 0.0)
    rz_f = jnp.where(valid, 1.0 / stats[8:16], 1.0)
    stats_f = jnp.concatenate([m_f, rz_f], axis=0)
    outp = _attn_out(hpad, stats_f)
    return outp[:N]

# --- scband reference (transcript-rebuilt; emitter-appended) ---
"""Pipeline reference for scband-sampngnn-7876970021289 (READ-ONLY COPY).

The authoritative reference and input builder live on the scoring server;
editing this copy changes nothing except your own understanding.
"""

import jax, jax.numpy as jnp
import numpy as np

N = 10000
E = 160000
DN = 128   # node_in_feats
DE = 16    # edge_in_feats
HID = 128  # message_hidden_feats
DO = 128   # node_out_feats
NUM_MP = 6


def _init_linear(key, out_f, in_f):
    kw, kb = jax.random.split(key)
    bound = 1.0 / np.sqrt(in_f)
    w = jax.random.uniform(kw, (out_f, in_f), dtype=jnp.float32, minval=-bound, maxval=bound)
    b = jax.random.uniform(kb, (out_f,), dtype=jnp.float32, minval=-bound, maxval=bound)
    return w, b


def setup_inputs(seed: int = 0) -> dict:
    key = jax.random.key(seed)
    ks = jax.random.split(key, 8)
    inp = {}
    inp["node_feats"] = jax.random.normal(ks[0], (N, DN), dtype=jnp.float32)
    inp["edge_feats"] = jax.random.normal(ks[1], (E, DE), dtype=jnp.float32)
    inp["edge_index"] = jax.random.randint(ks[2], (2, E), 0, N, dtype=jnp.int32)
    inp["Win_w"], inp["Win_b"] = _init_linear(ks[3], HID, DN + DE)
    inp["Wh_w"], inp["Wh_b"] = _init_linear(ks[4], HID, HID)
    inp["Wah_w"], inp["Wah_b"] = _init_linear(ks[5], HID, DN)
    inp["Wo_w"], inp["Wo_b"] = _init_linear(ks[6], DO, HID)
    return inp


def reference(node_feats, edge_feats, edge_index, Win_w, Win_b, Wh_w, Wh_b, Wah_w, Wah_b, Wo_w, Wo_b):
    src = edge_index[0]
    dst = edge_index[1]
    # g.apply_edges(src_feats = edges.src['node_feats'])
    src_feats = jnp.take(node_feats, src, axis=0)
    cat = jnp.concatenate([src_feats, edge_feats], axis=1)
    base = cat @ Win_w.T + Win_b  # W_in(cat(x_u, xy_e)) -- same value every layer
    messages = jax.nn.relu(base)
    for _ in range(NUM_MP):
        # update_all: copy_e('pre_mess') -> sum at dst node
        node_sum = jax.ops.segment_sum(messages, dst, num_segments=N)
        # apply_edges: neighbor_sum = edges.src['_neighbor_sum'] - edges.data['pre_mess']
        neighbor_sum = jnp.take(node_sum, src, axis=0) - messages
        # mess = input_nn(cat(x_src, xy)) + hidden_nn(neighbor_sum)  (no relu)
        messages = base + neighbor_sum @ Wh_w.T + Wh_b
    # final aggregation: sum of messages into each dst node
    node_sum = jax.ops.segment_sum(messages, dst, num_segments=N)
    pre = node_feats @ Wah_w.T + Wah_b + node_sum
    node_hidden = jax.nn.relu(pre @ Wo_w.T + Wo_b)
    # W_att = softmax(H H^T, dim=0); EG = W_att @ H
    W_att = jax.nn.softmax(node_hidden @ node_hidden.T, axis=0)
    EG = W_att @ node_hidden
    return EG + node_hidden

if __name__ == "__main__":
    import jax
    _d = setup_inputs()
    print(jax.jit(kernel)(*tuple(_d.values())))

</pallas_src>

<mosaic_0001>
#map = affine_map<(d0, d1) -> (0, 0)>
#map1 = affine_map<(d0, d1) -> (0, 0, 0)>
module attributes {stable_mosaic.version = 14 : i64} {
  func.func @_spmm_body(%arg0: i32, %arg1: i32, %arg2: memref<10000x128xf32, #tpu.memory_space<hbm>>, %arg3: memref<32x40x128xi32, #tpu.memory_space<hbm>>, %arg4: memref<32x40x128xi32, #tpu.memory_space<hbm>>, %arg5: memref<10112x128xf32, #tpu.memory_space<hbm>>, %arg6: memref<2x10112x128xf32, #tpu.memory_space<hbm>>, %arg7: memref<40x128xi32, #tpu.memory_space<vmem>>, %arg8: memref<40x128xi32, #tpu.memory_space<vmem>>, %arg9: memref<128x128xf32, #tpu.memory_space<vmem>>, %arg10: memref<10112x128xf32, #tpu.memory_space<vmem_shared>>, %arg11: memref<!tpu.dma_semaphore, #tpu.memory_space<semaphore_mem>>) attributes {dimension_semantics = [#tpu.dimension_semantics<core_parallel>, #tpu.dimension_semantics<subcore_parallel>], iteration_bounds = array<i64: 2, 16>, scalar_prefetch = 0 : i64, scratch_operands = 5 : i64, tpu.core_type = #tpu.core_type<sc_vector_subcore>, window_params = [{transform_indices = #map}, {transform_indices = #map1}, {transform_indices = #map1}, {transform_indices = #map}, {transform_indices = #map1}]} {
    %mul3A = arith.constant 2 : i32
    %mul3A_0 = arith.muli %arg1, %mul3A : i32
    %add3A = arith.addi %mul3A_0, %arg0 : i32
    %mul3A_1 = arith.constant 632 : i32
    %mul3A_2 = arith.muli %arg1, %mul3A_1 : i32
    "tpu.region"() ({
      %run_scoped3A = tpu.sem_alloc : memref<!tpu.dma_semaphore, #tpu.memory_space<semaphore_mem>>
      %dma_start3A = arith.constant 0 : i32
      %dma_start3A_9 = tpu.memref_slice %arg10[%mul3A_2, %dma_start3A] : memref<10112x128xf32, #tpu.memory_space<vmem_shared>> -> memref<632x128xf32, #tpu.memory_space<vmem_shared>>
      %dma_start3A_10 = arith.constant 0 : i32
      %dma_start3A_11 = tpu.memref_slice %arg5[%mul3A_2, %dma_start3A_10] : memref<10112x128xf32, #tpu.memory_space<hbm>> -> memref<632x128xf32, #tpu.memory_space<hbm>>
      tpu.enqueue_dma source(%dma_start3A_11 : memref<632x128xf32, #tpu.memory_space<hbm>>) target(%dma_start3A_9 : memref<632x128xf32, #tpu.memory_space<vmem_shared>>) target_semaphore(%run_scoped3A : memref<!tpu.dma_semaphore, #tpu.memory_space<semaphore_mem>>)
      %dma_wait3A = arith.constant 0 : i32
      %dma_wait3A_12 = tpu.memref_slice %arg10[%mul3A_2, %dma_wait3A] : memref<10112x128xf32, #tpu.memory_space<vmem_shared>> -> memref<632x128xf32, #tpu.memory_space<vmem_shared>>
      %dma_wait3A_13 = arith.constant 0 : i32
      %dma_wait3A_14 = tpu.memref_slice %arg5[%mul3A_2, %dma_wait3A_13] : memref<10112x128xf32, #tpu.memory_space<hbm>> -> memref<632x128xf32, #tpu.memory_space<hbm>>
      tpu.wait_dma2 semaphore(%run_scoped3A : memref<!tpu.dma_semaphore, #tpu.memory_space<semaphore_mem>>) src(%dma_wait3A_14 : memref<632x128xf32, #tpu.memory_space<hbm>>) dst(%dma_wait3A_12 : memref<632x128xf32, #tpu.memory_space<vmem_shared>>)
      tpu.yield
    }) : () -> ()
    "tpu.region"() ({
      %run_scoped3A = tpu.sem_alloc : memref<!tpu.dma_semaphore, #tpu.memory_space<semaphore_mem>>
      %dma_start3A = arith.constant 0 : i32
      %dma_start3A_9 = arith.constant 0 : i32
      %dma_start3A_10 = tpu.memref_slice %arg3[%add3A, %dma_start3A, %dma_start3A_9] : memref<32x40x128xi32, #tpu.memory_space<hbm>> -> memref<1x40x128xi32, #tpu.memory_space<hbm>>
      %dma_start3A_11 = tpu.memref_squeeze %dma_start3A_10 : memref<1x40x128xi32, #tpu.memory_space<hbm>> -> memref<40x128xi32, #tpu.memory_space<hbm>>
      %dma_start3A_12 = arith.constant 0 : i32
      %dma_start3A_13 = arith.constant 0 : i32
      %dma_start3A_14 = tpu.memref_slice %arg3[%add3A, %dma_start3A_12, %dma_start3A_13] : memref<32x40x128xi32, #tpu.memory_space<hbm>> -> memref<1x40x128xi32, #tpu.memory_space<hbm>>
      %dma_start3A_15 = tpu.memref_squeeze %dma_start3A_14 : memref<1x40x128xi32, #tpu.memory_space<hbm>> -> memref<40x128xi32, #tpu.memory_space<hbm>>
      tpu.enqueue_dma source(%dma_start3A_15 : memref<40x128xi32, #tpu.memory_space<hbm>>) target(%arg7 : memref<40x128xi32, #tpu.memory_space<vmem>>) target_semaphore(%run_scoped3A : memref<!tpu.dma_semaphore, #tpu.memory_space<semaphore_mem>>)
      %dma_wait3A = arith.constant 0 : i32
      %dma_wait3A_16 = arith.constant 0 : i32
      %dma_wait3A_17 = tpu.memref_slice %arg3[%add3A, %dma_wait3A, %dma_wait3A_16] : memref<32x40x128xi32, #tpu.memory_space<hbm>> -> memref<1x40x128xi32, #tpu.memory_space<hbm>>
      %dma_wait3A_18 = tpu.memref_squeeze %dma_wait3A_17 : memref<1x40x128xi32, #tpu.memory_space<hbm>> -> memref<40x128xi32, #tpu.memory_space<hbm>>
      %dma_wait3A_19 = arith.constant 0 : i32
      %dma_wait3A_20 = arith.constant 0 : i32
      %dma_wait3A_21 = tpu.memref_slice %arg3[%add3A, %dma_wait3A_19, %dma_wait3A_20] : memref<32x40x128xi32, #tpu.memory_space<hbm>> -> memref<1x40x128xi32, #tpu.memory_space<hbm>>
      %dma_wait3A_22 = tpu.memref_squeeze %dma_wait3A_21 : memref<1x40x128xi32, #tpu.memory_space<hbm>> -> memref<40x128xi32, #tpu.memory_space<hbm>>
      tpu.wait_dma2 semaphore(%run_scoped3A : memref<!tpu.dma_semaphore, #tpu.memory_space<semaphore_mem>>) src(%dma_wait3A_22 : memref<40x128xi32, #tpu.memory_space<hbm>>) dst(%arg7 : memref<40x128xi32, #tpu.memory_space<vmem>>)
      tpu.yield
    }) : () -> ()
    "tpu.region"() ({
      %run_scoped3A = tpu.sem_alloc : memref<!tpu.dma_semaphore, #tpu.memory_space<semaphore_mem>>
      %dma_start3A = arith.constant 0 : i32
      %dma_start3A_9 = arith.constant 0 : i32
      %dma_start3A_10 = tpu.memref_slice %arg4[%add3A, %dma_start3A, %dma_start3A_9] : memref<32x40x128xi32, #tpu.memory_space<hbm>> -> memref<1x40x128xi32, #tpu.memory_space<hbm>>
      %dma_start3A_11 = tpu.memref_squeeze %dma_start3A_10 : memref<1x40x128xi32, #tpu.memory_space<hbm>> -> memref<40x128xi32, #tpu.memory_space<hbm>>
      %dma_start3A_12 = arith.constant 0 : i32
      %dma_start3A_13 = arith.constant 0 : i32
      %dma_start3A_14 = tpu.memref_slice %arg4[%add3A, %dma_start3A_12, %dma_start3A_13] : memref<32x40x128xi32, #tpu.memory_space<hbm>> -> memref<1x40x128xi32, #tpu.memory_space<hbm>>
      %dma_start3A_15 = tpu.memref_squeeze %dma_start3A_14 : memref<1x40x128xi32, #tpu.memory_space<hbm>> -> memref<40x128xi32, #tpu.memory_space<hbm>>
      tpu.enqueue_dma source(%dma_start3A_15 : memref<40x128xi32, #tpu.memory_space<hbm>>) target(%arg8 : memref<40x128xi32, #tpu.memory_space<vmem>>) target_semaphore(%run_scoped3A : memref<!tpu.dma_semaphore, #tpu.memory_space<semaphore_mem>>)
      %dma_wait3A = arith.constant 0 : i32
      %dma_wait3A_16 = arith.constant 0 : i32
      %dma_wait3A_17 = tpu.memref_slice %arg4[%add3A, %dma_wait3A, %dma_wait3A_16] : memref<32x40x128xi32, #tpu.memory_space<hbm>> -> memref<1x40x128xi32, #tpu.memory_space<hbm>>
      %dma_wait3A_18 = tpu.memref_squeeze %dma_wait3A_17 : memref<1x40x128xi32, #tpu.memory_space<hbm>> -> memref<40x128xi32, #tpu.memory_space<hbm>>
      %dma_wait3A_19 = arith.constant 0 : i32
      %dma_wait3A_20 = arith.constant 0 : i32
      %dma_wait3A_21 = tpu.memref_slice %arg4[%add3A, %dma_wait3A_19, %dma_wait3A_20] : memref<32x40x128xi32, #tpu.memory_space<hbm>> -> memref<1x40x128xi32, #tpu.memory_space<hbm>>
      %dma_wait3A_22 = tpu.memref_squeeze %dma_wait3A_21 : memref<1x40x128xi32, #tpu.memory_space<hbm>> -> memref<40x128xi32, #tpu.memory_space<hbm>>
      tpu.wait_dma2 semaphore(%run_scoped3A : memref<!tpu.dma_semaphore, #tpu.memory_space<semaphore_mem>>) src(%dma_wait3A_22 : memref<40x128xi32, #tpu.memory_space<hbm>>) dst(%arg8 : memref<40x128xi32, #tpu.memory_space<vmem>>)
      tpu.yield
    }) : () -> ()
    %barrier3A = arith.constant 0 : index
    tpu.barrier barrier_id(%barrier3A)
    %scan3A = arith.constant 0 : i32
    %scan3A_3 = arith.constant 0 : i32
    %scan3A_4 = arith.constant 40 : i32
    %scan3A_5 = arith.addi %scan3A_3, %scan3A_4 : i32
    %scan3A_6 = arith.constant 1 : i32
    scf.for %scan3A_9 = %scan3A_3 to %scan3A_5 step %scan3A_6  : i32 {
      %dma_start3A = arith.constant 0 : i32
      %dma_start3A_10 = tpu.memref_slice %arg7[%scan3A_9, %dma_start3A] : memref<40x128xi32, #tpu.memory_space<vmem>> -> memref<1x128xi32, #tpu.memory_space<vmem>>
      %dma_start3A_11 = tpu.memref_squeeze %dma_start3A_10 : memref<1x128xi32, #tpu.memory_space<vmem>> -> memref<128xi32, #tpu.memory_space<vmem>>
      %dma_start3A_12 = arith.constant 0 : i32
      %dma_start3A_13 = arith.constant 0 : i32
      %dma_start3A_14 = tpu.memref_slice %arg2[%dma_start3A_12, %dma_start3A_13] : memref<10000x128xf32, #tpu.memory_space<hbm>> -> memref<10000x128xf32, #tpu.memory_space<hbm>>
      tpu.enqueue_indirect_dma source(%dma_start3A_14 : memref<10000x128xf32, #tpu.memory_space<hbm>>) target(%arg9 : memref<128x128xf32, #tpu.memory_space<vmem>>) offsets(%dma_start3A_11 : memref<128xi32, #tpu.memory_space<vmem>>) semaphore(%arg11 : memref<!tpu.dma_semaphore, #tpu.memory_space<semaphore_mem>>)
      %dma_wait3A = arith.constant 0 : i32
      %dma_wait3A_15 = tpu.memref_slice %arg7[%scan3A_9, %dma_wait3A] : memref<40x128xi32, #tpu.memory_space<vmem>> -> memref<1x128xi32, #tpu.memory_space<vmem>>
      %dma_wait3A_16 = tpu.memref_squeeze %dma_wait3A_15 : memref<1x128xi32, #tpu.memory_space<vmem>> -> memref<128xi32, #tpu.memory_space<vmem>>
      %dma_wait3A_17 = arith.constant 0 : i32
      %dma_wait3A_18 = arith.constant 0 : i32
      %dma_wait3A_19 = tpu.memref_slice %arg2[%dma_wait3A_17, %dma_wait3A_18] : memref<10000x128xf32, #tpu.memory_space<hbm>> -> memref<10000x128xf32, #tpu.memory_space<hbm>>
      tpu.wait_indirect_dma semaphore(%arg11 : memref<!tpu.dma_semaphore, #tpu.memory_space<semaphore_mem>>) src(%dma_wait3A_19 : memref<10000x128xf32, #tpu.memory_space<hbm>>) dst(%arg9 : memref<128x128xf32, #tpu.memory_space<vmem>>)
      "tpu.region"() ({
        %run_scoped3A = tpu.sem_alloc : memref<!tpu.dma_semaphore, #tpu.memory_space<semaphore_mem>>
        %dma_start3A_20 = arith.constant 0 : i32
        %dma_start3A_21 = tpu.memref_slice %arg8[%scan3A_9, %dma_start3A_20] : memref<40x128xi32, #tpu.memory_space<vmem>> -> memref<1x128xi32, #tpu.memory_space<vmem>>
        %dma_start3A_22 = tpu.memref_squeeze %dma_start3A_21 : memref<1x128xi32, #tpu.memory_space<vmem>> -> memref<128xi32, #tpu.memory_space<vmem>>
        %dma_start3A_23 = arith.constant 0 : i32
        %dma_start3A_24 = arith.constant 0 : i32
        %dma_start3A_25 = tpu.memref_slice %arg10[%dma_start3A_23, %dma_start3A_24] : memref<10112x128xf32, #tpu.memory_space<vmem_shared>> -> memref<10112x128xf32, #tpu.memory_space<vmem_shared>>
        tpu.enqueue_indirect_dma source(%arg9 : memref<128x128xf32, #tpu.memory_space<vmem>>) target(%dma_start3A_25 : memref<10112x128xf32, #tpu.memory_space<vmem_shared>>) offsets(%dma_start3A_22 : memref<128xi32, #tpu.memory_space<vmem>>) semaphore(%run_scoped3A : memref<!tpu.dma_semaphore, #tpu.memory_space<semaphore_mem>>) {add = true}
        %dma_wait3A_26 = arith.constant 0 : i32
        %dma_wait3A_27 = tpu.memref_slice %arg8[%scan3A_9, %dma_wait3A_26] : memref<40x128xi32, #tpu.memory_space<vmem>> -> memref<1x128xi32, #tpu.memory_space<vmem>>
        %dma_wait3A_28 = tpu.memref_squeeze %dma_wait3A_27 : memref<1x128xi32, #tpu.memory_space<vmem>> -> memref<128xi32, #tpu.memory_space<vmem>>
        %dma_wait3A_29 = arith.constant 0 : i32
        %dma_wait3A_30 = arith.constant 0 : i32
        %dma_wait3A_31 = tpu.memref_slice %arg10[%dma_wait3A_29, %dma_wait3A_30] : memref<10112x128xf32, #tpu.memory_space<vmem_shared>> -> memref<10112x128xf32, #tpu.memory_space<vmem_shared>>
        tpu.wait_indirect_dma semaphore(%run_scoped3A : memref<!tpu.dma_semaphore, #tpu.memory_space<semaphore_mem>>) src(%arg9 : memref<128x128xf32, #tpu.memory_space<vmem>>) dst(%dma_wait3A_31 : memref<10112x128xf32, #tpu.memory_space<vmem_shared>>)
        tpu.yield
      }) : () -> ()
    }
    %scan3A_7 = arith.constant 40 : i32
    %barrier3A_8 = arith.constant 0 : index
    tpu.barrier barrier_id(%barrier3A_8)
    "tpu.region"() ({
      %run_scoped3A = tpu.sem_alloc : memref<!tpu.dma_semaphore, #tpu.memory_space<semaphore_mem>>
      %dma_start3A = arith.constant 0 : i32
      %dma_start3A_9 = tpu.memref_slice %arg6[%arg0, %mul3A_2, %dma_start3A] : memref<2x10112x128xf32, #tpu.memory_space<hbm>> -> memref<1x632x128xf32, #tpu.memory_space<hbm>>
      %dma_start3A_10 = tpu.memref_squeeze %dma_start3A_9 : memref<1x632x128xf32, #tpu.memory_space<hbm>> -> memref<632x128xf32, #tpu.memory_space<hbm>>
      %dma_start3A_11 = arith.constant 0 : i32
      %dma_start3A_12 = tpu.memref_slice %arg10[%mul3A_2, %dma_start3A_11] : memref<10112x128xf32, #tpu.memory_space<vmem_shared>> -> memref<632x128xf32, #tpu.memory_space<vmem_shared>>
      tpu.enqueue_dma source(%dma_start3A_12 : memref<632x128xf32, #tpu.memory_space<vmem_shared>>) target(%dma_start3A_10 : memref<632x128xf32, #tpu.memory_space<hbm>>) target_semaphore(%run_scoped3A : memref<!tpu.dma_semaphore, #tpu.memory_space<semaphore_mem>>)
      %dma_wait3A = arith.constant 0 : i32
      %dma_wait3A_13 = tpu.memref_slice %arg6[%arg0, %mul3A_2, %dma_wait3A] : memref<2x10112x128xf32, #tpu.memory_space<hbm>> -> memref<1x632x128xf32, #tpu.memory_space<hbm>>
      %dma_wait3A_14 = tpu.memref_squeeze %dma_wait3A_13 : memref<1x632x128xf32, #tpu.memory_space<hbm>> -> memref<632x128xf32, #tpu.memory_space<hbm>>
      %dma_wait3A_15 = arith.constant 0 : i32
      %dma_wait3A_16 = tpu.memref_slice %arg10[%mul3A_2, %dma_wait3A_15] : memref<10112x128xf32, #tpu.memory_space<vmem_shared>> -> memref<632x128xf32, #tpu.memory_space<vmem_shared>>
      tpu.wait_dma2 semaphore(%run_scoped3A : memref<!tpu.dma_semaphore, #tpu.memory_space<semaphore_mem>>) src(%dma_wait3A_16 : memref<632x128xf32, #tpu.memory_space<vmem_shared>>) dst(%dma_wait3A_14 : memref<632x128xf32, #tpu.memory_space<hbm>>)
      tpu.yield
    }) : () -> ()
    return
  }
}

#map = affine_map<(d0, d1) -> (0, 0)>
#map1 = affine_map<(d0, d1) -> (0, 0, 0)>
#map2 = affine_map<(d0, d1) -> (0)>
module attributes {stable_mosaic.version = 14 : i64} {
  func.func @_edge_body(%arg0: i32, %arg1: i32, %arg2: memref<10000x128xf32, #tpu.memory_space<hbm>>, %arg3: memref<163840x128xf32, #tpu.memory_space<hbm>>, %arg4: memref<32x40x128xi32, #tpu.memory_space<hbm>>, %arg5: memref<32x40x128xi32, #tpu.memory_space<hbm>>, %arg6: memref<128xf32, #tpu.memory_space<hbm>>, %arg7: memref<10112x128xf32, #tpu.memory_space<hbm>>, %arg8: memref<2x10112x128xf32, #tpu.memory_space<hbm>>, %arg9: memref<40x128xi32, #tpu.memory_space<vmem>>, %arg10: memref<40x128xi32, #tpu.memory_space<vmem>>, %arg11: memref<128x128xf32, #tpu.memory_space<vmem>>, %arg12: memref<128x128xf32, #tpu.memory_space<vmem>>, %arg13: memref<128xf32, #tpu.memory_space<vmem>>, %arg14: memref<10112x128xf32, #tpu.memory_space<vmem_shared>>, %arg15: memref<!tpu.dma_semaphore, #tpu.memory_space<semaphore_mem>>) attributes {dimension_semantics = [#tpu.dimension_semantics<core_parallel>, #tpu.dimension_semantics<subcore_parallel>], iteration_bounds = array<i64: 2, 16>, scalar_prefetch = 0 : i64, scratch_operands = 7 : i64, tpu.core_type = #tpu.core_type<sc_vector_subcore>, window_params = [{transform_indices = #map}, {transform_indices = #map}, {transform_indices = #map1}, {transform_indices = #map1}, {transform_indices = #map2}, {transform_indices = #map}, {transform_indices = #map1}]} {
    %mul3A = arith.constant 2 : i32
    %mul3A_0 = arith.muli %arg1, %mul3A : i32
    %add3A = arith.addi %mul3A_0, %arg0 : i32
    %mul3A_1 = arith.constant 632 : i32
    %mul3A_2 = arith.muli %arg1, %mul3A_1 : i32
    "tpu.region"() ({
      %run_scoped3A = tpu.sem_alloc : memref<!tpu.dma_semaphore, #tpu.memory_space<semaphore_mem>>
      %dma_start3A = arith.constant 0 : i32
      %dma_start3A_9 = tpu.memref_slice %arg14[%mul3A_2, %dma_start3A] : memref<10112x128xf32, #tpu.memory_space<vmem_shared>> -> memref<632x128xf32, #tpu.memory_space<vmem_shared>>
      %dma_start3A_10 = arith.constant 0 : i32
      %dma_start3A_11 = tpu.memref_slice %arg7[%mul3A_2, %dma_start3A_10] : memref<10112x128xf32, #tpu.memory_space<hbm>> -> memref<632x128xf32, #tpu.memory_space<hbm>>
      tpu.enqueue_dma source(%dma_start3A_11 : memref<632x128xf32, #tpu.memory_space<hbm>>) target(%dma_start3A_9 : memref<632x128xf32, #tpu.memory_space<vmem_shared>>) target_semaphore(%run_scoped3A : memref<!tpu.dma_semaphore, #tpu.memory_space<semaphore_mem>>)
      %dma_wait3A = arith.constant 0 : i32
      %dma_wait3A_12 = tpu.memref_slice %arg14[%mul3A_2, %dma_wait3A] : memref<10112x128xf32, #tpu.memory_space<vmem_shared>> -> memref<632x128xf32, #tpu.memory_space<vmem_shared>>
      %dma_wait3A_13 = arith.constant 0 : i32
      %dma_wait3A_14 = tpu.memref_slice %arg7[%mul3A_2, %dma_wait3A_13] : memref<10112x128xf32, #tpu.memory_space<hbm>> -> memref<632x128xf32, #tpu.memory_space<hbm>>
      tpu.wait_dma2 semaphore(%run_scoped3A : memref<!tpu.dma_semaphore, #tpu.memory_space<semaphore_mem>>) src(%dma_wait3A_14 : memref<632x128xf32, #tpu.memory_space<hbm>>) dst(%dma_wait3A_12 : memref<632x128xf32, #tpu.memory_space<vmem_shared>>)
      tpu.yield
    }) : () -> ()
    "tpu.region"() ({
      %run_scoped3A = tpu.sem_alloc : memref<!tpu.dma_semaphore, #tpu.memory_space<semaphore_mem>>
      %dma_start3A = arith.constant 0 : i32
      %dma_start3A_9 = arith.constant 0 : i32
      %dma_start3A_10 = tpu.memref_slice %arg4[%add3A, %dma_start3A, %dma_start3A_9] : memref<32x40x128xi32, #tpu.memory_space<hbm>> -> memref<1x40x128xi32, #tpu.memory_space<hbm>>
      %dma_start3A_11 = tpu.memref_squeeze %dma_start3A_10 : memref<1x40x128xi32, #tpu.memory_space<hbm>> -> memref<40x128xi32, #tpu.memory_space<hbm>>
      %dma_start3A_12 = arith.constant 0 : i32
      %dma_start3A_13 = arith.constant 0 : i32
      %dma_start3A_14 = tpu.memref_slice %arg4[%add3A, %dma_start3A_12, %dma_start3A_13] : memref<32x40x128xi32, #tpu.memory_space<hbm>> -> memref<1x40x128xi32, #tpu.memory_space<hbm>>
      %dma_start3A_15 = tpu.memref_squeeze %dma_start3A_14 : memref<1x40x128xi32, #tpu.memory_space<hbm>> -> memref<40x128xi32, #tpu.memory_space<hbm>>
      tpu.enqueue_dma source(%dma_start3A_15 : memref<40x128xi32, #tpu.memory_space<hbm>>) target(%arg9 : memref<40x128xi32, #tpu.memory_space<vmem>>) target_semaphore(%run_scoped3A : memref<!tpu.dma_semaphore, #tpu.memory_space<semaphore_mem>>)
      %dma_wait3A = arith.constant 0 : i32
      %dma_wait3A_16 = arith.constant 0 : i32
      %dma_wait3A_17 = tpu.memref_slice %arg4[%add3A, %dma_wait3A, %dma_wait3A_16] : memref<32x40x128xi32, #tpu.memory_space<hbm>> -> memref<1x40x128xi32, #tpu.memory_space<hbm>>
      %dma_wait3A_18 = tpu.memref_squeeze %dma_wait3A_17 : memref<1x40x128xi32, #tpu.memory_space<hbm>> -> memref<40x128xi32, #tpu.memory_space<hbm>>
      %dma_wait3A_19 = arith.constant 0 : i32
      %dma_wait3A_20 = arith.constant 0 : i32
      %dma_wait3A_21 = tpu.memref_slice %arg4[%add3A, %dma_wait3A_19, %dma_wait3A_20] : memref<32x40x128xi32, #tpu.memory_space<hbm>> -> memref<1x40x128xi32, #tpu.memory_space<hbm>>
      %dma_wait3A_22 = tpu.memref_squeeze %dma_wait3A_21 : memref<1x40x128xi32, #tpu.memory_space<hbm>> -> memref<40x128xi32, #tpu.memory_space<hbm>>
      tpu.wait_dma2 semaphore(%run_scoped3A : memref<!tpu.dma_semaphore, #tpu.memory_space<semaphore_mem>>) src(%dma_wait3A_22 : memref<40x128xi32, #tpu.memory_space<hbm>>) dst(%arg9 : memref<40x128xi32, #tpu.memory_space<vmem>>)
      tpu.yield
    }) : () -> ()
    "tpu.region"() ({
      %run_scoped3A = tpu.sem_alloc : memref<!tpu.dma_semaphore, #tpu.memory_space<semaphore_mem>>
      %dma_start3A = arith.constant 0 : i32
      %dma_start3A_9 = arith.constant 0 : i32
      %dma_start3A_10 = tpu.memref_slice %arg5[%add3A, %dma_start3A, %dma_start3A_9] : memref<32x40x128xi32, #tpu.memory_space<hbm>> -> memref<1x40x128xi32, #tpu.memory_space<hbm>>
      %dma_start3A_11 = tpu.memref_squeeze %dma_start3A_10 : memref<1x40x128xi32, #tpu.memory_space<hbm>> -> memref<40x128xi32, #tpu.memory_space<hbm>>
      %dma_start3A_12 = arith.constant 0 : i32
      %dma_start3A_13 = arith.constant 0 : i32
      %dma_start3A_14 = tpu.memref_slice %arg5[%add3A, %dma_start3A_12, %dma_start3A_13] : memref<32x40x128xi32, #tpu.memory_space<hbm>> -> memref<1x40x128xi32, #tpu.memory_space<hbm>>
      %dma_start3A_15 = tpu.memref_squeeze %dma_start3A_14 : memref<1x40x128xi32, #tpu.memory_space<hbm>> -> memref<40x128xi32, #tpu.memory_space<hbm>>
      tpu.enqueue_dma source(%dma_start3A_15 : memref<40x128xi32, #tpu.memory_space<hbm>>) target(%arg10 : memref<40x128xi32, #tpu.memory_space<vmem>>) target_semaphore(%run_scoped3A : memref<!tpu.dma_semaphore, #tpu.memory_space<semaphore_mem>>)
      %dma_wait3A = arith.constant 0 : i32
      %dma_wait3A_16 = arith.constant 0 : i32
      %dma_wait3A_17 = tpu.memref_slice %arg5[%add3A, %dma_wait3A, %dma_wait3A_16] : memref<32x40x128xi32, #tpu.memory_space<hbm>> -> memref<1x40x128xi32, #tpu.memory_space<hbm>>
      %dma_wait3A_18 = tpu.memref_squeeze %dma_wait3A_17 : memref<1x40x128xi32, #tpu.memory_space<hbm>> -> memref<40x128xi32, #tpu.memory_space<hbm>>
      %dma_wait3A_19 = arith.constant 0 : i32
      %dma_wait3A_20 = arith.constant 0 : i32
      %dma_wait3A_21 = tpu.memref_slice %arg5[%add3A, %dma_wait3A_19, %dma_wait3A_20] : memref<32x40x128xi32, #tpu.memory_space<hbm>> -> memref<1x40x128xi32, #tpu.memory_space<hbm>>
      %dma_wait3A_22 = tpu.memref_squeeze %dma_wait3A_21 : memref<1x40x128xi32, #tpu.memory_space<hbm>> -> memref<40x128xi32, #tpu.memory_space<hbm>>
      tpu.wait_dma2 semaphore(%run_scoped3A : memref<!tpu.dma_semaphore, #tpu.memory_space<semaphore_mem>>) src(%dma_wait3A_22 : memref<40x128xi32, #tpu.memory_space<hbm>>) dst(%arg10 : memref<40x128xi32, #tpu.memory_space<vmem>>)
      tpu.yield
    }) : () -> ()
    "tpu.region"() ({
      %run_scoped3A = tpu.sem_alloc : memref<!tpu.dma_semaphore, #tpu.memory_space<semaphore_mem>>
      tpu.enqueue_dma source(%arg6 : memref<128xf32, #tpu.memory_space<hbm>>) target(%arg13 : memref<128xf32, #tpu.memory_space<vmem>>) target_semaphore(%run_scoped3A : memref<!tpu.dma_semaphore, #tpu.memory_space<semaphore_mem>>)
      tpu.wait_dma2 semaphore(%run_scoped3A : memref<!tpu.dma_semaphore, #tpu.memory_space<semaphore_mem>>) src(%arg6 : memref<128xf32, #tpu.memory_space<hbm>>) dst(%arg13 : memref<128xf32, #tpu.memory_space<vmem>>)
      tpu.yield
    }) : () -> ()
    %barrier3A = arith.constant 0 : index
    tpu.barrier barrier_id(%barrier3A)
    %scan3A = arith.constant 0 : i32
    %scan3A_3 = arith.constant 0 : i32
    %scan3A_4 = arith.constant 40 : i32
    %scan3A_5 = arith.addi %scan3A_3, %scan3A_4 : i32
    %scan3A_6 = arith.constant 1 : i32
    scf.for %scan3A_9 = %scan3A_3 to %scan3A_5 step %scan3A_6  : i32 {
      %dma_start3A = arith.constant 0 : i32
      %dma_start3A_10 = tpu.memref_slice %arg9[%scan3A_9, %dma_start3A] : memref<40x128xi32, #tpu.memory_space<vmem>> -> memref<1x128xi32, #tpu.memory_space<vmem>>
      %dma_start3A_11 = tpu.memref_squeeze %dma_start3A_10 : memref<1x128xi32, #tpu.memory_space<vmem>> -> memref<128xi32, #tpu.memory_space<vmem>>
      %dma_start3A_12 = arith.constant 0 : i32
      %dma_start3A_13 = arith.constant 0 : i32
      %dma_start3A_14 = tpu.memref_slice %arg2[%dma_start3A_12, %dma_start3A_13] : memref<10000x128xf32, #tpu.memory_space<hbm>> -> memref<10000x128xf32, #tpu.memory_space<hbm>>
      tpu.enqueue_indirect_dma source(%dma_start3A_14 : memref<10000x128xf32, #tpu.memory_space<hbm>>) target(%arg11 : memref<128x128xf32, #tpu.memory_space<vmem>>) offsets(%dma_start3A_11 : memref<128xi32, #tpu.memory_space<vmem>>) semaphore(%arg15 : memref<!tpu.dma_semaphore, #tpu.memory_space<semaphore_mem>>)
      %mul3A_15 = arith.constant 5120 : i32
      %mul3A_16 = arith.muli %add3A, %mul3A_15 : i32
      %mul3A_17 = arith.constant 128 : i32
      %mul3A_18 = arith.muli %scan3A_9, %mul3A_17 : i32
      %add3A_19 = arith.addi %mul3A_16, %mul3A_18 : i32
      "tpu.region"() ({
        %run_scoped3A = tpu.sem_alloc : memref<!tpu.dma_semaphore, #tpu.memory_space<semaphore_mem>>
        %dma_start3A_31 = arith.constant 0 : i32
        %dma_start3A_32 = tpu.memref_slice %arg3[%add3A_19, %dma_start3A_31] : memref<163840x128xf32, #tpu.memory_space<hbm>> -> memref<128x128xf32, #tpu.memory_space<hbm>>
        %dma_start3A_33 = arith.constant 0 : i32
        %dma_start3A_34 = tpu.memref_slice %arg3[%add3A_19, %dma_start3A_33] : memref<163840x128xf32, #tpu.memory_space<hbm>> -> memref<128x128xf32, #tpu.memory_space<hbm>>
        tpu.enqueue_dma source(%dma_start3A_34 : memref<128x128xf32, #tpu.memory_space<hbm>>) target(%arg12 : memref<128x128xf32, #tpu.memory_space<vmem>>) target_semaphore(%run_scoped3A : memref<!tpu.dma_semaphore, #tpu.memory_space<semaphore_mem>>)
        %dma_wait3A_35 = arith.constant 0 : i32
        %dma_wait3A_36 = tpu.memref_slice %arg3[%add3A_19, %dma_wait3A_35] : memref<163840x128xf32, #tpu.memory_space<hbm>> -> memref<128x128xf32, #tpu.memory_space<hbm>>
        %dma_wait3A_37 = arith.constant 0 : i32
        %dma_wait3A_38 = tpu.memref_slice %arg3[%add3A_19, %dma_wait3A_37] : memref<163840x128xf32, #tpu.memory_space<hbm>> -> memref<128x128xf32, #tpu.memory_space<hbm>>
        tpu.wait_dma2 semaphore(%run_scoped3A : memref<!tpu.dma_semaphore, #tpu.memory_space<semaphore_mem>>) src(%dma_wait3A_38 : memref<128x128xf32, #tpu.memory_space<hbm>>) dst(%arg12 : memref<128x128xf32, #tpu.memory_space<vmem>>)
        tpu.yield
      }) : () -> ()
      %dma_wait3A = arith.constant 0 : i32
      %dma_wait3A_20 = tpu.memref_slice %arg9[%scan3A_9, %dma_wait3A] : memref<40x128xi32, #tpu.memory_space<vmem>> -> memref<1x128xi32, #tpu.memory_space<vmem>>
      %dma_wait3A_21 = tpu.memref_squeeze %dma_wait3A_20 : memref<1x128xi32, #tpu.memory_space<vmem>> -> memref<128xi32, #tpu.memory_space<vmem>>
      %dma_wait3A_22 = arith.constant 0 : i32
      %dma_wait3A_23 = arith.constant 0 : i32
      %dma_wait3A_24 = tpu.memref_slice %arg2[%dma_wait3A_22, %dma_wait3A_23] : memref<10000x128xf32, #tpu.memory_space<hbm>> -> memref<10000x128xf32, #tpu.memory_space<hbm>>
      tpu.wait_indirect_dma semaphore(%arg15 : memref<!tpu.dma_semaphore, #tpu.memory_space<semaphore_mem>>) src(%dma_wait3A_24 : memref<10000x128xf32, #tpu.memory_space<hbm>>) dst(%arg11 : memref<128x128xf32, #tpu.memory_space<vmem>>)
      %scan3A_25 = arith.constant 0 : i32
      %scan3A_26 = arith.constant 0 : i32
      %scan3A_27 = arith.constant 128 : i32
      %scan3A_28 = arith.addi %scan3A_26, %scan3A_27 : i32
      %scan3A_29 = arith.constant 1 : i32
      scf.for %scan3A_31 = %scan3A_26 to %scan3A_28 step %scan3A_29  : i32 {
        %get3A = arith.index_cast %scan3A_31 : i32 to index
        %get3A_32 = arith.constant 0 : index
        %get3A_33 = tpu.vector_load %arg11[%get3A, %get3A_32] {strides = array<i32>} : memref<128x128xf32, #tpu.memory_space<vmem>>, vector<1x16xf32>,
        %get3A_34 = vector.shape_cast %get3A_33 : vector<1x16xf32> to vector<16xf32>
        %get3A_35 = arith.index_cast %scan3A_31 : i32 to index
        %get3A_36 = arith.constant 0 : index
        %get3A_37 = tpu.vector_load %arg12[%get3A_35, %get3A_36] {strides = array<i32>} : memref<128x128xf32, #tpu.memory_space<vmem>>, vector<1x16xf32>,
        %get3A_38 = vector.shape_cast %get3A_37 : vector<1x16xf32> to vector<16xf32>
        %add3A_39 = arith.addf %get3A_34, %get3A_38 : vector<16xf32>
        %max3A = arith.constant 0.000000e+00 : f32
        %max3A_40 = vector.broadcast %max3A : f32 to vector<16xf32>
        %max3A_41 = arith.maximumf %add3A_39, %max3A_40 : vector<16xf32>
        %swap3A = arith.index_cast %scan3A_31 : i32 to index
        %swap3A_42 = arith.constant 0 : index
        %swap3A_43 = tpu.vector_load %arg11[%swap3A, %swap3A_42] {strides = array<i32>} : memref<128x128xf32, #tpu.memory_space<vmem>>, vector<1x16xf32>,
        %swap3A_44 = vector.shape_cast %swap3A_43 : vector<1x16xf32> to vector<16xf32>
        %swap3A_45 = vector.shape_cast %max3A_41 : vector<16xf32> to vector<1x16xf32>
        tpu.vector_store %arg11[%swap3A, %swap3A_42], %swap3A_45 {strides = array<i32>} : memref<128x128xf32, #tpu.memory_space<vmem>>, vector<1x16xf32>,
        %get3A_46 = arith.index_cast %scan3A_31 : i32 to index
        %get3A_47 = arith.constant 16 : index
        %get3A_48 = tpu.vector_load %arg11[%get3A_46, %get3A_47] {strides = array<i32>} : memref<128x128xf32, #tpu.memory_space<vmem>>, vector<1x16xf32>,
        %get3A_49 = vector.shape_cast %get3A_48 : vector<1x16xf32> to vector<16xf32>
        %get3A_50 = arith.index_cast %scan3A_31 : i32 to index
        %get3A_51 = arith.constant 16 : index
        %get3A_52 = tpu.vector_load %arg12[%get3A_50, %get3A_51] {strides = array<i32>} : memref<128x128xf32, #tpu.memory_space<vmem>>, vector<1x16xf32>,
        %get3A_53 = vector.shape_cast %get3A_52 : vector<1x16xf32> to vector<16xf32>
        %add3A_54 = arith.addf %get3A_49, %get3A_53 : vector<16xf32>
        %max3A_55 = arith.constant 0.000000e+00 : f32
        %max3A_56 = vector.broadcast %max3A_55 : f32 to vector<16xf32>
        %max3A_57 = arith.maximumf %add3A_54, %max3A_56 : vector<16xf32>
        %swap3A_58 = arith.index_cast %scan3A_31 : i32 to index
        %swap3A_59 = arith.constant 16 : index
        %swap3A_60 = tpu.vector_load %arg11[%swap3A_58, %swap3A_59] {strides = array<i32>} : memref<128x128xf32, #tpu.memory_space<vmem>>, vector<1x16xf32>,
        %swap3A_61 = vector.shape_cast %swap3A_60 : vector<1x16xf32> to vector<16xf32>
        %swap3A_62 = vector.shape_cast %max3A_57 : vector<16xf32> to vector<1x16xf32>
        tpu.vector_store %arg11[%swap3A_58, %swap3A_59], %swap3A_62 {strides = array<i32>} : memref<128x128xf32, #tpu.memory_space<vmem>>, vector<1x16xf32>,
        %get3A_63 = arith.index_cast %scan3A_31 : i32 to index
        %get3A_64 = arith.constant 32 : index
        %get3A_65 = tpu.vector_load %arg11[%get3A_63, %get3A_64] {strides = array<i32>} : memref<128x128xf32, #tpu.memory_space<vmem>>, vector<1x16xf32>,
        %get3A_66 = vector.shape_cast %get3A_65 : vector<1x16xf32> to vector<16xf32>
        %get3A_67 = arith.index_cast %scan3A_31 : i32 to index
        %get3A_68 = arith.constant 32 : index
        %get3A_69 = tpu.vector_load %arg12[%get3A_67, %get3A_68] {strides = array<i32>} : memref<128x128xf32, #tpu.memory_space<vmem>>, vector<1x16xf32>,
        %get3A_70 = vector.shape_cast %get3A_69 : vector<1x16xf32> to vector<16xf32>
        %add3A_71 = arith.addf %get3A_66, %get3A_70 : vector<16xf32>
        %max3A_72 = arith.constant 0.000000e+00 : f32
        %max3A_73 = vector.broadcast %max3A_72 : f32 to vector<16xf32>
        %max3A_74 = arith.maximumf %add3A_71, %max3A_73 : vector<16xf32>
        %swap3A_75 = arith.index_cast %scan3A_31 : i32 to index
        %swap3A_76 = arith.constant 32 : index
        %swap3A_77 = tpu.vector_load %arg11[%swap3A_75, %swap3A_76] {strides = array<i32>} : memref<128x128xf32, #tpu.memory_space<vmem>>, vector<1x16xf32>,
        %swap3A_78 = vector.shape_cast %swap3A_77 : vector<1x16xf32> to vector<16xf32>
        %swap3A_79 = vector.shape_cast %max3A_74 : vector<16xf32> to vector<1x16xf32>
        tpu.vector_store %arg11[%swap3A_75, %swap3A_76], %swap3A_79 {strides = array<i32>} : memref<128x128xf32, #tpu.memory_space<vmem>>, vector<1x16xf32>,
        %get3A_80 = arith.index_cast %scan3A_31 : i32 to index
        %get3A_81 = arith.constant 48 : index
        %get3A_82 = tpu.vector_load %arg11[%get3A_80, %get3A_81] {strides = array<i32>} : memref<128x128xf32, #tpu.memory_space<vmem>>, vector<1x16xf32>,
        %get3A_83 = vector.shape_cast %get3A_82 : vector<1x16xf32> to vector<16xf32>
        %get3A_84 = arith.index_cast %scan3A_31 : i32 to index
        %get3A_85 = arith.constant 48 : index
        %get3A_86 = tpu.vector_load %arg12[%get3A_84, %get3A_85] {strides = array<i32>} : memref<128x128xf32, #tpu.memory_space<vmem>>, vector<1x16xf32>,
        %get3A_87 = vector.shape_cast %get3A_86 : vector<1x16xf32> to vector<16xf32>
        %add3A_88 = arith.addf %get3A_83, %get3A_87 : vector<16xf32>
        %max3A_89 = arith.constant 0.000000e+00 : f32
        %max3A_90 = vector.broadcast %max3A_89 : f32 to vector<16xf32>
        %max3A_91 = arith.maximumf %add3A_88, %max3A_90 : vector<16xf32>
        %swap3A_92 = arith.index_cast %scan3A_31 : i32 to index
        %swap3A_93 = arith.constant 48 : index
        %swap3A_94 = tpu.vector_load %arg11[%swap3A_92, %swap3A_93] {strides = array<i32>} : memref<128x128xf32, #tpu.memory_space<vmem>>, vector<1x16xf32>,
        %swap3A_95 = vector.shape_cast %swap3A_94 : vector<1x16xf32> to vector<16xf32>
        %swap3A_96 = vector.shape_cast %max3A_91 : vector<16xf32> to vector<1x16xf32>
        tpu.vector_store %arg11[%swap3A_92, %swap3A_93], %swap3A_96 {strides = array<i32>} : memref<128x128xf32, #tpu.memory_space<vmem>>, vector<1x16xf32>,
        %get3A_97 = arith.index_cast %scan3A_31 : i32 to index
        %get3A_98 = arith.constant 64 : index
        %get3A_99 = tpu.vector_load %arg11[%get3A_97, %get3A_98] {strides = array<i32>} : memref<128x128xf32, #tpu.memory_space<vmem>>, vector<1x16xf32>,
        %get3A_100 = vector.shape_cast %get3A_99 : vector<1x16xf32> to vector<16xf32>
        %get3A_101 = arith.index_cast %scan3A_31 : i32 to index
        %get3A_102 = arith.constant 64 : index
        %get3A_103 = tpu.vector_load %arg12[%get3A_101, %get3A_102] {strides = array<i32>} : memref<128x128xf32, #tpu.memory_space<vmem>>, vector<1x16xf32>,
        %get3A_104 = vector.shape_cast %get3A_103 : vector<1x16xf32> to vector<16xf32>
        %add3A_105 = arith.addf %get3A_100, %get3A_104 : vector<16xf32>
        %max3A_106 = arith.constant 0.000000e+00 : f32
        %max3A_107 = vector.broadcast %max3A_106 : f32 to vector<16xf32>
        %max3A_108 = arith.maximumf %add3A_105, %max3A_107 : vector<16xf32>
        %swap3A_109 = arith.index_cast %scan3A_31 : i32 to index
        %swap3A_110 = arith.constant 64 : index
        %swap3A_111 = tpu.vector_load %arg11[%swap3A_109, %swap3A_110] {strides = array<i32>} : memref<128x128xf32, #tpu.memory_space<vmem>>, vector<1x16xf32>,
        %swap3A_112 = vector.shape_cast %swap3A_111 : vector<1x16xf32> to vector<16xf32>
        %swap3A_113 = vector.shape_cast %max3A_108 : vector<16xf32> to vector<1x16xf32>
        tpu.vector_store %arg11[%swap3A_109, %swap3A_110], %swap3A_113 {strides = array<i32>} : memref<128x128xf32, #tpu.memory_space<vmem>>, vector<1x16xf32>,
        %get3A_114 = arith.index_cast %scan3A_31 : i32 to index
        %get3A_115 = arith.constant 80 : index
        %get3A_116 = tpu.vector_load %arg11[%get3A_114, %get3A_115] {strides = array<i32>} : memref<128x128xf32, #tpu.memory_space<vmem>>, vector<1x16xf32>,
        %get3A_117 = vector.shape_cast %get3A_116 : vector<1x16xf32> to vector<16xf32>
        %get3A_118 = arith.index_cast %scan3A_31 : i32 to index
        %get3A_119 = arith.constant 80 : index
        %get3A_120 = tpu.vector_load %arg12[%get3A_118, %get3A_119] {strides = array<i32>} : memref<128x128xf32, #tpu.memory_space<vmem>>, vector<1x16xf32>,
        %get3A_121 = vector.shape_cast %get3A_120 : vector<1x16xf32> to vector<16xf32>
        %add3A_122 = arith.addf %get3A_117, %get3A_121 : vector<16xf32>
        %max3A_123 = arith.constant 0.000000e+00 : f32
        %max3A_124 = vector.broadcast %max3A_123 : f32 to vector<16xf32>
        %max3A_125 = arith.maximumf %add3A_122, %max3A_124 : vector<16xf32>
        %swap3A_126 = arith.index_cast %scan3A_31 : i32 to index
        %swap3A_127 = arith.constant 80 : index
        %swap3A_128 = tpu.vector_load %arg11[%swap3A_126, %swap3A_127] {strides = array<i32>} : memref<128x128xf32, #tpu.memory_space<vmem>>, vector<1x16xf32>,
        %swap3A_129 = vector.shape_cast %swap3A_128 : vector<1x16xf32> to vector<16xf32>
        %swap3A_130 = vector.shape_cast %max3A_125 : vector<16xf32> to vector<1x16xf32>
        tpu.vector_store %arg11[%swap3A_126, %swap3A_127], %swap3A_130 {strides = array<i32>} : memref<128x128xf32, #tpu.memory_space<vmem>>, vector<1x16xf32>,
        %get3A_131 = arith.index_cast %scan3A_31 : i32 to index
        %get3A_132 = arith.constant 96 : index
        %get3A_133 = tpu.vector_load %arg11[%get3A_131, %get3A_132] {strides = array<i32>} : memref<128x128xf32, #tpu.memory_space<vmem>>, vector<1x16xf32>,
        %get3A_134 = vector.shape_cast %get3A_133 : vector<1x16xf32> to vector<16xf32>
        %get3A_135 = arith.index_cast %scan3A_31 : i32 to index
        %get3A_136 = arith.constant 96 : index
        %get3A_137 = tpu.vector_load %arg12[%get3A_135, %get3A_136] {strides = array<i32>} : memref<128x128xf32, #tpu.memory_space<vmem>>, vector<1x16xf32>,
        %get3A_138 = vector.shape_cast %get3A_137 : vector<1x16xf32> to vector<16xf32>
        %add3A_139 = arith.addf %get3A_134, %get3A_138 : vector<16xf32>
        %max3A_140 = arith.constant 0.000000e+00 : f32
        %max3A_141 = vector.broadcast %max3A_140 : f32 to vector<16xf32>
        %max3A_142 = arith.maximumf %add3A_139, %max3A_141 : vector<16xf32>
        %swap3A_143 = arith.index_cast %scan3A_31 : i32 to index
        %swap3A_144 = arith.constant 96 : index
        %swap3A_145 = tpu.vector_load %arg11[%swap3A_143, %swap3A_144] {strides = array<i32>} : memref<128x128xf32, #tpu.memory_space<vmem>>, vector<1x16xf32>,
        %swap3A_146 = vector.shape_cast %swap3A_145 : vector<1x16xf32> to vector<16xf32>
        %swap3A_147 = vector.shape_cast %max3A_142 : vector<16xf32> to vector<1x16xf32>
        tpu.vector_store %arg11[%swap3A_143, %swap3A_144], %swap3A_147 {strides = array<i32>} : memref<128x128xf32, #tpu.memory_space<vmem>>, vector<1x16xf32>,
        %get3A_148 = arith.index_cast %scan3A_31 : i32 to index
        %get3A_149 = arith.constant 112 : index
        %get3A_150 = tpu.vector_load %arg11[%get3A_148, %get3A_149] {strides = array<i32>} : memref<128x128xf32, #tpu.memory_space<vmem>>, vector<1x16xf32>,
        %get3A_151 = vector.shape_cast %get3A_150 : vector<1x16xf32> to vector<16xf32>
        %get3A_152 = arith.index_cast %scan3A_31 : i32 to index
        %get3A_153 = arith.constant 112 : index
        %get3A_154 = tpu.vector_load %arg12[%get3A_152, %get3A_153] {strides = array<i32>} : memref<128x128xf32, #tpu.memory_space<vmem>>, vector<1x16xf32>,
        %get3A_155 = vector.shape_cast %get3A_154 : vector<1x16xf32> to vector<16xf32>
        %add3A_156 = arith.addf %get3A_151, %get3A_155 : vector<16xf32>
        %max3A_157 = arith.constant 0.000000e+00 : f32
        %max3A_158 = vector.broadcast %max3A_157 : f32 to vector<16xf32>
        %max3A_159 = arith.maximumf %add3A_156, %max3A_158 : vector<16xf32>
        %swap3A_160 = arith.index_cast %scan3A_31 : i32 to index
        %swap3A_161 = arith.constant 112 : index
        %swap3A_162 = tpu.vector_load %arg11[%swap3A_160, %swap3A_161] {strides = array<i32>} : memref<128x128xf32, #tpu.memory_space<vmem>>, vector<1x16xf32>,
        %swap3A_163 = vector.shape_cast %swap3A_162 : vector<1x16xf32> to vector<16xf32>
        %swap3A_164 = vector.shape_cast %max3A_159 : vector<16xf32> to vector<1x16xf32>
        tpu.vector_store %arg11[%swap3A_160, %swap3A_161], %swap3A_164 {strides = array<i32>} : memref<128x128xf32, #tpu.memory_space<vmem>>, vector<1x16xf32>,
      }
      %scan3A_30 = arith.constant 128 : i32
      "tpu.region"() ({
        %run_scoped3A = tpu.sem_alloc : memref<!tpu.dma_semaphore, #tpu.memory_space<semaphore_mem>>
        %dma_start3A_31 = arith.constant 0 : i32
        %dma_start3A_32 = tpu.memref_slice %arg10[%scan3A_9, %dma_start3A_31] : memref<40x128xi32, #tpu.memory_space<vmem>> -> memref<1x128xi32, #tpu.memory_space<vmem>>
        %dma_start3A_33 = tpu.memref_squeeze %dma_start3A_32 : memref<1x128xi32, #tpu.memory_space<vmem>> -> memref<128xi32, #tpu.memory_space<vmem>>
        %dma_start3A_34 = arith.constant 0 : i32
        %dma_start3A_35 = arith.constant 0 : i32
        %dma_start3A_36 = tpu.memref_slice %arg14[%dma_start3A_34, %dma_start3A_35] : memref<10112x128xf32, #tpu.memory_space<vmem_shared>> -> memref<10112x128xf32, #tpu.memory_space<vmem_shared>>
        tpu.enqueue_indirect_dma source(%arg11 : memref<128x128xf32, #tpu.memory_space<vmem>>) target(%dma_start3A_36 : memref<10112x128xf32, #tpu.memory_space<vmem_shared>>) offsets(%dma_start3A_33 : memref<128xi32, #tpu.memory_space<vmem>>) semaphore(%run_scoped3A : memref<!tpu.dma_semaphore, #tpu.memory_space<semaphore_mem>>) {add = true}
        %dma_wait3A_37 = arith.constant 0 : i32
        %dma_wait3A_38 = tpu.memref_slice %arg10[%scan3A_9, %dma_wait3A_37] : memref<40x128xi32, #tpu.memory_space<vmem>> -> memref<1x128xi32, #tpu.memory_space<vmem>>
        %dma_wait3A_39 = tpu.memref_squeeze %dma_wait3A_38 : memref<1x128xi32, #tpu.memory_space<vmem>> -> memref<128xi32, #tpu.memory_space<vmem>>
        %dma_wait3A_40 = arith.constant 0 : i32
        %dma_wait3A_41 = arith.constant 0 : i32
        %dma_wait3A_42 = tpu.memref_slice %arg14[%dma_wait3A_40, %dma_wait3A_41] : memref<10112x128xf32, #tpu.memory_space<vmem_shared>> -> memref<10112x128xf32, #tpu.memory_space<vmem_shared>>
        tpu.wait_indirect_dma semaphore(%run_scoped3A : memref<!tpu.dma_semaphore, #tpu.memory_space<semaphore_mem>>) src(%arg11 : memref<128x128xf32, #tpu.memory_space<vmem>>) dst(%dma_wait3A_42 : memref<10112x128xf32, #tpu.memory_space<vmem_shared>>)
        tpu.yield
      }) : () -> ()
    }
    %scan3A_7 = arith.constant 40 : i32
    %barrier3A_8 = arith.constant 0 : index
    tpu.barrier barrier_id(%barrier3A_8)
    "tpu.region"() ({
      %run_scoped3A = tpu.sem_alloc : memref<!tpu.dma_semaphore, #tpu.memory_space<semaphore_mem>>
      %dma_start3A = arith.constant 0 : i32
      %dma_start3A_9 = tpu.memref_slice %arg8[%arg0, %mul3A_2, %dma_start3A] : memref<2x10112x128xf32, #tpu.memory_space<hbm>> -> memref<1x632x128xf32, #tpu.memory_space<hbm>>
      %dma_start3A_10 = tpu.memref_squeeze %dma_start3A_9 : memref<1x632x128xf32, #tpu.memory_space<hbm>> -> memref<632x128xf32, #tpu.memory_space<hbm>>
      %dma_start3A_11 = arith.constant 0 : i32
      %dma_start3A_12 = tpu.memref_slice %arg14[%mul3A_2, %dma_start3A_11] : memref<10112x128xf32, #tpu.memory_space<vmem_shared>> -> memref<632x128xf32, #tpu.memory_space<vmem_shared>>
      tpu.enqueue_dma source(%dma_start3A_12 : memref<632x128xf32, #tpu.memory_space<vmem_shared>>) target(%dma_start3A_10 : memref<632x128xf32, #tpu.memory_space<hbm>>) target_semaphore(%run_scoped3A : memref<!tpu.dma_semaphore, #tpu.memory_space<semaphore_mem>>)
      %dma_wait3A = arith.constant 0 : i32
      %dma_wait3A_13 = tpu.memref_slice %arg8[%arg0, %mul3A_2, %dma_wait3A] : memref<2x10112x128xf32, #tpu.memory_space<hbm>> -> memref<1x632x128xf32, #tpu.memory_space<hbm>>
      %dma_wait3A_14 = tpu.memref_squeeze %dma_wait3A_13 : memref<1x632x128xf32, #tpu.memory_space<hbm>> -> memref<632x128xf32, #tpu.memory_space<hbm>>
      %dma_wait3A_15 = arith.constant 0 : i32
      %dma_wait3A_16 = tpu.memref_slice %arg14[%mul3A_2, %dma_wait3A_15] : memref<10112x128xf32, #tpu.memory_space<vmem_shared>> -> memref<632x128xf32, #tpu.memory_space<vmem_shared>>
      tpu.wait_dma2 semaphore(%run_scoped3A : memref<!tpu.dma_semaphore, #tpu.memory_space<semaphore_mem>>) src(%dma_wait3A_16 : memref<632x128xf32, #tpu.memory_space<vmem_shared>>) dst(%dma_wait3A_14 : memref<632x128xf32, #tpu.memory_space<hbm>>)
      tpu.yield
    }) : () -> ()
    return
  }
}

#map = affine_map<(d0, d1) -> (0, 0)>
#map1 = affine_map<(d0, d1) -> (0, 0, 0)>
module attributes {stable_mosaic.version = 14 : i64} {
  func.func @_spmm_body(%arg0: i32, %arg1: i32, %arg2: memref<10000x128xf32, #tpu.memory_space<hbm>>, %arg3: memref<32x40x128xi32, #tpu.memory_space<hbm>>, %arg4: memref<32x40x128xi32, #tpu.memory_space<hbm>>, %arg5: memref<10112x128xf32, #tpu.memory_space<hbm>>, %arg6: memref<2x10112x128xf32, #tpu.memory_space<hbm>>, %arg7: memref<40x128xi32, #tpu.memory_space<vmem>>, %arg8: memref<40x128xi32, #tpu.memory_space<vmem>>, %arg9: memref<128x128xf32, #tpu.memory_space<vmem>>, %arg10: memref<10112x128xf32, #tpu.memory_space<vmem_shared>>, %arg11: memref<!tpu.dma_semaphore, #tpu.memory_space<semaphore_mem>>) attributes {dimension_semantics = [#tpu.dimension_semantics<core_parallel>, #tpu.dimension_semantics<subcore_parallel>], iteration_bounds = array<i64: 2, 16>, scalar_prefetch = 0 : i64, scratch_operands = 5 : i64, tpu.core_type = #tpu.core_type<sc_vector_subcore>, window_params = [{transform_indices = #map}, {transform_indices = #map1}, {transform_indices = #map1}, {transform_indices = #map}, {transform_indices = #map1}]} {
    %mul3A = arith.constant 2 : i32
    %mul3A_0 = arith.muli %arg1, %mul3A : i32
    %add3A = arith.addi %mul3A_0, %arg0 : i32
    %mul3A_1 = arith.constant 632 : i32
    %mul3A_2 = arith.muli %arg1, %mul3A_1 : i32
    "tpu.region"() ({
      %run_scoped3A = tpu.sem_alloc : memref<!tpu.dma_semaphore, #tpu.memory_space<semaphore_mem>>
      %dma_start3A = arith.constant 0 : i32
      %dma_start3A_9 = tpu.memref_slice %arg10[%mul3A_2, %dma_start3A] : memref<10112x128xf32, #tpu.memory_space<vmem_shared>> -> memref<632x128xf32, #tpu.memory_space<vmem_shared>>
      %dma_start3A_10 = arith.constant 0 : i32
      %dma_start3A_11 = tpu.memref_slice %arg5[%mul3A_2, %dma_start3A_10] : memref<10112x128xf32, #tpu.memory_space<hbm>> -> memref<632x128xf32, #tpu.memory_space<hbm>>
      tpu.enqueue_dma source(%dma_start3A_11 : memref<632x128xf32, #tpu.memory_space<hbm>>) target(%dma_start3A_9 : memref<632x128xf32, #tpu.memory_space<vmem_shared>>) target_semaphore(%run_scoped3A : memref<!tpu.dma_semaphore, #tpu.memory_space<semaphore_mem>>)
      %dma_wait3A = arith.constant 0 : i32
      %dma_wait3A_12 = tpu.memref_slice %arg10[%mul3A_2, %dma_wait3A] : memref<10112x128xf32, #tpu.memory_space<vmem_shared>> -> memref<632x128xf32, #tpu.memory_space<vmem_shared>>
      %dma_wait3A_13 = arith.constant 0 : i32
      %dma_wait3A_14 = tpu.memref_slice %arg5[%mul3A_2, %dma_wait3A_13] : memref<10112x128xf32, #tpu.memory_space<hbm>> -> memref<632x128xf32, #tpu.memory_space<hbm>>
      tpu.wait_dma2 semaphore(%run_scoped3A : memref<!tpu.dma_semaphore, #tpu.memory_space<semaphore_mem>>) src(%dma_wait3A_14 : memref<632x128xf32, #tpu.memory_space<hbm>>) dst(%dma_wait3A_12 : memref<632x128xf32, #tpu.memory_space<vmem_shared>>)
      tpu.yield
    }) : () -> ()
    "tpu.region"() ({
      %run_scoped3A = tpu.sem_alloc : memref<!tpu.dma_semaphore, #tpu.memory_space<semaphore_mem>>
      %dma_start3A = arith.constant 0 : i32
      %dma_start3A_9 = arith.constant 0 : i32
      %dma_start3A_10 = tpu.memref_slice %arg3[%add3A, %dma_start3A, %dma_start3A_9] : memref<32x40x128xi32, #tpu.memory_space<hbm>> -> memref<1x40x128xi32, #tpu.memory_space<hbm>>
      %dma_start3A_11 = tpu.memref_squeeze %dma_start3A_10 : memref<1x40x128xi32, #tpu.memory_space<hbm>> -> memref<40x128xi32, #tpu.memory_space<hbm>>
      %dma_start3A_12 = arith.constant 0 : i32
      %dma_start3A_13 = arith.constant 0 : i32
      %dma_start3A_14 = tpu.memref_slice %arg3[%add3A, %dma_start3A_12, %dma_start3A_13] : memref<32x40x128xi32, #tpu.memory_space<hbm>> -> memref<1x40x128xi32, #tpu.memory_space<hbm>>
      %dma_start3A_15 = tpu.memref_squeeze %dma_start3A_14 : memref<1x40x128xi32, #tpu.memory_space<hbm>> -> memref<40x128xi32, #tpu.memory_space<hbm>>
      tpu.enqueue_dma source(%dma_start3A_15 : memref<40x128xi32, #tpu.memory_space<hbm>>) target(%arg7 : memref<40x128xi32, #tpu.memory_space<vmem>>) target_semaphore(%run_scoped3A : memref<!tpu.dma_semaphore, #tpu.memory_space<semaphore_mem>>)
      %dma_wait3A = arith.constant 0 : i32
      %dma_wait3A_16 = arith.constant 0 : i32
      %dma_wait3A_17 = tpu.memref_slice %arg3[%add3A, %dma_wait3A, %dma_wait3A_16] : memref<32x40x128xi32, #tpu.memory_space<hbm>> -> memref<1x40x128xi32, #tpu.memory_space<hbm>>
      %dma_wait3A_18 = tpu.memref_squeeze %dma_wait3A_17 : memref<1x40x128xi32, #tpu.memory_space<hbm>> -> memref<40x128xi32, #tpu.memory_space<hbm>>
      %dma_wait3A_19 = arith.constant 0 : i32
      %dma_wait3A_20 = arith.constant 0 : i32
      %dma_wait3A_21 = tpu.memref_slice %arg3[%add3A, %dma_wait3A_19, %dma_wait3A_20] : memref<32x40x128xi32, #tpu.memory_space<hbm>> -> memref<1x40x128xi32, #tpu.memory_space<hbm>>
      %dma_wait3A_22 = tpu.memref_squeeze %dma_wait3A_21 : memref<1x40x128xi32, #tpu.memory_space<hbm>> -> memref<40x128xi32, #tpu.memory_space<hbm>>
      tpu.wait_dma2 semaphore(%run_scoped3A : memref<!tpu.dma_semaphore, #tpu.memory_space<semaphore_mem>>) src(%dma_wait3A_22 : memref<40x128xi32, #tpu.memory_space<hbm>>) dst(%arg7 : memref<40x128xi32, #tpu.memory_space<vmem>>)
      tpu.yield
    }) : () -> ()
    "tpu.region"() ({
      %run_scoped3A = tpu.sem_alloc : memref<!tpu.dma_semaphore, #tpu.memory_space<semaphore_mem>>
      %dma_start3A = arith.constant 0 : i32
      %dma_start3A_9 = arith.constant 0 : i32
      %dma_start3A_10 = tpu.memref_slice %arg4[%add3A, %dma_start3A, %dma_start3A_9] : memref<32x40x128xi32, #tpu.memory_space<hbm>> -> memref<1x40x128xi32, #tpu.memory_space<hbm>>
      %dma_start3A_11 = tpu.memref_squeeze %dma_start3A_10 : memref<1x40x128xi32, #tpu.memory_space<hbm>> -> memref<40x128xi32, #tpu.memory_space<hbm>>
      %dma_start3A_12 = arith.constant 0 : i32
      %dma_start3A_13 = arith.constant 0 : i32
      %dma_start3A_14 = tpu.memref_slice %arg4[%add3A, %dma_start3A_12, %dma_start3A_13] : memref<32x40x128xi32, #tpu.memory_space<hbm>> -> memref<1x40x128xi32, #tpu.memory_space<hbm>>
      %dma_start3A_15 = tpu.memref_squeeze %dma_start3A_14 : memref<1x40x128xi32, #tpu.memory_space<hbm>> -> memref<40x128xi32, #tpu.memory_space<hbm>>
      tpu.enqueue_dma source(%dma_start3A_15 : memref<40x128xi32, #tpu.memory_space<hbm>>) target(%arg8 : memref<40x128xi32, #tpu.memory_space<vmem>>) target_semaphore(%run_scoped3A : memref<!tpu.dma_semaphore, #tpu.memory_space<semaphore_mem>>)
      %dma_wait3A = arith.constant 0 : i32
      %dma_wait3A_16 = arith.constant 0 : i32
      %dma_wait3A_17 = tpu.memref_slice %arg4[%add3A, %dma_wait3A, %dma_wait3A_16] : memref<32x40x128xi32, #tpu.memory_space<hbm>> -> memref<1x40x128xi32, #tpu.memory_space<hbm>>
      %dma_wait3A_18 = tpu.memref_squeeze %dma_wait3A_17 : memref<1x40x128xi32, #tpu.memory_space<hbm>> -> memref<40x128xi32, #tpu.memory_space<hbm>>
      %dma_wait3A_19 = arith.constant 0 : i32
      %dma_wait3A_20 = arith.constant 0 : i32
      %dma_wait3A_21 = tpu.memref_slice %arg4[%add3A, %dma_wait3A_19, %dma_wait3A_20] : memref<32x40x128xi32, #tpu.memory_space<hbm>> -> memref<1x40x128xi32, #tpu.memory_space<hbm>>
      %dma_wait3A_22 = tpu.memref_squeeze %dma_wait3A_21 : memref<1x40x128xi32, #tpu.memory_space<hbm>> -> memref<40x128xi32, #tpu.memory_space<hbm>>
      tpu.wait_dma2 semaphore(%run_scoped3A : memref<!tpu.dma_semaphore, #tpu.memory_space<semaphore_mem>>) src(%dma_wait3A_22 : memref<40x128xi32, #tpu.memory_space<hbm>>) dst(%arg8 : memref<40x128xi32, #tpu.memory_space<vmem>>)
      tpu.yield
    }) : () -> ()
    %barrier3A = arith.constant 0 : index
    tpu.barrier barrier_id(%barrier3A)
    %scan3A = arith.constant 0 : i32
    %scan3A_3 = arith.constant 0 : i32
    %scan3A_4 = arith.constant 40 : i32
    %scan3A_5 = arith.addi %scan3A_3, %scan3A_4 : i32
    %scan3A_6 = arith.constant 1 : i32
    scf.for %scan3A_9 = %scan3A_3 to %scan3A_5 step %scan3A_6  : i32 {
      %dma_start3A = arith.constant 0 : i32
      %dma_start3A_10 = tpu.memref_slice %arg7[%scan3A_9, %dma_start3A] : memref<40x128xi32, #tpu.memory_space<vmem>> -> memref<1x128xi32, #tpu.memory_space<vmem>>
      %dma_start3A_11 = tpu.memref_squeeze %dma_start3A_10 : memref<1x128xi32, #tpu.memory_space<vmem>> -> memref<128xi32, #tpu.memory_space<vmem>>
      %dma_start3A_12 = arith.constant 0 : i32
      %dma_start3A_13 = arith.constant 0 : i32
      %dma_start3A_14 = tpu.memref_slice %arg2[%dma_start3A_12, %dma_start3A_13] : memref<10000x128xf32, #tpu.memory_space<hbm>> -> memref<10000x128xf32, #tpu.memory_space<hbm>>
      tpu.enqueue_indirect_dma source(%dma_start3A_14 : memref<10000x128xf32, #tpu.memory_space<hbm>>) target(%arg9 : memref<128x128xf32, #tpu.memory_space<vmem>>) offsets(%dma_start3A_11 : memref<128xi32, #tpu.memory_space<vmem>>) semaphore(%arg11 : memref<!tpu.dma_semaphore, #tpu.memory_space<semaphore_mem>>)
      %dma_wait3A = arith.constant 0 : i32
      %dma_wait3A_15 = tpu.memref_slice %arg7[%scan3A_9, %dma_wait3A] : memref<40x128xi32, #tpu.memory_space<vmem>> -> memref<1x128xi32, #tpu.memory_space<vmem>>
      %dma_wait3A_16 = tpu.memref_squeeze %dma_wait3A_15 : memref<1x128xi32, #tpu.memory_space<vmem>> -> memref<128xi32, #tpu.memory_space<vmem>>
      %dma_wait3A_17 = arith.constant 0 : i32
      %dma_wait3A_18 = arith.constant 0 : i32
      %dma_wait3A_19 = tpu.memref_slice %arg2[%dma_wait3A_17, %dma_wait3A_18] : memref<10000x128xf32, #tpu.memory_space<hbm>> -> memref<10000x128xf32, #tpu.memory_space<hbm>>
      tpu.wait_indirect_dma semaphore(%arg11 : memref<!tpu.dma_semaphore, #tpu.memory_space<semaphore_mem>>) src(%dma_wait3A_19 : memref<10000x128xf32, #tpu.memory_space<hbm>>) dst(%arg9 : memref<128x128xf32, #tpu.memory_space<vmem>>)
      "tpu.region"() ({
        %run_scoped3A = tpu.sem_alloc : memref<!tpu.dma_semaphore, #tpu.memory_space<semaphore_mem>>
        %dma_start3A_20 = arith.constant 0 : i32
        %dma_start3A_21 = tpu.memref_slice %arg8[%scan3A_9, %dma_start3A_20] : memref<40x128xi32, #tpu.memory_space<vmem>> -> memref<1x128xi32, #tpu.memory_space<vmem>>
        %dma_start3A_22 = tpu.memref_squeeze %dma_start3A_21 : memref<1x128xi32, #tpu.memory_space<vmem>> -> memref<128xi32, #tpu.memory_space<vmem>>
        %dma_start3A_23 = arith.constant 0 : i32
        %dma_start3A_24 = arith.constant 0 : i32
        %dma_start3A_25 = tpu.memref_slice %arg10[%dma_start3A_23, %dma_start3A_24] : memref<10112x128xf32, #tpu.memory_space<vmem_shared>> -> memref<10112x128xf32, #tpu.memory_space<vmem_shared>>
        tpu.enqueue_indirect_dma source(%arg9 : memref<128x128xf32, #tpu.memory_space<vmem>>) target(%dma_start3A_25 : memref<10112x128xf32, #tpu.memory_space<vmem_shared>>) offsets(%dma_start3A_22 : memref<128xi32, #tpu.memory_space<vmem>>) semaphore(%run_scoped3A : memref<!tpu.dma_semaphore, #tpu.memory_space<semaphore_mem>>) {add = true}
        %dma_wait3A_26 = arith.constant 0 : i32
        %dma_wait3A_27 = tpu.memref_slice %arg8[%scan3A_9, %dma_wait3A_26] : memref<40x128xi32, #tpu.memory_space<vmem>> -> memref<1x128xi32, #tpu.memory_space<vmem>>
        %dma_wait3A_28 = tpu.memref_squeeze %dma_wait3A_27 : memref<1x128xi32, #tpu.memory_space<vmem>> -> memref<128xi32, #tpu.memory_space<vmem>>
        %dma_wait3A_29 = arith.constant 0 : i32
        %dma_wait3A_30 = arith.constant 0 : i32
        %dma_wait3A_31 = tpu.memref_slice %arg10[%dma_wait3A_29, %dma_wait3A_30] : memref<10112x128xf32, #tpu.memory_space<vmem_shared>> -> memref<10112x128xf32, #tpu.memory_space<vmem_shared>>
        tpu.wait_indirect_dma semaphore(%run_scoped3A : memref<!tpu.dma_semaphore, #tpu.memory_space<semaphore_mem>>) src(%arg9 : memref<128x128xf32, #tpu.memory_space<vmem>>) dst(%dma_wait3A_31 : memref<10112x128xf32, #tpu.memory_space<vmem_shared>>)
        tpu.yield
      }) : () -> ()
    }
    %scan3A_7 = arith.constant 40 : i32
    %barrier3A_8 = arith.constant 0 : index
    tpu.barrier barrier_id(%barrier3A_8)
    "tpu.region"() ({
      %run_scoped3A = tpu.sem_alloc : memref<!tpu.dma_semaphore, #tpu.memory_space<semaphore_mem>>
      %dma_start3A = arith.constant 0 : i32
      %dma_start3A_9 = tpu.memref_slice %arg6[%arg0, %mul3A_2, %dma_start3A] : memref<2x10112x128xf32, #tpu.memory_space<hbm>> -> memref<1x632x128xf32, #tpu.memory_space<hbm>>
      %dma_start3A_10 = tpu.memref_squeeze %dma_start3A_9 : memref<1x632x128xf32, #tpu.memory_space<hbm>> -> memref<632x128xf32, #tpu.memory_space<hbm>>
      %dma_start3A_11 = arith.constant 0 : i32
      %dma_start3A_12 = tpu.memref_slice %arg10[%mul3A_2, %dma_start3A_11] : memref<10112x128xf32, #tpu.memory_space<vmem_shared>> -> memref<632x128xf32, #tpu.memory_space<vmem_shared>>
      tpu.enqueue_dma source(%dma_start3A_12 : memref<632x128xf32, #tpu.memory_space<vmem_shared>>) target(%dma_start3A_10 : memref<632x128xf32, #tpu.memory_space<hbm>>) target_semaphore(%run_scoped3A : memref<!tpu.dma_semaphore, #tpu.memory_space<semaphore_mem>>)
      %dma_wait3A = arith.constant 0 : i32
      %dma_wait3A_13 = tpu.memref_slice %arg6[%arg0, %mul3A_2, %dma_wait3A] : memref<2x10112x128xf32, #tpu.memory_space<hbm>> -> memref<1x632x128xf32, #tpu.memory_space<hbm>>
      %dma_wait3A_14 = tpu.memref_squeeze %dma_wait3A_13 : memref<1x632x128xf32, #tpu.memory_space<hbm>> -> memref<632x128xf32, #tpu.memory_space<hbm>>
      %dma_wait3A_15 = arith.constant 0 : i32
      %dma_wait3A_16 = tpu.memref_slice %arg10[%mul3A_2, %dma_wait3A_15] : memref<10112x128xf32, #tpu.memory_space<vmem_shared>> -> memref<632x128xf32, #tpu.memory_space<vmem_shared>>
      tpu.wait_dma2 semaphore(%run_scoped3A : memref<!tpu.dma_semaphore, #tpu.memory_space<semaphore_mem>>) src(%dma_wait3A_16 : memref<632x128xf32, #tpu.memory_space<vmem_shared>>) dst(%dma_wait3A_14 : memref<632x128xf32, #tpu.memory_space<hbm>>)
      tpu.yield
    }) : () -> ()
    return
  }
}

#map = affine_map<(d0, d1) -> (0, 0)>
#map1 = affine_map<(d0, d1) -> (0, 0, 0)>
#map2 = affine_map<(d0, d1) -> (0)>
module attributes {stable_mosaic.version = 14 : i64} {
  func.func @_edge_body(%arg0: i32, %arg1: i32, %arg2: memref<10000x128xf32, #tpu.memory_space<hbm>>, %arg3: memref<163840x128xf32, #tpu.memory_space<hbm>>, %arg4: memref<32x40x128xi32, #tpu.memory_space<hbm>>, %arg5: memref<32x40x128xi32, #tpu.memory_space<hbm>>, %arg6: memref<128xf32, #tpu.memory_space<hbm>>, %arg7: memref<10112x128xf32, #tpu.memory_space<hbm>>, %arg8: memref<2x10112x128xf32, #tpu.memory_space<hbm>>, %arg9: memref<40x128xi32, #tpu.memory_space<vmem>>, %arg10: memref<40x128xi32, #tpu.memory_space<vmem>>, %arg11: memref<128x128xf32, #tpu.memory_space<vmem>>, %arg12: memref<128x128xf32, #tpu.memory_space<vmem>>, %arg13: memref<128xf32, #tpu.memory_space<vmem>>, %arg14: memref<10112x128xf32, #tpu.memory_space<vmem_shared>>, %arg15: memref<!tpu.dma_semaphore, #tpu.memory_space<semaphore_mem>>) attributes {dimension_semantics = [#tpu.dimension_semantics<core_parallel>, #tpu.dimension_semantics<subcore_parallel>], iteration_bounds = array<i64: 2, 16>, scalar_prefetch = 0 : i64, scratch_operands = 7 : i64, tpu.core_type = #tpu.core_type<sc_vector_subcore>, window_params = [{transform_indices = #map}, {transform_indices = #map}, {transform_indices = #map1}, {transform_indices = #map1}, {transform_indices = #map2}, {transform_indices = #map}, {transform_indices = #map1}]} {
    %mul3A = arith.constant 2 : i32
    %mul3A_0 = arith.muli %arg1, %mul3A : i32
    %add3A = arith.addi %mul3A_0, %arg0 : i32
    %mul3A_1 = arith.constant 632 : i32
    %mul3A_2 = arith.muli %arg1, %mul3A_1 : i32
    "tpu.region"() ({
      %run_scoped3A = tpu.sem_alloc : memref<!tpu.dma_semaphore, #tpu.memory_space<semaphore_mem>>
      %dma_start3A = arith.constant 0 : i32
      %dma_start3A_9 = tpu.memref_slice %arg14[%mul3A_2, %dma_start3A] : memref<10112x128xf32, #tpu.memory_space<vmem_shared>> -> memref<632x128xf32, #tpu.memory_space<vmem_shared>>
      %dma_start3A_10 = arith.constant 0 : i32
      %dma_start3A_11 = tpu.memref_slice %arg7[%mul3A_2, %dma_start3A_10] : memref<10112x128xf32, #tpu.memory_space<hbm>> -> memref<632x128xf32, #tpu.memory_space<hbm>>
      tpu.enqueue_dma source(%dma_start3A_11 : memref<632x128xf32, #tpu.memory_space<hbm>>) target(%dma_start3A_9 : memref<632x128xf32, #tpu.memory_space<vmem_shared>>) target_semaphore(%run_scoped3A : memref<!tpu.dma_semaphore, #tpu.memory_space<semaphore_mem>>)
      %dma_wait3A = arith.constant 0 : i32
      %dma_wait3A_12 = tpu.memref_slice %arg14[%mul3A_2, %dma_wait3A] : memref<10112x128xf32, #tpu.memory_space<vmem_shared>> -> memref<632x128xf32, #tpu.memory_space<vmem_shared>>
      %dma_wait3A_13 = arith.constant 0 : i32
      %dma_wait3A_14 = tpu.memref_slice %arg7[%mul3A_2, %dma_wait3A_13] : memref<10112x128xf32, #tpu.memory_space<hbm>> -> memref<632x128xf32, #tpu.memory_space<hbm>>
      tpu.wait_dma2 semaphore(%run_scoped3A : memref<!tpu.dma_semaphore, #tpu.memory_space<semaphore_mem>>) src(%dma_wait3A_14 : memref<632x128xf32, #tpu.memory_space<hbm>>) dst(%dma_wait3A_12 : memref<632x128xf32, #tpu.memory_space<vmem_shared>>)
      tpu.yield
    }) : () -> ()
    "tpu.region"() ({
      %run_scoped3A = tpu.sem_alloc : memref<!tpu.dma_semaphore, #tpu.memory_space<semaphore_mem>>
      %dma_start3A = arith.constant 0 : i32
      %dma_start3A_9 = arith.constant 0 : i32
      %dma_start3A_10 = tpu.memref_slice %arg4[%add3A, %dma_start3A, %dma_start3A_9] : memref<32x40x128xi32, #tpu.memory_space<hbm>> -> memref<1x40x128xi32, #tpu.memory_space<hbm>>
      %dma_start3A_11 = tpu.memref_squeeze %dma_start3A_10 : memref<1x40x128xi32, #tpu.memory_space<hbm>> -> memref<40x128xi32, #tpu.memory_space<hbm>>
      %dma_start3A_12 = arith.constant 0 : i32
      %dma_start3A_13 = arith.constant 0 : i32
      %dma_start3A_14 = tpu.memref_slice %arg4[%add3A, %dma_start3A_12, %dma_start3A_13] : memref<32x40x128xi32, #tpu.memory_space<hbm>> -> memref<1x40x128xi32, #tpu.memory_space<hbm>>
      %dma_start3A_15 = tpu.memref_squeeze %dma_start3A_14 : memref<1x40x128xi32, #tpu.memory_space<hbm>> -> memref<40x128xi32, #tpu.memory_space<hbm>>
      tpu.enqueue_dma source(%dma_start3A_15 : memref<40x128xi32, #tpu.memory_space<hbm>>) target(%arg9 : memref<40x128xi32, #tpu.memory_space<vmem>>) target_semaphore(%run_scoped3A : memref<!tpu.dma_semaphore, #tpu.memory_space<semaphore_mem>>)
      %dma_wait3A = arith.constant 0 : i32
      %dma_wait3A_16 = arith.constant 0 : i32
      %dma_wait3A_17 = tpu.memref_slice %arg4[%add3A, %dma_wait3A, %dma_wait3A_16] : memref<32x40x128xi32, #tpu.memory_space<hbm>> -> memref<1x40x128xi32, #tpu.memory_space<hbm>>
      %dma_wait3A_18 = tpu.memref_squeeze %dma_wait3A_17 : memref<1x40x128xi32, #tpu.memory_space<hbm>> -> memref<40x128xi32, #tpu.memory_space<hbm>>
      %dma_wait3A_19 = arith.constant 0 : i32
      %dma_wait3A_20 = arith.constant 0 : i32
      %dma_wait3A_21 = tpu.memref_slice %arg4[%add3A, %dma_wait3A_19, %dma_wait3A_20] : memref<32x40x128xi32, #tpu.memory_space<hbm>> -> memref<1x40x128xi32, #tpu.memory_space<hbm>>
      %dma_wait3A_22 = tpu.memref_squeeze %dma_wait3A_21 : memref<1x40x128xi32, #tpu.memory_space<hbm>> -> memref<40x128xi32, #tpu.memory_space<hbm>>
      tpu.wait_dma2 semaphore(%run_scoped3A : memref<!tpu.dma_semaphore, #tpu.memory_space<semaphore_mem>>) src(%dma_wait3A_22 : memref<40x128xi32, #tpu.memory_space<hbm>>) dst(%arg9 : memref<40x128xi32, #tpu.memory_space<vmem>>)
      tpu.yield
    }) : () -> ()
    "tpu.region"() ({
      %run_scoped3A = tpu.sem_alloc : memref<!tpu.dma_semaphore, #tpu.memory_space<semaphore_mem>>
      %dma_start3A = arith.constant 0 : i32
      %dma_start3A_9 = arith.constant 0 : i32
      %dma_start3A_10 = tpu.memref_slice %arg5[%add3A, %dma_start3A, %dma_start3A_9] : memref<32x40x128xi32, #tpu.memory_space<hbm>> -> memref<1x40x128xi32, #tpu.memory_space<hbm>>
      %dma_start3A_11 = tpu.memref_squeeze %dma_start3A_10 : memref<1x40x128xi32, #tpu.memory_space<hbm>> -> memref<40x128xi32, #tpu.memory_space<hbm>>
      %dma_start3A_12 = arith.constant 0 : i32
      %dma_start3A_13 = arith.constant 0 : i32
      %dma_start3A_14 = tpu.memref_slice %arg5[%add3A, %dma_start3A_12, %dma_start3A_13] : memref<32x40x128xi32, #tpu.memory_space<hbm>> -> memref<1x40x128xi32, #tpu.memory_space<hbm>>
      %dma_start3A_15 = tpu.memref_squeeze %dma_start3A_14 : memref<1x40x128xi32, #tpu.memory_space<hbm>> -> memref<40x128xi32, #tpu.memory_space<hbm>>
      tpu.enqueue_dma source(%dma_start3A_15 : memref<40x128xi32, #tpu.memory_space<hbm>>) target(%arg10 : memref<40x128xi32, #tpu.memory_space<vmem>>) target_semaphore(%run_scoped3A : memref<!tpu.dma_semaphore, #tpu.memory_space<semaphore_mem>>)
      %dma_wait3A = arith.constant 0 : i32
      %dma_wait3A_16 = arith.constant 0 : i32
      %dma_wait3A_17 = tpu.memref_slice %arg5[%add3A, %dma_wait3A, %dma_wait3A_16] : memref<32x40x128xi32, #tpu.memory_space<hbm>> -> memref<1x40x128xi32, #tpu.memory_space<hbm>>
      %dma_wait3A_18 = tpu.memref_squeeze %dma_wait3A_17 : memref<1x40x128xi32, #tpu.memory_space<hbm>> -> memref<40x128xi32, #tpu.memory_space<hbm>>
      %dma_wait3A_19 = arith.constant 0 : i32
      %dma_wait3A_20 = arith.constant 0 : i32
      %dma_wait3A_21 = tpu.memref_slice %arg5[%add3A, %dma_wait3A_19, %dma_wait3A_20] : memref<32x40x128xi32, #tpu.memory_space<hbm>> -> memref<1x40x128xi32, #tpu.memory_space<hbm>>
      %dma_wait3A_22 = tpu.memref_squeeze %dma_wait3A_21 : memref<1x40x128xi32, #tpu.memory_space<hbm>> -> memref<40x128xi32, #tpu.memory_space<hbm>>
      tpu.wait_dma2 semaphore(%run_scoped3A : memref<!tpu.dma_semaphore, #tpu.memory_space<semaphore_mem>>) src(%dma_wait3A_22 : memref<40x128xi32, #tpu.memory_space<hbm>>) dst(%arg10 : memref<40x128xi32, #tpu.memory_space<vmem>>)
      tpu.yield
    }) : () -> ()
    "tpu.region"() ({
      %run_scoped3A = tpu.sem_alloc : memref<!tpu.dma_semaphore, #tpu.memory_space<semaphore_mem>>
      tpu.enqueue_dma source(%arg6 : memref<128xf32, #tpu.memory_space<hbm>>) target(%arg13 : memref<128xf32, #tpu.memory_space<vmem>>) target_semaphore(%run_scoped3A : memref<!tpu.dma_semaphore, #tpu.memory_space<semaphore_mem>>)
      tpu.wait_dma2 semaphore(%run_scoped3A : memref<!tpu.dma_semaphore, #tpu.memory_space<semaphore_mem>>) src(%arg6 : memref<128xf32, #tpu.memory_space<hbm>>) dst(%arg13 : memref<128xf32, #tpu.memory_space<vmem>>)
      tpu.yield
    }) : () -> ()
    %barrier3A = arith.constant 0 : index
    tpu.barrier barrier_id(%barrier3A)
    %scan3A = arith.constant 0 : i32
    %scan3A_3 = arith.constant 0 : i32
    %scan3A_4 = arith.constant 40 : i32
    %scan3A_5 = arith.addi %scan3A_3, %scan3A_4 : i32
    %scan3A_6 = arith.constant 1 : i32
    scf.for %scan3A_9 = %scan3A_3 to %scan3A_5 step %scan3A_6  : i32 {
      %dma_start3A = arith.constant 0 : i32
      %dma_start3A_10 = tpu.memref_slice %arg9[%scan3A_9, %dma_start3A] : memref<40x128xi32, #tpu.memory_space<vmem>> -> memref<1x128xi32, #tpu.memory_space<vmem>>
      %dma_start3A_11 = tpu.memref_squeeze %dma_start3A_10 : memref<1x128xi32, #tpu.memory_space<vmem>> -> memref<128xi32, #tpu.memory_space<vmem>>
      %dma_start3A_12 = arith.constant 0 : i32
      %dma_start3A_13 = arith.constant 0 : i32
      %dma_start3A_14 = tpu.memref_slice %arg2[%dma_start3A_12, %dma_start3A_13] : memref<10000x128xf32, #tpu.memory_space<hbm>> -> memref<10000x128xf32, #tpu.memory_space<hbm>>
      tpu.enqueue_indirect_dma source(%dma_start3A_14 : memref<10000x128xf32, #tpu.memory_space<hbm>>) target(%arg11 : memref<128x128xf32, #tpu.memory_space<vmem>>) offsets(%dma_start3A_11 : memref<128xi32, #tpu.memory_space<vmem>>) semaphore(%arg15 : memref<!tpu.dma_semaphore, #tpu.memory_space<semaphore_mem>>)
      %mul3A_15 = arith.constant 5120 : i32
      %mul3A_16 = arith.muli %add3A, %mul3A_15 : i32
      %mul3A_17 = arith.constant 128 : i32
      %mul3A_18 = arith.muli %scan3A_9, %mul3A_17 : i32
      %add3A_19 = arith.addi %mul3A_16, %mul3A_18 : i32
      "tpu.region"() ({
        %run_scoped3A = tpu.sem_alloc : memref<!tpu.dma_semaphore, #tpu.memory_space<semaphore_mem>>
        %dma_start3A_31 = arith.constant 0 : i32
        %dma_start3A_32 = tpu.memref_slice %arg3[%add3A_19, %dma_start3A_31] : memref<163840x128xf32, #tpu.memory_space<hbm>> -> memref<128x128xf32, #tpu.memory_space<hbm>>
        %dma_start3A_33 = arith.constant 0 : i32
        %dma_start3A_34 = tpu.memref_slice %arg3[%add3A_19, %dma_start3A_33] : memref<163840x128xf32, #tpu.memory_space<hbm>> -> memref<128x128xf32, #tpu.memory_space<hbm>>
        tpu.enqueue_dma source(%dma_start3A_34 : memref<128x128xf32, #tpu.memory_space<hbm>>) target(%arg12 : memref<128x128xf32, #tpu.memory_space<vmem>>) target_semaphore(%run_scoped3A : memref<!tpu.dma_semaphore, #tpu.memory_space<semaphore_mem>>)
        %dma_wait3A_35 = arith.constant 0 : i32
        %dma_wait3A_36 = tpu.memref_slice %arg3[%add3A_19, %dma_wait3A_35] : memref<163840x128xf32, #tpu.memory_space<hbm>> -> memref<128x128xf32, #tpu.memory_space<hbm>>
        %dma_wait3A_37 = arith.constant 0 : i32
        %dma_wait3A_38 = tpu.memref_slice %arg3[%add3A_19, %dma_wait3A_37] : memref<163840x128xf32, #tpu.memory_space<hbm>> -> memref<128x128xf32, #tpu.memory_space<hbm>>
        tpu.wait_dma2 semaphore(%run_scoped3A : memref<!tpu.dma_semaphore, #tpu.memory_space<semaphore_mem>>) src(%dma_wait3A_38 : memref<128x128xf32, #tpu.memory_space<hbm>>) dst(%arg12 : memref<128x128xf32, #tpu.memory_space<vmem>>)
        tpu.yield
      }) : () -> ()
      %dma_wait3A = arith.constant 0 : i32
      %dma_wait3A_20 = tpu.memref_slice %arg9[%scan3A_9, %dma_wait3A] : memref<40x128xi32, #tpu.memory_space<vmem>> -> memref<1x128xi32, #tpu.memory_space<vmem>>
      %dma_wait3A_21 = tpu.memref_squeeze %dma_wait3A_20 : memref<1x128xi32, #tpu.memory_space<vmem>> -> memref<128xi32, #tpu.memory_space<vmem>>
      %dma_wait3A_22 = arith.constant 0 : i32
      %dma_wait3A_23 = arith.constant 0 : i32
      %dma_wait3A_24 = tpu.memref_slice %arg2[%dma_wait3A_22, %dma_wait3A_23] : memref<10000x128xf32, #tpu.memory_space<hbm>> -> memref<10000x128xf32, #tpu.memory_space<hbm>>
      tpu.wait_indirect_dma semaphore(%arg15 : memref<!tpu.dma_semaphore, #tpu.memory_space<semaphore_mem>>) src(%dma_wait3A_24 : memref<10000x128xf32, #tpu.memory_space<hbm>>) dst(%arg11 : memref<128x128xf32, #tpu.memory_space<vmem>>)
      %scan3A_25 = arith.constant 0 : i32
      %scan3A_26 = arith.constant 0 : i32
      %scan3A_27 = arith.constant 128 : i32
      %scan3A_28 = arith.addi %scan3A_26, %scan3A_27 : i32
      %scan3A_29 = arith.constant 1 : i32
      scf.for %scan3A_31 = %scan3A_26 to %scan3A_28 step %scan3A_29  : i32 {
        %get3A = arith.index_cast %scan3A_31 : i32 to index
        %get3A_32 = arith.constant 0 : index
        %get3A_33 = tpu.vector_load %arg11[%get3A, %get3A_32] {strides = array<i32>} : memref<128x128xf32, #tpu.memory_space<vmem>>, vector<1x16xf32>,
        %get3A_34 = vector.shape_cast %get3A_33 : vector<1x16xf32> to vector<16xf32>
        %get3A_35 = arith.index_cast %scan3A_31 : i32 to index
        %get3A_36 = arith.constant 0 : index
        %get3A_37 = tpu.vector_load %arg12[%get3A_35, %get3A_36] {strides = array<i32>} : memref<128x128xf32, #tpu.memory_space<vmem>>, vector<1x16xf32>,
        %get3A_38 = vector.shape_cast %get3A_37 : vector<1x16xf32> to vector<16xf32>
        %add3A_39 = arith.addf %get3A_34, %get3A_38 : vector<16xf32>
        %get3A_40 = arith.constant 0 : index
        %get3A_41 = tpu.vector_load %arg13[%get3A_40] {strides = array<i32>} : memref<128xf32, #tpu.memory_space<vmem>>, vector<16xf32>,
        %get3A_42 = vector.shape_cast %get3A_41 : vector<16xf32> to vector<16xf32>
        %add3A_43 = arith.addf %add3A_39, %get3A_42 : vector<16xf32>
        %swap3A = arith.index_cast %scan3A_31 : i32 to index
        %swap3A_44 = arith.constant 0 : index
        %swap3A_45 = tpu.vector_load %arg11[%swap3A, %swap3A_44] {strides = array<i32>} : memref<128x128xf32, #tpu.memory_space<vmem>>, vector<1x16xf32>,
        %swap3A_46 = vector.shape_cast %swap3A_45 : vector<1x16xf32> to vector<16xf32>
        %swap3A_47 = vector.shape_cast %add3A_43 : vector<16xf32> to vector<1x16xf32>
        tpu.vector_store %arg11[%swap3A, %swap3A_44], %swap3A_47 {strides = array<i32>} : memref<128x128xf32, #tpu.memory_space<vmem>>, vector<1x16xf32>,
        %get3A_48 = arith.index_cast %scan3A_31 : i32 to index
        %get3A_49 = arith.constant 16 : index
        %get3A_50 = tpu.vector_load %arg11[%get3A_48, %get3A_49] {strides = array<i32>} : memref<128x128xf32, #tpu.memory_space<vmem>>, vector<1x16xf32>,
        %get3A_51 = vector.shape_cast %get3A_50 : vector<1x16xf32> to vector<16xf32>
        %get3A_52 = arith.index_cast %scan3A_31 : i32 to index
        %get3A_53 = arith.constant 16 : index
        %get3A_54 = tpu.vector_load %arg12[%get3A_52, %get3A_53] {strides = array<i32>} : memref<128x128xf32, #tpu.memory_space<vmem>>, vector<1x16xf32>,
        %get3A_55 = vector.shape_cast %get3A_54 : vector<1x16xf32> to vector<16xf32>
        %add3A_56 = arith.addf %get3A_51, %get3A_55 : vector<16xf32>
        %get3A_57 = arith.constant 16 : index
        %get3A_58 = tpu.vector_load %arg13[%get3A_57] {strides = array<i32>} : memref<128xf32, #tpu.memory_space<vmem>>, vector<16xf32>,
        %get3A_59 = vector.shape_cast %get3A_58 : vector<16xf32> to vector<16xf32>
        %add3A_60 = arith.addf %add3A_56, %get3A_59 : vector<16xf32>
        %swap3A_61 = arith.index_cast %scan3A_31 : i32 to index
        %swap3A_62 = arith.constant 16 : index
        %swap3A_63 = tpu.vector_load %arg11[%swap3A_61, %swap3A_62] {strides = array<i32>} : memref<128x128xf32, #tpu.memory_space<vmem>>, vector<1x16xf32>,
        %swap3A_64 = vector.shape_cast %swap3A_63 : vector<1x16xf32> to vector<16xf32>
        %swap3A_65 = vector.shape_cast %add3A_60 : vector<16xf32> to vector<1x16xf32>
        tpu.vector_store %arg11[%swap3A_61, %swap3A_62], %swap3A_65 {strides = array<i32>} : memref<128x128xf32, #tpu.memory_space<vmem>>, vector<1x16xf32>,
        %get3A_66 = arith.index_cast %scan3A_31 : i32 to index
        %get3A_67 = arith.constant 32 : index
        %get3A_68 = tpu.vector_load %arg11[%get3A_66, %get3A_67] {strides = array<i32>} : memref<128x128xf32, #tpu.memory_space<vmem>>, vector<1x16xf32>,
        %get3A_69 = vector.shape_cast %get3A_68 : vector<1x16xf32> to vector<16xf32>
        %get3A_70 = arith.index_cast %scan3A_31 : i32 to index
        %get3A_71 = arith.constant 32 : index
        %get3A_72 = tpu.vector_load %arg12[%get3A_70, %get3A_71] {strides = array<i32>} : memref<128x128xf32, #tpu.memory_space<vmem>>, vector<1x16xf32>,
        %get3A_73 = vector.shape_cast %get3A_72 : vector<1x16xf32> to vector<16xf32>
        %add3A_74 = arith.addf %get3A_69, %get3A_73 : vector<16xf32>
        %get3A_75 = arith.constant 32 : index
        %get3A_76 = tpu.vector_load %arg13[%get3A_75] {strides = array<i32>} : memref<128xf32, #tpu.memory_space<vmem>>, vector<16xf32>,
        %get3A_77 = vector.shape_cast %get3A_76 : vector<16xf32> to vector<16xf32>
        %add3A_78 = arith.addf %add3A_74, %get3A_77 : vector<16xf32>
        %swap3A_79 = arith.index_cast %scan3A_31 : i32 to index
        %swap3A_80 = arith.constant 32 : index
        %swap3A_81 = tpu.vector_load %arg11[%swap3A_79, %swap3A_80] {strides = array<i32>} : memref<128x128xf32, #tpu.memory_space<vmem>>, vector<1x16xf32>,
        %swap3A_82 = vector.shape_cast %swap3A_81 : vector<1x16xf32> to vector<16xf32>
        %swap3A_83 = vector.shape_cast %add3A_78 : vector<16xf32> to vector<1x16xf32>
        tpu.vector_store %arg11[%swap3A_79, %swap3A_80], %swap3A_83 {strides = array<i32>} : memref<128x128xf32, #tpu.memory_space<vmem>>, vector<1x16xf32>,
        %get3A_84 = arith.index_cast %scan3A_31 : i32 to index
        %get3A_85 = arith.constant 48 : index
        %get3A_86 = tpu.vector_load %arg11[%get3A_84, %get3A_85] {strides = array<i32>} : memref<128x128xf32, #tpu.memory_space<vmem>>, vector<1x16xf32>,
        %get3A_87 = vector.shape_cast %get3A_86 : vector<1x16xf32> to vector<16xf32>
        %get3A_88 = arith.index_cast %scan3A_31 : i32 to index
        %get3A_89 = arith.constant 48 : index
        %get3A_90 = tpu.vector_load %arg12[%get3A_88, %get3A_89] {strides = array<i32>} : memref<128x128xf32, #tpu.memory_space<vmem>>, vector<1x16xf32>,
        %get3A_91 = vector.shape_cast %get3A_90 : vector<1x16xf32> to vector<16xf32>
        %add3A_92 = arith.addf %get3A_87, %get3A_91 : vector<16xf32>
        %get3A_93 = arith.constant 48 : index
        %get3A_94 = tpu.vector_load %arg13[%get3A_93] {strides = array<i32>} : memref<128xf32, #tpu.memory_space<vmem>>, vector<16xf32>,
        %get3A_95 = vector.shape_cast %get3A_94 : vector<16xf32> to vector<16xf32>
        %add3A_96 = arith.addf %add3A_92, %get3A_95 : vector<16xf32>
        %swap3A_97 = arith.index_cast %scan3A_31 : i32 to index
        %swap3A_98 = arith.constant 48 : index
        %swap3A_99 = tpu.vector_load %arg11[%swap3A_97, %swap3A_98] {strides = array<i32>} : memref<128x128xf32, #tpu.memory_space<vmem>>, vector<1x16xf32>,
        %swap3A_100 = vector.shape_cast %swap3A_99 : vector<1x16xf32> to vector<16xf32>
        %swap3A_101 = vector.shape_cast %add3A_96 : vector<16xf32> to vector<1x16xf32>
        tpu.vector_store %arg11[%swap3A_97, %swap3A_98], %swap3A_101 {strides = array<i32>} : memref<128x128xf32, #tpu.memory_space<vmem>>, vector<1x16xf32>,
        %get3A_102 = arith.index_cast %scan3A_31 : i32 to index
        %get3A_103 = arith.constant 64 : index
        %get3A_104 = tpu.vector_load %arg11[%get3A_102, %get3A_103] {strides = array<i32>} : memref<128x128xf32, #tpu.memory_space<vmem>>, vector<1x16xf32>,
        %get3A_105 = vector.shape_cast %get3A_104 : vector<1x16xf32> to vector<16xf32>
        %get3A_106 = arith.index_cast %scan3A_31 : i32 to index
        %get3A_107 = arith.constant 64 : index
        %get3A_108 = tpu.vector_load %arg12[%get3A_106, %get3A_107] {strides = array<i32>} : memref<128x128xf32, #tpu.memory_space<vmem>>, vector<1x16xf32>,
        %get3A_109 = vector.shape_cast %get3A_108 : vector<1x16xf32> to vector<16xf32>
        %add3A_110 = arith.addf %get3A_105, %get3A_109 : vector<16xf32>
        %get3A_111 = arith.constant 64 : index
        %get3A_112 = tpu.vector_load %arg13[%get3A_111] {strides = array<i32>} : memref<128xf32, #tpu.memory_space<vmem>>, vector<16xf32>,
        %get3A_113 = vector.shape_cast %get3A_112 : vector<16xf32> to vector<16xf32>
        %add3A_114 = arith.addf %add3A_110, %get3A_113 : vector<16xf32>
        %swap3A_115 = arith.index_cast %scan3A_31 : i32 to index
        %swap3A_116 = arith.constant 64 : index
        %swap3A_117 = tpu.vector_load %arg11[%swap3A_115, %swap3A_116] {strides = array<i32>} : memref<128x128xf32, #tpu.memory_space<vmem>>, vector<1x16xf32>,
        %swap3A_118 = vector.shape_cast %swap3A_117 : vector<1x16xf32> to vector<16xf32>
        %swap3A_119 = vector.shape_cast %add3A_114 : vector<16xf32> to vector<1x16xf32>
        tpu.vector_store %arg11[%swap3A_115, %swap3A_116], %swap3A_119 {strides = array<i32>} : memref<128x128xf32, #tpu.memory_space<vmem>>, vector<1x16xf32>,
        %get3A_120 = arith.index_cast %scan3A_31 : i32 to index
        %get3A_121 = arith.constant 80 : index
        %get3A_122 = tpu.vector_load %arg11[%get3A_120, %get3A_121] {strides = array<i32>} : memref<128x128xf32, #tpu.memory_space<vmem>>, vector<1x16xf32>,
        %get3A_123 = vector.shape_cast %get3A_122 : vector<1x16xf32> to vector<16xf32>
        %get3A_124 = arith.index_cast %scan3A_31 : i32 to index
        %get3A_125 = arith.constant 80 : index
        %get3A_126 = tpu.vector_load %arg12[%get3A_124, %get3A_125] {strides = array<i32>} : memref<128x128xf32, #tpu.memory_space<vmem>>, vector<1x16xf32>,
        %get3A_127 = vector.shape_cast %get3A_126 : vector<1x16xf32> to vector<16xf32>
        %add3A_128 = arith.addf %get3A_123, %get3A_127 : vector<16xf32>
        %get3A_129 = arith.constant 80 : index
        %get3A_130 = tpu.vector_load %arg13[%get3A_129] {strides = array<i32>} : memref<128xf32, #tpu.memory_space<vmem>>, vector<16xf32>,
        %get3A_131 = vector.shape_cast %get3A_130 : vector<16xf32> to vector<16xf32>
        %add3A_132 = arith.addf %add3A_128, %get3A_131 : vector<16xf32>
        %swap3A_133 = arith.index_cast %scan3A_31 : i32 to index
        %swap3A_134 = arith.constant 80 : index
        %swap3A_135 = tpu.vector_load %arg11[%swap3A_133, %swap3A_134] {strides = array<i32>} : memref<128x128xf32, #tpu.memory_space<vmem>>, vector<1x16xf32>,
        %swap3A_136 = vector.shape_cast %swap3A_135 : vector<1x16xf32> to vector<16xf32>
        %swap3A_137 = vector.shape_cast %add3A_132 : vector<16xf32> to vector<1x16xf32>
        tpu.vector_store %arg11[%swap3A_133, %swap3A_134], %swap3A_137 {strides = array<i32>} : memref<128x128xf32, #tpu.memory_space<vmem>>, vector<1x16xf32>,
        %get3A_138 = arith.index_cast %scan3A_31 : i32 to index
        %get3A_139 = arith.constant 96 : index
        %get3A_140 = tpu.vector_load %arg11[%get3A_138, %get3A_139] {strides = array<i32>} : memref<128x128xf32, #tpu.memory_space<vmem>>, vector<1x16xf32>,
        %get3A_141 = vector.shape_cast %get3A_140 : vector<1x16xf32> to vector<16xf32>
        %get3A_142 = arith.index_cast %scan3A_31 : i32 to index
        %get3A_143 = arith.constant 96 : index
        %get3A_144 = tpu.vector_load %arg12[%get3A_142, %get3A_143] {strides = array<i32>} : memref<128x128xf32, #tpu.memory_space<vmem>>, vector<1x16xf32>,
        %get3A_145 = vector.shape_cast %get3A_144 : vector<1x16xf32> to vector<16xf32>
        %add3A_146 = arith.addf %get3A_141, %get3A_145 : vector<16xf32>
        %get3A_147 = arith.constant 96 : index
        %get3A_148 = tpu.vector_load %arg13[%get3A_147] {strides = array<i32>} : memref<128xf32, #tpu.memory_space<vmem>>, vector<16xf32>,
        %get3A_149 = vector.shape_cast %get3A_148 : vector<16xf32> to vector<16xf32>
        %add3A_150 = arith.addf %add3A_146, %get3A_149 : vector<16xf32>
        %swap3A_151 = arith.index_cast %scan3A_31 : i32 to index
        %swap3A_152 = arith.constant 96 : index
        %swap3A_153 = tpu.vector_load %arg11[%swap3A_151, %swap3A_152] {strides = array<i32>} : memref<128x128xf32, #tpu.memory_space<vmem>>, vector<1x16xf32>,
        %swap3A_154 = vector.shape_cast %swap3A_153 : vector<1x16xf32> to vector<16xf32>
        %swap3A_155 = vector.shape_cast %add3A_150 : vector<16xf32> to vector<1x16xf32>
        tpu.vector_store %arg11[%swap3A_151, %swap3A_152], %swap3A_155 {strides = array<i32>} : memref<128x128xf32, #tpu.memory_space<vmem>>, vector<1x16xf32>,
        %get3A_156 = arith.index_cast %scan3A_31 : i32 to index
        %get3A_157 = arith.constant 112 : index
        %get3A_158 = tpu.vector_load %arg11[%get3A_156, %get3A_157] {strides = array<i32>} : memref<128x128xf32, #tpu.memory_space<vmem>>, vector<1x16xf32>,
        %get3A_159 = vector.shape_cast %get3A_158 : vector<1x16xf32> to vector<16xf32>
        %get3A_160 = arith.index_cast %scan3A_31 : i32 to index
        %get3A_161 = arith.constant 112 : index
        %get3A_162 = tpu.vector_load %arg12[%get3A_160, %get3A_161] {strides = array<i32>} : memref<128x128xf32, #tpu.memory_space<vmem>>, vector<1x16xf32>,
        %get3A_163 = vector.shape_cast %get3A_162 : vector<1x16xf32> to vector<16xf32>
        %add3A_164 = arith.addf %get3A_159, %get3A_163 : vector<16xf32>
        %get3A_165 = arith.constant 112 : index
        %get3A_166 = tpu.vector_load %arg13[%get3A_165] {strides = array<i32>} : memref<128xf32, #tpu.memory_space<vmem>>, vector<16xf32>,
        %get3A_167 = vector.shape_cast %get3A_166 : vector<16xf32> to vector<16xf32>
        %add3A_168 = arith.addf %add3A_164, %get3A_167 : vector<16xf32>
        %swap3A_169 = arith.index_cast %scan3A_31 : i32 to index
        %swap3A_170 = arith.constant 112 : index
        %swap3A_171 = tpu.vector_load %arg11[%swap3A_169, %swap3A_170] {strides = array<i32>} : memref<128x128xf32, #tpu.memory_space<vmem>>, vector<1x16xf32>,
        %swap3A_172 = vector.shape_cast %swap3A_171 : vector<1x16xf32> to vector<16xf32>
        %swap3A_173 = vector.shape_cast %add3A_168 : vector<16xf32> to vector<1x16xf32>
        tpu.vector_store %arg11[%swap3A_169, %swap3A_170], %swap3A_173 {strides = array<i32>} : memref<128x128xf32, #tpu.memory_space<vmem>>, vector<1x16xf32>,
      }
      %scan3A_30 = arith.constant 128 : i32
      "tpu.region"() ({
        %run_scoped3A = tpu.sem_alloc : memref<!tpu.dma_semaphore, #tpu.memory_space<semaphore_mem>>
        %dma_start3A_31 = arith.constant 0 : i32
        %dma_start3A_32 = tpu.memref_slice %arg10[%scan3A_9, %dma_start3A_31] : memref<40x128xi32, #tpu.memory_space<vmem>> -> memref<1x128xi32, #tpu.memory_space<vmem>>
        %dma_start3A_33 = tpu.memref_squeeze %dma_start3A_32 : memref<1x128xi32, #tpu.memory_space<vmem>> -> memref<128xi32, #tpu.memory_space<vmem>>
        %dma_start3A_34 = arith.constant 0 : i32
        %dma_start3A_35 = arith.constant 0 : i32
        %dma_start3A_36 = tpu.memref_slice %arg14[%dma_start3A_34, %dma_start3A_35] : memref<10112x128xf32, #tpu.memory_space<vmem_shared>> -> memref<10112x128xf32, #tpu.memory_space<vmem_shared>>
        tpu.enqueue_indirect_dma source(%arg11 : memref<128x128xf32, #tpu.memory_space<vmem>>) target(%dma_start3A_36 : memref<10112x128xf32, #tpu.memory_space<vmem_shared>>) offsets(%dma_start3A_33 : memref<128xi32, #tpu.memory_space<vmem>>) semaphore(%run_scoped3A : memref<!tpu.dma_semaphore, #tpu.memory_space<semaphore_mem>>) {add = true}
        %dma_wait3A_37 = arith.constant 0 : i32
        %dma_wait3A_38 = tpu.memref_slice %arg10[%scan3A_9, %dma_wait3A_37] : memref<40x128xi32, #tpu.memory_space<vmem>> -> memref<1x128xi32, #tpu.memory_space<vmem>>
        %dma_wait3A_39 = tpu.memref_squeeze %dma_wait3A_38 : memref<1x128xi32, #tpu.memory_space<vmem>> -> memref<128xi32, #tpu.memory_space<vmem>>
        %dma_wait3A_40 = arith.constant 0 : i32
        %dma_wait3A_41 = arith.constant 0 : i32
        %dma_wait3A_42 = tpu.memref_slice %arg14[%dma_wait3A_40, %dma_wait3A_41] : memref<10112x128xf32, #tpu.memory_space<vmem_shared>> -> memref<10112x128xf32, #tpu.memory_space<vmem_shared>>
        tpu.wait_indirect_dma semaphore(%run_scoped3A : memref<!tpu.dma_semaphore, #tpu.memory_space<semaphore_mem>>) src(%arg11 : memref<128x128xf32, #tpu.memory_space<vmem>>) dst(%dma_wait3A_42 : memref<10112x128xf32, #tpu.memory_space<vmem_shared>>)
        tpu.yield
      }) : () -> ()
    }
    %scan3A_7 = arith.constant 40 : i32
    %barrier3A_8 = arith.constant 0 : index
    tpu.barrier barrier_id(%barrier3A_8)
    "tpu.region"() ({
      %run_scoped3A = tpu.sem_alloc : memref<!tpu.dma_semaphore, #tpu.memory_space<semaphore_mem>>
      %dma_start3A = arith.constant 0 : i32
      %dma_start3A_9 = tpu.memref_slice %arg8[%arg0, %mul3A_2, %dma_start3A] : memref<2x10112x128xf32, #tpu.memory_space<hbm>> -> memref<1x632x128xf32, #tpu.memory_space<hbm>>
      %dma_start3A_10 = tpu.memref_squeeze %dma_start3A_9 : memref<1x632x128xf32, #tpu.memory_space<hbm>> -> memref<632x128xf32, #tpu.memory_space<hbm>>
      %dma_start3A_11 = arith.constant 0 : i32
      %dma_start3A_12 = tpu.memref_slice %arg14[%mul3A_2, %dma_start3A_11] : memref<10112x128xf32, #tpu.memory_space<vmem_shared>> -> memref<632x128xf32, #tpu.memory_space<vmem_shared>>
      tpu.enqueue_dma source(%dma_start3A_12 : memref<632x128xf32, #tpu.memory_space<vmem_shared>>) target(%dma_start3A_10 : memref<632x128xf32, #tpu.memory_space<hbm>>) target_semaphore(%run_scoped3A : memref<!tpu.dma_semaphore, #tpu.memory_space<semaphore_mem>>)
      %dma_wait3A = arith.constant 0 : i32
      %dma_wait3A_13 = tpu.memref_slice %arg8[%arg0, %mul3A_2, %dma_wait3A] : memref<2x10112x128xf32, #tpu.memory_space<hbm>> -> memref<1x632x128xf32, #tpu.memory_space<hbm>>
      %dma_wait3A_14 = tpu.memref_squeeze %dma_wait3A_13 : memref<1x632x128xf32, #tpu.memory_space<hbm>> -> memref<632x128xf32, #tpu.memory_space<hbm>>
      %dma_wait3A_15 = arith.constant 0 : i32
      %dma_wait3A_16 = tpu.memref_slice %arg14[%mul3A_2, %dma_wait3A_15] : memref<10112x128xf32, #tpu.memory_space<vmem_shared>> -> memref<632x128xf32, #tpu.memory_space<vmem_shared>>
      tpu.wait_dma2 semaphore(%run_scoped3A : memref<!tpu.dma_semaphore, #tpu.memory_space<semaphore_mem>>) src(%dma_wait3A_16 : memref<632x128xf32, #tpu.memory_space<vmem_shared>>) dst(%dma_wait3A_14 : memref<632x128xf32, #tpu.memory_space<hbm>>)
      tpu.yield
    }) : () -> ()
    return
  }
}

#map = affine_map<(d0, d1) -> (0, 0)>
#map1 = affine_map<(d0, d1) -> (0, 0, 0)>
module attributes {stable_mosaic.version = 14 : i64} {
  func.func @_spmm_body(%arg0: i32, %arg1: i32, %arg2: memref<10000x128xf32, #tpu.memory_space<hbm>>, %arg3: memref<32x40x128xi32, #tpu.memory_space<hbm>>, %arg4: memref<32x40x128xi32, #tpu.memory_space<hbm>>, %arg5: memref<10112x128xf32, #tpu.memory_space<hbm>>, %arg6: memref<2x10112x128xf32, #tpu.memory_space<hbm>>, %arg7: memref<40x128xi32, #tpu.memory_space<vmem>>, %arg8: memref<40x128xi32, #tpu.memory_space<vmem>>, %arg9: memref<128x128xf32, #tpu.memory_space<vmem>>, %arg10: memref<10112x128xf32, #tpu.memory_space<vmem_shared>>, %arg11: memref<!tpu.dma_semaphore, #tpu.memory_space<semaphore_mem>>) attributes {dimension_semantics = [#tpu.dimension_semantics<core_parallel>, #tpu.dimension_semantics<subcore_parallel>], iteration_bounds = array<i64: 2, 16>, scalar_prefetch = 0 : i64, scratch_operands = 5 : i64, tpu.core_type = #tpu.core_type<sc_vector_subcore>, window_params = [{transform_indices = #map}, {transform_indices = #map1}, {transform_indices = #map1}, {transform_indices = #map}, {transform_indices = #map1}]} {
    %mul3A = arith.constant 2 : i32
    %mul3A_0 = arith.muli %arg1, %mul3A : i32
    %add3A = arith.addi %mul3A_0, %arg0 : i32
    %mul3A_1 = arith.constant 632 : i32
    %mul3A_2 = arith.muli %arg1, %mul3A_1 : i32
    "tpu.region"() ({
      %run_scoped3A = tpu.sem_alloc : memref<!tpu.dma_semaphore, #tpu.memory_space<semaphore_mem>>
      %dma_start3A = arith.constant 0 : i32
      %dma_start3A_9 = tpu.memref_slice %arg10[%mul3A_2, %dma_start3A] : memref<10112x128xf32, #tpu.memory_space<vmem_shared>> -> memref<632x128xf32, #tpu.memory_space<vmem_shared>>
      %dma_start3A_10 = arith.constant 0 : i32
      %dma_start3A_11 = tpu.memref_slice %arg5[%mul3A_2, %dma_start3A_10] : memref<10112x128xf32, #tpu.memory_space<hbm>> -> memref<632x128xf32, #tpu.memory_space<hbm>>
      tpu.enqueue_dma source(%dma_start3A_11 : memref<632x128xf32, #tpu.memory_space<hbm>>) target(%dma_start3A_9 : memref<632x128xf32, #tpu.memory_space<vmem_shared>>) target_semaphore(%run_scoped3A : memref<!tpu.dma_semaphore, #tpu.memory_space<semaphore_mem>>)
      %dma_wait3A = arith.constant 0 : i32
      %dma_wait3A_12 = tpu.memref_slice %arg10[%mul3A_2, %dma_wait3A] : memref<10112x128xf32, #tpu.memory_space<vmem_shared>> -> memref<632x128xf32, #tpu.memory_space<vmem_shared>>
      %dma_wait3A_13 = arith.constant 0 : i32
      %dma_wait3A_14 = tpu.memref_slice %arg5[%mul3A_2, %dma_wait3A_13] : memref<10112x128xf32, #tpu.memory_space<hbm>> -> memref<632x128xf32, #tpu.memory_space<hbm>>
      tpu.wait_dma2 semaphore(%run_scoped3A : memref<!tpu.dma_semaphore, #tpu.memory_space<semaphore_mem>>) src(%dma_wait3A_14 : memref<632x128xf32, #tpu.memory_space<hbm>>) dst(%dma_wait3A_12 : memref<632x128xf32, #tpu.memory_space<vmem_shared>>)
      tpu.yield
    }) : () -> ()
    "tpu.region"() ({
      %run_scoped3A = tpu.sem_alloc : memref<!tpu.dma_semaphore, #tpu.memory_space<semaphore_mem>>
      %dma_start3A = arith.constant 0 : i32
      %dma_start3A_9 = arith.constant 0 : i32
      %dma_start3A_10 = tpu.memref_slice %arg3[%add3A, %dma_start3A, %dma_start3A_9] : memref<32x40x128xi32, #tpu.memory_space<hbm>> -> memref<1x40x128xi32, #tpu.memory_space<hbm>>
      %dma_start3A_11 = tpu.memref_squeeze %dma_start3A_10 : memref<1x40x128xi32, #tpu.memory_space<hbm>> -> memref<40x128xi32, #tpu.memory_space<hbm>>
      %dma_start3A_12 = arith.constant 0 : i32
      %dma_start3A_13 = arith.constant 0 : i32
      %dma_start3A_14 = tpu.memref_slice %arg3[%add3A, %dma_start3A_12, %dma_start3A_13] : memref<32x40x128xi32, #tpu.memory_space<hbm>> -> memref<1x40x128xi32, #tpu.memory_space<hbm>>
      %dma_start3A_15 = tpu.memref_squeeze %dma_start3A_14 : memref<1x40x128xi32, #tpu.memory_space<hbm>> -> memref<40x128xi32, #tpu.memory_space<hbm>>
      tpu.enqueue_dma source(%dma_start3A_15 : memref<40x128xi32, #tpu.memory_space<hbm>>) target(%arg7 : memref<40x128xi32, #tpu.memory_space<vmem>>) target_semaphore(%run_scoped3A : memref<!tpu.dma_semaphore, #tpu.memory_space<semaphore_mem>>)
      %dma_wait3A = arith.constant 0 : i32
      %dma_wait3A_16 = arith.constant 0 : i32
      %dma_wait3A_17 = tpu.memref_slice %arg3[%add3A, %dma_wait3A, %dma_wait3A_16] : memref<32x40x128xi32, #tpu.memory_space<hbm>> -> memref<1x40x128xi32, #tpu.memory_space<hbm>>
      %dma_wait3A_18 = tpu.memref_squeeze %dma_wait3A_17 : memref<1x40x128xi32, #tpu.memory_space<hbm>> -> memref<40x128xi32, #tpu.memory_space<hbm>>
      %dma_wait3A_19 = arith.constant 0 : i32
      %dma_wait3A_20 = arith.constant 0 : i32
      %dma_wait3A_21 = tpu.memref_slice %arg3[%add3A, %dma_wait3A_19, %dma_wait3A_20] : memref<32x40x128xi32, #tpu.memory_space<hbm>> -> memref<1x40x128xi32, #tpu.memory_space<hbm>>
      %dma_wait3A_22 = tpu.memref_squeeze %dma_wait3A_21 : memref<1x40x128xi32, #tpu.memory_space<hbm>> -> memref<40x128xi32, #tpu.memory_space<hbm>>
      tpu.wait_dma2 semaphore(%run_scoped3A : memref<!tpu.dma_semaphore, #tpu.memory_space<semaphore_mem>>) src(%dma_wait3A_22 : memref<40x128xi32, #tpu.memory_space<hbm>>) dst(%arg7 : memref<40x128xi32, #tpu.memory_space<vmem>>)
      tpu.yield
    }) : () -> ()
    "tpu.region"() ({
      %run_scoped3A = tpu.sem_alloc : memref<!tpu.dma_semaphore, #tpu.memory_space<semaphore_mem>>
      %dma_start3A = arith.constant 0 : i32
      %dma_start3A_9 = arith.constant 0 : i32
      %dma_start3A_10 = tpu.memref_slice %arg4[%add3A, %dma_start3A, %dma_start3A_9] : memref<32x40x128xi32, #tpu.memory_space<hbm>> -> memref<1x40x128xi32, #tpu.memory_space<hbm>>
      %dma_start3A_11 = tpu.memref_squeeze %dma_start3A_10 : memref<1x40x128xi32, #tpu.memory_space<hbm>> -> memref<40x128xi32, #tpu.memory_space<hbm>>
      %dma_start3A_12 = arith.constant 0 : i32
      %dma_start3A_13 = arith.constant 0 : i32
      %dma_start3A_14 = tpu.memref_slice %arg4[%add3A, %dma_start3A_12, %dma_start3A_13] : memref<32x40x128xi32, #tpu.memory_space<hbm>> -> memref<1x40x128xi32, #tpu.memory_space<hbm>>
      %dma_start3A_15 = tpu.memref_squeeze %dma_start3A_14 : memref<1x40x128xi32, #tpu.memory_space<hbm>> -> memref<40x128xi32, #tpu.memory_space<hbm>>
      tpu.enqueue_dma source(%dma_start3A_15 : memref<40x128xi32, #tpu.memory_space<hbm>>) target(%arg8 : memref<40x128xi32, #tpu.memory_space<vmem>>) target_semaphore(%run_scoped3A : memref<!tpu.dma_semaphore, #tpu.memory_space<semaphore_mem>>)
      %dma_wait3A = arith.constant 0 : i32
      %dma_wait3A_16 = arith.constant 0 : i32
      %dma_wait3A_17 = tpu.memref_slice %arg4[%add3A, %dma_wait3A, %dma_wait3A_16] : memref<32x40x128xi32, #tpu.memory_space<hbm>> -> memref<1x40x128xi32, #tpu.memory_space<hbm>>
      %dma_wait3A_18 = tpu.memref_squeeze %dma_wait3A_17 : memref<1x40x128xi32, #tpu.memory_space<hbm>> -> memref<40x128xi32, #tpu.memory_space<hbm>>
      %dma_wait3A_19 = arith.constant 0 : i32
      %dma_wait3A_20 = arith.constant 0 : i32
      %dma_wait3A_21 = tpu.memref_slice %arg4[%add3A, %dma_wait3A_19, %dma_wait3A_20] : memref<32x40x128xi32, #tpu.memory_space<hbm>> -> memref<1x40x128xi32, #tpu.memory_space<hbm>>
      %dma_wait3A_22 = tpu.memref_squeeze %dma_wait3A_21 : memref<1x40x128xi32, #tpu.memory_space<hbm>> -> memref<40x128xi32, #tpu.memory_space<hbm>>
      tpu.wait_dma2 semaphore(%run_scoped3A : memref<!tpu.dma_semaphore, #tpu.memory_space<semaphore_mem>>) src(%dma_wait3A_22 : memref<40x128xi32, #tpu.memory_space<hbm>>) dst(%arg8 : memref<40x128xi32, #tpu.memory_space<vmem>>)
      tpu.yield
    }) : () -> ()
    %barrier3A = arith.constant 0 : index
    tpu.barrier barrier_id(%barrier3A)
    %scan3A = arith.constant 0 : i32
    %scan3A_3 = arith.constant 0 : i32
    %scan3A_4 = arith.constant 40 : i32
    %scan3A_5 = arith.addi %scan3A_3, %scan3A_4 : i32
    %scan3A_6 = arith.constant 1 : i32
    scf.for %scan3A_9 = %scan3A_3 to %scan3A_5 step %scan3A_6  : i32 {
      %dma_start3A = arith.constant 0 : i32
      %dma_start3A_10 = tpu.memref_slice %arg7[%scan3A_9, %dma_start3A] : memref<40x128xi32, #tpu.memory_space<vmem>> -> memref<1x128xi32, #tpu.memory_space<vmem>>
      %dma_start3A_11 = tpu.memref_squeeze %dma_start3A_10 : memref<1x128xi32, #tpu.memory_space<vmem>> -> memref<128xi32, #tpu.memory_space<vmem>>
      %dma_start3A_12 = arith.constant 0 : i32
      %dma_start3A_13 = arith.constant 0 : i32
      %dma_start3A_14 = tpu.memref_slice %arg2[%dma_start3A_12, %dma_start3A_13] : memref<10000x128xf32, #tpu.memory_space<hbm>> -> memref<10000x128xf32, #tpu.memory_space<hbm>>
      tpu.enqueue_indirect_dma source(%dma_start3A_14 : memref<10000x128xf32, #tpu.memory_space<hbm>>) target(%arg9 : memref<128x128xf32, #tpu.memory_space<vmem>>) offsets(%dma_start3A_11 : memref<128xi32, #tpu.memory_space<vmem>>) semaphore(%arg11 : memref<!tpu.dma_semaphore, #tpu.memory_space<semaphore_mem>>)
      %dma_wait3A = arith.constant 0 : i32
      %dma_wait3A_15 = tpu.memref_slice %arg7[%scan3A_9, %dma_wait3A] : memref<40x128xi32, #tpu.memory_space<vmem>> -> memref<1x128xi32, #tpu.memory_space<vmem>>
      %dma_wait3A_16 = tpu.memref_squeeze %dma_wait3A_15 : memref<1x128xi32, #tpu.memory_space<vmem>> -> memref<128xi32, #tpu.memory_space<vmem>>
      %dma_wait3A_17 = arith.constant 0 : i32
      %dma_wait3A_18 = arith.constant 0 : i32
      %dma_wait3A_19 = tpu.memref_slice %arg2[%dma_wait3A_17, %dma_wait3A_18] : memref<10000x128xf32, #tpu.memory_space<hbm>> -> memref<10000x128xf32, #tpu.memory_space<hbm>>
      tpu.wait_indirect_dma semaphore(%arg11 : memref<!tpu.dma_semaphore, #tpu.memory_space<semaphore_mem>>) src(%dma_wait3A_19 : memref<10000x128xf32, #tpu.memory_space<hbm>>) dst(%arg9 : memref<128x128xf32, #tpu.memory_space<vmem>>)
      "tpu.region"() ({
        %run_scoped3A = tpu.sem_alloc : memref<!tpu.dma_semaphore, #tpu.memory_space<semaphore_mem>>
        %dma_start3A_20 = arith.constant 0 : i32
        %dma_start3A_21 = tpu.memref_slice %arg8[%scan3A_9, %dma_start3A_20] : memref<40x128xi32, #tpu.memory_space<vmem>> -> memref<1x128xi32, #tpu.memory_space<vmem>>
        %dma_start3A_22 = tpu.memref_squeeze %dma_start3A_21 : memref<1x128xi32, #tpu.memory_space<vmem>> -> memref<128xi32, #tpu.memory_space<vmem>>
        %dma_start3A_23 = arith.constant 0 : i32
        %dma_start3A_24 = arith.constant 0 : i32
        %dma_start3A_25 = tpu.memref_slice %arg10[%dma_start3A_23, %dma_start3A_24] : memref<10112x128xf32, #tpu.memory_space<vmem_shared>> -> memref<10112x128xf32, #tpu.memory_space<vmem_shared>>
        tpu.enqueue_indirect_dma source(%arg9 : memref<128x128xf32, #tpu.memory_space<vmem>>) target(%dma_start3A_25 : memref<10112x128xf32, #tpu.memory_space<vmem_shared>>) offsets(%dma_start3A_22 : memref<128xi32, #tpu.memory_space<vmem>>) semaphore(%run_scoped3A : memref<!tpu.dma_semaphore, #tpu.memory_space<semaphore_mem>>) {add = true}
        %dma_wait3A_26 = arith.constant 0 : i32
        %dma_wait3A_27 = tpu.memref_slice %arg8[%scan3A_9, %dma_wait3A_26] : memref<40x128xi32, #tpu.memory_space<vmem>> -> memref<1x128xi32, #tpu.memory_space<vmem>>
        %dma_wait3A_28 = tpu.memref_squeeze %dma_wait3A_27 : memref<1x128xi32, #tpu.memory_space<vmem>> -> memref<128xi32, #tpu.memory_space<vmem>>
        %dma_wait3A_29 = arith.constant 0 : i32
        %dma_wait3A_30 = arith.constant 0 : i32
        %dma_wait3A_31 = tpu.memref_slice %arg10[%dma_wait3A_29, %dma_wait3A_30] : memref<10112x128xf32, #tpu.memory_space<vmem_shared>> -> memref<10112x128xf32, #tpu.memory_space<vmem_shared>>
        tpu.wait_indirect_dma semaphore(%run_scoped3A : memref<!tpu.dma_semaphore, #tpu.memory_space<semaphore_mem>>) src(%arg9 : memref<128x128xf32, #tpu.memory_space<vmem>>) dst(%dma_wait3A_31 : memref<10112x128xf32, #tpu.memory_space<vmem_shared>>)
        tpu.yield
      }) : () -> ()
    }
    %scan3A_7 = arith.constant 40 : i32
    %barrier3A_8 = arith.constant 0 : index
    tpu.barrier barrier_id(%barrier3A_8)
    "tpu.region"() ({
      %run_scoped3A = tpu.sem_alloc : memref<!tpu.dma_semaphore, #tpu.memory_space<semaphore_mem>>
      %dma_start3A = arith.constant 0 : i32
      %dma_start3A_9 = tpu.memref_slice %arg6[%arg0, %mul3A_2, %dma_start3A] : memref<2x10112x128xf32, #tpu.memory_space<hbm>> -> memref<1x632x128xf32, #tpu.memory_space<hbm>>
      %dma_start3A_10 = tpu.memref_squeeze %dma_start3A_9 : memref<1x632x128xf32, #tpu.memory_space<hbm>> -> memref<632x128xf32, #tpu.memory_space<hbm>>
      %dma_start3A_11 = arith.constant 0 : i32
      %dma_start3A_12 = tpu.memref_slice %arg10[%mul3A_2, %dma_start3A_11] : memref<10112x128xf32, #tpu.memory_space<vmem_shared>> -> memref<632x128xf32, #tpu.memory_space<vmem_shared>>
      tpu.enqueue_dma source(%dma_start3A_12 : memref<632x128xf32, #tpu.memory_space<vmem_shared>>) target(%dma_start3A_10 : memref<632x128xf32, #tpu.memory_space<hbm>>) target_semaphore(%run_scoped3A : memref<!tpu.dma_semaphore, #tpu.memory_space<semaphore_mem>>)
      %dma_wait3A = arith.constant 0 : i32
      %dma_wait3A_13 = tpu.memref_slice %arg6[%arg0, %mul3A_2, %dma_wait3A] : memref<2x10112x128xf32, #tpu.memory_space<hbm>> -> memref<1x632x128xf32, #tpu.memory_space<hbm>>
      %dma_wait3A_14 = tpu.memref_squeeze %dma_wait3A_13 : memref<1x632x128xf32, #tpu.memory_space<hbm>> -> memref<632x128xf32, #tpu.memory_space<hbm>>
      %dma_wait3A_15 = arith.constant 0 : i32
      %dma_wait3A_16 = tpu.memref_slice %arg10[%mul3A_2, %dma_wait3A_15] : memref<10112x128xf32, #tpu.memory_space<vmem_shared>> -> memref<632x128xf32, #tpu.memory_space<vmem_shared>>
      tpu.wait_dma2 semaphore(%run_scoped3A : memref<!tpu.dma_semaphore, #tpu.memory_space<semaphore_mem>>) src(%dma_wait3A_16 : memref<632x128xf32, #tpu.memory_space<vmem_shared>>) dst(%dma_wait3A_14 : memref<632x128xf32, #tpu.memory_space<hbm>>)
      tpu.yield
    }) : () -> ()
    return
  }
}

#map = affine_map<(d0, d1) -> (0, 0)>
#map1 = affine_map<(d0, d1) -> (0, 0, 0)>
module attributes {stable_mosaic.version = 14 : i64} {
  func.func @_spmm_body(%arg0: i32, %arg1: i32, %arg2: memref<10000x128xf32, #tpu.memory_space<hbm>>, %arg3: memref<32x40x128xi32, #tpu.memory_space<hbm>>, %arg4: memref<32x40x128xi32, #tpu.memory_space<hbm>>, %arg5: memref<10112x128xf32, #tpu.memory_space<hbm>>, %arg6: memref<2x10112x128xf32, #tpu.memory_space<hbm>>, %arg7: memref<40x128xi32, #tpu.memory_space<vmem>>, %arg8: memref<40x128xi32, #tpu.memory_space<vmem>>, %arg9: memref<128x128xf32, #tpu.memory_space<vmem>>, %arg10: memref<10112x128xf32, #tpu.memory_space<vmem_shared>>, %arg11: memref<!tpu.dma_semaphore, #tpu.memory_space<semaphore_mem>>) attributes {dimension_semantics = [#tpu.dimension_semantics<core_parallel>, #tpu.dimension_semantics<subcore_parallel>], iteration_bounds = array<i64: 2, 16>, scalar_prefetch = 0 : i64, scratch_operands = 5 : i64, tpu.core_type = #tpu.core_type<sc_vector_subcore>, window_params = [{transform_indices = #map}, {transform_indices = #map1}, {transform_indices = #map1}, {transform_indices = #map}, {transform_indices = #map1}]} {
    %mul3A = arith.constant 2 : i32
    %mul3A_0 = arith.muli %arg1, %mul3A : i32
    %add3A = arith.addi %mul3A_0, %arg0 : i32
    %mul3A_1 = arith.constant 632 : i32
    %mul3A_2 = arith.muli %arg1, %mul3A_1 : i32
    "tpu.region"() ({
      %run_scoped3A = tpu.sem_alloc : memref<!tpu.dma_semaphore, #tpu.memory_space<semaphore_mem>>
      %dma_start3A = arith.constant 0 : i32
      %dma_start3A_9 = tpu.memref_slice %arg10[%mul3A_2, %dma_start3A] : memref<10112x128xf32, #tpu.memory_space<vmem_shared>> -> memref<632x128xf32, #tpu.memory_space<vmem_shared>>
      %dma_start3A_10 = arith.constant 0 : i32
      %dma_start3A_11 = tpu.memref_slice %arg5[%mul3A_2, %dma_start3A_10] : memref<10112x128xf32, #tpu.memory_space<hbm>> -> memref<632x128xf32, #tpu.memory_space<hbm>>
      tpu.enqueue_dma source(%dma_start3A_11 : memref<632x128xf32, #tpu.memory_space<hbm>>) target(%dma_start3A_9 : memref<632x128xf32, #tpu.memory_space<vmem_shared>>) target_semaphore(%run_scoped3A : memref<!tpu.dma_semaphore, #tpu.memory_space<semaphore_mem>>)
      %dma_wait3A = arith.constant 0 : i32
      %dma_wait3A_12 = tpu.memref_slice %arg10[%mul3A_2, %dma_wait3A] : memref<10112x128xf32, #tpu.memory_space<vmem_shared>> -> memref<632x128xf32, #tpu.memory_space<vmem_shared>>
      %dma_wait3A_13 = arith.constant 0 : i32
      %dma_wait3A_14 = tpu.memref_slice %arg5[%mul3A_2, %dma_wait3A_13] : memref<10112x128xf32, #tpu.memory_space<hbm>> -> memref<632x128xf32, #tpu.memory_space<hbm>>
      tpu.wait_dma2 semaphore(%run_scoped3A : memref<!tpu.dma_semaphore, #tpu.memory_space<semaphore_mem>>) src(%dma_wait3A_14 : memref<632x128xf32, #tpu.memory_space<hbm>>) dst(%dma_wait3A_12 : memref<632x128xf32, #tpu.memory_space<vmem_shared>>)
      tpu.yield
    }) : () -> ()
    "tpu.region"() ({
      %run_scoped3A = tpu.sem_alloc : memref<!tpu.dma_semaphore, #tpu.memory_space<semaphore_mem>>
      %dma_start3A = arith.constant 0 : i32
      %dma_start3A_9 = arith.constant 0 : i32
      %dma_start3A_10 = tpu.memref_slice %arg3[%add3A, %dma_start3A, %dma_start3A_9] : memref<32x40x128xi32, #tpu.memory_space<hbm>> -> memref<1x40x128xi32, #tpu.memory_space<hbm>>
      %dma_start3A_11 = tpu.memref_squeeze %dma_start3A_10 : memref<1x40x128xi32, #tpu.memory_space<hbm>> -> memref<40x128xi32, #tpu.memory_space<hbm>>
      %dma_start3A_12 = arith.constant 0 : i32
      %dma_start3A_13 = arith.constant 0 : i32
      %dma_start3A_14 = tpu.memref_slice %arg3[%add3A, %dma_start3A_12, %dma_start3A_13] : memref<32x40x128xi32, #tpu.memory_space<hbm>> -> memref<1x40x128xi32, #tpu.memory_space<hbm>>
      %dma_start3A_15 = tpu.memref_squeeze %dma_start3A_14 : memref<1x40x128xi32, #tpu.memory_space<hbm>> -> memref<40x128xi32, #tpu.memory_space<hbm>>
      tpu.enqueue_dma source(%dma_start3A_15 : memref<40x128xi32, #tpu.memory_space<hbm>>) target(%arg7 : memref<40x128xi32, #tpu.memory_space<vmem>>) target_semaphore(%run_scoped3A : memref<!tpu.dma_semaphore, #tpu.memory_space<semaphore_mem>>)
      %dma_wait3A = arith.constant 0 : i32
      %dma_wait3A_16 = arith.constant 0 : i32
      %dma_wait3A_17 = tpu.memref_slice %arg3[%add3A, %dma_wait3A, %dma_wait3A_16] : memref<32x40x128xi32, #tpu.memory_space<hbm>> -> memref<1x40x128xi32, #tpu.memory_space<hbm>>
      %dma_wait3A_18 = tpu.memref_squeeze %dma_wait3A_17 : memref<1x40x128xi32, #tpu.memory_space<hbm>> -> memref<40x128xi32, #tpu.memory_space<hbm>>
      %dma_wait3A_19 = arith.constant 0 : i32
      %dma_wait3A_20 = arith.constant 0 : i32
      %dma_wait3A_21 = tpu.memref_slice %arg3[%add3A, %dma_wait3A_19, %dma_wait3A_20] : memref<32x40x128xi32, #tpu.memory_space<hbm>> -> memref<1x40x128xi32, #tpu.memory_space<hbm>>
      %dma_wait3A_22 = tpu.memref_squeeze %dma_wait3A_21 : memref<1x40x128xi32, #tpu.memory_space<hbm>> -> memref<40x128xi32, #tpu.memory_space<hbm>>
      tpu.wait_dma2 semaphore(%run_scoped3A : memref<!tpu.dma_semaphore, #tpu.memory_space<semaphore_mem>>) src(%dma_wait3A_22 : memref<40x128xi32, #tpu.memory_space<hbm>>) dst(%arg7 : memref<40x128xi32, #tpu.memory_space<vmem>>)
      tpu.yield
    }) : () -> ()
    "tpu.region"() ({
      %run_scoped3A = tpu.sem_alloc : memref<!tpu.dma_semaphore, #tpu.memory_space<semaphore_mem>>
      %dma_start3A = arith.constant 0 : i32
      %dma_start3A_9 = arith.constant 0 : i32
      %dma_start3A_10 = tpu.memref_slice %arg4[%add3A, %dma_start3A, %dma_start3A_9] : memref<32x40x128xi32, #tpu.memory_space<hbm>> -> memref<1x40x128xi32, #tpu.memory_space<hbm>>
      %dma_start3A_11 = tpu.memref_squeeze %dma_start3A_10 : memref<1x40x128xi32, #tpu.memory_space<hbm>> -> memref<40x128xi32, #tpu.memory_space<hbm>>
      %dma_start3A_12 = arith.constant 0 : i32
      %dma_start3A_13 = arith.constant 0 : i32
      %dma_start3A_14 = tpu.memref_slice %arg4[%add3A, %dma_start3A_12, %dma_start3A_13] : memref<32x40x128xi32, #tpu.memory_space<hbm>> -> memref<1x40x128xi32, #tpu.memory_space<hbm>>
      %dma_start3A_15 = tpu.memref_squeeze %dma_start3A_14 : memref<1x40x128xi32, #tpu.memory_space<hbm>> -> memref<40x128xi32, #tpu.memory_space<hbm>>
      tpu.enqueue_dma source(%dma_start3A_15 : memref<40x128xi32, #tpu.memory_space<hbm>>) target(%arg8 : memref<40x128xi32, #tpu.memory_space<vmem>>) target_semaphore(%run_scoped3A : memref<!tpu.dma_semaphore, #tpu.memory_space<semaphore_mem>>)
      %dma_wait3A = arith.constant 0 : i32
      %dma_wait3A_16 = arith.constant 0 : i32
      %dma_wait3A_17 = tpu.memref_slice %arg4[%add3A, %dma_wait3A, %dma_wait3A_16] : memref<32x40x128xi32, #tpu.memory_space<hbm>> -> memref<1x40x128xi32, #tpu.memory_space<hbm>>
      %dma_wait3A_18 = tpu.memref_squeeze %dma_wait3A_17 : memref<1x40x128xi32, #tpu.memory_space<hbm>> -> memref<40x128xi32, #tpu.memory_space<hbm>>
      %dma_wait3A_19 = arith.constant 0 : i32
      %dma_wait3A_20 = arith.constant 0 : i32
      %dma_wait3A_21 = tpu.memref_slice %arg4[%add3A, %dma_wait3A_19, %dma_wait3A_20] : memref<32x40x128xi32, #tpu.memory_space<hbm>> -> memref<1x40x128xi32, #tpu.memory_space<hbm>>
      %dma_wait3A_22 = tpu.memref_squeeze %dma_wait3A_21 : memref<1x40x128xi32, #tpu.memory_space<hbm>> -> memref<40x128xi32, #tpu.memory_space<hbm>>
      tpu.wait_dma2 semaphore(%run_scoped3A : memref<!tpu.dma_semaphore, #tpu.memory_space<semaphore_mem>>) src(%dma_wait3A_22 : memref<40x128xi32, #tpu.memory_space<hbm>>) dst(%arg8 : memref<40x128xi32, #tpu.memory_space<vmem>>)
      tpu.yield
    }) : () -> ()
    %barrier3A = arith.constant 0 : index
    tpu.barrier barrier_id(%barrier3A)
    %scan3A = arith.constant 0 : i32
    %scan3A_3 = arith.constant 0 : i32
    %scan3A_4 = arith.constant 40 : i32
    %scan3A_5 = arith.addi %scan3A_3, %scan3A_4 : i32
    %scan3A_6 = arith.constant 1 : i32
    scf.for %scan3A_9 = %scan3A_3 to %scan3A_5 step %scan3A_6  : i32 {
      %dma_start3A = arith.constant 0 : i32
      %dma_start3A_10 = tpu.memref_slice %arg7[%scan3A_9, %dma_start3A] : memref<40x128xi32, #tpu.memory_space<vmem>> -> memref<1x128xi32, #tpu.memory_space<vmem>>
      %dma_start3A_11 = tpu.memref_squeeze %dma_start3A_10 : memref<1x128xi32, #tpu.memory_space<vmem>> -> memref<128xi32, #tpu.memory_space<vmem>>
      %dma_start3A_12 = arith.constant 0 : i32
      %dma_start3A_13 = arith.constant 0 : i32
      %dma_start3A_14 = tpu.memref_slice %arg2[%dma_start3A_12, %dma_start3A_13] : memref<10000x128xf32, #tpu.memory_space<hbm>> -> memref<10000x128xf32, #tpu.memory_space<hbm>>
      tpu.enqueue_indirect_dma source(%dma_start3A_14 : memref<10000x128xf32, #tpu.memory_space<hbm>>) target(%arg9 : memref<128x128xf32, #tpu.memory_space<vmem>>) offsets(%dma_start3A_11 : memref<128xi32, #tpu.memory_space<vmem>>) semaphore(%arg11 : memref<!tpu.dma_semaphore, #tpu.memory_space<semaphore_mem>>)
      %dma_wait3A = arith.constant 0 : i32
      %dma_wait3A_15 = tpu.memref_slice %arg7[%scan3A_9, %dma_wait3A] : memref<40x128xi32, #tpu.memory_space<vmem>> -> memref<1x128xi32, #tpu.memory_space<vmem>>
      %dma_wait3A_16 = tpu.memref_squeeze %dma_wait3A_15 : memref<1x128xi32, #tpu.memory_space<vmem>> -> memref<128xi32, #tpu.memory_space<vmem>>
      %dma_wait3A_17 = arith.constant 0 : i32
      %dma_wait3A_18 = arith.constant 0 : i32
      %dma_wait3A_19 = tpu.memref_slice %arg2[%dma_wait3A_17, %dma_wait3A_18] : memref<10000x128xf32, #tpu.memory_space<hbm>> -> memref<10000x128xf32, #tpu.memory_space<hbm>>
      tpu.wait_indirect_dma semaphore(%arg11 : memref<!tpu.dma_semaphore, #tpu.memory_space<semaphore_mem>>) src(%dma_wait3A_19 : memref<10000x128xf32, #tpu.memory_space<hbm>>) dst(%arg9 : memref<128x128xf32, #tpu.memory_space<vmem>>)
      "tpu.region"() ({
        %run_scoped3A = tpu.sem_alloc : memref<!tpu.dma_semaphore, #tpu.memory_space<semaphore_mem>>
        %dma_start3A_20 = arith.constant 0 : i32
        %dma_start3A_21 = tpu.memref_slice %arg8[%scan3A_9, %dma_start3A_20] : memref<40x128xi32, #tpu.memory_space<vmem>> -> memref<1x128xi32, #tpu.memory_space<vmem>>
        %dma_start3A_22 = tpu.memref_squeeze %dma_start3A_21 : memref<1x128xi32, #tpu.memory_space<vmem>> -> memref<128xi32, #tpu.memory_space<vmem>>
        %dma_start3A_23 = arith.constant 0 : i32
        %dma_start3A_24 = arith.constant 0 : i32
        %dma_start3A_25 = tpu.memref_slice %arg10[%dma_start3A_23, %dma_start3A_24] : memref<10112x128xf32, #tpu.memory_space<vmem_shared>> -> memref<10112x128xf32, #tpu.memory_space<vmem_shared>>
        tpu.enqueue_indirect_dma source(%arg9 : memref<128x128xf32, #tpu.memory_space<vmem>>) target(%dma_start3A_25 : memref<10112x128xf32, #tpu.memory_space<vmem_shared>>) offsets(%dma_start3A_22 : memref<128xi32, #tpu.memory_space<vmem>>) semaphore(%run_scoped3A : memref<!tpu.dma_semaphore, #tpu.memory_space<semaphore_mem>>) {add = true}
        %dma_wait3A_26 = arith.constant 0 : i32
        %dma_wait3A_27 = tpu.memref_slice %arg8[%scan3A_9, %dma_wait3A_26] : memref<40x128xi32, #tpu.memory_space<vmem>> -> memref<1x128xi32, #tpu.memory_space<vmem>>
        %dma_wait3A_28 = tpu.memref_squeeze %dma_wait3A_27 : memref<1x128xi32, #tpu.memory_space<vmem>> -> memref<128xi32, #tpu.memory_space<vmem>>
        %dma_wait3A_29 = arith.constant 0 : i32
        %dma_wait3A_30 = arith.constant 0 : i32
        %dma_wait3A_31 = tpu.memref_slice %arg10[%dma_wait3A_29, %dma_wait3A_30] : memref<10112x128xf32, #tpu.memory_space<vmem_shared>> -> memref<10112x128xf32, #tpu.memory_space<vmem_shared>>
        tpu.wait_indirect_dma semaphore(%run_scoped3A : memref<!tpu.dma_semaphore, #tpu.memory_space<semaphore_mem>>) src(%arg9 : memref<128x128xf32, #tpu.memory_space<vmem>>) dst(%dma_wait3A_31 : memref<10112x128xf32, #tpu.memory_space<vmem_shared>>)
        tpu.yield
      }) : () -> ()
    }
    %scan3A_7 = arith.constant 40 : i32
    %barrier3A_8 = arith.constant 0 : index
    tpu.barrier barrier_id(%barrier3A_8)
    "tpu.region"() ({
      %run_scoped3A = tpu.sem_alloc : memref<!tpu.dma_semaphore, #tpu.memory_space<semaphore_mem>>
      %dma_start3A = arith.constant 0 : i32
      %dma_start3A_9 = tpu.memref_slice %arg6[%arg0, %mul3A_2, %dma_start3A] : memref<2x10112x128xf32, #tpu.memory_space<hbm>> -> memref<1x632x128xf32, #tpu.memory_space<hbm>>
      %dma_start3A_10 = tpu.memref_squeeze %dma_start3A_9 : memref<1x632x128xf32, #tpu.memory_space<hbm>> -> memref<632x128xf32, #tpu.memory_space<hbm>>
      %dma_start3A_11 = arith.constant 0 : i32
      %dma_start3A_12 = tpu.memref_slice %arg10[%mul3A_2, %dma_start3A_11] : memref<10112x128xf32, #tpu.memory_space<vmem_shared>> -> memref<632x128xf32, #tpu.memory_space<vmem_shared>>
      tpu.enqueue_dma source(%dma_start3A_12 : memref<632x128xf32, #tpu.memory_space<vmem_shared>>) target(%dma_start3A_10 : memref<632x128xf32, #tpu.memory_space<hbm>>) target_semaphore(%run_scoped3A : memref<!tpu.dma_semaphore, #tpu.memory_space<semaphore_mem>>)
      %dma_wait3A = arith.constant 0 : i32
      %dma_wait3A_13 = tpu.memref_slice %arg6[%arg0, %mul3A_2, %dma_wait3A] : memref<2x10112x128xf32, #tpu.memory_space<hbm>> -> memref<1x632x128xf32, #tpu.memory_space<hbm>>
      %dma_wait3A_14 = tpu.memref_squeeze %dma_wait3A_13 : memref<1x632x128xf32, #tpu.memory_space<hbm>> -> memref<632x128xf32, #tpu.memory_space<hbm>>
      %dma_wait3A_15 = arith.constant 0 : i32
      %dma_wait3A_16 = tpu.memref_slice %arg10[%mul3A_2, %dma_wait3A_15] : memref<10112x128xf32, #tpu.memory_space<vmem_shared>> -> memref<632x128xf32, #tpu.memory_space<vmem_shared>>
      tpu.wait_dma2 semaphore(%run_scoped3A : memref<!tpu.dma_semaphore, #tpu.memory_space<semaphore_mem>>) src(%dma_wait3A_16 : memref<632x128xf32, #tpu.memory_space<vmem_shared>>) dst(%dma_wait3A_14 : memref<632x128xf32, #tpu.memory_space<hbm>>)
      tpu.yield
    }) : () -> ()
    return
  }
}

#map = affine_map<(d0, d1) -> (0, 0)>
#map1 = affine_map<(d0, d1) -> (0, 0, 0)>
module attributes {stable_mosaic.version = 14 : i64} {
  func.func @_spmm_body(%arg0: i32, %arg1: i32, %arg2: memref<10000x128xf32, #tpu.memory_space<hbm>>, %arg3: memref<32x40x128xi32, #tpu.memory_space<hbm>>, %arg4: memref<32x40x128xi32, #tpu.memory_space<hbm>>, %arg5: memref<10112x128xf32, #tpu.memory_space<hbm>>, %arg6: memref<2x10112x128xf32, #tpu.memory_space<hbm>>, %arg7: memref<40x128xi32, #tpu.memory_space<vmem>>, %arg8: memref<40x128xi32, #tpu.memory_space<vmem>>, %arg9: memref<128x128xf32, #tpu.memory_space<vmem>>, %arg10: memref<10112x128xf32, #tpu.memory_space<vmem_shared>>, %arg11: memref<!tpu.dma_semaphore, #tpu.memory_space<semaphore_mem>>) attributes {dimension_semantics = [#tpu.dimension_semantics<core_parallel>, #tpu.dimension_semantics<subcore_parallel>], iteration_bounds = array<i64: 2, 16>, scalar_prefetch = 0 : i64, scratch_operands = 5 : i64, tpu.core_type = #tpu.core_type<sc_vector_subcore>, window_params = [{transform_indices = #map}, {transform_indices = #map1}, {transform_indices = #map1}, {transform_indices = #map}, {transform_indices = #map1}]} {
    %mul3A = arith.constant 2 : i32
    %mul3A_0 = arith.muli %arg1, %mul3A : i32
    %add3A = arith.addi %mul3A_0, %arg0 : i32
    %mul3A_1 = arith.constant 632 : i32
    %mul3A_2 = arith.muli %arg1, %mul3A_1 : i32
    "tpu.region"() ({
      %run_scoped3A = tpu.sem_alloc : memref<!tpu.dma_semaphore, #tpu.memory_space<semaphore_mem>>
      %dma_start3A = arith.constant 0 : i32
      %dma_start3A_9 = tpu.memref_slice %arg10[%mul3A_2, %dma_start3A] : memref<10112x128xf32, #tpu.memory_space<vmem_shared>> -> memref<632x128xf32, #tpu.memory_space<vmem_shared>>
      %dma_start3A_10 = arith.constant 0 : i32
      %dma_start3A_11 = tpu.memref_slice %arg5[%mul3A_2, %dma_start3A_10] : memref<10112x128xf32, #tpu.memory_space<hbm>> -> memref<632x128xf32, #tpu.memory_space<hbm>>
      tpu.enqueue_dma source(%dma_start3A_11 : memref<632x128xf32, #tpu.memory_space<hbm>>) target(%dma_start3A_9 : memref<632x128xf32, #tpu.memory_space<vmem_shared>>) target_semaphore(%run_scoped3A : memref<!tpu.dma_semaphore, #tpu.memory_space<semaphore_mem>>)
      %dma_wait3A = arith.constant 0 : i32
      %dma_wait3A_12 = tpu.memref_slice %arg10[%mul3A_2, %dma_wait3A] : memref<10112x128xf32, #tpu.memory_space<vmem_shared>> -> memref<632x128xf32, #tpu.memory_space<vmem_shared>>
      %dma_wait3A_13 = arith.constant 0 : i32
      %dma_wait3A_14 = tpu.memref_slice %arg5[%mul3A_2, %dma_wait3A_13] : memref<10112x128xf32, #tpu.memory_space<hbm>> -> memref<632x128xf32, #tpu.memory_space<hbm>>
      tpu.wait_dma2 semaphore(%run_scoped3A : memref<!tpu.dma_semaphore, #tpu.memory_space<semaphore_mem>>) src(%dma_wait3A_14 : memref<632x128xf32, #tpu.memory_space<hbm>>) dst(%dma_wait3A_12 : memref<632x128xf32, #tpu.memory_space<vmem_shared>>)
      tpu.yield
    }) : () -> ()
    "tpu.region"() ({
      %run_scoped3A = tpu.sem_alloc : memref<!tpu.dma_semaphore, #tpu.memory_space<semaphore_mem>>
      %dma_start3A = arith.constant 0 : i32
      %dma_start3A_9 = arith.constant 0 : i32
      %dma_start3A_10 = tpu.memref_slice %arg3[%add3A, %dma_start3A, %dma_start3A_9] : memref<32x40x128xi32, #tpu.memory_space<hbm>> -> memref<1x40x128xi32, #tpu.memory_space<hbm>>
      %dma_start3A_11 = tpu.memref_squeeze %dma_start3A_10 : memref<1x40x128xi32, #tpu.memory_space<hbm>> -> memref<40x128xi32, #tpu.memory_space<hbm>>
      %dma_start3A_12 = arith.constant 0 : i32
      %dma_start3A_13 = arith.constant 0 : i32
      %dma_start3A_14 = tpu.memref_slice %arg3[%add3A, %dma_start3A_12, %dma_start3A_13] : memref<32x40x128xi32, #tpu.memory_space<hbm>> -> memref<1x40x128xi32, #tpu.memory_space<hbm>>
      %dma_start3A_15 = tpu.memref_squeeze %dma_start3A_14 : memref<1x40x128xi32, #tpu.memory_space<hbm>> -> memref<40x128xi32, #tpu.memory_space<hbm>>
      tpu.enqueue_dma source(%dma_start3A_15 : memref<40x128xi32, #tpu.memory_space<hbm>>) target(%arg7 : memref<40x128xi32, #tpu.memory_space<vmem>>) target_semaphore(%run_scoped3A : memref<!tpu.dma_semaphore, #tpu.memory_space<semaphore_mem>>)
      %dma_wait3A = arith.constant 0 : i32
      %dma_wait3A_16 = arith.constant 0 : i32
      %dma_wait3A_17 = tpu.memref_slice %arg3[%add3A, %dma_wait3A, %dma_wait3A_16] : memref<32x40x128xi32, #tpu.memory_space<hbm>> -> memref<1x40x128xi32, #tpu.memory_space<hbm>>
      %dma_wait3A_18 = tpu.memref_squeeze %dma_wait3A_17 : memref<1x40x128xi32, #tpu.memory_space<hbm>> -> memref<40x128xi32, #tpu.memory_space<hbm>>
      %dma_wait3A_19 = arith.constant 0 : i32
      %dma_wait3A_20 = arith.constant 0 : i32
      %dma_wait3A_21 = tpu.memref_slice %arg3[%add3A, %dma_wait3A_19, %dma_wait3A_20] : memref<32x40x128xi32, #tpu.memory_space<hbm>> -> memref<1x40x128xi32, #tpu.memory_space<hbm>>
      %dma_wait3A_22 = tpu.memref_squeeze %dma_wait3A_21 : memref<1x40x128xi32, #tpu.memory_space<hbm>> -> memref<40x128xi32, #tpu.memory_space<hbm>>
      tpu.wait_dma2 semaphore(%run_scoped3A : memref<!tpu.dma_semaphore, #tpu.memory_space<semaphore_mem>>) src(%dma_wait3A_22 : memref<40x128xi32, #tpu.memory_space<hbm>>) dst(%arg7 : memref<40x128xi32, #tpu.memory_space<vmem>>)
      tpu.yield
    }) : () -> ()
    "tpu.region"() ({
      %run_scoped3A = tpu.sem_alloc : memref<!tpu.dma_semaphore, #tpu.memory_space<semaphore_mem>>
      %dma_start3A = arith.constant 0 : i32
      %dma_start3A_9 = arith.constant 0 : i32
      %dma_start3A_10 = tpu.memref_slice %arg4[%add3A, %dma_start3A, %dma_start3A_9] : memref<32x40x128xi32, #tpu.memory_space<hbm>> -> memref<1x40x128xi32, #tpu.memory_space<hbm>>
      %dma_start3A_11 = tpu.memref_squeeze %dma_start3A_10 : memref<1x40x128xi32, #tpu.memory_space<hbm>> -> memref<40x128xi32, #tpu.memory_space<hbm>>
      %dma_start3A_12 = arith.constant 0 : i32
      %dma_start3A_13 = arith.constant 0 : i32
      %dma_start3A_14 = tpu.memref_slice %arg4[%add3A, %dma_start3A_12, %dma_start3A_13] : memref<32x40x128xi32, #tpu.memory_space<hbm>> -> memref<1x40x128xi32, #tpu.memory_space<hbm>>
      %dma_start3A_15 = tpu.memref_squeeze %dma_start3A_14 : memref<1x40x128xi32, #tpu.memory_space<hbm>> -> memref<40x128xi32, #tpu.memory_space<hbm>>
      tpu.enqueue_dma source(%dma_start3A_15 : memref<40x128xi32, #tpu.memory_space<hbm>>) target(%arg8 : memref<40x128xi32, #tpu.memory_space<vmem>>) target_semaphore(%run_scoped3A : memref<!tpu.dma_semaphore, #tpu.memory_space<semaphore_mem>>)
      %dma_wait3A = arith.constant 0 : i32
      %dma_wait3A_16 = arith.constant 0 : i32
      %dma_wait3A_17 = tpu.memref_slice %arg4[%add3A, %dma_wait3A, %dma_wait3A_16] : memref<32x40x128xi32, #tpu.memory_space<hbm>> -> memref<1x40x128xi32, #tpu.memory_space<hbm>>
      %dma_wait3A_18 = tpu.memref_squeeze %dma_wait3A_17 : memref<1x40x128xi32, #tpu.memory_space<hbm>> -> memref<40x128xi32, #tpu.memory_space<hbm>>
      %dma_wait3A_19 = arith.constant 0 : i32
      %dma_wait3A_20 = arith.constant 0 : i32
      %dma_wait3A_21 = tpu.memref_slice %arg4[%add3A, %dma_wait3A_19, %dma_wait3A_20] : memref<32x40x128xi32, #tpu.memory_space<hbm>> -> memref<1x40x128xi32, #tpu.memory_space<hbm>>
      %dma_wait3A_22 = tpu.memref_squeeze %dma_wait3A_21 : memref<1x40x128xi32, #tpu.memory_space<hbm>> -> memref<40x128xi32, #tpu.memory_space<hbm>>
      tpu.wait_dma2 semaphore(%run_scoped3A : memref<!tpu.dma_semaphore, #tpu.memory_space<semaphore_mem>>) src(%dma_wait3A_22 : memref<40x128xi32, #tpu.memory_space<hbm>>) dst(%arg8 : memref<40x128xi32, #tpu.memory_space<vmem>>)
      tpu.yield
    }) : () -> ()
    %barrier3A = arith.constant 0 : index
    tpu.barrier barrier_id(%barrier3A)
    %scan3A = arith.constant 0 : i32
    %scan3A_3 = arith.constant 0 : i32
    %scan3A_4 = arith.constant 40 : i32
    %scan3A_5 = arith.addi %scan3A_3, %scan3A_4 : i32
    %scan3A_6 = arith.constant 1 : i32
    scf.for %scan3A_9 = %scan3A_3 to %scan3A_5 step %scan3A_6  : i32 {
      %dma_start3A = arith.constant 0 : i32
      %dma_start3A_10 = tpu.memref_slice %arg7[%scan3A_9, %dma_start3A] : memref<40x128xi32, #tpu.memory_space<vmem>> -> memref<1x128xi32, #tpu.memory_space<vmem>>
      %dma_start3A_11 = tpu.memref_squeeze %dma_start3A_10 : memref<1x128xi32, #tpu.memory_space<vmem>> -> memref<128xi32, #tpu.memory_space<vmem>>
      %dma_start3A_12 = arith.constant 0 : i32
      %dma_start3A_13 = arith.constant 0 : i32
      %dma_start3A_14 = tpu.memref_slice %arg2[%dma_start3A_12, %dma_start3A_13] : memref<10000x128xf32, #tpu.memory_space<hbm>> -> memref<10000x128xf32, #tpu.memory_space<hbm>>
      tpu.enqueue_indirect_dma source(%dma_start3A_14 : memref<10000x128xf32, #tpu.memory_space<hbm>>) target(%arg9 : memref<128x128xf32, #tpu.memory_space<vmem>>) offsets(%dma_start3A_11 : memref<128xi32, #tpu.memory_space<vmem>>) semaphore(%arg11 : memref<!tpu.dma_semaphore, #tpu.memory_space<semaphore_mem>>)
      %dma_wait3A = arith.constant 0 : i32
      %dma_wait3A_15 = tpu.memref_slice %arg7[%scan3A_9, %dma_wait3A] : memref<40x128xi32, #tpu.memory_space<vmem>> -> memref<1x128xi32, #tpu.memory_space<vmem>>
      %dma_wait3A_16 = tpu.memref_squeeze %dma_wait3A_15 : memref<1x128xi32, #tpu.memory_space<vmem>> -> memref<128xi32, #tpu.memory_space<vmem>>
      %dma_wait3A_17 = arith.constant 0 : i32
      %dma_wait3A_18 = arith.constant 0 : i32
      %dma_wait3A_19 = tpu.memref_slice %arg2[%dma_wait3A_17, %dma_wait3A_18] : memref<10000x128xf32, #tpu.memory_space<hbm>> -> memref<10000x128xf32, #tpu.memory_space<hbm>>
      tpu.wait_indirect_dma semaphore(%arg11 : memref<!tpu.dma_semaphore, #tpu.memory_space<semaphore_mem>>) src(%dma_wait3A_19 : memref<10000x128xf32, #tpu.memory_space<hbm>>) dst(%arg9 : memref<128x128xf32, #tpu.memory_space<vmem>>)
      "tpu.region"() ({
        %run_scoped3A = tpu.sem_alloc : memref<!tpu.dma_semaphore, #tpu.memory_space<semaphore_mem>>
        %dma_start3A_20 = arith.constant 0 : i32
        %dma_start3A_21 = tpu.memref_slice %arg8[%scan3A_9, %dma_start3A_20] : memref<40x128xi32, #tpu.memory_space<vmem>> -> memref<1x128xi32, #tpu.memory_space<vmem>>
        %dma_start3A_22 = tpu.memref_squeeze %dma_start3A_21 : memref<1x128xi32, #tpu.memory_space<vmem>> -> memref<128xi32, #tpu.memory_space<vmem>>
        %dma_start3A_23 = arith.constant 0 : i32
        %dma_start3A_24 = arith.constant 0 : i32
        %dma_start3A_25 = tpu.memref_slice %arg10[%dma_start3A_23, %dma_start3A_24] : memref<10112x128xf32, #tpu.memory_space<vmem_shared>> -> memref<10112x128xf32, #tpu.memory_space<vmem_shared>>
        tpu.enqueue_indirect_dma source(%arg9 : memref<128x128xf32, #tpu.memory_space<vmem>>) target(%dma_start3A_25 : memref<10112x128xf32, #tpu.memory_space<vmem_shared>>) offsets(%dma_start3A_22 : memref<128xi32, #tpu.memory_space<vmem>>) semaphore(%run_scoped3A : memref<!tpu.dma_semaphore, #tpu.memory_space<semaphore_mem>>) {add = true}
        %dma_wait3A_26 = arith.constant 0 : i32
        %dma_wait3A_27 = tpu.memref_slice %arg8[%scan3A_9, %dma_wait3A_26] : memref<40x128xi32, #tpu.memory_space<vmem>> -> memref<1x128xi32, #tpu.memory_space<vmem>>
        %dma_wait3A_28 = tpu.memref_squeeze %dma_wait3A_27 : memref<1x128xi32, #tpu.memory_space<vmem>> -> memref<128xi32, #tpu.memory_space<vmem>>
        %dma_wait3A_29 = arith.constant 0 : i32
        %dma_wait3A_30 = arith.constant 0 : i32
        %dma_wait3A_31 = tpu.memref_slice %arg10[%dma_wait3A_29, %dma_wait3A_30] : memref<10112x128xf32, #tpu.memory_space<vmem_shared>> -> memref<10112x128xf32, #tpu.memory_space<vmem_shared>>
        tpu.wait_indirect_dma semaphore(%run_scoped3A : memref<!tpu.dma_semaphore, #tpu.memory_space<semaphore_mem>>) src(%arg9 : memref<128x128xf32, #tpu.memory_space<vmem>>) dst(%dma_wait3A_31 : memref<10112x128xf32, #tpu.memory_space<vmem_shared>>)
        tpu.yield
      }) : () -> ()
    }
    %scan3A_7 = arith.constant 40 : i32
    %barrier3A_8 = arith.constant 0 : index
    tpu.barrier barrier_id(%barrier3A_8)
    "tpu.region"() ({
      %run_scoped3A = tpu.sem_alloc : memref<!tpu.dma_semaphore, #tpu.memory_space<semaphore_mem>>
      %dma_start3A = arith.constant 0 : i32
      %dma_start3A_9 = tpu.memref_slice %arg6[%arg0, %mul3A_2, %dma_start3A] : memref<2x10112x128xf32, #tpu.memory_space<hbm>> -> memref<1x632x128xf32, #tpu.memory_space<hbm>>
      %dma_start3A_10 = tpu.memref_squeeze %dma_start3A_9 : memref<1x632x128xf32, #tpu.memory_space<hbm>> -> memref<632x128xf32, #tpu.memory_space<hbm>>
      %dma_start3A_11 = arith.constant 0 : i32
      %dma_start3A_12 = tpu.memref_slice %arg10[%mul3A_2, %dma_start3A_11] : memref<10112x128xf32, #tpu.memory_space<vmem_shared>> -> memref<632x128xf32, #tpu.memory_space<vmem_shared>>
      tpu.enqueue_dma source(%dma_start3A_12 : memref<632x128xf32, #tpu.memory_space<vmem_shared>>) target(%dma_start3A_10 : memref<632x128xf32, #tpu.memory_space<hbm>>) target_semaphore(%run_scoped3A : memref<!tpu.dma_semaphore, #tpu.memory_space<semaphore_mem>>)
      %dma_wait3A = arith.constant 0 : i32
      %dma_wait3A_13 = tpu.memref_slice %arg6[%arg0, %mul3A_2, %dma_wait3A] : memref<2x10112x128xf32, #tpu.memory_space<hbm>> -> memref<1x632x128xf32, #tpu.memory_space<hbm>>
      %dma_wait3A_14 = tpu.memref_squeeze %dma_wait3A_13 : memref<1x632x128xf32, #tpu.memory_space<hbm>> -> memref<632x128xf32, #tpu.memory_space<hbm>>
      %dma_wait3A_15 = arith.constant 0 : i32
      %dma_wait3A_16 = tpu.memref_slice %arg10[%mul3A_2, %dma_wait3A_15] : memref<10112x128xf32, #tpu.memory_space<vmem_shared>> -> memref<632x128xf32, #tpu.memory_space<vmem_shared>>
      tpu.wait_dma2 semaphore(%run_scoped3A : memref<!tpu.dma_semaphore, #tpu.memory_space<semaphore_mem>>) src(%dma_wait3A_16 : memref<632x128xf32, #tpu.memory_space<vmem_shared>>) dst(%dma_wait3A_14 : memref<632x128xf32, #tpu.memory_space<hbm>>)
      tpu.yield
    }) : () -> ()
    return
  }
}

#map = affine_map<(d0, d1) -> (0, 0)>
#map1 = affine_map<(d0, d1) -> (0, 0, 0)>
module attributes {stable_mosaic.version = 14 : i64} {
  func.func @_spmm_body(%arg0: i32, %arg1: i32, %arg2: memref<10000x128xf32, #tpu.memory_space<hbm>>, %arg3: memref<32x40x128xi32, #tpu.memory_space<hbm>>, %arg4: memref<32x40x128xi32, #tpu.memory_space<hbm>>, %arg5: memref<10112x128xf32, #tpu.memory_space<hbm>>, %arg6: memref<2x10112x128xf32, #tpu.memory_space<hbm>>, %arg7: memref<40x128xi32, #tpu.memory_space<vmem>>, %arg8: memref<40x128xi32, #tpu.memory_space<vmem>>, %arg9: memref<128x128xf32, #tpu.memory_space<vmem>>, %arg10: memref<10112x128xf32, #tpu.memory_space<vmem_shared>>, %arg11: memref<!tpu.dma_semaphore, #tpu.memory_space<semaphore_mem>>) attributes {dimension_semantics = [#tpu.dimension_semantics<core_parallel>, #tpu.dimension_semantics<subcore_parallel>], iteration_bounds = array<i64: 2, 16>, scalar_prefetch = 0 : i64, scratch_operands = 5 : i64, tpu.core_type = #tpu.core_type<sc_vector_subcore>, window_params = [{transform_indices = #map}, {transform_indices = #map1}, {transform_indices = #map1}, {transform_indices = #map}, {transform_indices = #map1}]} {
    %mul3A = arith.constant 2 : i32
    %mul3A_0 = arith.muli %arg1, %mul3A : i32
    %add3A = arith.addi %mul3A_0, %arg0 : i32
    %mul3A_1 = arith.constant 632 : i32
    %mul3A_2 = arith.muli %arg1, %mul3A_1 : i32
    "tpu.region"() ({
      %run_scoped3A = tpu.sem_alloc : memref<!tpu.dma_semaphore, #tpu.memory_space<semaphore_mem>>
      %dma_start3A = arith.constant 0 : i32
      %dma_start3A_9 = tpu.memref_slice %arg10[%mul3A_2, %dma_start3A] : memref<10112x128xf32, #tpu.memory_space<vmem_shared>> -> memref<632x128xf32, #tpu.memory_space<vmem_shared>>
      %dma_start3A_10 = arith.constant 0 : i32
      %dma_start3A_11 = tpu.memref_slice %arg5[%mul3A_2, %dma_start3A_10] : memref<10112x128xf32, #tpu.memory_space<hbm>> -> memref<632x128xf32, #tpu.memory_space<hbm>>
      tpu.enqueue_dma source(%dma_start3A_11 : memref<632x128xf32, #tpu.memory_space<hbm>>) target(%dma_start3A_9 : memref<632x128xf32, #tpu.memory_space<vmem_shared>>) target_semaphore(%run_scoped3A : memref<!tpu.dma_semaphore, #tpu.memory_space<semaphore_mem>>)
      %dma_wait3A = arith.constant 0 : i32
      %dma_wait3A_12 = tpu.memref_slice %arg10[%mul3A_2, %dma_wait3A] : memref<10112x128xf32, #tpu.memory_space<vmem_shared>> -> memref<632x128xf32, #tpu.memory_space<vmem_shared>>
      %dma_wait3A_13 = arith.constant 0 : i32
      %dma_wait3A_14 = tpu.memref_slice %arg5[%mul3A_2, %dma_wait3A_13] : memref<10112x128xf32, #tpu.memory_space<hbm>> -> memref<632x128xf32, #tpu.memory_space<hbm>>
      tpu.wait_dma2 semaphore(%run_scoped3A : memref<!tpu.dma_semaphore, #tpu.memory_space<semaphore_mem>>) src(%dma_wait3A_14 : memref<632x128xf32, #tpu.memory_space<hbm>>) dst(%dma_wait3A_12 : memref<632x128xf32, #tpu.memory_space<vmem_shared>>)
      tpu.yield
    }) : () -> ()
    "tpu.region"() ({
      %run_scoped3A = tpu.sem_alloc : memref<!tpu.dma_semaphore, #tpu.memory_space<semaphore_mem>>
      %dma_start3A = arith.constant 0 : i32
      %dma_start3A_9 = arith.constant 0 : i32
      %dma_start3A_10 = tpu.memref_slice %arg3[%add3A, %dma_start3A, %dma_start3A_9] : memref<32x40x128xi32, #tpu.memory_space<hbm>> -> memref<1x40x128xi32, #tpu.memory_space<hbm>>
      %dma_start3A_11 = tpu.memref_squeeze %dma_start3A_10 : memref<1x40x128xi32, #tpu.memory_space<hbm>> -> memref<40x128xi32, #tpu.memory_space<hbm>>
      %dma_start3A_12 = arith.constant 0 : i32
      %dma_start3A_13 = arith.constant 0 : i32
      %dma_start3A_14 = tpu.memref_slice %arg3[%add3A, %dma_start3A_12, %dma_start3A_13] : memref<32x40x128xi32, #tpu.memory_space<hbm>> -> memref<1x40x128xi32, #tpu.memory_space<hbm>>
      %dma_start3A_15 = tpu.memref_squeeze %dma_start3A_14 : memref<1x40x128xi32, #tpu.memory_space<hbm>> -> memref<40x128xi32, #tpu.memory_space<hbm>>
      tpu.enqueue_dma source(%dma_start3A_15 : memref<40x128xi32, #tpu.memory_space<hbm>>) target(%arg7 : memref<40x128xi32, #tpu.memory_space<vmem>>) target_semaphore(%run_scoped3A : memref<!tpu.dma_semaphore, #tpu.memory_space<semaphore_mem>>)
      %dma_wait3A = arith.constant 0 : i32
      %dma_wait3A_16 = arith.constant 0 : i32
      %dma_wait3A_17 = tpu.memref_slice %arg3[%add3A, %dma_wait3A, %dma_wait3A_16] : memref<32x40x128xi32, #tpu.memory_space<hbm>> -> memref<1x40x128xi32, #tpu.memory_space<hbm>>
      %dma_wait3A_18 = tpu.memref_squeeze %dma_wait3A_17 : memref<1x40x128xi32, #tpu.memory_space<hbm>> -> memref<40x128xi32, #tpu.memory_space<hbm>>
      %dma_wait3A_19 = arith.constant 0 : i32
      %dma_wait3A_20 = arith.constant 0 : i32
      %dma_wait3A_21 = tpu.memref_slice %arg3[%add3A, %dma_wait3A_19, %dma_wait3A_20] : memref<32x40x128xi32, #tpu.memory_space<hbm>> -> memref<1x40x128xi32, #tpu.memory_space<hbm>>
      %dma_wait3A_22 = tpu.memref_squeeze %dma_wait3A_21 : memref<1x40x128xi32, #tpu.memory_space<hbm>> -> memref<40x128xi32, #tpu.memory_space<hbm>>
      tpu.wait_dma2 semaphore(%run_scoped3A : memref<!tpu.dma_semaphore, #tpu.memory_space<semaphore_mem>>) src(%dma_wait3A_22 : memref<40x128xi32, #tpu.memory_space<hbm>>) dst(%arg7 : memref<40x128xi32, #tpu.memory_space<vmem>>)
      tpu.yield
    }) : () -> ()
    "tpu.region"() ({
      %run_scoped3A = tpu.sem_alloc : memref<!tpu.dma_semaphore, #tpu.memory_space<semaphore_mem>>
      %dma_start3A = arith.constant 0 : i32
      %dma_start3A_9 = arith.constant 0 : i32
      %dma_start3A_10 = tpu.memref_slice %arg4[%add3A, %dma_start3A, %dma_start3A_9] : memref<32x40x128xi32, #tpu.memory_space<hbm>> -> memref<1x40x128xi32, #tpu.memory_space<hbm>>
      %dma_start3A_11 = tpu.memref_squeeze %dma_start3A_10 : memref<1x40x128xi32, #tpu.memory_space<hbm>> -> memref<40x128xi32, #tpu.memory_space<hbm>>
      %dma_start3A_12 = arith.constant 0 : i32
      %dma_start3A_13 = arith.constant 0 : i32
      %dma_start3A_14 = tpu.memref_slice %arg4[%add3A, %dma_start3A_12, %dma_start3A_13] : memref<32x40x128xi32, #tpu.memory_space<hbm>> -> memref<1x40x128xi32, #tpu.memory_space<hbm>>
      %dma_start3A_15 = tpu.memref_squeeze %dma_start3A_14 : memref<1x40x128xi32, #tpu.memory_space<hbm>> -> memref<40x128xi32, #tpu.memory_space<hbm>>
      tpu.enqueue_dma source(%dma_start3A_15 : memref<40x128xi32, #tpu.memory_space<hbm>>) target(%arg8 : memref<40x128xi32, #tpu.memory_space<vmem>>) target_semaphore(%run_scoped3A : memref<!tpu.dma_semaphore, #tpu.memory_space<semaphore_mem>>)
      %dma_wait3A = arith.constant 0 : i32
      %dma_wait3A_16 = arith.constant 0 : i32
      %dma_wait3A_17 = tpu.memref_slice %arg4[%add3A, %dma_wait3A, %dma_wait3A_16] : memref<32x40x128xi32, #tpu.memory_space<hbm>> -> memref<1x40x128xi32, #tpu.memory_space<hbm>>
      %dma_wait3A_18 = tpu.memref_squeeze %dma_wait3A_17 : memref<1x40x128xi32, #tpu.memory_space<hbm>> -> memref<40x128xi32, #tpu.memory_space<hbm>>
      %dma_wait3A_19 = arith.constant 0 : i32
      %dma_wait3A_20 = arith.constant 0 : i32
      %dma_wait3A_21 = tpu.memref_slice %arg4[%add3A, %dma_wait3A_19, %dma_wait3A_20] : memref<32x40x128xi32, #tpu.memory_space<hbm>> -> memref<1x40x128xi32, #tpu.memory_space<hbm>>
      %dma_wait3A_22 = tpu.memref_squeeze %dma_wait3A_21 : memref<1x40x128xi32, #tpu.memory_space<hbm>> -> memref<40x128xi32, #tpu.memory_space<hbm>>
      tpu.wait_dma2 semaphore(%run_scoped3A : memref<!tpu.dma_semaphore, #tpu.memory_space<semaphore_mem>>) src(%dma_wait3A_22 : memref<40x128xi32, #tpu.memory_space<hbm>>) dst(%arg8 : memref<40x128xi32, #tpu.memory_space<vmem>>)
      tpu.yield
    }) : () -> ()
    %barrier3A = arith.constant 0 : index
    tpu.barrier barrier_id(%barrier3A)
    %scan3A = arith.constant 0 : i32
    %scan3A_3 = arith.constant 0 : i32
    %scan3A_4 = arith.constant 40 : i32
    %scan3A_5 = arith.addi %scan3A_3, %scan3A_4 : i32
    %scan3A_6 = arith.constant 1 : i32
    scf.for %scan3A_9 = %scan3A_3 to %scan3A_5 step %scan3A_6  : i32 {
      %dma_start3A = arith.constant 0 : i32
      %dma_start3A_10 = tpu.memref_slice %arg7[%scan3A_9, %dma_start3A] : memref<40x128xi32, #tpu.memory_space<vmem>> -> memref<1x128xi32, #tpu.memory_space<vmem>>
      %dma_start3A_11 = tpu.memref_squeeze %dma_start3A_10 : memref<1x128xi32, #tpu.memory_space<vmem>> -> memref<128xi32, #tpu.memory_space<vmem>>
      %dma_start3A_12 = arith.constant 0 : i32
      %dma_start3A_13 = arith.constant 0 : i32
      %dma_start3A_14 = tpu.memref_slice %arg2[%dma_start3A_12, %dma_start3A_13] : memref<10000x128xf32, #tpu.memory_space<hbm>> -> memref<10000x128xf32, #tpu.memory_space<hbm>>
      tpu.enqueue_indirect_dma source(%dma_start3A_14 : memref<10000x128xf32, #tpu.memory_space<hbm>>) target(%arg9 : memref<128x128xf32, #tpu.memory_space<vmem>>) offsets(%dma_start3A_11 : memref<128xi32, #tpu.memory_space<vmem>>) semaphore(%arg11 : memref<!tpu.dma_semaphore, #tpu.memory_space<semaphore_mem>>)
      %dma_wait3A = arith.constant 0 : i32
      %dma_wait3A_15 = tpu.memref_slice %arg7[%scan3A_9, %dma_wait3A] : memref<40x128xi32, #tpu.memory_space<vmem>> -> memref<1x128xi32, #tpu.memory_space<vmem>>
      %dma_wait3A_16 = tpu.memref_squeeze %dma_wait3A_15 : memref<1x128xi32, #tpu.memory_space<vmem>> -> memref<128xi32, #tpu.memory_space<vmem>>
      %dma_wait3A_17 = arith.constant 0 : i32
      %dma_wait3A_18 = arith.constant 0 : i32
      %dma_wait3A_19 = tpu.memref_slice %arg2[%dma_wait3A_17, %dma_wait3A_18] : memref<10000x128xf32, #tpu.memory_space<hbm>> -> memref<10000x128xf32, #tpu.memory_space<hbm>>
      tpu.wait_indirect_dma semaphore(%arg11 : memref<!tpu.dma_semaphore, #tpu.memory_space<semaphore_mem>>) src(%dma_wait3A_19 : memref<10000x128xf32, #tpu.memory_space<hbm>>) dst(%arg9 : memref<128x128xf32, #tpu.memory_space<vmem>>)
      "tpu.region"() ({
        %run_scoped3A = tpu.sem_alloc : memref<!tpu.dma_semaphore, #tpu.memory_space<semaphore_mem>>
        %dma_start3A_20 = arith.constant 0 : i32
        %dma_start3A_21 = tpu.memref_slice %arg8[%scan3A_9, %dma_start3A_20] : memref<40x128xi32, #tpu.memory_space<vmem>> -> memref<1x128xi32, #tpu.memory_space<vmem>>
        %dma_start3A_22 = tpu.memref_squeeze %dma_start3A_21 : memref<1x128xi32, #tpu.memory_space<vmem>> -> memref<128xi32, #tpu.memory_space<vmem>>
        %dma_start3A_23 = arith.constant 0 : i32
        %dma_start3A_24 = arith.constant 0 : i32
        %dma_start3A_25 = tpu.memref_slice %arg10[%dma_start3A_23, %dma_start3A_24] : memref<10112x128xf32, #tpu.memory_space<vmem_shared>> -> memref<10112x128xf32, #tpu.memory_space<vmem_shared>>
        tpu.enqueue_indirect_dma source(%arg9 : memref<128x128xf32, #tpu.memory_space<vmem>>) target(%dma_start3A_25 : memref<10112x128xf32, #tpu.memory_space<vmem_shared>>) offsets(%dma_start3A_22 : memref<128xi32, #tpu.memory_space<vmem>>) semaphore(%run_scoped3A : memref<!tpu.dma_semaphore, #tpu.memory_space<semaphore_mem>>) {add = true}
        %dma_wait3A_26 = arith.constant 0 : i32
        %dma_wait3A_27 = tpu.memref_slice %arg8[%scan3A_9, %dma_wait3A_26] : memref<40x128xi32, #tpu.memory_space<vmem>> -> memref<1x128xi32, #tpu.memory_space<vmem>>
        %dma_wait3A_28 = tpu.memref_squeeze %dma_wait3A_27 : memref<1x128xi32, #tpu.memory_space<vmem>> -> memref<128xi32, #tpu.memory_space<vmem>>
        %dma_wait3A_29 = arith.constant 0 : i32
        %dma_wait3A_30 = arith.constant 0 : i32
        %dma_wait3A_31 = tpu.memref_slice %arg10[%dma_wait3A_29, %dma_wait3A_30] : memref<10112x128xf32, #tpu.memory_space<vmem_shared>> -> memref<10112x128xf32, #tpu.memory_space<vmem_shared>>
        tpu.wait_indirect_dma semaphore(%run_scoped3A : memref<!tpu.dma_semaphore, #tpu.memory_space<semaphore_mem>>) src(%arg9 : memref<128x128xf32, #tpu.memory_space<vmem>>) dst(%dma_wait3A_31 : memref<10112x128xf32, #tpu.memory_space<vmem_shared>>)
        tpu.yield
      }) : () -> ()
    }
    %scan3A_7 = arith.constant 40 : i32
    %barrier3A_8 = arith.constant 0 : index
    tpu.barrier barrier_id(%barrier3A_8)
    "tpu.region"() ({
      %run_scoped3A = tpu.sem_alloc : memref<!tpu.dma_semaphore, #tpu.memory_space<semaphore_mem>>
      %dma_start3A = arith.constant 0 : i32
      %dma_start3A_9 = tpu.memref_slice %arg6[%arg0, %mul3A_2, %dma_start3A] : memref<2x10112x128xf32, #tpu.memory_space<hbm>> -> memref<1x632x128xf32, #tpu.memory_space<hbm>>
      %dma_start3A_10 = tpu.memref_squeeze %dma_start3A_9 : memref<1x632x128xf32, #tpu.memory_space<hbm>> -> memref<632x128xf32, #tpu.memory_space<hbm>>
      %dma_start3A_11 = arith.constant 0 : i32
      %dma_start3A_12 = tpu.memref_slice %arg10[%mul3A_2, %dma_start3A_11] : memref<10112x128xf32, #tpu.memory_space<vmem_shared>> -> memref<632x128xf32, #tpu.memory_space<vmem_shared>>
      tpu.enqueue_dma source(%dma_start3A_12 : memref<632x128xf32, #tpu.memory_space<vmem_shared>>) target(%dma_start3A_10 : memref<632x128xf32, #tpu.memory_space<hbm>>) target_semaphore(%run_scoped3A : memref<!tpu.dma_semaphore, #tpu.memory_space<semaphore_mem>>)
      %dma_wait3A = arith.constant 0 : i32
      %dma_wait3A_13 = tpu.memref_slice %arg6[%arg0, %mul3A_2, %dma_wait3A] : memref<2x10112x128xf32, #tpu.memory_space<hbm>> -> memref<1x632x128xf32, #tpu.memory_space<hbm>>
      %dma_wait3A_14 = tpu.memref_squeeze %dma_wait3A_13 : memref<1x632x128xf32, #tpu.memory_space<hbm>> -> memref<632x128xf32, #tpu.memory_space<hbm>>
      %dma_wait3A_15 = arith.constant 0 : i32
      %dma_wait3A_16 = tpu.memref_slice %arg10[%mul3A_2, %dma_wait3A_15] : memref<10112x128xf32, #tpu.memory_space<vmem_shared>> -> memref<632x128xf32, #tpu.memory_space<vmem_shared>>
      tpu.wait_dma2 semaphore(%run_scoped3A : memref<!tpu.dma_semaphore, #tpu.memory_space<semaphore_mem>>) src(%dma_wait3A_16 : memref<632x128xf32, #tpu.memory_space<vmem_shared>>) dst(%dma_wait3A_14 : memref<632x128xf32, #tpu.memory_space<hbm>>)
      tpu.yield
    }) : () -> ()
    return
  }
}

module attributes {stable_mosaic.version = 14 : i64} {
  func.func @_mm_bias_body(%arg0: i32, %arg1: memref<2048x16xf32, #tpu.memory_space<vmem>>, %arg2: memref<128x16xf32, #tpu.memory_space<vmem>>, %arg3: memref<1x128xf32, #tpu.memory_space<vmem>>, %arg4: memref<2048x128xf32, #tpu.memory_space<vmem>>) attributes {dimension_semantics = [#tpu.dimension_semantics<arbitrary>], iteration_bounds = array<i64: 80>, scalar_prefetch = 0 : i64, scratch_operands = 0 : i64, tpu.core_type = #tpu.core_type<tc>, window_params = [{transform_indices = @transform_0, window_bounds = array<i64: 2048, 16>}, {pipeline_mode = #tpu.pipeline_mode<synchronous>, transform_indices = @transform_1, window_bounds = array<i64: 128, 16>}, {pipeline_mode = #tpu.pipeline_mode<synchronous>, transform_indices = @transform_2, window_bounds = array<i64: 1, 128>}, {transform_indices = @transform_3, window_bounds = array<i64: 2048, 128>}]} {
    %get3A = arith.constant 0 : index
    %get3A_0 = arith.constant 0 : index
    %get3A_1 = vector.load %arg1[%get3A, %get3A_0] : memref<2048x16xf32, #tpu.memory_space<vmem>>, vector<2048x16xf32>
    %get3A_2 = arith.constant 0 : index
    %get3A_3 = arith.constant 0 : index
    %get3A_4 = vector.load %arg2[%get3A_2, %get3A_3] : memref<128x16xf32, #tpu.memory_space<vmem>>, vector<128x16xf32>
    %dot_general3A = arith.constant dense<0.000000e+00> : vector<2048x128xf32>
    %dot_general3A_5 = tpu.matmul %get3A_1, %get3A_4, %dot_general3A {dimension_numbers = #tpu.dot_dimension_numbers<[1], [1], [0], [0], [0, 0, 1, 0], [], []>, transpose_lhs_hint = false} : vector<2048x16xf32>, vector<128x16xf32>, vector<2048x128xf32> -> vector<2048x128xf32>
    %get3A_6 = arith.constant 0 : index
    %get3A_7 = arith.constant 0 : index
    %get3A_8 = vector.load %arg3[%get3A_6, %get3A_7] : memref<1x128xf32, #tpu.memory_space<vmem>>, vector<1x128xf32>
    %add3A = vector.broadcast %get3A_8 : vector<1x128xf32> to vector<2048x128xf32>
    %add3A_9 = arith.addf %dot_general3A_5, %add3A : vector<2048x128xf32>
    %swap3A = arith.constant 0 : index
    %swap3A_10 = arith.constant 0 : index
    %swap3A_11 = vector.load %arg4[%swap3A, %swap3A_10] : memref<2048x128xf32, #tpu.memory_space<vmem>>, vector<2048x128xf32>
    tpu.vector_store %arg4[%swap3A, %swap3A_10], %add3A_9 {strides = array<i32>} : memref<2048x128xf32, #tpu.memory_space<vmem>>, vector<2048x128xf32>,
    return
  }
  func.func @transform_0(%arg0: i32) -> (i32, i32) {
    %c0_i32 = arith.constant 0 : i32
    %c0_i32_0 = arith.constant 0 : i32
    return %arg0, %c0_i32 : i32, i32
  }
  func.func @transform_1(%arg0: i32) -> (i32, i32) {
    %c0_i32 = arith.constant 0 : i32
    %c0_i32_0 = arith.constant 0 : i32
    %c0_i32_1 = arith.constant 0 : i32
    return %c0_i32, %c0_i32_0 : i32, i32
  }
  func.func @transform_2(%arg0: i32) -> (i32, i32) {
    %c0_i32 = arith.constant 0 : i32
    %c0_i32_0 = arith.constant 0 : i32
    %c0_i32_1 = arith.constant 0 : i32
    return %c0_i32, %c0_i32_0 : i32, i32
  }
  func.func @transform_3(%arg0: i32) -> (i32, i32) {
    %c0_i32 = arith.constant 0 : i32
    %c0_i32_0 = arith.constant 0 : i32
    return %arg0, %c0_i32 : i32, i32
  }
}

module attributes {stable_mosaic.version = 14 : i64} {
  func.func @_mm_bias_body(%arg0: i32, %arg1: memref<2000x128xf32, #tpu.memory_space<vmem>>, %arg2: memref<128x128xf32, #tpu.memory_space<vmem>>, %arg3: memref<1x128xf32, #tpu.memory_space<vmem>>, %arg4: memref<2000x128xf32, #tpu.memory_space<vmem>>) attributes {dimension_semantics = [#tpu.dimension_semantics<arbitrary>], iteration_bounds = array<i64: 5>, scalar_prefetch = 0 : i64, scratch_operands = 0 : i64, tpu.core_type = #tpu.core_type<tc>, window_params = [{transform_indices = @transform_0, window_bounds = array<i64: 2000, 128>}, {pipeline_mode = #tpu.pipeline_mode<synchronous>, transform_indices = @transform_1, window_bounds = array<i64: 128, 128>}, {pipeline_mode = #tpu.pipeline_mode<synchronous>, transform_indices = @transform_2, window_bounds = array<i64: 1, 128>}, {transform_indices = @transform_3, window_bounds = array<i64: 2000, 128>}]} {
    %get3A = arith.constant 0 : index
    %get3A_0 = arith.constant 0 : index
    %get3A_1 = vector.load %arg1[%get3A, %get3A_0] : memref<2000x128xf32, #tpu.memory_space<vmem>>, vector<2000x128xf32>
    %get3A_2 = arith.constant 0 : index
    %get3A_3 = arith.constant 0 : index
    %get3A_4 = vector.load %arg2[%get3A_2, %get3A_3] : memref<128x128xf32, #tpu.memory_space<vmem>>, vector<128x128xf32>
    %dot_general3A = arith.constant dense<0.000000e+00> : vector<2000x128xf32>
    %dot_general3A_5 = tpu.matmul %get3A_1, %get3A_4, %dot_general3A {dimension_numbers = #tpu.dot_dimension_numbers<[1], [1], [0], [0], [0, 0, 1, 0], [], []>, transpose_lhs_hint = false} : vector<2000x128xf32>, vector<128x128xf32>, vector<2000x128xf32> -> vector<2000x128xf32>
    %get3A_6 = arith.constant 0 : index
    %get3A_7 = arith.constant 0 : index
    %get3A_8 = vector.load %arg3[%get3A_6, %get3A_7] : memref<1x128xf32, #tpu.memory_space<vmem>>, vector<1x128xf32>
    %add3A = vector.broadcast %get3A_8 : vector<1x128xf32> to vector<2000x128xf32>
    %add3A_9 = arith.addf %dot_general3A_5, %add3A : vector<2000x128xf32>
    %swap3A = arith.constant 0 : index
    %swap3A_10 = arith.constant 0 : index
    %swap3A_11 = vector.load %arg4[%swap3A, %swap3A_10] : memref<2000x128xf32, #tpu.memory_space<vmem>>, vector<2000x128xf32>
    tpu.vector_store %arg4[%swap3A, %swap3A_10], %add3A_9 {strides = array<i32>} : memref<2000x128xf32, #tpu.memory_space<vmem>>, vector<2000x128xf32>,
    return
  }
  func.func @transform_0(%arg0: i32) -> (i32, i32) {
    %c0_i32 = arith.constant 0 : i32
    %c0_i32_0 = arith.constant 0 : i32
    return %arg0, %c0_i32 : i32, i32
  }
  func.func @transform_1(%arg0: i32) -> (i32, i32) {
    %c0_i32 = arith.constant 0 : i32
    %c0_i32_0 = arith.constant 0 : i32
    %c0_i32_1 = arith.constant 0 : i32
    return %c0_i32, %c0_i32_0 : i32, i32
  }
  func.func @transform_2(%arg0: i32) -> (i32, i32) {
    %c0_i32 = arith.constant 0 : i32
    %c0_i32_0 = arith.constant 0 : i32
    %c0_i32_1 = arith.constant 0 : i32
    return %c0_i32, %c0_i32_0 : i32, i32
  }
  func.func @transform_3(%arg0: i32) -> (i32, i32) {
    %c0_i32 = arith.constant 0 : i32
    %c0_i32_0 = arith.constant 0 : i32
    return %arg0, %c0_i32 : i32, i32
  }
}

module attributes {stable_mosaic.version = 14 : i64} {
  func.func @_mm2_body(%arg0: i32, %arg1: memref<2000x128xf32, #tpu.memory_space<vmem>>, %arg2: memref<2000x128xf32, #tpu.memory_space<vmem>>, %arg3: memref<128x128xf32, #tpu.memory_space<vmem>>, %arg4: memref<2000x128xf32, #tpu.memory_space<vmem>>) attributes {dimension_semantics = [#tpu.dimension_semantics<arbitrary>], iteration_bounds = array<i64: 5>, scalar_prefetch = 0 : i64, scratch_operands = 0 : i64, tpu.core_type = #tpu.core_type<tc>, window_params = [{transform_indices = @transform_0, window_bounds = array<i64: 2000, 128>}, {transform_indices = @transform_1, window_bounds = array<i64: 2000, 128>}, {pipeline_mode = #tpu.pipeline_mode<synchronous>, transform_indices = @transform_2, window_bounds = array<i64: 128, 128>}, {transform_indices = @transform_3, window_bounds = array<i64: 2000, 128>}]} {
    %get3A = arith.constant 0 : index
    %get3A_0 = arith.constant 0 : index
    %get3A_1 = vector.load %arg1[%get3A, %get3A_0] : memref<2000x128xf32, #tpu.memory_space<vmem>>, vector<2000x128xf32>
    %get3A_2 = arith.constant 0 : index
    %get3A_3 = arith.constant 0 : index
    %get3A_4 = vector.load %arg2[%get3A_2, %get3A_3] : memref<2000x128xf32, #tpu.memory_space<vmem>>, vector<2000x128xf32>
    %add3A = arith.addf %get3A_1, %get3A_4 : vector<2000x128xf32>
    %get3A_5 = arith.constant 0 : index
    %get3A_6 = arith.constant 0 : index
    %get3A_7 = vector.load %arg3[%get3A_5, %get3A_6] : memref<128x128xf32, #tpu.memory_space<vmem>>, vector<128x128xf32>
    %dot_general3A = arith.constant dense<0.000000e+00> : vector<2000x128xf32>
    %dot_general3A_8 = tpu.matmul %add3A, %get3A_7, %dot_general3A {dimension_numbers = #tpu.dot_dimension_numbers<[1], [1], [0], [0], [0, 0, 1, 0], [], []>, transpose_lhs_hint = false} : vector<2000x128xf32>, vector<128x128xf32>, vector<2000x128xf32> -> vector<2000x128xf32>
    %swap3A = arith.constant 0 : index
    %swap3A_9 = arith.constant 0 : index
    %swap3A_10 = vector.load %arg4[%swap3A, %swap3A_9] : memref<2000x128xf32, #tpu.memory_space<vmem>>, vector<2000x128xf32>
    tpu.vector_store %arg4[%swap3A, %swap3A_9], %dot_general3A_8 {strides = array<i32>} : memref<2000x128xf32, #tpu.memory_space<vmem>>, vector<2000x128xf32>,
    return
  }
  func.func @transform_0(%arg0: i32) -> (i32, i32) {
    %c0_i32 = arith.constant 0 : i32
    %c0_i32_0 = arith.constant 0 : i32
    return %arg0, %c0_i32 : i32, i32
  }
  func.func @transform_1(%arg0: i32) -> (i32, i32) {
    %c0_i32 = arith.constant 0 : i32
    %c0_i32_0 = arith.constant 0 : i32
    return %arg0, %c0_i32 : i32, i32
  }
  func.func @transform_2(%arg0: i32) -> (i32, i32) {
    %c0_i32 = arith.constant 0 : i32
    %c0_i32_0 = arith.constant 0 : i32
    %c0_i32_1 = arith.constant 0 : i32
    return %c0_i32, %c0_i32_0 : i32, i32
  }
  func.func @transform_3(%arg0: i32) -> (i32, i32) {
    %c0_i32 = arith.constant 0 : i32
    %c0_i32_0 = arith.constant 0 : i32
    return %arg0, %c0_i32 : i32, i32
  }
}

module attributes {stable_mosaic.version = 14 : i64} {
  func.func @_combine_mm_body(%arg0: i32, %arg1: memref<2000x128xf32, #tpu.memory_space<vmem>>, %arg2: memref<2000x128xf32, #tpu.memory_space<vmem>>, %arg3: memref<2000x128xf32, #tpu.memory_space<vmem>>, %arg4: memref<2000x128xf32, #tpu.memory_space<vmem>>, %arg5: memref<2000x128xf32, #tpu.memory_space<vmem>>, %arg6: memref<128x128xf32, #tpu.memory_space<vmem>>, %arg7: memref<2000x128xf32, #tpu.memory_space<vmem>>, %arg8: memref<2000x128xf32, #tpu.memory_space<vmem>>) attributes {dimension_semantics = [#tpu.dimension_semantics<arbitrary>], iteration_bounds = array<i64: 5>, scalar_prefetch = 0 : i64, scratch_operands = 0 : i64, tpu.core_type = #tpu.core_type<tc>, window_params = [{transform_indices = @transform_0, window_bounds = array<i64: 2000, 128>}, {transform_indices = @transform_1, window_bounds = array<i64: 2000, 128>}, {transform_indices = @transform_2, window_bounds = array<i64: 2000, 128>}, {transform_indices = @transform_3, window_bounds = array<i64: 2000, 128>}, {transform_indices = @transform_4, window_bounds = array<i64: 2000, 128>}, {pipeline_mode = #tpu.pipeline_mode<synchronous>, transform_indices = @transform_5, window_bounds = array<i64: 128, 128>}, {transform_indices = @transform_6, window_bounds = array<i64: 2000, 128>}, {transform_indices = @transform_7, window_bounds = array<i64: 2000, 128>}]} {
    %get3A = arith.constant 0 : index
    %get3A_0 = arith.constant 0 : index
    %get3A_1 = vector.load %arg1[%get3A, %get3A_0] : memref<2000x128xf32, #tpu.memory_space<vmem>>, vector<2000x128xf32>
    %get3A_2 = arith.constant 0 : index
    %get3A_3 = arith.constant 0 : index
    %get3A_4 = vector.load %arg2[%get3A_2, %get3A_3] : memref<2000x128xf32, #tpu.memory_space<vmem>>, vector<2000x128xf32>
    %add3A = arith.addf %get3A_1, %get3A_4 : vector<2000x128xf32>
    %get3A_5 = arith.constant 0 : index
    %get3A_6 = arith.constant 0 : index
    %get3A_7 = vector.load %arg3[%get3A_5, %get3A_6] : memref<2000x128xf32, #tpu.memory_space<vmem>>, vector<2000x128xf32>
    %add3A_8 = arith.addf %add3A, %get3A_7 : vector<2000x128xf32>
    %get3A_9 = arith.constant 0 : index
    %get3A_10 = arith.constant 0 : index
    %get3A_11 = vector.load %arg4[%get3A_9, %get3A_10] : memref<2000x128xf32, #tpu.memory_space<vmem>>, vector<2000x128xf32>
    %add3A_12 = arith.addf %add3A_8, %get3A_11 : vector<2000x128xf32>
    %get3A_13 = arith.constant 0 : index
    %get3A_14 = arith.constant 0 : index
    %get3A_15 = vector.load %arg5[%get3A_13, %get3A_14] : memref<2000x128xf32, #tpu.memory_space<vmem>>, vector<2000x128xf32>
    %sub3A = arith.subf %add3A_12, %get3A_15 : vector<2000x128xf32>
    %swap3A = arith.constant 0 : index
    %swap3A_16 = arith.constant 0 : index
    %swap3A_17 = vector.load %arg7[%swap3A, %swap3A_16] : memref<2000x128xf32, #tpu.memory_space<vmem>>, vector<2000x128xf32>
    tpu.vector_store %arg7[%swap3A, %swap3A_16], %sub3A {strides = array<i32>} : memref<2000x128xf32, #tpu.memory_space<vmem>>, vector<2000x128xf32>,
    %get3A_18 = arith.constant 0 : index
    %get3A_19 = arith.constant 0 : index
    %get3A_20 = vector.load %arg6[%get3A_18, %get3A_19] : memref<128x128xf32, #tpu.memory_space<vmem>>, vector<128x128xf32>
    %dot_general3A = arith.constant dense<0.000000e+00> : vector<2000x128xf32>
    %dot_general3A_21 = tpu.matmul %sub3A, %get3A_20, %dot_general3A {dimension_numbers = #tpu.dot_dimension_numbers<[1], [1], [0], [0], [0, 0, 1, 0], [], []>, transpose_lhs_hint = false} : vector<2000x128xf32>, vector<128x128xf32>, vector<2000x128xf32> -> vector<2000x128xf32>
    %swap3A_22 = arith.constant 0 : index
    %swap3A_23 = arith.constant 0 : index
    %swap3A_24 = vector.load %arg8[%swap3A_22, %swap3A_23] : memref<2000x128xf32, #tpu.memory_space<vmem>>, vector<2000x128xf32>
    tpu.vector_store %arg8[%swap3A_22, %swap3A_23], %dot_general3A_21 {strides = array<i32>} : memref<2000x128xf32, #tpu.memory_space<vmem>>, vector<2000x128xf32>,
    return
  }
  func.func @transform_0(%arg0: i32) -> (i32, i32) {
    %c0_i32 = arith.constant 0 : i32
    %c0_i32_0 = arith.constant 0 : i32
    return %arg0, %c0_i32 : i32, i32
  }
  func.func @transform_1(%arg0: i32) -> (i32, i32) {
    %c0_i32 = arith.constant 0 : i32
    %c0_i32_0 = arith.constant 0 : i32
    return %arg0, %c0_i32 : i32, i32
  }
  func.func @transform_2(%arg0: i32) -> (i32, i32) {
    %c0_i32 = arith.constant 0 : i32
    %c0_i32_0 = arith.constant 0 : i32
    return %arg0, %c0_i32 : i32, i32
  }
  func.func @transform_3(%arg0: i32) -> (i32, i32) {
    %c0_i32 = arith.constant 0 : i32
    %c0_i32_0 = arith.constant 0 : i32
    return %arg0, %c0_i32 : i32, i32
  }
  func.func @transform_4(%arg0: i32) -> (i32, i32) {
    %c0_i32 = arith.constant 0 : i32
    %c0_i32_0 = arith.constant 0 : i32
    return %arg0, %c0_i32 : i32, i32
  }
  func.func @transform_5(%arg0: i32) -> (i32, i32) {
    %c0_i32 = arith.constant 0 : i32
    %c0_i32_0 = arith.constant 0 : i32
    %c0_i32_1 = arith.constant 0 : i32
    return %c0_i32, %c0_i32_0 : i32, i32
  }
  func.func @transform_6(%arg0: i32) -> (i32, i32) {
    %c0_i32 = arith.constant 0 : i32
    %c0_i32_0 = arith.constant 0 : i32
    return %arg0, %c0_i32 : i32, i32
  }
  func.func @transform_7(%arg0: i32) -> (i32, i32) {
    %c0_i32 = arith.constant 0 : i32
    %c0_i32_0 = arith.constant 0 : i32
    return %arg0, %c0_i32 : i32, i32
  }
}

module attributes {stable_mosaic.version = 14 : i64} {
  func.func @_combine_mm_body(%arg0: i32, %arg1: memref<2000x128xf32, #tpu.memory_space<vmem>>, %arg2: memref<2000x128xf32, #tpu.memory_space<vmem>>, %arg3: memref<2000x128xf32, #tpu.memory_space<vmem>>, %arg4: memref<2000x128xf32, #tpu.memory_space<vmem>>, %arg5: memref<2000x128xf32, #tpu.memory_space<vmem>>, %arg6: memref<128x128xf32, #tpu.memory_space<vmem>>, %arg7: memref<2000x128xf32, #tpu.memory_space<vmem>>, %arg8: memref<2000x128xf32, #tpu.memory_space<vmem>>) attributes {dimension_semantics = [#tpu.dimension_semantics<arbitrary>], iteration_bounds = array<i64: 5>, scalar_prefetch = 0 : i64, scratch_operands = 0 : i64, tpu.core_type = #tpu.core_type<tc>, window_params = [{transform_indices = @transform_0, window_bounds = array<i64: 2000, 128>}, {transform_indices = @transform_1, window_bounds = array<i64: 2000, 128>}, {transform_indices = @transform_2, window_bounds = array<i64: 2000, 128>}, {transform_indices = @transform_3, window_bounds = array<i64: 2000, 128>}, {transform_indices = @transform_4, window_bounds = array<i64: 2000, 128>}, {pipeline_mode = #tpu.pipeline_mode<synchronous>, transform_indices = @transform_5, window_bounds = array<i64: 128, 128>}, {transform_indices = @transform_6, window_bounds = array<i64: 2000, 128>}, {transform_indices = @transform_7, window_bounds = array<i64: 2000, 128>}]} {
    %get3A = arith.constant 0 : index
    %get3A_0 = arith.constant 0 : index
    %get3A_1 = vector.load %arg1[%get3A, %get3A_0] : memref<2000x128xf32, #tpu.memory_space<vmem>>, vector<2000x128xf32>
    %get3A_2 = arith.constant 0 : index
    %get3A_3 = arith.constant 0 : index
    %get3A_4 = vector.load %arg2[%get3A_2, %get3A_3] : memref<2000x128xf32, #tpu.memory_space<vmem>>, vector<2000x128xf32>
    %add3A = arith.addf %get3A_1, %get3A_4 : vector<2000x128xf32>
    %get3A_5 = arith.constant 0 : index
    %get3A_6 = arith.constant 0 : index
    %get3A_7 = vector.load %arg3[%get3A_5, %get3A_6] : memref<2000x128xf32, #tpu.memory_space<vmem>>, vector<2000x128xf32>
    %add3A_8 = arith.addf %add3A, %get3A_7 : vector<2000x128xf32>
    %get3A_9 = arith.constant 0 : index
    %get3A_10 = arith.constant 0 : index
    %get3A_11 = vector.load %arg4[%get3A_9, %get3A_10] : memref<2000x128xf32, #tpu.memory_space<vmem>>, vector<2000x128xf32>
    %add3A_12 = arith.addf %add3A_8, %get3A_11 : vector<2000x128xf32>
    %get3A_13 = arith.constant 0 : index
    %get3A_14 = arith.constant 0 : index
    %get3A_15 = vector.load %arg5[%get3A_13, %get3A_14] : memref<2000x128xf32, #tpu.memory_space<vmem>>, vector<2000x128xf32>
    %sub3A = arith.subf %add3A_12, %get3A_15 : vector<2000x128xf32>
    %swap3A = arith.constant 0 : index
    %swap3A_16 = arith.constant 0 : index
    %swap3A_17 = vector.load %arg7[%swap3A, %swap3A_16] : memref<2000x128xf32, #tpu.memory_space<vmem>>, vector<2000x128xf32>
    tpu.vector_store %arg7[%swap3A, %swap3A_16], %sub3A {strides = array<i32>} : memref<2000x128xf32, #tpu.memory_space<vmem>>, vector<2000x128xf32>,
    %get3A_18 = arith.constant 0 : index
    %get3A_19 = arith.constant 0 : index
    %get3A_20 = vector.load %arg6[%get3A_18, %get3A_19] : memref<128x128xf32, #tpu.memory_space<vmem>>, vector<128x128xf32>
    %dot_general3A = arith.constant dense<0.000000e+00> : vector<2000x128xf32>
    %dot_general3A_21 = tpu.matmul %sub3A, %get3A_20, %dot_general3A {dimension_numbers = #tpu.dot_dimension_numbers<[1], [1], [0], [0], [0, 0, 1, 0], [], []>, transpose_lhs_hint = false} : vector<2000x128xf32>, vector<128x128xf32>, vector<2000x128xf32> -> vector<2000x128xf32>
    %swap3A_22 = arith.constant 0 : index
    %swap3A_23 = arith.constant 0 : index
    %swap3A_24 = vector.load %arg8[%swap3A_22, %swap3A_23] : memref<2000x128xf32, #tpu.memory_space<vmem>>, vector<2000x128xf32>
    tpu.vector_store %arg8[%swap3A_22, %swap3A_23], %dot_general3A_21 {strides = array<i32>} : memref<2000x128xf32, #tpu.memory_space<vmem>>, vector<2000x128xf32>,
    return
  }
  func.func @transform_0(%arg0: i32) -> (i32, i32) {
    %c0_i32 = arith.constant 0 : i32
    %c0_i32_0 = arith.constant 0 : i32
    return %arg0, %c0_i32 : i32, i32
  }
  func.func @transform_1(%arg0: i32) -> (i32, i32) {
    %c0_i32 = arith.constant 0 : i32
    %c0_i32_0 = arith.constant 0 : i32
    return %arg0, %c0_i32 : i32, i32
  }
  func.func @transform_2(%arg0: i32) -> (i32, i32) {
    %c0_i32 = arith.constant 0 : i32
    %c0_i32_0 = arith.constant 0 : i32
    return %arg0, %c0_i32 : i32, i32
  }
  func.func @transform_3(%arg0: i32) -> (i32, i32) {
    %c0_i32 = arith.constant 0 : i32
    %c0_i32_0 = arith.constant 0 : i32
    return %arg0, %c0_i32 : i32, i32
  }
  func.func @transform_4(%arg0: i32) -> (i32, i32) {
    %c0_i32 = arith.constant 0 : i32
    %c0_i32_0 = arith.constant 0 : i32
    return %arg0, %c0_i32 : i32, i32
  }
  func.func @transform_5(%arg0: i32) -> (i32, i32) {
    %c0_i32 = arith.constant 0 : i32
    %c0_i32_0 = arith.constant 0 : i32
    %c0_i32_1 = arith.constant 0 : i32
    return %c0_i32, %c0_i32_0 : i32, i32
  }
  func.func @transform_6(%arg0: i32) -> (i32, i32) {
    %c0_i32 = arith.constant 0 : i32
    %c0_i32_0 = arith.constant 0 : i32
    return %arg0, %c0_i32 : i32, i32
  }
  func.func @transform_7(%arg0: i32) -> (i32, i32) {
    %c0_i32 = arith.constant 0 : i32
    %c0_i32_0 = arith.constant 0 : i32
    return %arg0, %c0_i32 : i32, i32
  }
}

module attributes {stable_mosaic.version = 14 : i64} {
  func.func @_head_body(%arg0: i32, %arg1: memref<2000x128xf32, #tpu.memory_space<vmem>>, %arg2: memref<2000x128xf32, #tpu.memory_space<vmem>>, %arg3: memref<128x128xf32, #tpu.memory_space<vmem>>, %arg4: memref<1x128xf32, #tpu.memory_space<vmem>>, %arg5: memref<2000x128xf32, #tpu.memory_space<vmem>>) attributes {dimension_semantics = [#tpu.dimension_semantics<arbitrary>], iteration_bounds = array<i64: 5>, scalar_prefetch = 0 : i64, scratch_operands = 0 : i64, tpu.core_type = #tpu.core_type<tc>, window_params = [{transform_indices = @transform_0, window_bounds = array<i64: 2000, 128>}, {transform_indices = @transform_1, window_bounds = array<i64: 2000, 128>}, {pipeline_mode = #tpu.pipeline_mode<synchronous>, transform_indices = @transform_2, window_bounds = array<i64: 128, 128>}, {pipeline_mode = #tpu.pipeline_mode<synchronous>, transform_indices = @transform_3, window_bounds = array<i64: 1, 128>}, {transform_indices = @transform_4, window_bounds = array<i64: 2000, 128>}]} {
    %get3A = arith.constant 0 : index
    %get3A_0 = arith.constant 0 : index
    %get3A_1 = vector.load %arg1[%get3A, %get3A_0] : memref<2000x128xf32, #tpu.memory_space<vmem>>, vector<2000x128xf32>
    %get3A_2 = arith.constant 0 : index
    %get3A_3 = arith.constant 0 : index
    %get3A_4 = vector.load %arg2[%get3A_2, %get3A_3] : memref<2000x128xf32, #tpu.memory_space<vmem>>, vector<2000x128xf32>
    %add3A = arith.addf %get3A_1, %get3A_4 : vector<2000x128xf32>
    %get3A_5 = arith.constant 0 : index
    %get3A_6 = arith.constant 0 : index
    %get3A_7 = vector.load %arg3[%get3A_5, %get3A_6] : memref<128x128xf32, #tpu.memory_space<vmem>>, vector<128x128xf32>
    %dot_general3A = arith.constant dense<0.000000e+00> : vector<2000x128xf32>
    %dot_general3A_8 = tpu.matmul %add3A, %get3A_7, %dot_general3A {dimension_numbers = #tpu.dot_dimension_numbers<[1], [1], [0], [0], [0, 0, 1, 0], [], []>, transpose_lhs_hint = false} : vector<2000x128xf32>, vector<128x128xf32>, vector<2000x128xf32> -> vector<2000x128xf32>
    %get3A_9 = arith.constant 0 : index
    %get3A_10 = arith.constant 0 : index
    %get3A_11 = vector.load %arg4[%get3A_9, %get3A_10] : memref<1x128xf32, #tpu.memory_space<vmem>>, vector<1x128xf32>
    %add3A_12 = vector.broadcast %get3A_11 : vector<1x128xf32> to vector<2000x128xf32>
    %add3A_13 = arith.addf %dot_general3A_8, %add3A_12 : vector<2000x128xf32>
    %max3A = arith.constant 0.000000e+00 : f32
    %max3A_14 = vector.broadcast %max3A : f32 to vector<2000x128xf32>
    %max3A_15 = arith.maximumf %add3A_13, %max3A_14 : vector<2000x128xf32>
    %swap3A = arith.constant 0 : index
    %swap3A_16 = arith.constant 0 : index
    %swap3A_17 = vector.load %arg5[%swap3A, %swap3A_16] : memref<2000x128xf32, #tpu.memory_space<vmem>>, vector<2000x128xf32>
    tpu.vector_store %arg5[%swap3A, %swap3A_16], %max3A_15 {strides = array<i32>} : memref<2000x128xf32, #tpu.memory_space<vmem>>, vector<2000x128xf32>,
    return
  }
  func.func @transform_0(%arg0: i32) -> (i32, i32) {
    %c0_i32 = arith.constant 0 : i32
    %c0_i32_0 = arith.constant 0 : i32
    return %arg0, %c0_i32 : i32, i32
  }
  func.func @transform_1(%arg0: i32) -> (i32, i32) {
    %c0_i32 = arith.constant 0 : i32
    %c0_i32_0 = arith.constant 0 : i32
    return %arg0, %c0_i32 : i32, i32
  }
  func.func @transform_2(%arg0: i32) -> (i32, i32) {
    %c0_i32 = arith.constant 0 : i32
    %c0_i32_0 = arith.constant 0 : i32
    %c0_i32_1 = arith.constant 0 : i32
    return %c0_i32, %c0_i32_0 : i32, i32
  }
  func.func @transform_3(%arg0: i32) -> (i32, i32) {
    %c0_i32 = arith.constant 0 : i32
    %c0_i32_0 = arith.constant 0 : i32
    %c0_i32_1 = arith.constant 0 : i32
    return %c0_i32, %c0_i32_0 : i32, i32
  }
  func.func @transform_4(%arg0: i32) -> (i32, i32) {
    %c0_i32 = arith.constant 0 : i32
    %c0_i32_0 = arith.constant 0 : i32
    return %arg0, %c0_i32 : i32, i32
  }
}

module attributes {stable_mosaic.version = 14 : i64} {
  func.func @_attn_stats_body(%arg0: i32, %arg1: memref<256x128xf32, #tpu.memory_space<vmem>>, %arg2: memref<10240x128xf32, #tpu.memory_space<vmem>>, %arg3: memref<16x256xf32, #tpu.memory_space<vmem>>) attributes {dimension_semantics = [#tpu.dimension_semantics<arbitrary>], iteration_bounds = array<i64: 40>, scalar_prefetch = 0 : i64, scratch_operands = 0 : i64, tpu.core_type = #tpu.core_type<tc>, window_params = [{transform_indices = @transform_0, window_bounds = array<i64: 256, 128>}, {pipeline_mode = #tpu.pipeline_mode<synchronous>, transform_indices = @transform_1, window_bounds = array<i64: 10240, 128>}, {transform_indices = @transform_2, window_bounds = array<i64: 16, 256>}]} {
    %get3A = arith.constant 0 : index
    %get3A_0 = arith.constant 0 : index
    %get3A_1 = vector.load %arg1[%get3A, %get3A_0] : memref<256x128xf32, #tpu.memory_space<vmem>>, vector<256x128xf32>
    %get3A_2 = arith.constant 0 : index
    %get3A_3 = arith.constant 0 : index
    %get3A_4 = vector.load %arg2[%get3A_2, %get3A_3] : memref<10240x128xf32, #tpu.memory_space<vmem>>, vector<10240x128xf32>
    %dot_general3A = arith.constant dense<0.000000e+00> : vector<256x10240xf32>
    %dot_general3A_5 = tpu.matmul %get3A_1, %get3A_4, %dot_general3A {dimension_numbers = #tpu.dot_dimension_numbers<[1], [1], [0], [0], [0, 0, 1, 0], [], []>, transpose_lhs_hint = false} : vector<256x128xf32>, vector<10240x128xf32>, vector<256x10240xf32> -> vector<256x10240xf32>
    %iota3A = tpu.iota {dimensions = array<i32: 1>} : vector<256x10240xi32>
    %lt3A = arith.constant 10000 : i32
    %lt3A_6 = vector.broadcast %lt3A : i32 to vector<256x10240xi32>
    %lt3A_7 = arith.cmpi slt, %iota3A, %lt3A_6 : vector<256x10240xi32>
    %jit3A = arith.constant 0xFF800000 : f32
    %broadcast_in_dim3A = vector.broadcast %jit3A : f32 to vector<256x10240xf32>
    %select_n3A = arith.select %lt3A_7, %dot_general3A_5, %broadcast_in_dim3A : vector<256x10240xi1>, vector<256x10240xf32>
    %reduce_max3A = arith.constant dense<0xFF800000> : vector<256xf32>
    %reduce_max3A_8 = vector.multi_reduction <maximumf>, %select_n3A, %reduce_max3A [1] : vector<256x10240xf32> to vector<256xf32>
    %broadcast_in_dim3A_9 = vector.shape_cast %reduce_max3A_8 : vector<256xf32> to vector<256x1xf32>
    %sub3A = vector.broadcast %broadcast_in_dim3A_9 : vector<256x1xf32> to vector<256x10240xf32>
    %sub3A_10 = arith.subf %select_n3A, %sub3A : vector<256x10240xf32>
    %exp3A = math.exp %sub3A_10 : vector<256x10240xf32>
    %reduce_sum3A = arith.constant dense<0.000000e+00> : vector<256xf32>
    %reduce_sum3A_11 = vector.multi_reduction <add>, %exp3A, %reduce_sum3A [1] : vector<256x10240xf32> to vector<256xf32>
    %broadcast_in_dim3A_12 = vector.shape_cast %reduce_max3A_8 : vector<256xf32> to vector<1x256xf32>
    %broadcast_in_dim3A_13 = vector.shape_cast %broadcast_in_dim3A_12 : vector<1x256xf32> to vector<1x256xf32>
    %broadcast_in_dim3A_14 = vector.broadcast %broadcast_in_dim3A_13 : vector<1x256xf32> to vector<8x256xf32>
    %swap3A = arith.constant 0 : index
    %swap3A_15 = arith.constant 0 : index
    %swap3A_16 = vector.load %arg3[%swap3A, %swap3A_15] : memref<16x256xf32, #tpu.memory_space<vmem>>, vector<8x256xf32>
    tpu.vector_store %arg3[%swap3A, %swap3A_15], %broadcast_in_dim3A_14 {strides = array<i32>} : memref<16x256xf32, #tpu.memory_space<vmem>>, vector<8x256xf32>,
    %broadcast_in_dim3A_17 = vector.shape_cast %reduce_sum3A_11 : vector<256xf32> to vector<1x256xf32>
    %broadcast_in_dim3A_18 = vector.shape_cast %broadcast_in_dim3A_17 : vector<1x256xf32> to vector<1x256xf32>
    %broadcast_in_dim3A_19 = vector.broadcast %broadcast_in_dim3A_18 : vector<1x256xf32> to vector<8x256xf32>
    %swap3A_20 = arith.constant 8 : index
    %swap3A_21 = arith.constant 0 : index
    %swap3A_22 = vector.load %arg3[%swap3A_20, %swap3A_21] : memref<16x256xf32, #tpu.memory_space<vmem>>, vector<8x256xf32>
    tpu.vector_store %arg3[%swap3A_20, %swap3A_21], %broadcast_in_dim3A_19 {strides = array<i32>} : memref<16x256xf32, #tpu.memory_space<vmem>>, vector<8x256xf32>,
    return
  }
  func.func @transform_0(%arg0: i32) -> (i32, i32) {
    %c0_i32 = arith.constant 0 : i32
    %c0_i32_0 = arith.constant 0 : i32
    return %arg0, %c0_i32 : i32, i32
  }
  func.func @transform_1(%arg0: i32) -> (i32, i32) {
    %c0_i32 = arith.constant 0 : i32
    %c0_i32_0 = arith.constant 0 : i32
    %c0_i32_1 = arith.constant 0 : i32
    return %c0_i32, %c0_i32_0 : i32, i32
  }
  func.func @transform_2(%arg0: i32) -> (i32, i32) {
    %c0_i32 = arith.constant 0 : i32
    %c0_i32_0 = arith.constant 0 : i32
    return %c0_i32, %arg0 : i32, i32
  }
}

module attributes {stable_mosaic.version = 14 : i64} {
  func.func @_attn_out_body(%arg0: i32, %arg1: memref<256x128xf32, #tpu.memory_space<vmem>>, %arg2: memref<10240x128xf32, #tpu.memory_space<vmem>>, %arg3: memref<16x10240xf32, #tpu.memory_space<vmem>>, %arg4: memref<256x128xf32, #tpu.memory_space<vmem>>) attributes {dimension_semantics = [#tpu.dimension_semantics<arbitrary>], iteration_bounds = array<i64: 40>, scalar_prefetch = 0 : i64, scratch_operands = 0 : i64, tpu.core_type = #tpu.core_type<tc>, window_params = [{transform_indices = @transform_0, window_bounds = array<i64: 256, 128>}, {pipeline_mode = #tpu.pipeline_mode<synchronous>, transform_indices = @transform_1, window_bounds = array<i64: 10240, 128>}, {pipeline_mode = #tpu.pipeline_mode<synchronous>, transform_indices = @transform_2, window_bounds = array<i64: 16, 10240>}, {transform_indices = @transform_3, window_bounds = array<i64: 256, 128>}]} {
    %get3A = arith.constant 0 : index
    %get3A_0 = arith.constant 0 : index
    %get3A_1 = vector.load %arg1[%get3A, %get3A_0] : memref<256x128xf32, #tpu.memory_space<vmem>>, vector<256x128xf32>
    %get3A_2 = arith.constant 0 : index
    %get3A_3 = arith.constant 0 : index
    %get3A_4 = vector.load %arg2[%get3A_2, %get3A_3] : memref<10240x128xf32, #tpu.memory_space<vmem>>, vector<10240x128xf32>
    %dot_general3A = arith.constant dense<0.000000e+00> : vector<256x10240xf32>
    %dot_general3A_5 = tpu.matmul %get3A_1, %get3A_4, %dot_general3A {dimension_numbers = #tpu.dot_dimension_numbers<[1], [1], [0], [0], [0, 0, 1, 0], [], []>, transpose_lhs_hint = false} : vector<256x128xf32>, vector<10240x128xf32>, vector<256x10240xf32> -> vector<256x10240xf32>
    %get3A_6 = arith.constant 0 : index
    %get3A_7 = arith.constant 0 : index
    %get3A_8 = vector.load %arg3[%get3A_6, %get3A_7] : memref<16x10240xf32, #tpu.memory_space<vmem>>, vector<1x10240xf32>
    %get3A_9 = arith.constant 8 : index
    %get3A_10 = arith.constant 0 : index
    %get3A_11 = vector.load %arg3[%get3A_9, %get3A_10] : memref<16x10240xf32, #tpu.memory_space<vmem>>, vector<1x10240xf32>
    %sub3A = vector.broadcast %get3A_8 : vector<1x10240xf32> to vector<256x10240xf32>
    %sub3A_12 = arith.subf %dot_general3A_5, %sub3A : vector<256x10240xf32>
    %exp3A = math.exp %sub3A_12 : vector<256x10240xf32>
    %mul3A = vector.broadcast %get3A_11 : vector<1x10240xf32> to vector<256x10240xf32>
    %mul3A_13 = arith.mulf %exp3A, %mul3A : vector<256x10240xf32>
    %dot_general3A_14 = arith.constant dense<0.000000e+00> : vector<256x128xf32>
    %dot_general3A_15 = tpu.matmul %mul3A_13, %get3A_4, %dot_general3A_14 {dimension_numbers = #tpu.dot_dimension_numbers<[1], [0], [0], [1], [0, 0, 1, 1], [], []>, transpose_lhs_hint = false} : vector<256x10240xf32>, vector<10240x128xf32>, vector<256x128xf32> -> vector<256x128xf32>
    %add3A = arith.addf %dot_general3A_15, %get3A_1 : vector<256x128xf32>
    %swap3A = arith.constant 0 : index
    %swap3A_16 = arith.constant 0 : index
    %swap3A_17 = vector.load %arg4[%swap3A, %swap3A_16] : memref<256x128xf32, #tpu.memory_space<vmem>>, vector<256x128xf32>
    tpu.vector_store %arg4[%swap3A, %swap3A_16], %add3A {strides = array<i32>} : memref<256x128xf32, #tpu.memory_space<vmem>>, vector<256x128xf32>,
    return
  }
  func.func @transform_0(%arg0: i32) -> (i32, i32) {
    %c0_i32 = arith.constant 0 : i32
    %c0_i32_0 = arith.constant 0 : i32
    return %arg0, %c0_i32 : i32, i32
  }
  func.func @transform_1(%arg0: i32) -> (i32, i32) {
    %c0_i32 = arith.constant 0 : i32
    %c0_i32_0 = arith.constant 0 : i32
    %c0_i32_1 = arith.constant 0 : i32
    return %c0_i32, %c0_i32_0 : i32, i32
  }
  func.func @transform_2(%arg0: i32) -> (i32, i32) {
    %c0_i32 = arith.constant 0 : i32
    %c0_i32_0 = arith.constant 0 : i32
    %c0_i32_1 = arith.constant 0 : i32
    return %c0_i32, %c0_i32_0 : i32, i32
  }
  func.func @transform_3(%arg0: i32) -> (i32, i32) {
    %c0_i32 = arith.constant 0 : i32
    %c0_i32_0 = arith.constant 0 : i32
    return %arg0, %c0_i32 : i32, i32
  }
}

</mosaic_0001>

<sc_bundles>
// kernel: kernel.23.cloned.1.call-start
scs
__scs_entry_jumppad:
0x0: {  	(pc) =	sbr.rel $0x88, $3  }
0x1: {  	(tag) =	ssettag $0x0;
	lr =	simm.s32 $0x1  }
0x2: {  	[smem:$0x3F96] =	sst lr;
	_ =	strace $0xD0000000  }
0x3: {  	_ = 	snop  }
0x4: {  	_ = 	snop  }
0x5: {  	_ = 	snop  }
0x6: {  	_ = 	snop  }
0x7: {  	_ = 	snop  }
__scs_overlays_trampoline_lowered:
0x8: {  	[smem:$0x3FA5] =	sst s0  }
0x9: {  	[smem:$0x3FA6] =	sst s1  }
0xa: {  	[smem:$0x3FA7] =	sst s2  }
0xb: {  	[smem:$0x3FA8] =	sst s3  }
0xc: {  	[smem:$0x3FA9] =	sst s4  }
0xd: {  	[smem:$0x3FAA] =	sst s5  }
0xe: {  	[smem:$0x3FAB] =	sst s6  }
0xf: {  	[smem:$0x3FAC] =	sst s7  }
0x10: {  	[smem:$0x3FAD] =	sst s8  }
0x11: {  	[smem:$0x3FAE] =	sst s9;
	s0 =	simm.s32 @!p0 $0x0  }
0x12: {  	s1 =	sld [smem:$0x3F94];
	s0 =	simm.s32 @p0 $0x1  }
0x13: {  	[smem:$0x3FAF] =	sst s0;
	s0 =	simm.s32 @!p1 $0x0  }
0x14: {  	s2 =	sld [smem:$0x3F93];
	s0 =	simm.s32 @p1 $0x1  }
0x15: {  	[smem:$0x3FB0] =	sst s0;
	s0 =	simm.s32 @!p2 $0x0  }
0x16: {  	s3 =	sld [smem:$0x3FDB];
	s0 =	simm.s32 @p2 $0x1  }
0x17: {  	s4 =	simm.s32 $0x1BF5;
	[smem:$0x3FB2] =	sst s0  }
0x18: {  	s0 =	sld [smem:$0x3F95];
	_ =	swait.ge [sflag:s4], $0x0  }
0x19: {  	s7 =	sld [smem:$0x3F96]  }
0x1a: {  	s8 =	sadd.s32 $0xFFFFE003, lr  }
0x1b: {  	s9 =	sadd.s32 $0xFFFFFEF7, lr;
	s5 =	simm.s32 $0xFFFFFFFF;
	p2 =	slt.u32 s8, $0xFFFFF086  }
0x1c: {  	p1 =	slt.u32 s9, $0xF7A;
	s5 =	simm.s32 @!p2 $0x0  }
0x1d: {  	s5 =	simm.s32 @p1 $0x1;
	p0 =	seq.s32 s7, s2  }
0x1e: {  	s7 =	smul.u32 @!p0 $0xF7A, s2;
	p2 =	seq.s32 @!p0 s5, $0x0  }
0x1f: {  	s9 =	smul.u32 $0xF7A, s1;
	s8 =	simm.s32 @!p0 $0x1BF5;
	p2 =	por !p2, p0  }
0x20: {  	[sflag:s8] =	ssyncset.s32 @!p0 $0xFFFFF086;
	s6 =	sadd.s32 @!p0 s3, s7;
	s7 =	simm.s32 @!p0 $0x108  }
0x21: {  	s3 =	sadd.s32 s3, s9;
	s6 =	sadd.s32 @!p0 $0x88, s6;
	s7 =	simm.s32 @p2 $0x1082  }
0x22: {  	[simem:s7], [sflag:s8] =	dma.local @!p0 [hbm:s6], $0xF7A  }
0x23: {  	s9 =	sor.u32 $0xD0000000, s2;
	s6 =	simm.s32 $0x108;
	_ =	swait.ge @!p0 [sflag:s8], $0x0  }
0x24: {  	s3 =	sadd.s32 $0x88, s3;
	s6 =	simm.s32 @!p1 $0x1082;
	[sflag:s4] =	ssyncset.s32 $0xFFFFF086  }
0x25: {  	[simem:s6], [sflag:s4] =	dma.local [hbm:s3], $0xF7A  }
0x26: {  	[smem:$0x3F96] =	sst s1;
	(tag) =	ssettag s2;
	_ =	strace s9  }
0x27: {  	s1 =	sld [smem:$0x3FA6]  }
0x28: {  	s2 =	sld [smem:$0x3FA7]  }
0x29: {  	s4 =	sld [smem:$0x3FA9]  }
0x2a: {  	p0 =	seq.s32 s5, $0x0;
	s5 =	sld [smem:$0x3FAA]  }
0x2b: {  	s6 =	sld [smem:$0x3FAB]  }
0x2c: {  	s7 =	sld [smem:$0x3FAC]  }
0x2d: {  	s3 =	simm.s32 $0x108;
	s8 =	sld [smem:$0x3FAD]  }
0x2e: {  	s3 =	simm.s32 @!p0 $0x1082;
	s9 =	sld [smem:$0x3FAE]  }
0x2f: {  	lr =	sadd.s32 s0, s3;
	s0 =	sld [smem:$0x3FA5]  }
0x30: {  	s3 =	sld [smem:$0x3FA8]  }
0x31: {  	[smem:$0x3FB1] =	sst s10  }
0x32: {  	s10 =	sld [smem:$0x3FAF];
	_ =	sdelay $0x3  }
0x33: {  	p0 =	seq.s32 s10, $0x1;
	s10 =	sld [smem:$0x3FB1];
	_ =	sdelay $0x3  }
0x34: {  	[smem:$0x3FB1] =	sst s10  }
0x35: {  	s10 =	sld [smem:$0x3FB0];
	_ =	sdelay $0x3  }
0x36: {  	p1 =	seq.s32 s10, $0x1;
	s10 =	sld [smem:$0x3FB1];
	_ =	sdelay $0x3  }
0x37: {  	[smem:$0x3FB1] =	sst s10  }
0x38: {  	s10 =	sld [smem:$0x3FB2]  }
0x39: {  	_ = 	snop;
	(pc) =	sbr.ind lr, $3  }
0x3a: {  	_ = 	snop  }
0x3b: {  	_ = 	snop  }
0x3c: {  	p2 =	seq.s32 s10, $0x1;
	s10 =	sld [smem:$0x3FB1]  }
0x3d: {  	_ =	shalt  }
0x3e: {  	_ =	shalt  }
0x3f: {  	_ =	shalt  }
0x40: {  	_ =	shalt  }
0x41: {  	_ =	shalt  }
0x42: {  	_ =	shalt  }
0x43: {  	_ =	shalt  }
0x44: {  	_ =	shalt  }
0x45: {  	_ =	shalt  }
0x46: {  	_ =	shalt  }
0x47: {  	_ =	shalt  }
0x48: {  	_ =	shalt  }
0x49: {  	_ =	shalt  }
0x4a: {  	_ =	shalt  }
0x4b: {  	_ =	shalt  }
0x4c: {  	_ =	shalt  }
0x4d: {  	_ =	shalt  }
0x4e: {  	_ =	shalt  }
0x4f: {  	_ =	shalt  }
0x50: {  	_ =	shalt  }
0x51: {  	_ =	shalt  }
0x52: {  	_ =	shalt  }
0x53: {  	_ =	shalt  }
0x54: {  	_ =	shalt  }
0x55: {  	_ =	shalt  }
0x56: {  	_ =	shalt  }
0x57: {  	_ =	shalt  }
0x58: {  	_ =	shalt  }
0x59: {  	_ =	shalt  }
0x5a: {  	_ =	shalt  }
0x5b: {  	_ =	shalt  }
0x5c: {  	_ =	shalt  }
0x5d: {  	_ =	shalt  }
0x5e: {  	_ =	shalt  }
0x5f: {  	_ =	shalt  }
0x60: {  	_ =	shalt  }
0x61: {  	_ =	shalt  }
0x62: {  	_ =	shalt  }
0x63: {  	_ =	shalt  }
0x64: {  	_ =	shalt  }
0x65: {  	_ =	shalt  }
0x66: {  	_ =	shalt  }
0x67: {  	_ =	shalt  }
0x68: {  	_ =	shalt  }
0x69: {  	_ =	shalt  }
0x6a: {  	_ =	shalt  }
0x6b: {  	_ =	shalt  }
0x6c: {  	_ =	shalt  }
0x6d: {  	_ =	shalt  }
0x6e: {  	_ =	shalt  }
0x6f: {  	_ =	shalt  }
0x70: {  	_ =	shalt  }
0x71: {  	_ =	shalt  }
0x72: {  	_ =	shalt  }
0x73: {  	_ =	shalt  }
0x74: {  	_ =	shalt  }
0x75: {  	_ =	shalt  }
0x76: {  	_ =	shalt  }
0x77: {  	_ =	shalt  }
0x78: {  	_ =	shalt  }
0x79: {  	_ =	shalt  }
0x7a: {  	_ =	shalt  }
0x7b: {  	_ =	shalt  }
0x7c: {  	_ =	shalt  }
0x7d: {  	_ =	shalt  }
0x7e: {  	_ =	shalt  }
0x7f: {  	_ =	shalt  }
0x80: {  	_ =	shalt  }
0x81: {  	_ =	shalt  }
0x82: {  	_ =	shalt  }
0x83: {  	_ =	shalt  }
0x84: {  	_ =	shalt  }
0x85: {  	_ =	shalt  }
0x86: {  	_ =	shalt  }
0x87: {  	_ =	shalt  }
.Lfunc_end0:
.L_simem_size_0:
called_computation_lowered:
.L_overlay_start_0:
0x88: {  	s2 =	sld [smem:$0x3FD9]  }
0x89: {  	s3 =	sld [smem:$0x3FFE];
	_ =	sdelay $0x1  }
0x8a: {  	s1 =	srdreg.scid  }
0x8b: {  	s0 =	sand.u32 $0x1, s1  }
0x8c: {  	s17 =	sshll.u32 s0, $0xA;
	s2 =	sadd.s32 s3, s2  }
0x8d: {  	s2 =	sadd.s32 s2, s17  }
0x8e: {  	[smem:$0x3FBD] =	sst s2  }
0x8f: {  	_ = 	snop  }
0x90: {  	s2 =	sld [smem:$0x3FC3]  }
0x91: {  	s18 =	sld [smem:$0x3FD0];
	(tm) =	ssettm $0x1  }
0x92: {  	s4 =	sld [smem:$0x3FFB];
	_ =	sdelay $0x3  }
0x93: {  	_ =	strace s4  }
0x94: {  	s4 =	sld [smem:$0x3FFC];
	_ =	sdelay $0x3  }
0x95: {  	_ =	strace s4  }
0x96: {  	s4 =	sld [smem:$0x3FFD];
	_ =	sdelay $0x3  }
0x97: {  	_ =	strace s4  }
0x98: {  	_ =	strace $0x8FFFFFFF  }
0x99: {  	s19 =	sld [smem:$0x3FDB];
	_ =	sdelay $0x1  }
0x9a: {  	s5 =	simm.s32 $_scs_section_size  }
0x9b: {  	s6 =	simm.s32 $_size__tile_overlayer_lowered;
	s7 =	simm.s32 $_tile_overlayer_lowered  }
0x9c: {  	s22 =	simm.s32 $0x1BFF;
	s21 =	sshll.u32 s7, $0x1;
	s4 =	sadd.s32 s5, s19  }
0x9d: {  	s8 =	simm.s32 $0x0;
	s20 =	sshll.u32 s6, $0x1;
	s6 =	sadd.s32 s21, s4  }
0x9e: {  	[timem:s8], [sflag:s22] =	dma.local [hbm:s6], s20  }
0x9f: {  	_ =	swait.ge [sflag:s22], s20  }
0xa0: {  	s5 =	ssub.s32 $0x0, s20;
	[sflag:s22] =	ssyncset.done $0x0  }
0xa1: {  	[sflag:s22] =	ssyncadd.s32 s5;
	_ =	sdelay $0x1  }
0xa2: {  	s23 =	simm.s32 $0x1B8B  }
0xa3: {  	_ =	swait.ge [sflag:s23], $0x1  }
0xa4: {  	[sflag:s23] =	ssyncset.done $0x0  }
0xa5: {  	s25 =	simm.s32 $0x1B8E;
	s24 =	sld [smem:$0x3FFE];
	[sflag:s23] =	ssyncadd.s32 $0xFFFFFFFF  }
0xa6: {  	s26 =	simm.s32 $execute0_lowered;
	[smem:$0x3FD2] =	sst s25  }
0xa7: {  	s6 =	sshll.u32 s26, $0x1;
	_ =	strace $0x80000046;
	[dreg:$0x1] =	wrdreg $0xFFFFFFFF  }
0xa8: {  	s28 =	simm.s32 $_size_execute0_lowered;
	s4 =	sadd.s32 s4, s6;
	[dreg:$0x0] =	wrdreg $0x0  }
0xa9: {  	s6 =	sshll.u32 s28, $0x1;
	[dreg:$0x2] =	wrdreg s4  }
0xaa: {  	[dreg:$0x3] =	wrdreg s6  }
0xab: {  	[dreg:$0x4] =	wrdreg $0xC0  }
0xac: {  	_ =	task [dreg:s8], $0x5FFFF  }
0xad: {  	[dreg:$0x1] =	wrdreg $0xFFFFFFFF  }
0xae: {  	[dreg:$0x0] =	wrdreg $0x60  }
0xaf: {  	[dreg:$0x2] =	wrdreg s18  }
0xb0: {  	[dreg:$0x3] =	wrdreg s24  }
0xb1: {  	[dreg:$0x4] =	wrdreg s2  }
0xb2: {  	[dreg:$0x5] =	wrdreg $0xA8800  }
0xb3: {  	[dreg:$0x6] =	wrdreg $0xA  }
0xb4: {  	_ =	task.clear_ibuf [dreg:s8], $0x7FFFF;
	_ =	strace $0x90000046  }
0xb5: {  	s29 =	simm.s32 $0xA;
	_ =	strace $0x80000048  }
0xb6: {  	_ =	swait.ge [sflag:s29], $0x1  }
0xb7: {  	[sflag:s29] =	ssyncadd.s32 $0xFFFFFFFF  }
0xb8: {  	_ =	strace $0x90000048  }
0xb9: {  	_ =	sfence  }
0xba: {  	s30 =	sld [smem:$0x0];
	_ =	sdelay $0x2  }
0xbb: {  	s31 =	sshll.u32 s1, $0xD;
	s1 =	sshrl.u32 s1, $0x2  }
0xbc: {  	s3 =	sand.u32 $0x4000, s31;
	s1 =	sadd.s32 s1, s30  }
0xbd: {  	s0 =	sor.u32 s3, s0;
	s1 =	sshll.u32 s1, $0x11  }
0xbe: {  	s0 =	sor.u32 s1, s0  }
0xbf: {  	s0 =	sadd.s32 $0x8F2B, s0  }
0xc0: {  	[sflag:s0] =	ssyncadd.remote.s32 $0x1  }
0xc1: {  	_ =	sfence.sel $0xFFFF  }
0xc2: {  	[dreg:$0x0] =	wrdreg $0xFFFFFFFF;
	(pc) =	sbr.abs _section_cstart, $3  }
0xc3: {  	[dreg:$0x1] =	wrdreg $0xFFFFFFFF  }
0xc4: {  	_ =	task.clear_ibuf [dreg:s8], $0x2FFFF;
	_ =	strace $0x9FFFFFFF  }
0xc5: {  	(tm) =	ssettm $0x7FFFFFFF  }
tec
execute0_lowered:
.L_overlay_start_1:
0x0: {  	(tag) =	ssettag $0x1  }
0x1: {  	s1 =	rddreg [dreg:$0x0]  }
0x2: {  	s8 =	rddreg [dreg:$0x1]  }
0x3: {  	s2 =	srdreg.scid;
	s3 =	rddreg [dreg:$0x2]  }
0x4: {  	s0 =	stileid.u32;
	s4 =	rddreg [dreg:$0x3];
	s6 =	simm.s32 $0x0  }
0x5: {  	s17 =	simm.s32 $0xA800;
	s18 =	simm.s32 $0x80;
	s19 =	simm.s32 $0x2800  }
0x6: {  	s20 =	simm.s32 $0x6800;
	s21 =	simm.s32 $0x1;
	s22 =	simm.s32 $0x0  }
0x7: {  	s9 =	sand.u32 $0x1, s2;
	s26 =	sshll.u32 s0, $0x1;
	s10 =	smul.u32 $0x13C00, s0  }
0x8: {  	[smem:$0x7FF] =	sst s6;
	s7 =	sadd.s32 $0x501A00, s8;
	s28 =	smul.u32 $0x4F000, s0  }
0x9: {  	s31 =	sshll.u32 s0, $0x6;
	s2 =	sor.u32 s9, s26;
	s12 =	smul.u32 $0x13C000, s9  }
0xa: {  	s9 =	ssub.s32 $0x2, s9;
	s5 =	smul.u32 $0x1400, s2;
	s2 =	rddreg [dreg:$0x4]  }
0xb: {  	_ =	strace $0x80000047;
	s13 =	sshrl.u32 s10, $0x3;
	s29 =	sshrl.u32 s9, $0x1  }
0xc: {  	s30 =	sshrl.u32 s28, $0x2;
	s10 =	sadd.s32 s10, s12;
	s13 =	sadd.s32 s13, s8  }
0xd: {  	s15 =	ssub.s32 s9, s29;
	s16 =	sadd.s32 s30, s4;
	s11 =	sshrl.u32 s5, $0x3  }
0xe: {  	s9 =	sor.u32 $0x1C02, s31;
	s10 =	sshrl.u32 s10, $0x3;
	s11 =	sadd.s32 s11, s8  }
0xf: {  	s14 =	sadd.s32 s10, s8;
	s8 =	sadd.s32 $0x6A00, s13;
	s13 =	smax.u32 s15, $0x1  }
0x10: {  	s15 =	simm.s32 $0x2;
	s10 =	sadd.s32 $0x277A00, s11;
	s11 =	sadd.s32 $0x27CA00, s11  }
0x11: {  	s12 =	sadd.s32 $0x2E200, s14;
	s14 =	sshrl.u32 s16, $0x3;
	s16 =	simm.s32 $0x1400  }
.LBB2_1:
0x12: {  	[spmem:s14], [sflag:s9] =	dma.local [hbm:s8], $0x2780  }
0x13: {  	_ =	swait.ge [sflag:s15], $0x2780  }
0x14: {  	[sflag:s15] =	ssyncset.done $0x0  }
0x15: {  	[sflag:s15] =	ssyncadd.s32 $0xFFFFD880  }
0x16: {  	[tilespmem:s6], [sflag:$0x2] =	stream.linear.gather [hbm4b:s10+s6], $0x1400, $0x38;
	[tilespmem:$0x1E480] =	vst v63  }
0x17: {  	_ =	swait.ge [sflag:s15], $0x1400  }
0x18: {  	[sflag:s15] =	ssyncset.done $0x0  }
0x19: {  	[sflag:s15] =	ssyncadd.s32 $0xFFFFEC00  }
0x1a: {  	[tilespmem:s16], [sflag:$0x2] =	stream.linear.gather [hbm4b:s11+s6], $0x1400, $0x38;
	[tilespmem:$0x1E480] =	vst v63  }
0x1b: {  	_ =	swait.ge [sflag:s15], $0x1400  }
0x1c: {  	[sflag:s15] =	ssyncset.done $0x0  }
0x1d: {  	[sflag:s15] =	ssyncadd.s32 $0xFFFFEC00  }
0x1e: {  	[tilespmem:s17], [sflag:$0x2] =	stream.linear.gather [hbm4b:s3+s6], $0x80, $0x38;
	[tilespmem:$0x1E480] =	vst v63  }
0x1f: {  	_ =	swait.ge [sflag:s15], $0x80  }
0x20: {  	[sflag:s15] =	ssyncset.done $0x0  }
0x21: {  	[sflag:s15] =	ssyncadd.s32 $0xFFFFFF80  }
0x22: {  	s23 =	simm.s32 $0x0;
	[bflag:$0x0] =	sbarrier.arrive $0xFFFF  }
.LBB2_2:
0x23: {  	s24 =	sshll.u32 s23, $0x7  }
0x24: {  	[tilespmem:s19], [sflag:$0x1] =	stream.indirect.gather [hbm4b:s1+s18], $0x80, s24, s18, $0xb8;
	[tilespmem:$0x1E480] =	vst v63  }
0x25: {  	s25 =	sadd.s32 s5, s24  }
0x26: {  	s25 =	sshll.u32 s25, $0x4  }
0x27: {  	s26 =	simm.s32 $0x0;
	s25 =	sadd.s32 s7, s25  }
0x28: {  	[tilespmem:s20], [sflag:$0x2] =	stream.linear.gather [hbm4b:s25+s26], $0x4000, $0x38;
	[tilespmem:$0x1E480] =	vst v63  }
0x29: {  	_ =	swait.ge [sflag:s15], $0x4000  }
0x2a: {  	[sflag:s15] =	ssyncset.done $0x0  }
0x2b: {  	[sflag:s15] =	ssyncadd.s32 $0xFFFFC000  }
0x2c: {  	_ =	swait.ge [sflag:s21], $0x4000  }
0x2d: {  	[sflag:s21] =	ssyncset.done $0x0  }
0x2e: {  	s25 =	simm.s32 $0x0;
	[sflag:s21] =	ssyncadd.s32 $0xFFFFC000  }
0x2f: {  	v6 =	vld [tilespmem:s25+$0x6800]  }
0x30: {  	v11 =	vld [tilespmem:s25+$0x6810]  }
0x31: {  	v5 =	vld [tilespmem:s25+$0x6820]  }
0x32: {  	v4 =	vld [tilespmem:s25+$0x6830]  }
0x33: {  	v3 =	vld [tilespmem:s25+$0x6840]  }
0x34: {  	v2 =	vld [tilespmem:s25+$0x6850]  }
0x35: {  	v1 =	vld [tilespmem:s25+$0x6860]  }
0x36: {  	v0 =	vld [tilespmem:s25+$0x6870]  }
0x37: {  	v12 =	vld [tilespmem:s25+$0x2800]  }
0x38: {  	v13 =	vld [tilespmem:s25+$0x2810]  }
0x39: {  	v10 =	vld [tilespmem:s25+$0x2820]  }
0x3a: {  	v9 =	vld [tilespmem:s25+$0x2830]  }
0x3b: {  	v8 =	vld [tilespmem:s25+$0x2840]  }
0x3c: {  	v7 =	vld [tilespmem:s25+$0x2850];
	v12 =	vadd.f32 v6, v12  }
0x3d: {  	s26 =	simm.s32 $0x200;
	v11 =	vadd.f32 v11, v13;
	v6 =	vld [tilespmem:s25+$0x2860]  }
.LBB2_3:
0x3e: {  	s28 =	sshra.s32 s26, $0x2;
	p0 =	sne.s32 s26, $0xFE00;
	v12 =	vmax.f32 v12, $0.0e+00;
	v5 =	vadd.f32 v5, v10;
	v10 =	vld [tilespmem:s25+$0x2870]  }
0x3f: {  	v13 =	vld [tilespmem:s28+$0x6800];
	[tilespmem:s25+$0x2800] =	vst v12;
	v11 =	vmax.f32 v11, $0.0e+00;
	v4 =	vadd.f32 v4, v9  }
0x40: {  	v14 =	vld [tilespmem:s28+$0x6810];
	[tilespmem:s25+$0x2810] =	vst v11;
	v9 =	vmax.f32 v5, $0.0e+00;
	v3 =	vadd.f32 v3, v8  }
0x41: {  	v5 =	vld [tilespmem:s28+$0x6820];
	[tilespmem:s25+$0x2820] =	vst v9;
	v8 =	vmax.f32 v4, $0.0e+00;
	v2 =	vadd.f32 v2, v7  }
0x42: {  	v4 =	vld [tilespmem:s28+$0x6830];
	[tilespmem:s25+$0x2830] =	vst v8;
	v7 =	vmax.f32 v3, $0.0e+00;
	v1 =	vadd.f32 v1, v6  }
0x43: {  	v3 =	vld [tilespmem:s28+$0x6840];
	[tilespmem:s25+$0x2840] =	vst v7;
	v6 =	vmax.f32 v2, $0.0e+00;
	v0 =	vadd.f32 v0, v10  }
0x44: {  	v2 =	vld [tilespmem:s28+$0x6850];
	[tilespmem:s25+$0x2850] =	vst v6;
	v6 =	vmax.f32 v1, $0.0e+00  }
0x45: {  	v1 =	vld [tilespmem:s28+$0x6860];
	[tilespmem:s25+$0x2860] =	vst v6;
	v6 =	vmax.f32 v0, $0.0e+00  }
0x46: {  	v0 =	vld [tilespmem:s28+$0x6870];
	[tilespmem:s25+$0x2870] =	vst v6;
	s25 =	smov.u32 s28  }
0x47: {  	v6 =	vld [tilespmem:s25+$0x2800]  }
0x48: {  	v11 =	vld [tilespmem:s25+$0x2810]  }
.Ltmp0:
0x49: {  	v10 =	vld [tilespmem:s25+$0x2820];
	(pc) =	sbr.rel @p0 .LBB2_3-.Ltmp0, $4  }
0x4a: {  	v9 =	vld [tilespmem:s25+$0x2830]  }
0x4b: {  	v8 =	vld [tilespmem:s25+$0x2840]  }
0x4c: {  	v12 =	vadd.f32 v13, v6;
	v7 =	vld [tilespmem:s25+$0x2850]  }
0x4d: {  	s26 =	sadd.s32 $0x200, s26;
	v11 =	vadd.f32 v14, v11;
	v6 =	vld [tilespmem:s25+$0x2860]  }
0x4e: {  	v12 =	vmax.f32 v12, $0.0e+00;
	v5 =	vadd.f32 v5, v10;
	v63 =	vld [tilespmem:s25+$0x2870]  }
0x4f: {  	[tilespmem:s25+$0x2800] =	vst v12;
	v11 =	vmax.f32 v11, $0.0e+00;
	v4 =	vadd.f32 v4, v9  }
0x50: {  	[tilespmem:s25+$0x2810] =	vst v11;
	v5 =	vmax.f32 v5, $0.0e+00;
	v3 =	vadd.f32 v3, v8  }
0x51: {  	[tilespmem:s25+$0x2820] =	vst v5;
	v4 =	vmax.f32 v4, $0.0e+00;
	v2 =	vadd.f32 v2, v7  }
0x52: {  	[tilespmem:s25+$0x2830] =	vst v4;
	v3 =	vmax.f32 v3, $0.0e+00;
	v1 =	vadd.f32 v1, v6  }
0x53: {  	[tilespmem:s25+$0x2840] =	vst v3;
	v2 =	vmax.f32 v2, $0.0e+00;
	v0 =	vadd.f32 v0, v63  }
0x54: {  	s23 =	sadd.s32 $0x1, s23;
	[tilespmem:s25+$0x2850] =	vst v2;
	v1 =	vmax.f32 v1, $0.0e+00  }
0x55: {  	p0 =	sne.s32 s23, $0x28;
	[tilespmem:s25+$0x2860] =	vst v1;
	v0 =	vmax.f32 v0, $0.0e+00  }
.Ltmp1:
0x56: {  	s24 =	sadd.s32 $0x1400, s24;
	[tilespmem:s25+$0x2870] =	vst v0;
	(pc) =	sbr.rel @p0 .LBB2_2-.Ltmp1, $4  }
0x57: {  	[spmem:s4] =	stream.indirect.scatter.add.f32 [tilespmem:s19], [sflag:$0x2], $0x80, s24, s18, $0xb8;
	[tilespmem:$0x1E480] =	vst v63  }
0x58: {  	_ =	swait.ge [sflag:s15], $0x4000  }
0x59: {  	[sflag:s15] =	ssyncset.done $0x0  }
0x5a: {  	[sflag:s15] =	ssyncadd.s32 $0xFFFFC000  }
0x5b: {  	s22 =	sadd.s32 $0x1, s22  }
0x5c: {  	p0 =	sne.s32 s22, s13  }
.Ltmp2:
0x5d: {  	[bflag:$0x0] =	sbarrier.arrive $0xFFFF;
	(pc) =	sbr.rel @p0 .LBB2_1-.Ltmp2, $4  }
0x5e: {  	[hbm:s12], [sflag:s9] =	dma.local [spmem:s14], $0x2780  }
0x5f: {  	_ =	swait.ge [sflag:s15], $0x2780  }
0x60: {  	[sflag:s15] =	ssyncset.done $0x0  }
0x61: {  	[sflag:s15] =	ssyncadd.s32 $0xFFFFD880  }
0x62: {  	_ =	sfence.sel $0x180000  }
0x63: {  	[bflag:$0x0] =	sbarrier.arrive $0xFFFF  }
0x64: {  	p0 =	sne.s32 s0, $0x0;
	_ =	strace $0x90000047  }
0x65: {  	s0 =	sadd.s32 @!p0 $0x100000, s2;
	[bflag:$0x2] =	sbarrier.arrive $0xFFFF  }
0x66: {  	[sflag:s0] =	ssyncadd.tile.s32 @!p0 $0x1;
	_ =	shalt  }
.Lfunc_end2:
_tile_overlayer_lowered:
.L_overlay_start_2:
0x67: {  	(tag) =	ssettag $0x2  }
0x68: {  	s0 =	rddreg [dreg:$0x0];
	s2 =	stileid.u32  }
0x69: {  	s1 =	rddreg [dreg:$0x1];
	p0 =	sne.s32 s2, $0x0  }
0x6a: {  	s3 =	rddreg [dreg:$0x2];
	[bflag:$0x3] =	sbarrier.arrive $0xFFFF;
	s2 =	simm.s32 @!p0 $0x1C02  }
0x6b: {  	[timem:s3], [sflag:s2] =	dma.local @!p0 [hbm:s0], s1  }
0x6c: {  	s0 =	simm.s32 @!p0 $0x2  }
0x6d: {  	_ =	swait.ge @!p0 [sflag:s0], s1  }
0x6e: {  	s1 =	ssub.s32 @!p0 $0x0, s1;
	[sflag:s0] =	ssyncset.done @!p0 $0x0  }
0x6f: {  	[sflag:s0] =	ssyncadd.s32 @!p0 s1  }
0x70: {  	[bflag:$0x3] =	sbarrier.arrive $0xFFFF  }
0x71: {  	_ =	shalt  }

// kernel: kernel.26.cloned.1.call-start
scs
__scs_entry_jumppad:
0x0: {  	(pc) =	sbr.rel $0x88, $3  }
0x1: {  	(tag) =	ssettag $0x0;
	lr =	simm.s32 $0x1  }
0x2: {  	[smem:$0x3F96] =	sst lr;
	_ =	strace $0xD0000000  }
0x3: {  	_ = 	snop  }
0x4: {  	_ = 	snop  }
0x5: {  	_ = 	snop  }
0x6: {  	_ = 	snop  }
0x7: {  	_ = 	snop  }
__scs_overlays_trampoline_lowered:
0x8: {  	[smem:$0x3FA5] =	sst s0  }
0x9: {  	[smem:$0x3FA6] =	sst s1  }
0xa: {  	[smem:$0x3FA7] =	sst s2  }
0xb: {  	[smem:$0x3FA8] =	sst s3  }
0xc: {  	[smem:$0x3FA9] =	sst s4  }
0xd: {  	[smem:$0x3FAA] =	sst s5  }
0xe: {  	[smem:$0x3FAB] =	sst s6  }
0xf: {  	[smem:$0x3FAC] =	sst s7  }
0x10: {  	[smem:$0x3FAD] =	sst s8  }
0x11: {  	[smem:$0x3FAE] =	sst s9;
	s0 =	simm.s32 @!p0 $0x0  }
0x12: {  	s1 =	sld [smem:$0x3F94];
	s0 =	simm.s32 @p0 $0x1  }
0x13: {  	[smem:$0x3FAF] =	sst s0;
	s0 =	simm.s32 @!p1 $0x0  }
0x14: {  	s2 =	sld [smem:$0x3F93];
	s0 =	simm.s32 @p1 $0x1  }
0x15: {  	[smem:$0x3FB0] =	sst s0;
	s0 =	simm.s32 @!p2 $0x0  }
0x16: {  	s3 =	sld [smem:$0x3FDB];
	s0 =	simm.s32 @p2 $0x1  }
0x17: {  	s4 =	simm.s32 $0x1BF5;
	[smem:$0x3FB2] =	sst s0  }
0x18: {  	s0 =	sld [smem:$0x3F95];
	_ =	swait.ge [sflag:s4], $0x0  }
0x19: {  	s7 =	sld [smem:$0x3F96]  }
0x1a: {  	s8 =	sadd.s32 $0xFFFFE003, lr  }
0x1b: {  	s9 =	sadd.s32 $0xFFFFFEF7, lr;
	s5 =	simm.s32 $0xFFFFFFFF;
	p2 =	slt.u32 s8, $0xFFFFF086  }
0x1c: {  	p1 =	slt.u32 s9, $0xF7A;
	s5 =	simm.s32 @!p2 $0x0  }
0x1d: {  	s5 =	simm.s32 @p1 $0x1;
	p0 =	seq.s32 s7, s2  }
0x1e: {  	s7 =	smul.u32 @!p0 $0xF7A, s2;
	p2 =	seq.s32 @!p0 s5, $0x0  }
0x1f: {  	s9 =	smul.u32 $0xF7A, s1;
	s8 =	simm.s32 @!p0 $0x1BF5;
	p2 =	por !p2, p0  }
0x20: {  	[sflag:s8] =	ssyncset.s32 @!p0 $0xFFFFF086;
	s6 =	sadd.s32 @!p0 s3, s7;
	s7 =	simm.s32 @!p0 $0x108  }
0x21: {  	s3 =	sadd.s32 s3, s9;
	s6 =	sadd.s32 @!p0 $0x88, s6;
	s7 =	simm.s32 @p2 $0x1082  }
0x22: {  	[simem:s7], [sflag:s8] =	dma.local @!p0 [hbm:s6], $0xF7A  }
0x23: {  	s9 =	sor.u32 $0xD0000000, s2;
	s6 =	simm.s32 $0x108;
	_ =	swait.ge @!p0 [sflag:s8], $0x0  }
0x24: {  	s3 =	sadd.s32 $0x88, s3;
	s6 =	simm.s32 @!p1 $0x1082;
	[sflag:s4] =	ssyncset.s32 $0xFFFFF086  }
0x25: {  	[simem:s6], [sflag:s4] =	dma.local [hbm:s3], $0xF7A  }
0x26: {  	[smem:$0x3F96] =	sst s1;
	(tag) =	ssettag s2;
	_ =	strace s9  }
0x27: {  	s1 =	sld [smem:$0x3FA6]  }
0x28: {  	s2 =	sld [smem:$0x3FA7]  }
0x29: {  	s4 =	sld [smem:$0x3FA9]  }
0x2a: {  	p0 =	seq.s32 s5, $0x0;
	s5 =	sld [smem:$0x3FAA]  }
0x2b: {  	s6 =	sld [smem:$0x3FAB]  }
0x2c: {  	s7 =	sld [smem:$0x3FAC]  }
0x2d: {  	s3 =	simm.s32 $0x108;
	s8 =	sld [smem:$0x3FAD]  }
0x2e: {  	s3 =	simm.s32 @!p0 $0x1082;
	s9 =	sld [smem:$0x3FAE]  }
0x2f: {  	lr =	sadd.s32 s0, s3;
	s0 =	sld [smem:$0x3FA5]  }
0x30: {  	s3 =	sld [smem:$0x3FA8]  }
0x31: {  	[smem:$0x3FB1] =	sst s10  }
0x32: {  	s10 =	sld [smem:$0x3FAF];
	_ =	sdelay $0x3  }
0x33: {  	p0 =	seq.s32 s10, $0x1;
	s10 =	sld [smem:$0x3FB1];
	_ =	sdelay $0x3  }
0x34: {  	[smem:$0x3FB1] =	sst s10  }
0x35: {  	s10 =	sld [smem:$0x3FB0];
	_ =	sdelay $0x3  }
0x36: {  	p1 =	seq.s32 s10, $0x1;
	s10 =	sld [smem:$0x3FB1];
	_ =	sdelay $0x3  }
0x37: {  	[smem:$0x3FB1] =	sst s10  }
0x38: {  	s10 =	sld [smem:$0x3FB2]  }
0x39: {  	_ = 	snop;
	(pc) =	sbr.ind lr, $3  }
0x3a: {  	_ = 	snop  }
0x3b: {  	_ = 	snop  }
0x3c: {  	p2 =	seq.s32 s10, $0x1;
	s10 =	sld [smem:$0x3FB1]  }
0x3d: {  	_ =	shalt  }
0x3e: {  	_ =	shalt  }
0x3f: {  	_ =	shalt  }
0x40: {  	_ =	shalt  }
0x41: {  	_ =	shalt  }
0x42: {  	_ =	shalt  }
0x43: {  	_ =	shalt  }
0x44: {  	_ =	shalt  }
0x45: {  	_ =	shalt  }
0x46: {  	_ =	shalt  }
0x47: {  	_ =	shalt  }
0x48: {  	_ =	shalt  }
0x49: {  	_ =	shalt  }
0x4a: {  	_ =	shalt  }
0x4b: {  	_ =	shalt  }
0x4c: {  	_ =	shalt  }
0x4d: {  	_ =	shalt  }
0x4e: {  	_ =	shalt  }
0x4f: {  	_ =	shalt  }
0x50: {  	_ =	shalt  }
0x51: {  	_ =	shalt  }
0x52: {  	_ =	shalt  }
0x53: {  	_ =	shalt  }
0x54: {  	_ =	shalt  }
0x55: {  	_ =	shalt  }
0x56: {  	_ =	shalt  }
0x57: {  	_ =	shalt  }
0x58: {  	_ =	shalt  }
0x59: {  	_ =	shalt  }
0x5a: {  	_ =	shalt  }
0x5b: {  	_ =	shalt  }
0x5c: {  	_ =	shalt  }
0x5d: {  	_ =	shalt  }
0x5e: {  	_ =	shalt  }
0x5f: {  	_ =	shalt  }
0x60: {  	_ =	shalt  }
0x61: {  	_ =	shalt  }
0x62: {  	_ =	shalt  }
0x63: {  	_ =	shalt  }
0x64: {  	_ =	shalt  }
0x65: {  	_ =	shalt  }
0x66: {  	_ =	shalt  }
0x67: {  	_ =	shalt  }
0x68: {  	_ =	shalt  }
0x69: {  	_ =	shalt  }
0x6a: {  	_ =	shalt  }
0x6b: {  	_ =	shalt  }
0x6c: {  	_ =	shalt  }
0x6d: {  	_ =	shalt  }
0x6e: {  	_ =	shalt  }
0x6f: {  	_ =	shalt  }
0x70: {  	_ =	shalt  }
0x71: {  	_ =	shalt  }
0x72: {  	_ =	shalt  }
0x73: {  	_ =	shalt  }
0x74: {  	_ =	shalt  }
0x75: {  	_ =	shalt  }
0x76: {  	_ =	shalt  }
0x77: {  	_ =	shalt  }
0x78: {  	_ =	shalt  }
0x79: {  	_ =	shalt  }
0x7a: {  	_ =	shalt  }
0x7b: {  	_ =	shalt  }
0x7c: {  	_ =	shalt  }
0x7d: {  	_ =	shalt  }
0x7e: {  	_ =	shalt  }
0x7f: {  	_ =	shalt  }
0x80: {  	_ =	shalt  }
0x81: {  	_ =	shalt  }
0x82: {  	_ =	shalt  }
0x83: {  	_ =	shalt  }
0x84: {  	_ =	shalt  }
0x85: {  	_ =	shalt  }
0x86: {  	_ =	shalt  }
0x87: {  	_ =	shalt  }
.Lfunc_end0:
.L_simem_size_0:
called_computation.1_lowered:
.L_overlay_start_0:
0x88: {  	s2 =	sld [smem:$0x3FD9]  }
0x89: {  	s3 =	sld [smem:$0x3FFE];
	_ =	sdelay $0x1  }
0x8a: {  	s1 =	srdreg.scid  }
0x8b: {  	s0 =	sand.u32 $0x1, s1  }
0x8c: {  	s17 =	sshll.u32 s0, $0xA;
	s2 =	sadd.s32 s3, s2  }
0x8d: {  	s2 =	sadd.s32 s2, s17  }
0x8e: {  	[smem:$0x3FBD] =	sst s2  }
0x8f: {  	_ = 	snop  }
0x90: {  	s18 =	sld [smem:$0x3FC3]  }
0x91: {  	s4 =	sld [smem:$0x3FD0];
	(tm) =	ssettm $0x1  }
0x92: {  	s19 =	sld [smem:$0x3FFB];
	_ =	sdelay $0x3  }
0x93: {  	_ =	strace s19  }
0x94: {  	s2 =	sld [smem:$0x3FFC];
	_ =	sdelay $0x3  }
0x95: {  	_ =	strace s2  }
0x96: {  	s2 =	sld [smem:$0x3FFD];
	_ =	sdelay $0x3  }
0x97: {  	_ =	strace s2  }
0x98: {  	_ =	strace $0x8FFFFFFF  }
0x99: {  	s20 =	sld [smem:$0x3FDB];
	_ =	sdelay $0x1  }
0x9a: {  	s5 =	simm.s32 $_scs_section_size  }
0x9b: {  	s6 =	simm.s32 $_size__tile_overlayer_lowered;
	s7 =	simm.s32 $_tile_overlayer_lowered  }
0x9c: {  	s8 =	simm.s32 $0x1BFF;
	s21 =	sshll.u32 s7, $0x1;
	s5 =	sadd.s32 s5, s20  }
0x9d: {  	s22 =	simm.s32 $0x0;
	s6 =	sshll.u32 s6, $0x1;
	s7 =	sadd.s32 s21, s5  }
0x9e: {  	[timem:s22], [sflag:s8] =	dma.local [hbm:s7], s6  }
0x9f: {  	_ =	swait.ge [sflag:s8], s6  }
0xa0: {  	s6 =	ssub.s32 $0x0, s6;
	[sflag:s8] =	ssyncset.done $0x0  }
0xa1: {  	[sflag:s8] =	ssyncadd.s32 s6;
	_ =	sdelay $0x1  }
0xa2: {  	s23 =	simm.s32 $0x1B8B  }
0xa3: {  	_ =	swait.ge [sflag:s23], $0x1  }
0xa4: {  	[sflag:s23] =	ssyncset.done $0x0  }
0xa5: {  	[sflag:s23] =	ssyncadd.s32 $0xFFFFFFFF  }
0xa6: {  	s6 =	sld [smem:$0x0]  }
0xa7: {  	s7 =	sand.u32 $0xFFFFFFFE, s1  }
0xa8: {  	p0 =	sne.s32 s1, s7  }
0xa9: {  	s7 =	sshll.u32 @p0 s7, $0xE  }
0xaa: {  	s7 =	sadd.s32 @p0 $0x11B8D, s7;
	s8 =	sshll.u32 @p0 s6, $0x11  }
0xab: {  	s7 =	sor.u32 @p0 s8, s7  }
0xac: {  	[sflag:s7] =	ssyncadd.remote.s32 @p0 $0x1;
	_ =	sdelay $0x1  }
0xad: {  	s7 =	simm.s32 @p0 $0x1B8D  }
0xae: {  	_ =	swait.eq @p0 [sflag:s7], $0x1  }
0xaf: {  	[sflag:s7] =	ssyncadd.s32 @p0 $0xFFFFFFFF  }
0xb0: {  	s8 =	sshll.u32 @!p0 s1, $0xE  }
0xb1: {  	s8 =	sor.u32 @!p0 $0x4000, s8;
	s7 =	simm.s32 @!p0 $0x1B8D  }
0xb2: {  	s6 =	sshll.u32 @!p0 s6, $0x11;
	s8 =	sadd.s32 @!p0 $0x11B8D, s8;
	_ =	swait.eq @!p0 [sflag:s7], $0x1  }
0xb3: {  	s6 =	sor.u32 @!p0 s6, s8;
	[sflag:s7] =	ssyncadd.s32 @!p0 $0xFFFFFFFF  }
0xb4: {  	s25 =	simm.s32 $0x1B8E;
	s24 =	sld [smem:$0x3FFE];
	[sflag:s6] =	ssyncadd.remote.s32 @!p0 $0x1  }
0xb5: {  	s26 =	simm.s32 $execute0_lowered;
	[smem:$0x3FD2] =	sst s25  }
0xb6: {  	s7 =	sshll.u32 s26, $0x1;
	_ =	strace $0x80000049;
	[dreg:$0x1] =	wrdreg $0xFFFFFFFF  }
0xb7: {  	s28 =	simm.s32 $_size_execute0_lowered;
	s5 =	sadd.s32 s5, s7;
	[dreg:$0x0] =	wrdreg $0x0  }
0xb8: {  	s7 =	sshll.u32 s28, $0x1;
	[dreg:$0x2] =	wrdreg s5  }
0xb9: {  	[dreg:$0x3] =	wrdreg s7  }
0xba: {  	[dreg:$0x4] =	wrdreg $0xC0  }
0xbb: {  	_ =	task [dreg:s22], $0x5FFFF  }
0xbc: {  	[dreg:$0x1] =	wrdreg $0xFFFFFFFF  }
0xbd: {  	[dreg:$0x0] =	wrdreg $0x60  }
0xbe: {  	[dreg:$0x2] =	wrdreg s4  }
0xbf: {  	[dreg:$0x3] =	wrdreg s24  }
0xc0: {  	[dreg:$0x4] =	wrdreg s18  }
0xc1: {  	[dreg:$0x5] =	wrdreg $0xA8800  }
0xc2: {  	[dreg:$0x6] =	wrdreg $0x9  }
0xc3: {  	_ =	task.clear_ibuf [dreg:s22], $0x7FFFF;
	_ =	strace $0x90000049  }
0xc4: {  	s29 =	simm.s32 $0x9;
	_ =	strace $0x8000004B  }
0xc5: {  	_ =	swait.ge [sflag:s29], $0x1  }
0xc6: {  	[sflag:s29] =	ssyncadd.s32 $0xFFFFFFFF  }
0xc7: {  	_ =	strace $0x9000004B  }
0xc8: {  	_ =	sfence  }
0xc9: {  	s30 =	sld [smem:$0x0];
	_ =	sdelay $0x2  }
0xca: {  	s31 =	sshll.u32 s1, $0xD;
	s1 =	sshrl.u32 s1, $0x2  }
0xcb: {  	s4 =	sand.u32 $0x4000, s31;
	s1 =	sadd.s32 s1, s30  }
0xcc: {  	s0 =	sor.u32 s4, s0;
	s1 =	sshll.u32 s1, $0x11  }
0xcd: {  	s0 =	sor.u32 s1, s0  }
0xce: {  	s0 =	sadd.s32 $0x8F2B, s0  }
0xcf: {  	[sflag:s0] =	ssyncadd.remote.s32 $0x1  }
0xd0: {  	_ =	sfence.sel $0xFFFF  }
0xd1: {  	[dreg:$0x0] =	wrdreg $0xFFFFFFFF;
	(pc) =	sbr.abs _section_cstart, $3  }
0xd2: {  	[dreg:$0x1] =	wrdreg $0xFFFFFFFF  }
0xd3: {  	_ =	task.clear_ibuf [dreg:s22], $0x2FFFF;
	_ =	strace $0x9FFFFFFF  }
0xd4: {  	(tm) =	ssettm $0x7FFFFFFF  }
0xd5: {  	_ =	shalt  }
tec
execute0_lowered:
.L_overlay_start_1:
0x0: {  	(tag) =	ssettag $0x1  }
0x1: {  	s1 =	rddreg [dreg:$0x0]  }
0x2: {  	s8 =	rddreg [dreg:$0x1]  }
0x3: {  	s2 =	srdreg.scid;
	s3 =	rddreg [dreg:$0x2]  }
0x4: {  	s0 =	stileid.u32;
	s4 =	rddreg [dreg:$0x3];
	s6 =	simm.s32 $0x0  }
0x5: {  	s17 =	simm.s32 $0xA800;
	s18 =	simm.s32 $0x80;
	s19 =	simm.s32 $0x2800  }
0x6: {  	s20 =	simm.s32 $0x6800;
	s21 =	simm.s32 $0x1;
	s22 =	simm.s32 $0x0  }
0x7: {  	s9 =	sand.u32 $0x1, s2;
	s26 =	sshll.u32 s0, $0x1;
	s10 =	smul.u32 $0x13C00, s0  }
0x8: {  	[smem:$0x7FF] =	sst s6;
	s7 =	sadd.s32 $0x501A00, s8;
	s28 =	smul.u32 $0x4F000, s0  }
0x9: {  	s31 =	sshll.u32 s0, $0x6;
	s2 =	sor.u32 s9, s26;
	s12 =	smul.u32 $0x13C000, s9  }
0xa: {  	s9 =	ssub.s32 $0x2, s9;
	s5 =	smul.u32 $0x1400, s2;
	s2 =	rddreg [dreg:$0x4]  }
0xb: {  	_ =	strace $0x8000004A;
	s13 =	sshrl.u32 s10, $0x3;
	s29 =	sshrl.u32 s9, $0x1  }
0xc: {  	s30 =	sshrl.u32 s28, $0x2;
	s10 =	sadd.s32 s10, s12;
	s13 =	sadd.s32 s13, s8  }
0xd: {  	s15 =	ssub.s32 s9, s29;
	s16 =	sadd.s32 s30, s4;
	s11 =	sshrl.u32 s5, $0x3  }
0xe: {  	s9 =	sor.u32 $0x1C02, s31;
	s10 =	sshrl.u32 s10, $0x3;
	s11 =	sadd.s32 s11, s8  }
0xf: {  	s14 =	sadd.s32 s10, s8;
	s8 =	sadd.s32 $0x6A00, s13;
	s13 =	smax.u32 s15, $0x1  }
0x10: {  	s15 =	simm.s32 $0x2;
	s10 =	sadd.s32 $0x277A00, s11;
	s11 =	sadd.s32 $0x27CA00, s11  }
0x11: {  	s12 =	sadd.s32 $0x7D200, s14;
	s14 =	sshrl.u32 s16, $0x3;
	s16 =	simm.s32 $0x1400  }
.LBB2_1:
0x12: {  	[spmem:s14], [sflag:s9] =	dma.local [hbm:s8], $0x2780  }
0x13: {  	_ =	swait.ge [sflag:s15], $0x2780  }
0x14: {  	[sflag:s15] =	ssyncset.done $0x0  }
0x15: {  	[sflag:s15] =	ssyncadd.s32 $0xFFFFD880  }
0x16: {  	[tilespmem:s6], [sflag:$0x2] =	stream.linear.gather [hbm4b:s10+s6], $0x1400, $0x38;
	[tilespmem:$0x1E480] =	vst v63  }
0x17: {  	_ =	swait.ge [sflag:s15], $0x1400  }
0x18: {  	[sflag:s15] =	ssyncset.done $0x0  }
0x19: {  	[sflag:s15] =	ssyncadd.s32 $0xFFFFEC00  }
0x1a: {  	[tilespmem:s16], [sflag:$0x2] =	stream.linear.gather [hbm4b:s11+s6], $0x1400, $0x38;
	[tilespmem:$0x1E480] =	vst v63  }
0x1b: {  	_ =	swait.ge [sflag:s15], $0x1400  }
0x1c: {  	[sflag:s15] =	ssyncset.done $0x0  }
0x1d: {  	[sflag:s15] =	ssyncadd.s32 $0xFFFFEC00  }
0x1e: {  	[tilespmem:s17], [sflag:$0x2] =	stream.linear.gather [hbm4b:s3+s6], $0x80, $0x38;
	[tilespmem:$0x1E480] =	vst v63  }
0x1f: {  	_ =	swait.ge [sflag:s15], $0x80  }
0x20: {  	[sflag:s15] =	ssyncset.done $0x0  }
0x21: {  	[sflag:s15] =	ssyncadd.s32 $0xFFFFFF80  }
0x22: {  	s23 =	simm.s32 $0x0;
	[bflag:$0x0] =	sbarrier.arrive $0xFFFF  }
.LBB2_2:
0x23: {  	s24 =	sshll.u32 s23, $0x7  }
0x24: {  	[tilespmem:s19], [sflag:$0x1] =	stream.indirect.gather [hbm4b:s1+s18], $0x80, s24, s18, $0xb8;
	[tilespmem:$0x1E480] =	vst v63  }
0x25: {  	s25 =	sadd.s32 s5, s24  }
0x26: {  	s25 =	sshll.u32 s25, $0x4  }
0x27: {  	s26 =	simm.s32 $0x0;
	s25 =	sadd.s32 s7, s25  }
0x28: {  	[tilespmem:s20], [sflag:$0x2] =	stream.linear.gather [hbm4b:s25+s26], $0x4000, $0x38;
	[tilespmem:$0x1E480] =	vst v63  }
0x29: {  	_ =	swait.ge [sflag:s15], $0x4000  }
0x2a: {  	[sflag:s15] =	ssyncset.done $0x0  }
0x2b: {  	[sflag:s15] =	ssyncadd.s32 $0xFFFFC000  }
0x2c: {  	_ =	swait.ge [sflag:s21], $0x4000  }
0x2d: {  	[sflag:s21] =	ssyncset.done $0x0  }
0x2e: {  	s25 =	simm.s32 $0x0;
	[sflag:s21] =	ssyncadd.s32 $0xFFFFC000  }
0x2f: {  	v0 =	vld [tilespmem:s25+$0x6800]  }
0x30: {  	v1 =	vld [tilespmem:s25+$0x2800];
	_ =	sdelay $0x1  }
0x31: {  	v2 =	vld [tilespmem:$0xA800];
	_ =	sdelay $0x2  }
0x32: {  	v0 =	vadd.f32 v0, v1;
	_ =	sdelay $0x1  }
0x33: {  	v1 =	vld [tilespmem:s25+$0x6810];
	v0 =	vadd.f32 v2, v0  }
0x34: {  	v2 =	vld [tilespmem:s25+$0x2810]  }
0x35: {  	[tilespmem:s25+$0x2800] =	vst v0  }
0x36: {  	v0 =	vld [tilespmem:$0xA810];
	_ =	sdelay $0x2  }
0x37: {  	v1 =	vadd.f32 v1, v2;
	_ =	sdelay $0x1  }
0x38: {  	v2 =	vld [tilespmem:s25+$0x2820];
	v0 =	vadd.f32 v0, v1  }
0x39: {  	v1 =	vld [tilespmem:s25+$0x6820]  }
0x3a: {  	[tilespmem:s25+$0x2810] =	vst v0  }
0x3b: {  	v0 =	vld [tilespmem:$0xA820];
	_ =	sdelay $0x2  }
0x3c: {  	v1 =	vadd.f32 v1, v2;
	_ =	sdelay $0x1  }
0x3d: {  	v2 =	vld [tilespmem:s25+$0x2830];
	v0 =	vadd.f32 v0, v1  }
0x3e: {  	v1 =	vld [tilespmem:s25+$0x6830]  }
0x3f: {  	[tilespmem:s25+$0x2820] =	vst v0  }
0x40: {  	v0 =	vld [tilespmem:$0xA830];
	_ =	sdelay $0x2  }
0x41: {  	v1 =	vadd.f32 v1, v2;
	_ =	sdelay $0x1  }
0x42: {  	v2 =	vld [tilespmem:s25+$0x2840];
	v0 =	vadd.f32 v0, v1  }
0x43: {  	v1 =	vld [tilespmem:s25+$0x6840]  }
0x44: {  	[tilespmem:s25+$0x2830] =	vst v0  }
0x45: {  	v0 =	vld [tilespmem:$0xA840];
	_ =	sdelay $0x2  }
0x46: {  	v1 =	vadd.f32 v1, v2;
	_ =	sdelay $0x1  }
0x47: {  	v2 =	vld [tilespmem:s25+$0x2850];
	v0 =	vadd.f32 v0, v1  }
0x48: {  	v1 =	vld [tilespmem:s25+$0x6850]  }
0x49: {  	[tilespmem:s25+$0x2840] =	vst v0  }
0x4a: {  	v0 =	vld [tilespmem:$0xA850];
	_ =	sdelay $0x2  }
0x4b: {  	v1 =	vadd.f32 v1, v2;
	_ =	sdelay $0x1  }
0x4c: {  	v2 =	vld [tilespmem:s25+$0x2860];
	v0 =	vadd.f32 v0, v1  }
0x4d: {  	v1 =	vld [tilespmem:s25+$0x6860]  }
0x4e: {  	[tilespmem:s25+$0x2850] =	vst v0  }
0x4f: {  	v0 =	vld [tilespmem:$0xA860];
	_ =	sdelay $0x2  }
0x50: {  	v1 =	vadd.f32 v1, v2;
	_ =	sdelay $0x1  }
0x51: {  	v2 =	vld [tilespmem:s25+$0x2870];
	v0 =	vadd.f32 v0, v1  }
0x52: {  	v1 =	vld [tilespmem:s25+$0x6870]  }
0x53: {  	[tilespmem:s25+$0x2860] =	vst v0  }
0x54: {  	v3 =	vld [tilespmem:$0xA870];
	_ =	sdelay $0x2  }
0x55: {  	v1 =	vadd.f32 v1, v2  }
0x56: {  	s28 =	simm.s32 $0x80  }
0x57: {  	s26 =	simm.s32 $0x400;
	v0 =	vld [tilespmem:s28+$0x6800];
	v1 =	vadd.f32 v3, v1  }
.LBB2_3:
0x58: {  	p0 =	sne.s32 s26, $0xFE00;
	v2 =	vld [tilespmem:s28+$0x2800]  }
0x59: {  	[tilespmem:s25+$0x2870] =	vst v1;
	s25 =	smov.u32 s28  }
0x5a: {  	v1 =	vld [tilespmem:$0xA800];
	_ =	sdelay $0x2  }
0x5b: {  	v0 =	vadd.f32 v0, v2;
	_ =	sdelay $0x1  }
0x5c: {  	v0 =	vadd.f32 v1, v0;
	v1 =	vld [tilespmem:s25+$0x6810]  }
0x5d: {  	v2 =	vld [tilespmem:s25+$0x2810]  }
0x5e: {  	[tilespmem:s25+$0x2800] =	vst v0  }
0x5f: {  	v0 =	vld [tilespmem:$0xA810];
	_ =	sdelay $0x2  }
0x60: {  	v1 =	vadd.f32 v1, v2;
	_ =	sdelay $0x1  }
0x61: {  	v0 =	vadd.f32 v0, v1;
	v1 =	vld [tilespmem:s25+$0x6820]  }
0x62: {  	v2 =	vld [tilespmem:s25+$0x2820]  }
0x63: {  	[tilespmem:s25+$0x2810] =	vst v0  }
0x64: {  	v0 =	vld [tilespmem:$0xA820];
	_ =	sdelay $0x2  }
0x65: {  	v1 =	vadd.f32 v1, v2;
	_ =	sdelay $0x1  }
0x66: {  	v0 =	vadd.f32 v0, v1;
	v1 =	vld [tilespmem:s25+$0x6830]  }
0x67: {  	v2 =	vld [tilespmem:s25+$0x2830]  }
0x68: {  	[tilespmem:s25+$0x2820] =	vst v0  }
0x69: {  	v0 =	vld [tilespmem:$0xA830];
	_ =	sdelay $0x2  }
0x6a: {  	v1 =	vadd.f32 v1, v2;
	_ =	sdelay $0x1  }
0x6b: {  	v0 =	vadd.f32 v0, v1;
	v1 =	vld [tilespmem:s25+$0x6840]  }
0x6c: {  	v2 =	vld [tilespmem:s25+$0x2840]  }
0x6d: {  	[tilespmem:s25+$0x2830] =	vst v0  }
0x6e: {  	v0 =	vld [tilespmem:$0xA840];
	_ =	sdelay $0x2  }
0x6f: {  	v1 =	vadd.f32 v1, v2;
	_ =	sdelay $0x1  }
0x70: {  	v0 =	vadd.f32 v0, v1;
	v1 =	vld [tilespmem:s25+$0x6850]  }
0x71: {  	v2 =	vld [tilespmem:s25+$0x2850]  }
0x72: {  	[tilespmem:s25+$0x2840] =	vst v0  }
0x73: {  	v0 =	vld [tilespmem:$0xA850];
	_ =	sdelay $0x2  }
0x74: {  	v1 =	vadd.f32 v1, v2;
	_ =	sdelay $0x1  }
0x75: {  	v0 =	vadd.f32 v0, v1;
	v1 =	vld [tilespmem:s25+$0x6860]  }
0x76: {  	v2 =	vld [tilespmem:s25+$0x2860]  }
0x77: {  	[tilespmem:s25+$0x2850] =	vst v0  }
0x78: {  	v0 =	vld [tilespmem:$0xA860];
	_ =	sdelay $0x2  }
0x79: {  	v1 =	vadd.f32 v1, v2;
	_ =	sdelay $0x1  }
0x7a: {  	v0 =	vadd.f32 v0, v1;
	v1 =	vld [tilespmem:s25+$0x6870]  }
0x7b: {  	v2 =	vld [tilespmem:s25+$0x2870]  }
0x7c: {  	[tilespmem:s25+$0x2860] =	vst v0  }
0x7d: {  	v3 =	vld [tilespmem:$0xA870]  }
.Ltmp0:
0x7e: {  	(pc) =	sbr.rel @p0 .LBB2_3-.Ltmp0, $4  }
0x7f: {  	_ = 	snop  }
0x80: {  	v1 =	vadd.f32 v1, v2  }
0x81: {  	s28 =	sshra.s32 s26, $0x2  }
0x82: {  	s26 =	sadd.s32 $0x200, s26;
	v0 =	vld [tilespmem:s28+$0x6800];
	v1 =	vadd.f32 v3, v1  }
0x83: {  	v2 =	vld [tilespmem:s28+$0x2800]  }
0x84: {  	[tilespmem:s25+$0x2870] =	vst v1  }
0x85: {  	v1 =	vld [tilespmem:$0xA800];
	_ =	sdelay $0x2  }
0x86: {  	v0 =	vadd.f32 v0, v2;
	_ =	sdelay $0x1  }
0x87: {  	v50 =	vld [tilespmem:s28+$0x6810];
	v0 =	vadd.f32 v1, v0  }
0x88: {  	v51 =	vld [tilespmem:s28+$0x2810]  }
0x89: {  	[tilespmem:s28+$0x2800] =	vst v0  }
0x8a: {  	v0 =	vld [tilespmem:$0xA810];
	_ =	sdelay $0x2  }
0x8b: {  	v1 =	vadd.f32 v50, v51;
	_ =	sdelay $0x1  }
0x8c: {  	v52 =	vld [tilespmem:s28+$0x6820];
	v0 =	vadd.f32 v0, v1  }
0x8d: {  	v53 =	vld [tilespmem:s28+$0x2820]  }
0x8e: {  	[tilespmem:s28+$0x2810] =	vst v0  }
0x8f: {  	v0 =	vld [tilespmem:$0xA820];
	_ =	sdelay $0x2  }
0x90: {  	v1 =	vadd.f32 v52, v53;
	_ =	sdelay $0x1  }
0x91: {  	v54 =	vld [tilespmem:s28+$0x6830];
	v0 =	vadd.f32 v0, v1  }
0x92: {  	v55 =	vld [tilespmem:s28+$0x2830]  }
0x93: {  	[tilespmem:s28+$0x2820] =	vst v0  }
0x94: {  	v0 =	vld [tilespmem:$0xA830];
	_ =	sdelay $0x2  }
0x95: {  	v1 =	vadd.f32 v54, v55;
	_ =	sdelay $0x1  }
0x96: {  	v56 =	vld [tilespmem:s28+$0x6840];
	v0 =	vadd.f32 v0, v1  }
0x97: {  	v57 =	vld [tilespmem:s28+$0x2840]  }
0x98: {  	[tilespmem:s28+$0x2830] =	vst v0  }
0x99: {  	v0 =	vld [tilespmem:$0xA840];
	_ =	sdelay $0x2  }
0x9a: {  	v1 =	vadd.f32 v56, v57;
	_ =	sdelay $0x1  }
0x9b: {  	v58 =	vld [tilespmem:s28+$0x6850];
	v0 =	vadd.f32 v0, v1  }
0x9c: {  	v59 =	vld [tilespmem:s28+$0x2850]  }
0x9d: {  	[tilespmem:s28+$0x2840] =	vst v0  }
0x9e: {  	v0 =	vld [tilespmem:$0xA850];
	_ =	sdelay $0x2  }
0x9f: {  	v1 =	vadd.f32 v58, v59;
	_ =	sdelay $0x1  }
0xa0: {  	v60 =	vld [tilespmem:s28+$0x6860];
	v0 =	vadd.f32 v0, v1  }
0xa1: {  	v61 =	vld [tilespmem:s28+$0x2860]  }
0xa2: {  	[tilespmem:s28+$0x2850] =	vst v0  }
0xa3: {  	v0 =	vld [tilespmem:$0xA860];
	_ =	sdelay $0x2  }
0xa4: {  	v1 =	vadd.f32 v60, v61;
	_ =	sdelay $0x1  }
0xa5: {  	v62 =	vld [tilespmem:s28+$0x6870];
	v0 =	vadd.f32 v0, v1  }
0xa6: {  	v63 =	vld [tilespmem:s28+$0x2870]  }
0xa7: {  	[tilespmem:s28+$0x2860] =	vst v0  }
0xa8: {  	v0 =	vld [tilespmem:$0xA870];
	_ =	sdelay $0x2  }
0xa9: {  	v1 =	vadd.f32 v62, v63;
	_ =	sdelay $0x1  }
0xaa: {  	s23 =	sadd.s32 $0x1, s23;
	v0 =	vadd.f32 v0, v1  }
0xab: {  	p0 =	sne.s32 s23, $0x28  }
.Ltmp1:
0xac: {  	s24 =	sadd.s32 $0x1400, s24;
	[tilespmem:s28+$0x2870] =	vst v0;
	(pc) =	sbr.rel @p0 .LBB2_2-.Ltmp1, $4  }
0xad: {  	[spmem:s4] =	stream.indirect.scatter.add.f32 [tilespmem:s19], [sflag:$0x2], $0x80, s24, s18, $0xb8;
	[tilespmem:$0x1E480] =	vst v63  }
0xae: {  	_ =	swait.ge [sflag:s15], $0x4000  }
0xaf: {  	[sflag:s15] =	ssyncset.done $0x0  }
0xb0: {  	[sflag:s15] =	ssyncadd.s32 $0xFFFFC000  }
0xb1: {  	s22 =	sadd.s32 $0x1, s22  }
0xb2: {  	p0 =	sne.s32 s22, s13  }
.Ltmp2:
0xb3: {  	[bflag:$0x0] =	sbarrier.arrive $0xFFFF;
	(pc) =	sbr.rel @p0 .LBB2_1-.Ltmp2, $4  }
0xb4: {  	[hbm:s12], [sflag:s9] =	dma.local [spmem:s14], $0x2780  }
0xb5: {  	_ =	swait.ge [sflag:s15], $0x2780  }
0xb6: {  	[sflag:s15] =	ssyncset.done $0x0  }
0xb7: {  	[sflag:s15] =	ssyncadd.s32 $0xFFFFD880  }
0xb8: {  	_ =	sfence.sel $0x180000  }
0xb9: {  	[bflag:$0x0] =	sbarrier.arrive $0xFFFF  }
0xba: {  	p0 =	sne.s32 s0, $0x0;
	_ =	strace $0x9000004A  }
0xbb: {  	s0 =	sadd.s32 @!p0 $0x100000, s2;
	[bflag:$0x2] =	sbarrier.arrive $0xFFFF  }
0xbc: {  	[sflag:s0] =	ssyncadd.tile.s32 @!p0 $0x1;
	_ =	shalt  }
.Lfunc_end2:
_tile_overlayer_lowered:
.L_overlay_start_2:
0xbd: {  	(tag) =	ssettag $0x2  }
0xbe: {  	s0 =	rddreg [dreg:$0x0];
	s2 =	stileid.u32  }
0xbf: {  	s1 =	rddreg [dreg:$0x1];
	p0 =	sne.s32 s2, $0x0  }
0xc0: {  	s3 =	rddreg [dreg:$0x2];
	[bflag:$0x3] =	sbarrier.arrive $0xFFFF;
	s2 =	simm.s32 @!p0 $0x1C02  }
0xc1: {  	[timem:s3], [sflag:s2] =	dma.local @!p0 [hbm:s0], s1  }
0xc2: {  	s0 =	simm.s32 @!p0 $0x2  }
0xc3: {  	_ =	swait.ge @!p0 [sflag:s0], s1  }
0xc4: {  	s1 =	ssub.s32 @!p0 $0x0, s1;
	[sflag:s0] =	ssyncset.done @!p0 $0x0  }
0xc5: {  	[sflag:s0] =	ssyncadd.s32 @!p0 s1  }
0xc6: {  	[bflag:$0x3] =	sbarrier.arrive $0xFFFF  }
0xc7: {  	_ =	shalt  }

// kernel: kernel.29.cloned.1.call-start
scs
__scs_entry_jumppad:
0x0: {  	(pc) =	sbr.rel $0x88, $3  }
0x1: {  	(tag) =	ssettag $0x0;
	lr =	simm.s32 $0x1  }
0x2: {  	[smem:$0x3F96] =	sst lr;
	_ =	strace $0xD0000000  }
0x3: {  	_ = 	snop  }
0x4: {  	_ = 	snop  }
0x5: {  	_ = 	snop  }
0x6: {  	_ = 	snop  }
0x7: {  	_ = 	snop  }
__scs_overlays_trampoline_lowered:
0x8: {  	[smem:$0x3FA5] =	sst s0  }
0x9: {  	[smem:$0x3FA6] =	sst s1  }
0xa: {  	[smem:$0x3FA7] =	sst s2  }
0xb: {  	[smem:$0x3FA8] =	sst s3  }
0xc: {  	[smem:$0x3FA9] =	sst s4  }
0xd: {  	[smem:$0x3FAA] =	sst s5  }
0xe: {  	[smem:$0x3FAB] =	sst s6  }
0xf: {  	[smem:$0x3FAC] =	sst s7  }
0x10: {  	[smem:$0x3FAD] =	sst s8  }
0x11: {  	[smem:$0x3FAE] =	sst s9;
	s0 =	simm.s32 @!p0 $0x0  }
0x12: {  	s1 =	sld [smem:$0x3F94];
	s0 =	simm.s32 @p0 $0x1  }
0x13: {  	[smem:$0x3FAF] =	sst s0;
	s0 =	simm.s32 @!p1 $0x0  }
0x14: {  	s2 =	sld [smem:$0x3F93];
	s0 =	simm.s32 @p1 $0x1  }
0x15: {  	[smem:$0x3FB0] =	sst s0;
	s0 =	simm.s32 @!p2 $0x0  }
0x16: {  	s3 =	sld [smem:$0x3FDB];
	s0 =	simm.s32 @p2 $0x1  }
0x17: {  	s4 =	simm.s32 $0x1BF5;
	[smem:$0x3FB2] =	sst s0  }
0x18: {  	s0 =	sld [smem:$0x3F95];
	_ =	swait.ge [sflag:s4], $0x0  }
0x19: {  	s7 =	sld [smem:$0x3F96]  }
0x1a: {  	s8 =	sadd.s32 $0xFFFFE003, lr  }
0x1b: {  	s9 =	sadd.s32 $0xFFFFFEF7, lr;
	s5 =	simm.s32 $0xFFFFFFFF;
	p2 =	slt.u32 s8, $0xFFFFF086  }
0x1c: {  	p1 =	slt.u32 s9, $0xF7A;
	s5 =	simm.s32 @!p2 $0x0  }
0x1d: {  	s5 =	simm.s32 @p1 $0x1;
	p0 =	seq.s32 s7, s2  }
0x1e: {  	s7 =	smul.u32 @!p0 $0xF7A, s2;
	p2 =	seq.s32 @!p0 s5, $0x0  }
0x1f: {  	s9 =	smul.u32 $0xF7A, s1;
	s8 =	simm.s32 @!p0 $0x1BF5;
	p2 =	por !p2, p0  }
0x20: {  	[sflag:s8] =	ssyncset.s32 @!p0 $0xFFFFF086;
	s6 =	sadd.s32 @!p0 s3, s7;
	s7 =	simm.s32 @!p0 $0x108  }
0x21: {  	s3 =	sadd.s32 s3, s9;
	s6 =	sadd.s32 @!p0 $0x88, s6;
	s7 =	simm.s32 @p2 $0x1082  }
0x22: {  	[simem:s7], [sflag:s8] =	dma.local @!p0 [hbm:s6], $0xF7A  }
0x23: {  	s9 =	sor.u32 $0xD0000000, s2;
	s6 =	simm.s32 $0x108;
	_ =	swait.ge @!p0 [sflag:s8], $0x0  }
0x24: {  	s3 =	sadd.s32 $0x88, s3;
	s6 =	simm.s32 @!p1 $0x1082;
	[sflag:s4] =	ssyncset.s32 $0xFFFFF086  }
0x25: {  	[simem:s6], [sflag:s4] =	dma.local [hbm:s3], $0xF7A  }
0x26: {  	[smem:$0x3F96] =	sst s1;
	(tag) =	ssettag s2;
	_ =	strace s9  }
0x27: {  	s1 =	sld [smem:$0x3FA6]  }
0x28: {  	s2 =	sld [smem:$0x3FA7]  }
0x29: {  	s4 =	sld [smem:$0x3FA9]  }
0x2a: {  	p0 =	seq.s32 s5, $0x0;
	s5 =	sld [smem:$0x3FAA]  }
0x2b: {  	s6 =	sld [smem:$0x3FAB]  }
0x2c: {  	s7 =	sld [smem:$0x3FAC]  }
0x2d: {  	s3 =	simm.s32 $0x108;
	s8 =	sld [smem:$0x3FAD]  }
0x2e: {  	s3 =	simm.s32 @!p0 $0x1082;
	s9 =	sld [smem:$0x3FAE]  }
0x2f: {  	lr =	sadd.s32 s0, s3;
	s0 =	sld [smem:$0x3FA5]  }
0x30: {  	s3 =	sld [smem:$0x3FA8]  }
0x31: {  	[smem:$0x3FB1] =	sst s10  }
0x32: {  	s10 =	sld [smem:$0x3FAF];
	_ =	sdelay $0x3  }
0x33: {  	p0 =	seq.s32 s10, $0x1;
	s10 =	sld [smem:$0x3FB1];
	_ =	sdelay $0x3  }
0x34: {  	[smem:$0x3FB1] =	sst s10  }
0x35: {  	s10 =	sld [smem:$0x3FB0];
	_ =	sdelay $0x3  }
0x36: {  	p1 =	seq.s32 s10, $0x1;
	s10 =	sld [smem:$0x3FB1];
	_ =	sdelay $0x3  }
0x37: {  	[smem:$0x3FB1] =	sst s10  }
0x38: {  	s10 =	sld [smem:$0x3FB2]  }
0x39: {  	_ = 	snop;
	(pc) =	sbr.ind lr, $3  }
0x3a: {  	_ = 	snop  }
0x3b: {  	_ = 	snop  }
0x3c: {  	p2 =	seq.s32 s10, $0x1;
	s10 =	sld [smem:$0x3FB1]  }
0x3d: {  	_ =	shalt  }
0x3e: {  	_ =	shalt  }
0x3f: {  	_ =	shalt  }
0x40: {  	_ =	shalt  }
0x41: {  	_ =	shalt  }
0x42: {  	_ =	shalt  }
0x43: {  	_ =	shalt  }
0x44: {  	_ =	shalt  }
0x45: {  	_ =	shalt  }
0x46: {  	_ =	shalt  }
0x47: {  	_ =	shalt  }
0x48: {  	_ =	shalt  }
0x49: {  	_ =	shalt  }
0x4a: {  	_ =	shalt  }
0x4b: {  	_ =	shalt  }
0x4c: {  	_ =	shalt  }
0x4d: {  	_ =	shalt  }
0x4e: {  	_ =	shalt  }
0x4f: {  	_ =	shalt  }
0x50: {  	_ =	shalt  }
0x51: {  	_ =	shalt  }
0x52: {  	_ =	shalt  }
0x53: {  	_ =	shalt  }
0x54: {  	_ =	shalt  }
0x55: {  	_ =	shalt  }
0x56: {  	_ =	shalt  }
0x57: {  	_ =	shalt  }
0x58: {  	_ =	shalt  }
0x59: {  	_ =	shalt  }
0x5a: {  	_ =	shalt  }
0x5b: {  	_ =	shalt  }
0x5c: {  	_ =	shalt  }
0x5d: {  	_ =	shalt  }
0x5e: {  	_ =	shalt  }
0x5f: {  	_ =	shalt  }
0x60: {  	_ =	shalt  }
0x61: {  	_ =	shalt  }
0x62: {  	_ =	shalt  }
0x63: {  	_ =	shalt  }
0x64: {  	_ =	shalt  }
0x65: {  	_ =	shalt  }
0x66: {  	_ =	shalt  }
0x67: {  	_ =	shalt  }
0x68: {  	_ =	shalt  }
0x69: {  	_ =	shalt  }
0x6a: {  	_ =	shalt  }
0x6b: {  	_ =	shalt  }
0x6c: {  	_ =	shalt  }
0x6d: {  	_ =	shalt  }
0x6e: {  	_ =	shalt  }
0x6f: {  	_ =	shalt  }
0x70: {  	_ =	shalt  }
0x71: {  	_ =	shalt  }
0x72: {  	_ =	shalt  }
0x73: {  	_ =	shalt  }
0x74: {  	_ =	shalt  }
0x75: {  	_ =	shalt  }
0x76: {  	_ =	shalt  }
0x77: {  	_ =	shalt  }
0x78: {  	_ =	shalt  }
0x79: {  	_ =	shalt  }
0x7a: {  	_ =	shalt  }
0x7b: {  	_ =	shalt  }
0x7c: {  	_ =	shalt  }
0x7d: {  	_ =	shalt  }
0x7e: {  	_ =	shalt  }
0x7f: {  	_ =	shalt  }
0x80: {  	_ =	shalt  }
0x81: {  	_ =	shalt  }
0x82: {  	_ =	shalt  }
0x83: {  	_ =	shalt  }
0x84: {  	_ =	shalt  }
0x85: {  	_ =	shalt  }
0x86: {  	_ =	shalt  }
0x87: {  	_ =	shalt  }
.Lfunc_end0:
.L_simem_size_0:
called_computation.2_lowered:
.L_overlay_start_0:
0x88: {  	s2 =	sld [smem:$0x3FD9]  }
0x89: {  	s3 =	sld [smem:$0x3FFE];
	_ =	sdelay $0x1  }
0x8a: {  	s1 =	srdreg.scid  }
0x8b: {  	s0 =	sand.u32 $0x1, s1  }
0x8c: {  	s17 =	sshll.u32 s0, $0xA;
	s2 =	sadd.s32 s3, s2  }
0x8d: {  	s2 =	sadd.s32 s2, s17  }
0x8e: {  	[smem:$0x3FBD] =	sst s2  }
0x8f: {  	_ = 	snop  }
0x90: {  	(tm) =	ssettm $0x1  }
0x91: {  	s18 =	sld [smem:$0x3FFB];
	_ =	sdelay $0x3  }
0x92: {  	_ =	strace s18  }
0x93: {  	s2 =	sld [smem:$0x3FFC];
	_ =	sdelay $0x3  }
0x94: {  	_ =	strace s2  }
0x95: {  	s2 =	sld [smem:$0x3FFD];
	_ =	sdelay $0x3  }
0x96: {  	_ =	strace s2  }
0x97: {  	_ =	strace $0x8FFFFFFF  }
0x98: {  	s19 =	sld [smem:$0x3FDB];
	_ =	sdelay $0x1  }
0x99: {  	s20 =	simm.s32 $_scs_section_size  }
0x9a: {  	s4 =	simm.s32 $_size__tile_overlayer_lowered;
	s5 =	simm.s32 $_tile_overlayer_lowered  }
0x9b: {  	s6 =	simm.s32 $0x1BFF;
	s21 =	sshll.u32 s5, $0x1;
	s3 =	sadd.s32 s20, s19  }
0x9c: {  	s22 =	simm.s32 $0x0;
	s4 =	sshll.u32 s4, $0x1;
	s5 =	sadd.s32 s21, s3  }
0x9d: {  	[timem:s22], [sflag:s6] =	dma.local [hbm:s5], s4  }
0x9e: {  	_ =	swait.ge [sflag:s6], s4  }
0x9f: {  	s4 =	ssub.s32 $0x0, s4;
	[sflag:s6] =	ssyncset.done $0x0  }
0xa0: {  	[sflag:s6] =	ssyncadd.s32 s4;
	_ =	sdelay $0x1  }
0xa1: {  	s23 =	simm.s32 $0x1B8B  }
0xa2: {  	_ =	swait.ge [sflag:s23], $0x1  }
0xa3: {  	[sflag:s23] =	ssyncset.done $0x0  }
0xa4: {  	[sflag:s23] =	ssyncadd.s32 $0xFFFFFFFF  }
0xa5: {  	s4 =	sld [smem:$0x0]  }
0xa6: {  	s5 =	sand.u32 $0xFFFFFFFE, s1  }
0xa7: {  	p0 =	sne.s32 s1, s5  }
0xa8: {  	s5 =	sshll.u32 @p0 s5, $0xE  }
0xa9: {  	s5 =	sadd.s32 @p0 $0x11B8D, s5;
	s6 =	sshll.u32 @p0 s4, $0x11  }
0xaa: {  	s5 =	sor.u32 @p0 s6, s5  }
0xab: {  	[sflag:s5] =	ssyncadd.remote.s32 @p0 $0x1;
	_ =	sdelay $0x1  }
0xac: {  	s5 =	simm.s32 @p0 $0x1B8D  }
0xad: {  	_ =	swait.eq @p0 [sflag:s5], $0x1  }
0xae: {  	[sflag:s5] =	ssyncadd.s32 @p0 $0xFFFFFFFF  }
0xaf: {  	s6 =	sshll.u32 @!p0 s1, $0xE  }
0xb0: {  	s6 =	sor.u32 @!p0 $0x4000, s6;
	s5 =	simm.s32 @!p0 $0x1B8D  }
0xb1: {  	s4 =	sshll.u32 @!p0 s4, $0x11;
	s6 =	sadd.s32 @!p0 $0x11B8D, s6;
	_ =	swait.eq @!p0 [sflag:s5], $0x1  }
0xb2: {  	s4 =	sor.u32 @!p0 s4, s6;
	[sflag:s5] =	ssyncadd.s32 @!p0 $0xFFFFFFFF  }
0xb3: {  	s25 =	simm.s32 $0x1B8E;
	s24 =	sld [smem:$0x3FFE];
	[sflag:s4] =	ssyncadd.remote.s32 @!p0 $0x1  }
0xb4: {  	s26 =	simm.s32 $execute0_lowered;
	[smem:$0x3FD2] =	sst s25  }
0xb5: {  	s5 =	sshll.u32 s26, $0x1;
	_ =	strace $0x8000004C;
	[dreg:$0x1] =	wrdreg $0xFFFFFFFF  }
0xb6: {  	s28 =	simm.s32 $_size_execute0_lowered;
	s3 =	sadd.s32 s3, s5;
	[dreg:$0x0] =	wrdreg $0x0  }
0xb7: {  	s5 =	sshll.u32 s28, $0x1;
	[dreg:$0x2] =	wrdreg s3  }
0xb8: {  	[dreg:$0x3] =	wrdreg s5  }
0xb9: {  	[dreg:$0x4] =	wrdreg $0xC0  }
0xba: {  	_ =	task [dreg:s22], $0x5FFFF  }
0xbb: {  	[dreg:$0x1] =	wrdreg $0xFFFFFFFF  }
0xbc: {  	[dreg:$0x0] =	wrdreg $0x60  }
0xbd: {  	[dreg:$0x2] =	wrdreg s24  }
0xbe: {  	[dreg:$0x3] =	wrdreg $0x68000  }
0xbf: {  	[dreg:$0x4] =	wrdreg $0xA  }
0xc0: {  	_ =	task.clear_ibuf [dreg:s22], $0x5FFFF;
	_ =	strace $0x9000004C  }
0xc1: {  	s29 =	simm.s32 $0xA;
	_ =	strace $0x8000004E  }
0xc2: {  	_ =	swait.ge [sflag:s29], $0x1  }
0xc3: {  	[sflag:s29] =	ssyncadd.s32 $0xFFFFFFFF  }
0xc4: {  	_ =	strace $0x9000004E  }
0xc5: {  	_ =	sfence  }
0xc6: {  	s30 =	sld [smem:$0x0];
	_ =	sdelay $0x2  }
0xc7: {  	s31 =	sshll.u32 s1, $0xD;
	s1 =	sshrl.u32 s1, $0x2  }
0xc8: {  	s4 =	sand.u32 $0x4000, s31;
	s1 =	sadd.s32 s1, s30  }
0xc9: {  	s0 =	sor.u32 s4, s0;
	s1 =	sshll.u32 s1, $0x11  }
0xca: {  	s0 =	sor.u32 s1, s0  }
0xcb: {  	s0 =	sadd.s32 $0x8F2B, s0  }
0xcc: {  	[sflag:s0] =	ssyncadd.remote.s32 $0x1  }
0xcd: {  	_ =	sfence.sel $0xFFFF  }
0xce: {  	[dreg:$0x0] =	wrdreg $0xFFFFFFFF;
	(pc) =	sbr.abs _section_cstart, $3  }
0xcf: {  	[dreg:$0x1] =	wrdreg $0xFFFFFFFF  }
0xd0: {  	_ =	task.clear_ibuf [dreg:s22], $0x2FFFF;
	_ =	strace $0x9FFFFFFF  }
0xd1: {  	(tm) =	ssettm $0x7FFFFFFF  }
tec
execute0_lowered:
.L_overlay_start_1:
0x0: {  	(tag) =	ssettag $0x1  }
0x1: {  	s1 =	srdreg.scid;
	s5 =	rddreg [dreg:$0x0]  }
0x2: {  	s0 =	stileid.u32;
	s2 =	rddreg [dreg:$0x1];
	s3 =	simm.s32 $0x0  }
0x3: {  	s14 =	simm.s32 $0x80;
	s15 =	simm.s32 $0x2800;
	s16 =	simm.s32 $0x1  }
0x4: {  	s17 =	simm.s32 $0x0;
	s6 =	sand.u32 $0x1, s1;
	s1 =	rddreg [dreg:$0x2]  }
0x5: {  	s26 =	sshll.u32 s0, $0x1;
	[smem:$0x7FF] =	sst s3;
	s8 =	smul.u32 $0x13C00, s0  }
0x6: {  	s11 =	smul.u32 $0x4F000, s0;
	s30 =	sshll.u32 s0, $0x6;
	s4 =	sor.u32 s6, s26  }
0x7: {  	_ =	strace $0x8000004D;
	s9 =	smul.u32 $0x13C000, s6;
	s6 =	ssub.s32 $0x2, s6  }
0x8: {  	s7 =	smul.u32 $0x280, s4;
	s4 =	sadd.s32 $0x2E200, s5;
	s28 =	sshrl.u32 s8, $0x3  }
0x9: {  	s29 =	sshrl.u32 s6, $0x1;
	s31 =	sshrl.u32 s11, $0x2;
	s8 =	sadd.s32 s8, s9  }
0xa: {  	s13 =	ssub.s32 s6, s29;
	s6 =	sor.u32 $0x1C02, s30;
	s11 =	sadd.s32 s31, s2  }
0xb: {  	s10 =	sadd.s32 s7, s5;
	s7 =	sadd.s32 s28, s5;
	s8 =	sshrl.u32 s8, $0x3  }
0xc: {  	s11 =	sshrl.u32 s11, $0x3;
	s12 =	sadd.s32 s8, s5;
	s5 =	sadd.s32 $0x6A00, s7  }
0xd: {  	s7 =	sadd.s32 $0x277A00, s10;
	s8 =	sadd.s32 $0x27CA00, s10;
	s10 =	smax.u32 s13, $0x1  }
0xe: {  	s13 =	simm.s32 $0x1400;
	s9 =	sadd.s32 $0xCC200, s12;
	s12 =	simm.s32 $0x2  }
.LBB2_1:
0xf: {  	[spmem:s11], [sflag:s6] =	dma.local [hbm:s5], $0x2780  }
0x10: {  	_ =	swait.ge [sflag:s12], $0x2780  }
0x11: {  	[sflag:s12] =	ssyncset.done $0x0  }
0x12: {  	[sflag:s12] =	ssyncadd.s32 $0xFFFFD880  }
0x13: {  	[tilespmem:s3], [sflag:$0x2] =	stream.linear.gather [hbm4b:s7+s3], $0x1400, $0x38;
	[tilespmem:$0x1A400] =	vst v63  }
0x14: {  	_ =	swait.ge [sflag:s12], $0x1400  }
0x15: {  	[sflag:s12] =	ssyncset.done $0x0  }
0x16: {  	[sflag:s12] =	ssyncadd.s32 $0xFFFFEC00  }
0x17: {  	[tilespmem:s13], [sflag:$0x2] =	stream.linear.gather [hbm4b:s8+s3], $0x1400, $0x38;
	[tilespmem:$0x1A400] =	vst v63  }
0x18: {  	_ =	swait.ge [sflag:s12], $0x1400  }
0x19: {  	[sflag:s12] =	ssyncset.done $0x0  }
0x1a: {  	[sflag:s12] =	ssyncadd.s32 $0xFFFFEC00  }
0x1b: {  	s18 =	simm.s32 $0x0;
	[bflag:$0x0] =	sbarrier.arrive $0xFFFF  }
0x1c: {  	[tilespmem:s15], [sflag:$0x1] =	stream.indirect.gather [hbm4b:s4+s14], $0x80, s18, s14, $0xb8;
	[tilespmem:$0x1A400] =	vst v63  }
0x1d: {  	_ =	swait.ge [sflag:s16], $0x4000  }
0x1e: {  	[sflag:s16] =	ssyncset.done $0x0  }
0x1f: {  	s31 =	simm.s32 $0x1400;
	[sflag:s16] =	ssyncadd.s32 $0xFFFFC000  }
0x20: {  	[spmem:s2] =	stream.indirect.scatter.add.f32 [tilespmem:s15], [sflag:$0x2], $0x80, s31, s14, $0xb8;
	[tilespmem:$0x1A400] =	vst v63  }
0x21: {  	_ =	swait.ge [sflag:s12], $0x4000  }
0x22: {  	s19 =	simm.s32 $0x400;
	s18 =	simm.s32 $0x200;
	[sflag:s12] =	ssyncset.done $0x0  }
.LBB2_2:
0x23: {  	s20 =	sshra.s32 s18, $0x2  }
0x24: {  	[sflag:s12] =	ssyncadd.s32 $0xFFFFC000;
	s18 =	smov.u32 s19;
	s21 =	sadd.s32 $0x200, s19  }
0x25: {  	[tilespmem:s15], [sflag:$0x1] =	stream.indirect.gather [hbm4b:s4+s14], $0x80, s20, s14, $0xb8;
	[tilespmem:$0x1A400] =	vst v63  }
0x26: {  	p0 =	sne.s32 s19, $0x4E00;
	_ =	swait.ge [sflag:s16], $0x4000  }
.Ltmp0:
0x27: {  	[sflag:s16] =	ssyncset.done $0x0;
	(pc) =	sbr.rel @p0 .LBB2_2-.Ltmp0, $4  }
0x28: {  	s19 =	sadd.s32 $0x1400, s20;
	[sflag:s16] =	ssyncadd.s32 $0xFFFFC000  }
0x29: {  	[spmem:s2] =	stream.indirect.scatter.add.f32 [tilespmem:s15], [sflag:$0x2], $0x80, s19, s14, $0xb8;
	[tilespmem:$0x1A400] =	vst v63  }
0x2a: {  	_ =	swait.ge [sflag:s12], $0x4000  }
0x2b: {  	s19 =	smov.u32 s21;
	[sflag:s12] =	ssyncset.done $0x0  }
0x2c: {  	s18 =	sshra.s32 s18, $0x2;
	[sflag:s12] =	ssyncadd.s32 $0xFFFFC000  }
0x2d: {  	[tilespmem:s15], [sflag:$0x1] =	stream.indirect.gather [hbm4b:s4+s14], $0x80, s18, s14, $0xb8;
	[tilespmem:$0x1A400] =	vst v63  }
0x2e: {  	_ =	swait.ge [sflag:s16], $0x4000  }
0x2f: {  	[sflag:s16] =	ssyncset.done $0x0  }
0x30: {  	s18 =	sadd.s32 $0x1400, s18;
	[sflag:s16] =	ssyncadd.s32 $0xFFFFC000  }
0x31: {  	[spmem:s2] =	stream.indirect.scatter.add.f32 [tilespmem:s15], [sflag:$0x2], $0x80, s18, s14, $0xb8;
	[tilespmem:$0x1A400] =	vst v63  }
0x32: {  	_ =	swait.ge [sflag:s12], $0x4000  }
0x33: {  	s17 =	sadd.s32 $0x1, s17;
	[sflag:s12] =	ssyncset.done $0x0  }
0x34: {  	p0 =	sne.s32 s17, s10;
	[sflag:s12] =	ssyncadd.s32 $0xFFFFC000  }
.Ltmp1:
0x35: {  	[bflag:$0x0] =	sbarrier.arrive $0xFFFF;
	(pc) =	sbr.rel @p0 .LBB2_1-.Ltmp1, $4  }
0x36: {  	[hbm:s9], [sflag:s6] =	dma.local [spmem:s11], $0x2780  }
0x37: {  	_ =	swait.ge [sflag:s12], $0x2780  }
0x38: {  	[sflag:s12] =	ssyncset.done $0x0  }
0x39: {  	[sflag:s12] =	ssyncadd.s32 $0xFFFFD880  }
0x3a: {  	_ =	sfence.sel $0x180000  }
0x3b: {  	[bflag:$0x0] =	sbarrier.arrive $0xFFFF  }
0x3c: {  	p0 =	sne.s32 s0, $0x0;
	_ =	strace $0x9000004D  }
0x3d: {  	s0 =	sadd.s32 @!p0 $0x100000, s1;
	[bflag:$0x2] =	sbarrier.arrive $0xFFFF  }
0x3e: {  	[sflag:s0] =	ssyncadd.tile.s32 @!p0 $0x1;
	_ =	shalt  }
.Lfunc_end2:
_tile_overlayer_lowered:
.L_overlay_start_2:
0x3f: {  	(tag) =	ssettag $0x2  }
0x40: {  	s0 =	rddreg [dreg:$0x0];
	s2 =	stileid.u32  }
0x41: {  	s1 =	rddreg [dreg:$0x1];
	p0 =	sne.s32 s2, $0x0  }
0x42: {  	s3 =	rddreg [dreg:$0x2];
	[bflag:$0x3] =	sbarrier.arrive $0xFFFF;
	s2 =	simm.s32 @!p0 $0x1C02  }
0x43: {  	[timem:s3], [sflag:s2] =	dma.local @!p0 [hbm:s0], s1  }
0x44: {  	s0 =	simm.s32 @!p0 $0x2  }
0x45: {  	_ =	swait.ge @!p0 [sflag:s0], s1  }
0x46: {  	s1 =	ssub.s32 @!p0 $0x0, s1;
	[sflag:s0] =	ssyncset.done @!p0 $0x0  }
0x47: {  	[sflag:s0] =	ssyncadd.s32 @!p0 s1  }
0x48: {  	[bflag:$0x3] =	sbarrier.arrive $0xFFFF  }
0x49: {  	_ =	shalt  }

// kernel: kernel.32.cloned.1.call-start
scs
__scs_entry_jumppad:
0x0: {  	(pc) =	sbr.rel $0x88, $3  }
0x1: {  	(tag) =	ssettag $0x0;
	lr =	simm.s32 $0x1  }
0x2: {  	[smem:$0x3F96] =	sst lr;
	_ =	strace $0xD0000000  }
0x3: {  	_ = 	snop  }
0x4: {  	_ = 	snop  }
0x5: {  	_ = 	snop  }
0x6: {  	_ = 	snop  }
0x7: {  	_ = 	snop  }
__scs_overlays_trampoline_lowered:
0x8: {  	[smem:$0x3FA5] =	sst s0  }
0x9: {  	[smem:$0x3FA6] =	sst s1  }
0xa: {  	[smem:$0x3FA7] =	sst s2  }
0xb: {  	[smem:$0x3FA8] =	sst s3  }
0xc: {  	[smem:$0x3FA9] =	sst s4  }
0xd: {  	[smem:$0x3FAA] =	sst s5  }
0xe: {  	[smem:$0x3FAB] =	sst s6  }
0xf: {  	[smem:$0x3FAC] =	sst s7  }
0x10: {  	[smem:$0x3FAD] =	sst s8  }
0x11: {  	[smem:$0x3FAE] =	sst s9;
	s0 =	simm.s32 @!p0 $0x0  }
0x12: {  	s1 =	sld [smem:$0x3F94];
	s0 =	simm.s32 @p0 $0x1  }
0x13: {  	[smem:$0x3FAF] =	sst s0;
	s0 =	simm.s32 @!p1 $0x0  }
0x14: {  	s2 =	sld [smem:$0x3F93];
	s0 =	simm.s32 @p1 $0x1  }
0x15: {  	[smem:$0x3FB0] =	sst s0;
	s0 =	simm.s32 @!p2 $0x0  }
0x16: {  	s3 =	sld [smem:$0x3FDB];
	s0 =	simm.s32 @p2 $0x1  }
0x17: {  	s4 =	simm.s32 $0x1BF5;
	[smem:$0x3FB2] =	sst s0  }
0x18: {  	s0 =	sld [smem:$0x3F95];
	_ =	swait.ge [sflag:s4], $0x0  }
0x19: {  	s7 =	sld [smem:$0x3F96]  }
0x1a: {  	s8 =	sadd.s32 $0xFFFFE003, lr  }
0x1b: {  	s9 =	sadd.s32 $0xFFFFFEF7, lr;
	s5 =	simm.s32 $0xFFFFFFFF;
	p2 =	slt.u32 s8, $0xFFFFF086  }
0x1c: {  	p1 =	slt.u32 s9, $0xF7A;
	s5 =	simm.s32 @!p2 $0x0  }
0x1d: {  	s5 =	simm.s32 @p1 $0x1;
	p0 =	seq.s32 s7, s2  }
0x1e: {  	s7 =	smul.u32 @!p0 $0xF7A, s2;
	p2 =	seq.s32 @!p0 s5, $0x0  }
0x1f: {  	s9 =	smul.u32 $0xF7A, s1;
	s8 =	simm.s32 @!p0 $0x1BF5;
	p2 =	por !p2, p0  }
0x20: {  	[sflag:s8] =	ssyncset.s32 @!p0 $0xFFFFF086;
	s6 =	sadd.s32 @!p0 s3, s7;
	s7 =	simm.s32 @!p0 $0x108  }
0x21: {  	s3 =	sadd.s32 s3, s9;
	s6 =	sadd.s32 @!p0 $0x88, s6;
	s7 =	simm.s32 @p2 $0x1082  }
0x22: {  	[simem:s7], [sflag:s8] =	dma.local @!p0 [hbm:s6], $0xF7A  }
0x23: {  	s9 =	sor.u32 $0xD0000000, s2;
	s6 =	simm.s32 $0x108;
	_ =	swait.ge @!p0 [sflag:s8], $0x0  }
0x24: {  	s3 =	sadd.s32 $0x88, s3;
	s6 =	simm.s32 @!p1 $0x1082;
	[sflag:s4] =	ssyncset.s32 $0xFFFFF086  }
0x25: {  	[simem:s6], [sflag:s4] =	dma.local [hbm:s3], $0xF7A  }
0x26: {  	[smem:$0x3F96] =	sst s1;
	(tag) =	ssettag s2;
	_ =	strace s9  }
0x27: {  	s1 =	sld [smem:$0x3FA6]  }
0x28: {  	s2 =	sld [smem:$0x3FA7]  }
0x29: {  	s4 =	sld [smem:$0x3FA9]  }
0x2a: {  	p0 =	seq.s32 s5, $0x0;
	s5 =	sld [smem:$0x3FAA]  }
0x2b: {  	s6 =	sld [smem:$0x3FAB]  }
0x2c: {  	s7 =	sld [smem:$0x3FAC]  }
0x2d: {  	s3 =	simm.s32 $0x108;
	s8 =	sld [smem:$0x3FAD]  }
0x2e: {  	s3 =	simm.s32 @!p0 $0x1082;
	s9 =	sld [smem:$0x3FAE]  }
0x2f: {  	lr =	sadd.s32 s0, s3;
	s0 =	sld [smem:$0x3FA5]  }
0x30: {  	s3 =	sld [smem:$0x3FA8]  }
0x31: {  	[smem:$0x3FB1] =	sst s10  }
0x32: {  	s10 =	sld [smem:$0x3FAF];
	_ =	sdelay $0x3  }
0x33: {  	p0 =	seq.s32 s10, $0x1;
	s10 =	sld [smem:$0x3FB1];
	_ =	sdelay $0x3  }
0x34: {  	[smem:$0x3FB1] =	sst s10  }
0x35: {  	s10 =	sld [smem:$0x3FB0];
	_ =	sdelay $0x3  }
0x36: {  	p1 =	seq.s32 s10, $0x1;
	s10 =	sld [smem:$0x3FB1];
	_ =	sdelay $0x3  }
0x37: {  	[smem:$0x3FB1] =	sst s10  }
0x38: {  	s10 =	sld [smem:$0x3FB2]  }
0x39: {  	_ = 	snop;
	(pc) =	sbr.ind lr, $3  }
0x3a: {  	_ = 	snop  }
0x3b: {  	_ = 	snop  }
0x3c: {  	p2 =	seq.s32 s10, $0x1;
	s10 =	sld [smem:$0x3FB1]  }
0x3d: {  	_ =	shalt  }
0x3e: {  	_ =	shalt  }
0x3f: {  	_ =	shalt  }
0x40: {  	_ =	shalt  }
0x41: {  	_ =	shalt  }
0x42: {  	_ =	shalt  }
0x43: {  	_ =	shalt  }
0x44: {  	_ =	shalt  }
0x45: {  	_ =	shalt  }
0x46: {  	_ =	shalt  }
0x47: {  	_ =	shalt  }
0x48: {  	_ =	shalt  }
0x49: {  	_ =	shalt  }
0x4a: {  	_ =	shalt  }
0x4b: {  	_ =	shalt  }
0x4c: {  	_ =	shalt  }
0x4d: {  	_ =	shalt  }
0x4e: {  	_ =	shalt  }
0x4f: {  	_ =	shalt  }
0x50: {  	_ =	shalt  }
0x51: {  	_ =	shalt  }
0x52: {  	_ =	shalt  }
0x53: {  	_ =	shalt  }
0x54: {  	_ =	shalt  }
0x55: {  	_ =	shalt  }
0x56: {  	_ =	shalt  }
0x57: {  	_ =	shalt  }
0x58: {  	_ =	shalt  }
0x59: {  	_ =	shalt  }
0x5a: {  	_ =	shalt  }
0x5b: {  	_ =	shalt  }
0x5c: {  	_ =	shalt  }
0x5d: {  	_ =	shalt  }
0x5e: {  	_ =	shalt  }
0x5f: {  	_ =	shalt  }
0x60: {  	_ =	shalt  }
0x61: {  	_ =	shalt  }
0x62: {  	_ =	shalt  }
0x63: {  	_ =	shalt  }
0x64: {  	_ =	shalt  }
0x65: {  	_ =	shalt  }
0x66: {  	_ =	shalt  }
0x67: {  	_ =	shalt  }
0x68: {  	_ =	shalt  }
0x69: {  	_ =	shalt  }
0x6a: {  	_ =	shalt  }
0x6b: {  	_ =	shalt  }
0x6c: {  	_ =	shalt  }
0x6d: {  	_ =	shalt  }
0x6e: {  	_ =	shalt  }
0x6f: {  	_ =	shalt  }
0x70: {  	_ =	shalt  }
0x71: {  	_ =	shalt  }
0x72: {  	_ =	shalt  }
0x73: {  	_ =	shalt  }
0x74: {  	_ =	shalt  }
0x75: {  	_ =	shalt  }
0x76: {  	_ =	shalt  }
0x77: {  	_ =	shalt  }
0x78: {  	_ =	shalt  }
0x79: {  	_ =	shalt  }
0x7a: {  	_ =	shalt  }
0x7b: {  	_ =	shalt  }
0x7c: {  	_ =	shalt  }
0x7d: {  	_ =	shalt  }
0x7e: {  	_ =	shalt  }
0x7f: {  	_ =	shalt  }
0x80: {  	_ =	shalt  }
0x81: {  	_ =	shalt  }
0x82: {  	_ =	shalt  }
0x83: {  	_ =	shalt  }
0x84: {  	_ =	shalt  }
0x85: {  	_ =	shalt  }
0x86: {  	_ =	shalt  }
0x87: {  	_ =	shalt  }
.Lfunc_end0:
.L_simem_size_0:
called_computation.3_lowered:
.L_overlay_start_0:
0x88: {  	s2 =	sld [smem:$0x3FD9]  }
0x89: {  	s3 =	sld [smem:$0x3FFE];
	_ =	sdelay $0x1  }
0x8a: {  	s1 =	srdreg.scid  }
0x8b: {  	s0 =	sand.u32 $0x1, s1  }
0x8c: {  	s17 =	sshll.u32 s0, $0xA;
	s2 =	sadd.s32 s3, s2  }
0x8d: {  	s2 =	sadd.s32 s2, s17  }
0x8e: {  	[smem:$0x3FBD] =	sst s2  }
0x8f: {  	_ = 	snop  }
0x90: {  	s2 =	sld [smem:$0x3FD0];
	(tm) =	ssettm $0x1  }
0x91: {  	s18 =	sld [smem:$0x3FFB];
	_ =	sdelay $0x3  }
0x92: {  	_ =	strace s18  }
0x93: {  	s3 =	sld [smem:$0x3FFC];
	_ =	sdelay $0x3  }
0x94: {  	_ =	strace s3  }
0x95: {  	s3 =	sld [smem:$0x3FFD];
	_ =	sdelay $0x3  }
0x96: {  	_ =	strace s3  }
0x97: {  	_ =	strace $0x8FFFFFFF  }
0x98: {  	s19 =	sld [smem:$0x3FDB];
	_ =	sdelay $0x1  }
0x99: {  	s4 =	simm.s32 $_scs_section_size  }
0x9a: {  	s5 =	simm.s32 $_size__tile_overlayer_lowered;
	s6 =	simm.s32 $_tile_overlayer_lowered  }
0x9b: {  	s22 =	simm.s32 $0x1BFF;
	s21 =	sshll.u32 s6, $0x1;
	s3 =	sadd.s32 s4, s19  }
0x9c: {  	s7 =	simm.s32 $0x0;
	s20 =	sshll.u32 s5, $0x1;
	s5 =	sadd.s32 s21, s3  }
0x9d: {  	[timem:s7], [sflag:s22] =	dma.local [hbm:s5], s20  }
0x9e: {  	_ =	swait.ge [sflag:s22], s20  }
0x9f: {  	s4 =	ssub.s32 $0x0, s20;
	[sflag:s22] =	ssyncset.done $0x0  }
0xa0: {  	[sflag:s22] =	ssyncadd.s32 s4;
	_ =	sdelay $0x1  }
0xa1: {  	s23 =	simm.s32 $0x1B8B  }
0xa2: {  	_ =	swait.ge [sflag:s23], $0x1  }
0xa3: {  	[sflag:s23] =	ssyncset.done $0x0  }
0xa4: {  	s25 =	simm.s32 $0x1B8E;
	s24 =	sld [smem:$0x3FFE];
	[sflag:s23] =	ssyncadd.s32 $0xFFFFFFFF  }
0xa5: {  	s26 =	simm.s32 $execute0_lowered;
	[smem:$0x3FD2] =	sst s25  }
0xa6: {  	s5 =	sshll.u32 s26, $0x1;
	_ =	strace $0x8000004F;
	[dreg:$0x1] =	wrdreg $0xFFFFFFFF  }
0xa7: {  	s28 =	simm.s32 $_size_execute0_lowered;
	s3 =	sadd.s32 s3, s5;
	[dreg:$0x0] =	wrdreg $0x0  }
0xa8: {  	s5 =	sshll.u32 s28, $0x1;
	[dreg:$0x2] =	wrdreg s3  }
0xa9: {  	[dreg:$0x3] =	wrdreg s5  }
0xaa: {  	[dreg:$0x4] =	wrdreg $0xC0  }
0xab: {  	_ =	task [dreg:s7], $0x5FFFF  }
0xac: {  	[dreg:$0x1] =	wrdreg $0xFFFFFFFF  }
0xad: {  	[dreg:$0x0] =	wrdreg $0x60  }
0xae: {  	[dreg:$0x2] =	wrdreg s2  }
0xaf: {  	[dreg:$0x3] =	wrdreg s24  }
0xb0: {  	[dreg:$0x4] =	wrdreg $0x68000  }
0xb1: {  	[dreg:$0x5] =	wrdreg $0x9  }
0xb2: {  	_ =	task.clear_ibuf [dreg:s7], $0x6FFFF;
	_ =	strace $0x9000004F  }
0xb3: {  	s29 =	simm.s32 $0x9;
	_ =	strace $0x80000051  }
0xb4: {  	_ =	swait.ge [sflag:s29], $0x1  }
0xb5: {  	[sflag:s29] =	ssyncadd.s32 $0xFFFFFFFF  }
0xb6: {  	_ =	strace $0x90000051  }
0xb7: {  	_ =	sfence  }
0xb8: {  	s30 =	sld [smem:$0x0];
	_ =	sdelay $0x2  }
0xb9: {  	s31 =	sshll.u32 s1, $0xD;
	s1 =	sshrl.u32 s1, $0x2  }
0xba: {  	s3 =	sand.u32 $0x4000, s31;
	s1 =	sadd.s32 s1, s30  }
0xbb: {  	s0 =	sor.u32 s3, s0;
	s1 =	sshll.u32 s1, $0x11  }
0xbc: {  	s0 =	sor.u32 s1, s0  }
0xbd: {  	s0 =	sadd.s32 $0x8F2B, s0  }
0xbe: {  	[sflag:s0] =	ssyncadd.remote.s32 $0x1  }
0xbf: {  	_ =	sfence.sel $0xFFFF  }
0xc0: {  	[dreg:$0x0] =	wrdreg $0xFFFFFFFF;
	(pc) =	sbr.abs _section_cstart, $3  }
0xc1: {  	[dreg:$0x1] =	wrdreg $0xFFFFFFFF  }
0xc2: {  	_ =	task.clear_ibuf [dreg:s7], $0x2FFFF;
	_ =	strace $0x9FFFFFFF  }
0xc3: {  	(tm) =	ssettm $0x7FFFFFFF  }
tec
execute0_lowered:
.L_overlay_start_1:
0x0: {  	(tag) =	ssettag $0x1  }
0x1: {  	s1 =	rddreg [dreg:$0x0]  }
0x2: {  	s2 =	srdreg.scid;
	s6 =	rddreg [dreg:$0x1]  }
0x3: {  	s0 =	stileid.u32;
	s3 =	rddreg [dreg:$0x2]  }
0x4: {  	s4 =	simm.s32 $0x0;
	s14 =	simm.s32 $0x80;
	s15 =	simm.s32 $0x2800  }
0x5: {  	s16 =	simm.s32 $0x1;
	s17 =	simm.s32 $0x0;
	s8 =	smul.u32 $0x13C00, s0  }
0x6: {  	s5 =	sand.u32 $0x1, s2;
	s26 =	sshll.u32 s0, $0x1;
	s11 =	smul.u32 $0x4F000, s0  }
0x7: {  	[smem:$0x7FF] =	sst s4;
	s2 =	sor.u32 s5, s26;
	s9 =	smul.u32 $0x13C000, s5  }
0x8: {  	s30 =	sshll.u32 s0, $0x6;
	s5 =	ssub.s32 $0x2, s5;
	s7 =	smul.u32 $0x280, s2  }
0x9: {  	s2 =	rddreg [dreg:$0x3];
	_ =	strace $0x80000050;
	s28 =	sshrl.u32 s8, $0x3  }
0xa: {  	s29 =	sshrl.u32 s5, $0x1;
	s31 =	sshrl.u32 s11, $0x2;
	s8 =	sadd.s32 s8, s9  }
0xb: {  	s13 =	ssub.s32 s5, s29;
	s11 =	sadd.s32 s31, s3;
	s10 =	sadd.s32 s7, s6  }
0xc: {  	s7 =	sadd.s32 s28, s6;
	s8 =	sshrl.u32 s8, $0x3;
	s11 =	sshrl.u32 s11, $0x3  }
0xd: {  	s12 =	sadd.s32 s8, s6;
	s5 =	sadd.s32 $0x6A00, s7;
	s6 =	sor.u32 $0x1C02, s30  }
0xe: {  	s7 =	sadd.s32 $0x277A00, s10;
	s8 =	sadd.s32 $0x27CA00, s10;
	s10 =	smax.u32 s13, $0x1  }
0xf: {  	s13 =	simm.s32 $0x1400;
	s9 =	sadd.s32 $0x2E200, s12;
	s12 =	simm.s32 $0x2  }
.LBB2_1:
0x10: {  	[spmem:s11], [sflag:s6] =	dma.local [hbm:s5], $0x2780  }
0x11: {  	_ =	swait.ge [sflag:s12], $0x2780  }
0x12: {  	[sflag:s12] =	ssyncset.done $0x0  }
0x13: {  	[sflag:s12] =	ssyncadd.s32 $0xFFFFD880  }
0x14: {  	[tilespmem:s4], [sflag:$0x2] =	stream.linear.gather [hbm4b:s7+s4], $0x1400, $0x38;
	[tilespmem:$0x1A400] =	vst v63  }
0x15: {  	_ =	swait.ge [sflag:s12], $0x1400  }
0x16: {  	[sflag:s12] =	ssyncset.done $0x0  }
0x17: {  	[sflag:s12] =	ssyncadd.s32 $0xFFFFEC00  }
0x18: {  	[tilespmem:s13], [sflag:$0x2] =	stream.linear.gather [hbm4b:s8+s4], $0x1400, $0x38;
	[tilespmem:$0x1A400] =	vst v63  }
0x19: {  	_ =	swait.ge [sflag:s12], $0x1400  }
0x1a: {  	[sflag:s12] =	ssyncset.done $0x0  }
0x1b: {  	[sflag:s12] =	ssyncadd.s32 $0xFFFFEC00  }
0x1c: {  	s18 =	simm.s32 $0x0;
	[bflag:$0x0] =	sbarrier.arrive $0xFFFF  }
0x1d: {  	[tilespmem:s15], [sflag:$0x1] =	stream.indirect.gather [hbm4b:s1+s14], $0x80, s18, s14, $0xb8;
	[tilespmem:$0x1A400] =	vst v63  }
0x1e: {  	_ =	swait.ge [sflag:s16], $0x4000  }
0x1f: {  	[sflag:s16] =	ssyncset.done $0x0  }
0x20: {  	s31 =	simm.s32 $0x1400;
	[sflag:s16] =	ssyncadd.s32 $0xFFFFC000  }
0x21: {  	[spmem:s3] =	stream.indirect.scatter.add.f32 [tilespmem:s15], [sflag:$0x2], $0x80, s31, s14, $0xb8;
	[tilespmem:$0x1A400] =	vst v63  }
0x22: {  	_ =	swait.ge [sflag:s12], $0x4000  }
0x23: {  	s19 =	simm.s32 $0x400;
	s18 =	simm.s32 $0x200;
	[sflag:s12] =	ssyncset.done $0x0  }
.LBB2_2:
0x24: {  	s20 =	sshra.s32 s18, $0x2  }
0x25: {  	[sflag:s12] =	ssyncadd.s32 $0xFFFFC000;
	s18 =	smov.u32 s19;
	s21 =	sadd.s32 $0x200, s19  }
0x26: {  	[tilespmem:s15], [sflag:$0x1] =	stream.indirect.gather [hbm4b:s1+s14], $0x80, s20, s14, $0xb8;
	[tilespmem:$0x1A400] =	vst v63  }
0x27: {  	p0 =	sne.s32 s19, $0x4E00;
	_ =	swait.ge [sflag:s16], $0x4000  }
.Ltmp0:
0x28: {  	[sflag:s16] =	ssyncset.done $0x0;
	(pc) =	sbr.rel @p0 .LBB2_2-.Ltmp0, $4  }
0x29: {  	s19 =	sadd.s32 $0x1400, s20;
	[sflag:s16] =	ssyncadd.s32 $0xFFFFC000  }
0x2a: {  	[spmem:s3] =	stream.indirect.scatter.add.f32 [tilespmem:s15], [sflag:$0x2], $0x80, s19, s14, $0xb8;
	[tilespmem:$0x1A400] =	vst v63  }
0x2b: {  	_ =	swait.ge [sflag:s12], $0x4000  }
0x2c: {  	s19 =	smov.u32 s21;
	[sflag:s12] =	ssyncset.done $0x0  }
0x2d: {  	s18 =	sshra.s32 s18, $0x2;
	[sflag:s12] =	ssyncadd.s32 $0xFFFFC000  }
0x2e: {  	[tilespmem:s15], [sflag:$0x1] =	stream.indirect.gather [hbm4b:s1+s14], $0x80, s18, s14, $0xb8;
	[tilespmem:$0x1A400] =	vst v63  }
0x2f: {  	_ =	swait.ge [sflag:s16], $0x4000  }
0x30: {  	[sflag:s16] =	ssyncset.done $0x0  }
0x31: {  	s18 =	sadd.s32 $0x1400, s18;
	[sflag:s16] =	ssyncadd.s32 $0xFFFFC000  }
0x32: {  	[spmem:s3] =	stream.indirect.scatter.add.f32 [tilespmem:s15], [sflag:$0x2], $0x80, s18, s14, $0xb8;
	[tilespmem:$0x1A400] =	vst v63  }
0x33: {  	_ =	swait.ge [sflag:s12], $0x4000  }
0x34: {  	s17 =	sadd.s32 $0x1, s17;
	[sflag:s12] =	ssyncset.done $0x0  }
0x35: {  	p0 =	sne.s32 s17, s10;
	[sflag:s12] =	ssyncadd.s32 $0xFFFFC000  }
.Ltmp1:
0x36: {  	[bflag:$0x0] =	sbarrier.arrive $0xFFFF;
	(pc) =	sbr.rel @p0 .LBB2_1-.Ltmp1, $4  }
0x37: {  	[hbm:s9], [sflag:s6] =	dma.local [spmem:s11], $0x2780  }
0x38: {  	_ =	swait.ge [sflag:s12], $0x2780  }
0x39: {  	[sflag:s12] =	ssyncset.done $0x0  }
0x3a: {  	[sflag:s12] =	ssyncadd.s32 $0xFFFFD880  }
0x3b: {  	_ =	sfence.sel $0x180000  }
0x3c: {  	[bflag:$0x0] =	sbarrier.arrive $0xFFFF  }
0x3d: {  	p0 =	sne.s32 s0, $0x0;
	_ =	strace $0x90000050  }
0x3e: {  	s0 =	sadd.s32 @!p0 $0x100000, s2;
	[bflag:$0x2] =	sbarrier.arrive $0xFFFF  }
0x3f: {  	[sflag:s0] =	ssyncadd.tile.s32 @!p0 $0x1;
	_ =	shalt  }
.Lfunc_end2:
_tile_overlayer_lowered:
.L_overlay_start_2:
0x40: {  	(tag) =	ssettag $0x2  }
0x41: {  	s0 =	rddreg [dreg:$0x0];
	s2 =	stileid.u32  }
0x42: {  	s1 =	rddreg [dreg:$0x1];
	p0 =	sne.s32 s2, $0x0  }
0x43: {  	s3 =	rddreg [dreg:$0x2];
	[bflag:$0x3] =	sbarrier.arrive $0xFFFF;
	s2 =	simm.s32 @!p0 $0x1C02  }
0x44: {  	[timem:s3], [sflag:s2] =	dma.local @!p0 [hbm:s0], s1  }
0x45: {  	s0 =	simm.s32 @!p0 $0x2  }
0x46: {  	_ =	swait.ge @!p0 [sflag:s0], s1  }
0x47: {  	s1 =	ssub.s32 @!p0 $0x0, s1;
	[sflag:s0] =	ssyncset.done @!p0 $0x0  }
0x48: {  	[sflag:s0] =	ssyncadd.s32 @!p0 s1  }
0x49: {  	[bflag:$0x3] =	sbarrier.arrive $0xFFFF  }
0x4a: {  	_ =	shalt  }

// kernel: kernel.35.cloned.1.call-start
scs
__scs_entry_jumppad:
0x0: {  	(pc) =	sbr.rel $0x88, $3  }
0x1: {  	(tag) =	ssettag $0x0;
	lr =	simm.s32 $0x1  }
0x2: {  	[smem:$0x3F96] =	sst lr;
	_ =	strace $0xD0000000  }
0x3: {  	_ = 	snop  }
0x4: {  	_ = 	snop  }
0x5: {  	_ = 	snop  }
0x6: {  	_ = 	snop  }
0x7: {  	_ = 	snop  }
__scs_overlays_trampoline_lowered:
0x8: {  	[smem:$0x3FA5] =	sst s0  }
0x9: {  	[smem:$0x3FA6] =	sst s1  }
0xa: {  	[smem:$0x3FA7] =	sst s2  }
0xb: {  	[smem:$0x3FA8] =	sst s3  }
0xc: {  	[smem:$0x3FA9] =	sst s4  }
0xd: {  	[smem:$0x3FAA] =	sst s5  }
0xe: {  	[smem:$0x3FAB] =	sst s6  }
0xf: {  	[smem:$0x3FAC] =	sst s7  }
0x10: {  	[smem:$0x3FAD] =	sst s8  }
0x11: {  	[smem:$0x3FAE] =	sst s9;
	s0 =	simm.s32 @!p0 $0x0  }
0x12: {  	s1 =	sld [smem:$0x3F94];
	s0 =	simm.s32 @p0 $0x1  }
0x13: {  	[smem:$0x3FAF] =	sst s0;
	s0 =	simm.s32 @!p1 $0x0  }
0x14: {  	s2 =	sld [smem:$0x3F93];
	s0 =	simm.s32 @p1 $0x1  }
0x15: {  	[smem:$0x3FB0] =	sst s0;
	s0 =	simm.s32 @!p2 $0x0  }
0x16: {  	s3 =	sld [smem:$0x3FDB];
	s0 =	simm.s32 @p2 $0x1  }
0x17: {  	s4 =	simm.s32 $0x1BF5;
	[smem:$0x3FB2] =	sst s0  }
0x18: {  	s0 =	sld [smem:$0x3F95];
	_ =	swait.ge [sflag:s4], $0x0  }
0x19: {  	s7 =	sld [smem:$0x3F96]  }
0x1a: {  	s8 =	sadd.s32 $0xFFFFE003, lr  }
0x1b: {  	s9 =	sadd.s32 $0xFFFFFEF7, lr;
	s5 =	simm.s32 $0xFFFFFFFF;
	p2 =	slt.u32 s8, $0xFFFFF086  }
0x1c: {  	p1 =	slt.u32 s9, $0xF7A;
	s5 =	simm.s32 @!p2 $0x0  }
0x1d: {  	s5 =	simm.s32 @p1 $0x1;
	p0 =	seq.s32 s7, s2  }
0x1e: {  	s7 =	smul.u32 @!p0 $0xF7A, s2;
	p2 =	seq.s32 @!p0 s5, $0x0  }
0x1f: {  	s9 =	smul.u32 $0xF7A, s1;
	s8 =	simm.s32 @!p0 $0x1BF5;
	p2 =	por !p2, p0  }
0x20: {  	[sflag:s8] =	ssyncset.s32 @!p0 $0xFFFFF086;
	s6 =	sadd.s32 @!p0 s3, s7;
	s7 =	simm.s32 @!p0 $0x108  }
0x21: {  	s3 =	sadd.s32 s3, s9;
	s6 =	sadd.s32 @!p0 $0x88, s6;
	s7 =	simm.s32 @p2 $0x1082  }
0x22: {  	[simem:s7], [sflag:s8] =	dma.local @!p0 [hbm:s6], $0xF7A  }
0x23: {  	s9 =	sor.u32 $0xD0000000, s2;
	s6 =	simm.s32 $0x108;
	_ =	swait.ge @!p0 [sflag:s8], $0x0  }
0x24: {  	s3 =	sadd.s32 $0x88, s3;
	s6 =	simm.s32 @!p1 $0x1082;
	[sflag:s4] =	ssyncset.s32 $0xFFFFF086  }
0x25: {  	[simem:s6], [sflag:s4] =	dma.local [hbm:s3], $0xF7A  }
0x26: {  	[smem:$0x3F96] =	sst s1;
	(tag) =	ssettag s2;
	_ =	strace s9  }
0x27: {  	s1 =	sld [smem:$0x3FA6]  }
0x28: {  	s2 =	sld [smem:$0x3FA7]  }
0x29: {  	s4 =	sld [smem:$0x3FA9]  }
0x2a: {  	p0 =	seq.s32 s5, $0x0;
	s5 =	sld [smem:$0x3FAA]  }
0x2b: {  	s6 =	sld [smem:$0x3FAB]  }
0x2c: {  	s7 =	sld [smem:$0x3FAC]  }
0x2d: {  	s3 =	simm.s32 $0x108;
	s8 =	sld [smem:$0x3FAD]  }
0x2e: {  	s3 =	simm.s32 @!p0 $0x1082;
	s9 =	sld [smem:$0x3FAE]  }
0x2f: {  	lr =	sadd.s32 s0, s3;
	s0 =	sld [smem:$0x3FA5]  }
0x30: {  	s3 =	sld [smem:$0x3FA8]  }
0x31: {  	[smem:$0x3FB1] =	sst s10  }
0x32: {  	s10 =	sld [smem:$0x3FAF];
	_ =	sdelay $0x3  }
0x33: {  	p0 =	seq.s32 s10, $0x1;
	s10 =	sld [smem:$0x3FB1];
	_ =	sdelay $0x3  }
0x34: {  	[smem:$0x3FB1] =	sst s10  }
0x35: {  	s10 =	sld [smem:$0x3FB0];
	_ =	sdelay $0x3  }
0x36: {  	p1 =	seq.s32 s10, $0x1;
	s10 =	sld [smem:$0x3FB1];
	_ =	sdelay $0x3  }
0x37: {  	[smem:$0x3FB1] =	sst s10  }
0x38: {  	s10 =	sld [smem:$0x3FB2]  }
0x39: {  	_ = 	snop;
	(pc) =	sbr.ind lr, $3  }
0x3a: {  	_ = 	snop  }
0x3b: {  	_ = 	snop  }
0x3c: {  	p2 =	seq.s32 s10, $0x1;
	s10 =	sld [smem:$0x3FB1]  }
0x3d: {  	_ =	shalt  }
0x3e: {  	_ =	shalt  }
0x3f: {  	_ =	shalt  }
0x40: {  	_ =	shalt  }
0x41: {  	_ =	shalt  }
0x42: {  	_ =	shalt  }
0x43: {  	_ =	shalt  }
0x44: {  	_ =	shalt  }
0x45: {  	_ =	shalt  }
0x46: {  	_ =	shalt  }
0x47: {  	_ =	shalt  }
0x48: {  	_ =	shalt  }
0x49: {  	_ =	shalt  }
0x4a: {  	_ =	shalt  }
0x4b: {  	_ =	shalt  }
0x4c: {  	_ =	shalt  }
0x4d: {  	_ =	shalt  }
0x4e: {  	_ =	shalt  }
0x4f: {  	_ =	shalt  }
0x50: {  	_ =	shalt  }
0x51: {  	_ =	shalt  }
0x52: {  	_ =	shalt  }
0x53: {  	_ =	shalt  }
0x54: {  	_ =	shalt  }
0x55: {  	_ =	shalt  }
0x56: {  	_ =	shalt  }
0x57: {  	_ =	shalt  }
0x58: {  	_ =	shalt  }
0x59: {  	_ =	shalt  }
0x5a: {  	_ =	shalt  }
0x5b: {  	_ =	shalt  }
0x5c: {  	_ =	shalt  }
0x5d: {  	_ =	shalt  }
0x5e: {  	_ =	shalt  }
0x5f: {  	_ =	shalt  }
0x60: {  	_ =	shalt  }
0x61: {  	_ =	shalt  }
0x62: {  	_ =	shalt  }
0x63: {  	_ =	shalt  }
0x64: {  	_ =	shalt  }
0x65: {  	_ =	shalt  }
0x66: {  	_ =	shalt  }
0x67: {  	_ =	shalt  }
0x68: {  	_ =	shalt  }
0x69: {  	_ =	shalt  }
0x6a: {  	_ =	shalt  }
0x6b: {  	_ =	shalt  }
0x6c: {  	_ =	shalt  }
0x6d: {  	_ =	shalt  }
0x6e: {  	_ =	shalt  }
0x6f: {  	_ =	shalt  }
0x70: {  	_ =	shalt  }
0x71: {  	_ =	shalt  }
0x72: {  	_ =	shalt  }
0x73: {  	_ =	shalt  }
0x74: {  	_ =	shalt  }
0x75: {  	_ =	shalt  }
0x76: {  	_ =	shalt  }
0x77: {  	_ =	shalt  }
0x78: {  	_ =	shalt  }
0x79: {  	_ =	shalt  }
0x7a: {  	_ =	shalt  }
0x7b: {  	_ =	shalt  }
0x7c: {  	_ =	shalt  }
0x7d: {  	_ =	shalt  }
0x7e: {  	_ =	shalt  }
0x7f: {  	_ =	shalt  }
0x80: {  	_ =	shalt  }
0x81: {  	_ =	shalt  }
0x82: {  	_ =	shalt  }
0x83: {  	_ =	shalt  }
0x84: {  	_ =	shalt  }
0x85: {  	_ =	shalt  }
0x86: {  	_ =	shalt  }
0x87: {  	_ =	shalt  }
.Lfunc_end0:
.L_simem_size_0:
called_computation.4_lowered:
.L_overlay_start_0:
0x88: {  	s2 =	sld [smem:$0x3FD9]  }
0x89: {  	s3 =	sld [smem:$0x3FFE];
	_ =	sdelay $0x1  }
0x8a: {  	s1 =	srdreg.scid  }
0x8b: {  	s0 =	sand.u32 $0x1, s1  }
0x8c: {  	s17 =	sshll.u32 s0, $0xA;
	s2 =	sadd.s32 s3, s2  }
0x8d: {  	s2 =	sadd.s32 s2, s17  }
0x8e: {  	[smem:$0x3FBD] =	sst s2  }
0x8f: {  	_ = 	snop  }
0x90: {  	s2 =	sld [smem:$0x3FD0];
	(tm) =	ssettm $0x1  }
0x91: {  	s18 =	sld [smem:$0x3FFB];
	_ =	sdelay $0x3  }
0x92: {  	_ =	strace s18  }
0x93: {  	s3 =	sld [smem:$0x3FFC];
	_ =	sdelay $0x3  }
0x94: {  	_ =	strace s3  }
0x95: {  	s3 =	sld [smem:$0x3FFD];
	_ =	sdelay $0x3  }
0x96: {  	_ =	strace s3  }
0x97: {  	_ =	strace $0x8FFFFFFF  }
0x98: {  	s19 =	sld [smem:$0x3FDB];
	_ =	sdelay $0x1  }
0x99: {  	s4 =	simm.s32 $_scs_section_size  }
0x9a: {  	s5 =	simm.s32 $_size__tile_overlayer_lowered;
	s6 =	simm.s32 $_tile_overlayer_lowered  }
0x9b: {  	s22 =	simm.s32 $0x1BFF;
	s21 =	sshll.u32 s6, $0x1;
	s3 =	sadd.s32 s4, s19  }
0x9c: {  	s7 =	simm.s32 $0x0;
	s20 =	sshll.u32 s5, $0x1;
	s5 =	sadd.s32 s21, s3  }
0x9d: {  	[timem:s7], [sflag:s22] =	dma.local [hbm:s5], s20  }
0x9e: {  	_ =	swait.ge [sflag:s22], s20  }
0x9f: {  	s4 =	ssub.s32 $0x0, s20;
	[sflag:s22] =	ssyncset.done $0x0  }
0xa0: {  	[sflag:s22] =	ssyncadd.s32 s4;
	_ =	sdelay $0x1  }
0xa1: {  	s23 =	simm.s32 $0x1B8B  }
0xa2: {  	_ =	swait.ge [sflag:s23], $0x1  }
0xa3: {  	[sflag:s23] =	ssyncset.done $0x0  }
0xa4: {  	s25 =	simm.s32 $0x1B8E;
	s24 =	sld [smem:$0x3FFE];
	[sflag:s23] =	ssyncadd.s32 $0xFFFFFFFF  }
0xa5: {  	s26 =	simm.s32 $execute0_lowered;
	[smem:$0x3FD2] =	sst s25  }
0xa6: {  	s5 =	sshll.u32 s26, $0x1;
	_ =	strace $0x80000052;
	[dreg:$0x1] =	wrdreg $0xFFFFFFFF  }
0xa7: {  	s28 =	simm.s32 $_size_execute0_lowered;
	s3 =	sadd.s32 s3, s5;
	[dreg:$0x0] =	wrdreg $0x0  }
0xa8: {  	s5 =	sshll.u32 s28, $0x1;
	[dreg:$0x2] =	wrdreg s3  }
0xa9: {  	[dreg:$0x3] =	wrdreg s5  }
0xaa: {  	[dreg:$0x4] =	wrdreg $0xC0  }
0xab: {  	_ =	task [dreg:s7], $0x5FFFF  }
0xac: {  	[dreg:$0x1] =	wrdreg $0xFFFFFFFF  }
0xad: {  	[dreg:$0x0] =	wrdreg $0x60  }
0xae: {  	[dreg:$0x2] =	wrdreg s2  }
0xaf: {  	[dreg:$0x3] =	wrdreg s24  }
0xb0: {  	[dreg:$0x4] =	wrdreg $0x68000  }
0xb1: {  	[dreg:$0x5] =	wrdreg $0x9  }
0xb2: {  	_ =	task.clear_ibuf [dreg:s7], $0x6FFFF;
	_ =	strace $0x90000052  }
0xb3: {  	s29 =	simm.s32 $0x9;
	_ =	strace $0x80000054  }
0xb4: {  	_ =	swait.ge [sflag:s29], $0x1  }
0xb5: {  	[sflag:s29] =	ssyncadd.s32 $0xFFFFFFFF  }
0xb6: {  	_ =	strace $0x90000054  }
0xb7: {  	_ =	sfence  }
0xb8: {  	s30 =	sld [smem:$0x0];
	_ =	sdelay $0x2  }
0xb9: {  	s31 =	sshll.u32 s1, $0xD;
	s1 =	sshrl.u32 s1, $0x2  }
0xba: {  	s3 =	sand.u32 $0x4000, s31;
	s1 =	sadd.s32 s1, s30  }
0xbb: {  	s0 =	sor.u32 s3, s0;
	s1 =	sshll.u32 s1, $0x11  }
0xbc: {  	s0 =	sor.u32 s1, s0  }
0xbd: {  	s0 =	sadd.s32 $0x8F2B, s0  }
0xbe: {  	[sflag:s0] =	ssyncadd.remote.s32 $0x1  }
0xbf: {  	_ =	sfence.sel $0xFFFF  }
0xc0: {  	[dreg:$0x0] =	wrdreg $0xFFFFFFFF;
	(pc) =	sbr.abs _section_cstart, $3  }
0xc1: {  	[dreg:$0x1] =	wrdreg $0xFFFFFFFF  }
0xc2: {  	_ =	task.clear_ibuf [dreg:s7], $0x2FFFF;
	_ =	strace $0x9FFFFFFF  }
0xc3: {  	(tm) =	ssettm $0x7FFFFFFF  }
tec
execute0_lowered:
.L_overlay_start_1:
0x0: {  	(tag) =	ssettag $0x1  }
0x1: {  	s1 =	rddreg [dreg:$0x0]  }
0x2: {  	s2 =	srdreg.scid;
	s6 =	rddreg [dreg:$0x1]  }
0x3: {  	s0 =	stileid.u32;
	s3 =	rddreg [dreg:$0x2]  }
0x4: {  	s4 =	simm.s32 $0x0;
	s14 =	simm.s32 $0x80;
	s15 =	simm.s32 $0x2800  }
0x5: {  	s16 =	simm.s32 $0x1;
	s17 =	simm.s32 $0x0;
	s8 =	smul.u32 $0x13C00, s0  }
0x6: {  	s5 =	sand.u32 $0x1, s2;
	s26 =	sshll.u32 s0, $0x1;
	s11 =	smul.u32 $0x4F000, s0  }
0x7: {  	[smem:$0x7FF] =	sst s4;
	s2 =	sor.u32 s5, s26;
	s9 =	smul.u32 $0x13C000, s5  }
0x8: {  	s30 =	sshll.u32 s0, $0x6;
	s5 =	ssub.s32 $0x2, s5;
	s7 =	smul.u32 $0x280, s2  }
0x9: {  	s2 =	rddreg [dreg:$0x3];
	_ =	strace $0x80000053;
	s28 =	sshrl.u32 s8, $0x3  }
0xa: {  	s29 =	sshrl.u32 s5, $0x1;
	s31 =	sshrl.u32 s11, $0x2;
	s8 =	sadd.s32 s8, s9  }
0xb: {  	s13 =	ssub.s32 s5, s29;
	s11 =	sadd.s32 s31, s3;
	s10 =	sadd.s32 s7, s6  }
0xc: {  	s7 =	sadd.s32 s28, s6;
	s8 =	sshrl.u32 s8, $0x3;
	s11 =	sshrl.u32 s11, $0x3  }
0xd: {  	s12 =	sadd.s32 s8, s6;
	s5 =	sadd.s32 $0x6A00, s7;
	s6 =	sor.u32 $0x1C02, s30  }
0xe: {  	s7 =	sadd.s32 $0x277A00, s10;
	s8 =	sadd.s32 $0x27CA00, s10;
	s10 =	smax.u32 s13, $0x1  }
0xf: {  	s13 =	simm.s32 $0x1400;
	s9 =	sadd.s32 $0x2E200, s12;
	s12 =	simm.s32 $0x2  }
.LBB2_1:
0x10: {  	[spmem:s11], [sflag:s6] =	dma.local [hbm:s5], $0x2780  }
0x11: {  	_ =	swait.ge [sflag:s12], $0x2780  }
0x12: {  	[sflag:s12] =	ssyncset.done $0x0  }
0x13: {  	[sflag:s12] =	ssyncadd.s32 $0xFFFFD880  }
0x14: {  	[tilespmem:s4], [sflag:$0x2] =	stream.linear.gather [hbm4b:s7+s4], $0x1400, $0x38;
	[tilespmem:$0x1A400] =	vst v63  }
0x15: {  	_ =	swait.ge [sflag:s12], $0x1400  }
0x16: {  	[sflag:s12] =	ssyncset.done $0x0  }
0x17: {  	[sflag:s12] =	ssyncadd.s32 $0xFFFFEC00  }
0x18: {  	[tilespmem:s13], [sflag:$0x2] =	stream.linear.gather [hbm4b:s8+s4], $0x1400, $0x38;
	[tilespmem:$0x1A400] =	vst v63  }
0x19: {  	_ =	swait.ge [sflag:s12], $0x1400  }
0x1a: {  	[sflag:s12] =	ssyncset.done $0x0  }
0x1b: {  	[sflag:s12] =	ssyncadd.s32 $0xFFFFEC00  }
0x1c: {  	s18 =	simm.s32 $0x0;
	[bflag:$0x0] =	sbarrier.arrive $0xFFFF  }
0x1d: {  	[tilespmem:s15], [sflag:$0x1] =	stream.indirect.gather [hbm4b:s1+s14], $0x80, s18, s14, $0xb8;
	[tilespmem:$0x1A400] =	vst v63  }
0x1e: {  	_ =	swait.ge [sflag:s16], $0x4000  }
0x1f: {  	[sflag:s16] =	ssyncset.done $0x0  }
0x20: {  	s31 =	simm.s32 $0x1400;
	[sflag:s16] =	ssyncadd.s32 $0xFFFFC000  }
0x21: {  	[spmem:s3] =	stream.indirect.scatter.add.f32 [tilespmem:s15], [sflag:$0x2], $0x80, s31, s14, $0xb8;
	[tilespmem:$0x1A400] =	vst v63  }
0x22: {  	_ =	swait.ge [sflag:s12], $0x4000  }
0x23: {  	s19 =	simm.s32 $0x400;
	s18 =	simm.s32 $0x200;
	[sflag:s12] =	ssyncset.done $0x0  }
.LBB2_2:
0x24: {  	s20 =	sshra.s32 s18, $0x2  }
0x25: {  	[sflag:s12] =	ssyncadd.s32 $0xFFFFC000;
	s18 =	smov.u32 s19;
	s21 =	sadd.s32 $0x200, s19  }
0x26: {  	[tilespmem:s15], [sflag:$0x1] =	stream.indirect.gather [hbm4b:s1+s14], $0x80, s20, s14, $0xb8;
	[tilespmem:$0x1A400] =	vst v63  }
0x27: {  	p0 =	sne.s32 s19, $0x4E00;
	_ =	swait.ge [sflag:s16], $0x4000  }
.Ltmp0:
0x28: {  	[sflag:s16] =	ssyncset.done $0x0;
	(pc) =	sbr.rel @p0 .LBB2_2-.Ltmp0, $4  }
0x29: {  	s19 =	sadd.s32 $0x1400, s20;
	[sflag:s16] =	ssyncadd.s32 $0xFFFFC000  }
0x2a: {  	[spmem:s3] =	stream.indirect.scatter.add.f32 [tilespmem:s15], [sflag:$0x2], $0x80, s19, s14, $0xb8;
	[tilespmem:$0x1A400] =	vst v63  }
0x2b: {  	_ =	swait.ge [sflag:s12], $0x4000  }
0x2c: {  	s19 =	smov.u32 s21;
	[sflag:s12] =	ssyncset.done $0x0  }
0x2d: {  	s18 =	sshra.s32 s18, $0x2;
	[sflag:s12] =	ssyncadd.s32 $0xFFFFC000  }
0x2e: {  	[tilespmem:s15], [sflag:$0x1] =	stream.indirect.gather [hbm4b:s1+s14], $0x80, s18, s14, $0xb8;
	[tilespmem:$0x1A400] =	vst v63  }
0x2f: {  	_ =	swait.ge [sflag:s16], $0x4000  }
0x30: {  	[sflag:s16] =	ssyncset.done $0x0  }
0x31: {  	s18 =	sadd.s32 $0x1400, s18;
	[sflag:s16] =	ssyncadd.s32 $0xFFFFC000  }
0x32: {  	[spmem:s3] =	stream.indirect.scatter.add.f32 [tilespmem:s15], [sflag:$0x2], $0x80, s18, s14, $0xb8;
	[tilespmem:$0x1A400] =	vst v63  }
0x33: {  	_ =	swait.ge [sflag:s12], $0x4000  }
0x34: {  	s17 =	sadd.s32 $0x1, s17;
	[sflag:s12] =	ssyncset.done $0x0  }
0x35: {  	p0 =	sne.s32 s17, s10;
	[sflag:s12] =	ssyncadd.s32 $0xFFFFC000  }
.Ltmp1:
0x36: {  	[bflag:$0x0] =	sbarrier.arrive $0xFFFF;
	(pc) =	sbr.rel @p0 .LBB2_1-.Ltmp1, $4  }
0x37: {  	[hbm:s9], [sflag:s6] =	dma.local [spmem:s11], $0x2780  }
0x38: {  	_ =	swait.ge [sflag:s12], $0x2780  }
0x39: {  	[sflag:s12] =	ssyncset.done $0x0  }
0x3a: {  	[sflag:s12] =	ssyncadd.s32 $0xFFFFD880  }
0x3b: {  	_ =	sfence.sel $0x180000  }
0x3c: {  	[bflag:$0x0] =	sbarrier.arrive $0xFFFF  }
0x3d: {  	p0 =	sne.s32 s0, $0x0;
	_ =	strace $0x90000053  }
0x3e: {  	s0 =	sadd.s32 @!p0 $0x100000, s2;
	[bflag:$0x2] =	sbarrier.arrive $0xFFFF  }
0x3f: {  	[sflag:s0] =	ssyncadd.tile.s32 @!p0 $0x1;
	_ =	shalt  }
.Lfunc_end2:
_tile_overlayer_lowered:
.L_overlay_start_2:
0x40: {  	(tag) =	ssettag $0x2  }
0x41: {  	s0 =	rddreg [dreg:$0x0];
	s2 =	stileid.u32  }
0x42: {  	s1 =	rddreg [dreg:$0x1];
	p0 =	sne.s32 s2, $0x0  }
0x43: {  	s3 =	rddreg [dreg:$0x2];
	[bflag:$0x3] =	sbarrier.arrive $0xFFFF;
	s2 =	simm.s32 @!p0 $0x1C02  }
0x44: {  	[timem:s3], [sflag:s2] =	dma.local @!p0 [hbm:s0], s1  }
0x45: {  	s0 =	simm.s32 @!p0 $0x2  }
0x46: {  	_ =	swait.ge @!p0 [sflag:s0], s1  }
0x47: {  	s1 =	ssub.s32 @!p0 $0x0, s1;
	[sflag:s0] =	ssyncset.done @!p0 $0x0  }
0x48: {  	[sflag:s0] =	ssyncadd.s32 @!p0 s1  }
0x49: {  	[bflag:$0x3] =	sbarrier.arrive $0xFFFF  }
0x4a: {  	_ =	shalt  }

// kernel: kernel.38.cloned.1.call-start
scs
__scs_entry_jumppad:
0x0: {  	(pc) =	sbr.rel $0x88, $3  }
0x1: {  	(tag) =	ssettag $0x0;
	lr =	simm.s32 $0x1  }
0x2: {  	[smem:$0x3F96] =	sst lr;
	_ =	strace $0xD0000000  }
0x3: {  	_ = 	snop  }
0x4: {  	_ = 	snop  }
0x5: {  	_ = 	snop  }
0x6: {  	_ = 	snop  }
0x7: {  	_ = 	snop  }
__scs_overlays_trampoline_lowered:
0x8: {  	[smem:$0x3FA5] =	sst s0  }
0x9: {  	[smem:$0x3FA6] =	sst s1  }
0xa: {  	[smem:$0x3FA7] =	sst s2  }
0xb: {  	[smem:$0x3FA8] =	sst s3  }
0xc: {  	[smem:$0x3FA9] =	sst s4  }
0xd: {  	[smem:$0x3FAA] =	sst s5  }
0xe: {  	[smem:$0x3FAB] =	sst s6  }
0xf: {  	[smem:$0x3FAC] =	sst s7  }
0x10: {  	[smem:$0x3FAD] =	sst s8  }
0x11: {  	[smem:$0x3FAE] =	sst s9;
	s0 =	simm.s32 @!p0 $0x0  }
0x12: {  	s1 =	sld [smem:$0x3F94];
	s0 =	simm.s32 @p0 $0x1  }
0x13: {  	[smem:$0x3FAF] =	sst s0;
	s0 =	simm.s32 @!p1 $0x0  }
0x14: {  	s2 =	sld [smem:$0x3F93];
	s0 =	simm.s32 @p1 $0x1  }
0x15: {  	[smem:$0x3FB0] =	sst s0;
	s0 =	simm.s32 @!p2 $0x0  }
0x16: {  	s3 =	sld [smem:$0x3FDB];
	s0 =	simm.s32 @p2 $0x1  }
0x17: {  	s4 =	simm.s32 $0x1BF5;
	[smem:$0x3FB2] =	sst s0  }
0x18: {  	s0 =	sld [smem:$0x3F95];
	_ =	swait.ge [sflag:s4], $0x0  }
0x19: {  	s7 =	sld [smem:$0x3F96]  }
0x1a: {  	s8 =	sadd.s32 $0xFFFFE003, lr  }
0x1b: {  	s9 =	sadd.s32 $0xFFFFFEF7, lr;
	s5 =	simm.s32 $0xFFFFFFFF;
	p2 =	slt.u32 s8, $0xFFFFF086  }
0x1c: {  	p1 =	slt.u32 s9, $0xF7A;
	s5 =	simm.s32 @!p2 $0x0  }
0x1d: {  	s5 =	simm.s32 @p1 $0x1;
	p0 =	seq.s32 s7, s2  }
0x1e: {  	s7 =	smul.u32 @!p0 $0xF7A, s2;
	p2 =	seq.s32 @!p0 s5, $0x0  }
0x1f: {  	s9 =	smul.u32 $0xF7A, s1;
	s8 =	simm.s32 @!p0 $0x1BF5;
	p2 =	por !p2, p0  }
0x20: {  	[sflag:s8] =	ssyncset.s32 @!p0 $0xFFFFF086;
	s6 =	sadd.s32 @!p0 s3, s7;
	s7 =	simm.s32 @!p0 $0x108  }
0x21: {  	s3 =	sadd.s32 s3, s9;
	s6 =	sadd.s32 @!p0 $0x88, s6;
	s7 =	simm.s32 @p2 $0x1082  }
0x22: {  	[simem:s7], [sflag:s8] =	dma.local @!p0 [hbm:s6], $0xF7A  }
0x23: {  	s9 =	sor.u32 $0xD0000000, s2;
	s6 =	simm.s32 $0x108;
	_ =	swait.ge @!p0 [sflag:s8], $0x0  }
0x24: {  	s3 =	sadd.s32 $0x88, s3;
	s6 =	simm.s32 @!p1 $0x1082;
	[sflag:s4] =	ssyncset.s32 $0xFFFFF086  }
0x25: {  	[simem:s6], [sflag:s4] =	dma.local [hbm:s3], $0xF7A  }
0x26: {  	[smem:$0x3F96] =	sst s1;
	(tag) =	ssettag s2;
	_ =	strace s9  }
0x27: {  	s1 =	sld [smem:$0x3FA6]  }
0x28: {  	s2 =	sld [smem:$0x3FA7]  }
0x29: {  	s4 =	sld [smem:$0x3FA9]  }
0x2a: {  	p0 =	seq.s32 s5, $0x0;
	s5 =	sld [smem:$0x3FAA]  }
0x2b: {  	s6 =	sld [smem:$0x3FAB]  }
0x2c: {  	s7 =	sld [smem:$0x3FAC]  }
0x2d: {  	s3 =	simm.s32 $0x108;
	s8 =	sld [smem:$0x3FAD]  }
0x2e: {  	s3 =	simm.s32 @!p0 $0x1082;
	s9 =	sld [smem:$0x3FAE]  }
0x2f: {  	lr =	sadd.s32 s0, s3;
	s0 =	sld [smem:$0x3FA5]  }
0x30: {  	s3 =	sld [smem:$0x3FA8]  }
0x31: {  	[smem:$0x3FB1] =	sst s10  }
0x32: {  	s10 =	sld [smem:$0x3FAF];
	_ =	sdelay $0x3  }
0x33: {  	p0 =	seq.s32 s10, $0x1;
	s10 =	sld [smem:$0x3FB1];
	_ =	sdelay $0x3  }
0x34: {  	[smem:$0x3FB1] =	sst s10  }
0x35: {  	s10 =	sld [smem:$0x3FB0];
	_ =	sdelay $0x3  }
0x36: {  	p1 =	seq.s32 s10, $0x1;
	s10 =	sld [smem:$0x3FB1];
	_ =	sdelay $0x3  }
0x37: {  	[smem:$0x3FB1] =	sst s10  }
0x38: {  	s10 =	sld [smem:$0x3FB2]  }
0x39: {  	_ = 	snop;
	(pc) =	sbr.ind lr, $3  }
0x3a: {  	_ = 	snop  }
0x3b: {  	_ = 	snop  }
0x3c: {  	p2 =	seq.s32 s10, $0x1;
	s10 =	sld [smem:$0x3FB1]  }
0x3d: {  	_ =	shalt  }
0x3e: {  	_ =	shalt  }
0x3f: {  	_ =	shalt  }
0x40: {  	_ =	shalt  }
0x41: {  	_ =	shalt  }
0x42: {  	_ =	shalt  }
0x43: {  	_ =	shalt  }
0x44: {  	_ =	shalt  }
0x45: {  	_ =	shalt  }
0x46: {  	_ =	shalt  }
0x47: {  	_ =	shalt  }
0x48: {  	_ =	shalt  }
0x49: {  	_ =	shalt  }
0x4a: {  	_ =	shalt  }
0x4b: {  	_ =	shalt  }
0x4c: {  	_ =	shalt  }
0x4d: {  	_ =	shalt  }
0x4e: {  	_ =	shalt  }
0x4f: {  	_ =	shalt  }
0x50: {  	_ =	shalt  }
0x51: {  	_ =	shalt  }
0x52: {  	_ =	shalt  }
0x53: {  	_ =	shalt  }
0x54: {  	_ =	shalt  }
0x55: {  	_ =	shalt  }
0x56: {  	_ =	shalt  }
0x57: {  	_ =	shalt  }
0x58: {  	_ =	shalt  }
0x59: {  	_ =	shalt  }
0x5a: {  	_ =	shalt  }
0x5b: {  	_ =	shalt  }
0x5c: {  	_ =	shalt  }
0x5d: {  	_ =	shalt  }
0x5e: {  	_ =	shalt  }
0x5f: {  	_ =	shalt  }
0x60: {  	_ =	shalt  }
0x61: {  	_ =	shalt  }
0x62: {  	_ =	shalt  }
0x63: {  	_ =	shalt  }
0x64: {  	_ =	shalt  }
0x65: {  	_ =	shalt  }
0x66: {  	_ =	shalt  }
0x67: {  	_ =	shalt  }
0x68: {  	_ =	shalt  }
0x69: {  	_ =	shalt  }
0x6a: {  	_ =	shalt  }
0x6b: {  	_ =	shalt  }
0x6c: {  	_ =	shalt  }
0x6d: {  	_ =	shalt  }
0x6e: {  	_ =	shalt  }
0x6f: {  	_ =	shalt  }
0x70: {  	_ =	shalt  }
0x71: {  	_ =	shalt  }
0x72: {  	_ =	shalt  }
0x73: {  	_ =	shalt  }
0x74: {  	_ =	shalt  }
0x75: {  	_ =	shalt  }
0x76: {  	_ =	shalt  }
0x77: {  	_ =	shalt  }
0x78: {  	_ =	shalt  }
0x79: {  	_ =	shalt  }
0x7a: {  	_ =	shalt  }
0x7b: {  	_ =	shalt  }
0x7c: {  	_ =	shalt  }
0x7d: {  	_ =	shalt  }
0x7e: {  	_ =	shalt  }
0x7f: {  	_ =	shalt  }
0x80: {  	_ =	shalt  }
0x81: {  	_ =	shalt  }
0x82: {  	_ =	shalt  }
0x83: {  	_ =	shalt  }
0x84: {  	_ =	shalt  }
0x85: {  	_ =	shalt  }
0x86: {  	_ =	shalt  }
0x87: {  	_ =	shalt  }
.Lfunc_end0:
.L_simem_size_0:
called_computation.5_lowered:
.L_overlay_start_0:
0x88: {  	s2 =	sld [smem:$0x3FD9]  }
0x89: {  	s3 =	sld [smem:$0x3FFE];
	_ =	sdelay $0x1  }
0x8a: {  	s1 =	srdreg.scid  }
0x8b: {  	s0 =	sand.u32 $0x1, s1  }
0x8c: {  	s17 =	sshll.u32 s0, $0xA;
	s2 =	sadd.s32 s3, s2  }
0x8d: {  	s2 =	sadd.s32 s2, s17  }
0x8e: {  	[smem:$0x3FBD] =	sst s2  }
0x8f: {  	_ = 	snop  }
0x90: {  	s2 =	sld [smem:$0x3FD0];
	(tm) =	ssettm $0x1  }
0x91: {  	s18 =	sld [smem:$0x3FFB];
	_ =	sdelay $0x3  }
0x92: {  	_ =	strace s18  }
0x93: {  	s3 =	sld [smem:$0x3FFC];
	_ =	sdelay $0x3  }
0x94: {  	_ =	strace s3  }
0x95: {  	s3 =	sld [smem:$0x3FFD];
	_ =	sdelay $0x3  }
0x96: {  	_ =	strace s3  }
0x97: {  	_ =	strace $0x8FFFFFFF  }
0x98: {  	s19 =	sld [smem:$0x3FDB];
	_ =	sdelay $0x1  }
0x99: {  	s4 =	simm.s32 $_scs_section_size  }
0x9a: {  	s5 =	simm.s32 $_size__tile_overlayer_lowered;
	s6 =	simm.s32 $_tile_overlayer_lowered  }
0x9b: {  	s22 =	simm.s32 $0x1BFF;
	s21 =	sshll.u32 s6, $0x1;
	s3 =	sadd.s32 s4, s19  }
0x9c: {  	s7 =	simm.s32 $0x0;
	s20 =	sshll.u32 s5, $0x1;
	s5 =	sadd.s32 s21, s3  }
0x9d: {  	[timem:s7], [sflag:s22] =	dma.local [hbm:s5], s20  }
0x9e: {  	_ =	swait.ge [sflag:s22], s20  }
0x9f: {  	s4 =	ssub.s32 $0x0, s20;
	[sflag:s22] =	ssyncset.done $0x0  }
0xa0: {  	[sflag:s22] =	ssyncadd.s32 s4;
	_ =	sdelay $0x1  }
0xa1: {  	s23 =	simm.s32 $0x1B8B  }
0xa2: {  	_ =	swait.ge [sflag:s23], $0x1  }
0xa3: {  	[sflag:s23] =	ssyncset.done $0x0  }
0xa4: {  	s25 =	simm.s32 $0x1B8E;
	s24 =	sld [smem:$0x3FFE];
	[sflag:s23] =	ssyncadd.s32 $0xFFFFFFFF  }
0xa5: {  	s26 =	simm.s32 $execute0_lowered;
	[smem:$0x3FD2] =	sst s25  }
0xa6: {  	s5 =	sshll.u32 s26, $0x1;
	_ =	strace $0x80000055;
	[dreg:$0x1] =	wrdreg $0xFFFFFFFF  }
0xa7: {  	s28 =	simm.s32 $_size_execute0_lowered;
	s3 =	sadd.s32 s3, s5;
	[dreg:$0x0] =	wrdreg $0x0  }
0xa8: {  	s5 =	sshll.u32 s28, $0x1;
	[dreg:$0x2] =	wrdreg s3  }
0xa9: {  	[dreg:$0x3] =	wrdreg s5  }
0xaa: {  	[dreg:$0x4] =	wrdreg $0xC0  }
0xab: {  	_ =	task [dreg:s7], $0x5FFFF  }
0xac: {  	[dreg:$0x1] =	wrdreg $0xFFFFFFFF  }
0xad: {  	[dreg:$0x0] =	wrdreg $0x60  }
0xae: {  	[dreg:$0x2] =	wrdreg s2  }
0xaf: {  	[dreg:$0x3] =	wrdreg s24  }
0xb0: {  	[dreg:$0x4] =	wrdreg $0x68000  }
0xb1: {  	[dreg:$0x5] =	wrdreg $0x9  }
0xb2: {  	_ =	task.clear_ibuf [dreg:s7], $0x6FFFF;
	_ =	strace $0x90000055  }
0xb3: {  	s29 =	simm.s32 $0x9;
	_ =	strace $0x80000057  }
0xb4: {  	_ =	swait.ge [sflag:s29], $0x1  }
0xb5: {  	[sflag:s29] =	ssyncadd.s32 $0xFFFFFFFF  }
0xb6: {  	_ =	strace $0x90000057  }
0xb7: {  	_ =	sfence  }
0xb8: {  	s30 =	sld [smem:$0x0];
	_ =	sdelay $0x2  }
0xb9: {  	s31 =	sshll.u32 s1, $0xD;
	s1 =	sshrl.u32 s1, $0x2  }
0xba: {  	s3 =	sand.u32 $0x4000, s31;
	s1 =	sadd.s32 s1, s30  }
0xbb: {  	s0 =	sor.u32 s3, s0;
	s1 =	sshll.u32 s1, $0x11  }
0xbc: {  	s0 =	sor.u32 s1, s0  }
0xbd: {  	s0 =	sadd.s32 $0x8F2B, s0  }
0xbe: {  	[sflag:s0] =	ssyncadd.remote.s32 $0x1  }
0xbf: {  	_ =	sfence.sel $0xFFFF  }
0xc0: {  	[dreg:$0x0] =	wrdreg $0xFFFFFFFF;
	(pc) =	sbr.abs _section_cstart, $3  }
0xc1: {  	[dreg:$0x1] =	wrdreg $0xFFFFFFFF  }
0xc2: {  	_ =	task.clear_ibuf [dreg:s7], $0x2FFFF;
	_ =	strace $0x9FFFFFFF  }
0xc3: {  	(tm) =	ssettm $0x7FFFFFFF  }
tec
execute0_lowered:
.L_overlay_start_1:
0x0: {  	(tag) =	ssettag $0x1  }
0x1: {  	s1 =	rddreg [dreg:$0x0]  }
0x2: {  	s2 =	srdreg.scid;
	s6 =	rddreg [dreg:$0x1]  }
0x3: {  	s0 =	stileid.u32;
	s3 =	rddreg [dreg:$0x2]  }
0x4: {  	s4 =	simm.s32 $0x0;
	s14 =	simm.s32 $0x80;
	s15 =	simm.s32 $0x2800  }
0x5: {  	s16 =	simm.s32 $0x1;
	s17 =	simm.s32 $0x0;
	s8 =	smul.u32 $0x13C00, s0  }
0x6: {  	s5 =	sand.u32 $0x1, s2;
	s26 =	sshll.u32 s0, $0x1;
	s11 =	smul.u32 $0x4F000, s0  }
0x7: {  	[smem:$0x7FF] =	sst s4;
	s2 =	sor.u32 s5, s26;
	s9 =	smul.u32 $0x13C000, s5  }
0x8: {  	s30 =	sshll.u32 s0, $0x6;
	s5 =	ssub.s32 $0x2, s5;
	s7 =	smul.u32 $0x280, s2  }
0x9: {  	s2 =	rddreg [dreg:$0x3];
	_ =	strace $0x80000056;
	s28 =	sshrl.u32 s8, $0x3  }
0xa: {  	s29 =	sshrl.u32 s5, $0x1;
	s31 =	sshrl.u32 s11, $0x2;
	s8 =	sadd.s32 s8, s9  }
0xb: {  	s13 =	ssub.s32 s5, s29;
	s11 =	sadd.s32 s31, s3;
	s10 =	sadd.s32 s7, s6  }
0xc: {  	s7 =	sadd.s32 s28, s6;
	s8 =	sshrl.u32 s8, $0x3;
	s11 =	sshrl.u32 s11, $0x3  }
0xd: {  	s12 =	sadd.s32 s8, s6;
	s5 =	sadd.s32 $0x6A00, s7;
	s6 =	sor.u32 $0x1C02, s30  }
0xe: {  	s7 =	sadd.s32 $0x277A00, s10;
	s8 =	sadd.s32 $0x27CA00, s10;
	s10 =	smax.u32 s13, $0x1  }
0xf: {  	s13 =	simm.s32 $0x1400;
	s9 =	sadd.s32 $0x2E200, s12;
	s12 =	simm.s32 $0x2  }
.LBB2_1:
0x10: {  	[spmem:s11], [sflag:s6] =	dma.local [hbm:s5], $0x2780  }
0x11: {  	_ =	swait.ge [sflag:s12], $0x2780  }
0x12: {  	[sflag:s12] =	ssyncset.done $0x0  }
0x13: {  	[sflag:s12] =	ssyncadd.s32 $0xFFFFD880  }
0x14: {  	[tilespmem:s4], [sflag:$0x2] =	stream.linear.gather [hbm4b:s7+s4], $0x1400, $0x38;
	[tilespmem:$0x1A400] =	vst v63  }
0x15: {  	_ =	swait.ge [sflag:s12], $0x1400  }
0x16: {  	[sflag:s12] =	ssyncset.done $0x0  }
0x17: {  	[sflag:s12] =	ssyncadd.s32 $0xFFFFEC00  }
0x18: {  	[tilespmem:s13], [sflag:$0x2] =	stream.linear.gather [hbm4b:s8+s4], $0x1400, $0x38;
	[tilespmem:$0x1A400] =	vst v63  }
0x19: {  	_ =	swait.ge [sflag:s12], $0x1400  }
0x1a: {  	[sflag:s12] =	ssyncset.done $0x0  }
0x1b: {  	[sflag:s12] =	ssyncadd.s32 $0xFFFFEC00  }
0x1c: {  	s18 =	simm.s32 $0x0;
	[bflag:$0x0] =	sbarrier.arrive $0xFFFF  }
0x1d: {  	[tilespmem:s15], [sflag:$0x1] =	stream.indirect.gather [hbm4b:s1+s14], $0x80, s18, s14, $0xb8;
	[tilespmem:$0x1A400] =	vst v63  }
0x1e: {  	_ =	swait.ge [sflag:s16], $0x4000  }
0x1f: {  	[sflag:s16] =	ssyncset.done $0x0  }
0x20: {  	s31 =	simm.s32 $0x1400;
	[sflag:s16] =	ssyncadd.s32 $0xFFFFC000  }
0x21: {  	[spmem:s3] =	stream.indirect.scatter.add.f32 [tilespmem:s15], [sflag:$0x2], $0x80, s31, s14, $0xb8;
	[tilespmem:$0x1A400] =	vst v63  }
0x22: {  	_ =	swait.ge [sflag:s12], $0x4000  }
0x23: {  	s19 =	simm.s32 $0x400;
	s18 =	simm.s32 $0x200;
	[sflag:s12] =	ssyncset.done $0x0  }
.LBB2_2:
0x24: {  	s20 =	sshra.s32 s18, $0x2  }
0x25: {  	[sflag:s12] =	ssyncadd.s32 $0xFFFFC000;
	s18 =	smov.u32 s19;
	s21 =	sadd.s32 $0x200, s19  }
0x26: {  	[tilespmem:s15], [sflag:$0x1] =	stream.indirect.gather [hbm4b:s1+s14], $0x80, s20, s14, $0xb8;
	[tilespmem:$0x1A400] =	vst v63  }
0x27: {  	p0 =	sne.s32 s19, $0x4E00;
	_ =	swait.ge [sflag:s16], $0x4000  }
.Ltmp0:
0x28: {  	[sflag:s16] =	ssyncset.done $0x0;
	(pc) =	sbr.rel @p0 .LBB2_2-.Ltmp0, $4  }
0x29: {  	s19 =	sadd.s32 $0x1400, s20;
	[sflag:s16] =	ssyncadd.s32 $0xFFFFC000  }
0x2a: {  	[spmem:s3] =	stream.indirect.scatter.add.f32 [tilespmem:s15], [sflag:$0x2], $0x80, s19, s14, $0xb8;
	[tilespmem:$0x1A400] =	vst v63  }
0x2b: {  	_ =	swait.ge [sflag:s12], $0x4000  }
0x2c: {  	s19 =	smov.u32 s21;
	[sflag:s12] =	ssyncset.done $0x0  }
0x2d: {  	s18 =	sshra.s32 s18, $0x2;
	[sflag:s12] =	ssyncadd.s32 $0xFFFFC000  }
0x2e: {  	[tilespmem:s15], [sflag:$0x1] =	stream.indirect.gather [hbm4b:s1+s14], $0x80, s18, s14, $0xb8;
	[tilespmem:$0x1A400] =	vst v63  }
0x2f: {  	_ =	swait.ge [sflag:s16], $0x4000  }
0x30: {  	[sflag:s16] =	ssyncset.done $0x0  }
0x31: {  	s18 =	sadd.s32 $0x1400, s18;
	[sflag:s16] =	ssyncadd.s32 $0xFFFFC000  }
0x32: {  	[spmem:s3] =	stream.indirect.scatter.add.f32 [tilespmem:s15], [sflag:$0x2], $0x80, s18, s14, $0xb8;
	[tilespmem:$0x1A400] =	vst v63  }
0x33: {  	_ =	swait.ge [sflag:s12], $0x4000  }
0x34: {  	s17 =	sadd.s32 $0x1, s17;
	[sflag:s12] =	ssyncset.done $0x0  }
0x35: {  	p0 =	sne.s32 s17, s10;
	[sflag:s12] =	ssyncadd.s32 $0xFFFFC000  }
.Ltmp1:
0x36: {  	[bflag:$0x0] =	sbarrier.arrive $0xFFFF;
	(pc) =	sbr.rel @p0 .LBB2_1-.Ltmp1, $4  }
0x37: {  	[hbm:s9], [sflag:s6] =	dma.local [spmem:s11], $0x2780  }
0x38: {  	_ =	swait.ge [sflag:s12], $0x2780  }
0x39: {  	[sflag:s12] =	ssyncset.done $0x0  }
0x3a: {  	[sflag:s12] =	ssyncadd.s32 $0xFFFFD880  }
0x3b: {  	_ =	sfence.sel $0x180000  }
0x3c: {  	[bflag:$0x0] =	sbarrier.arrive $0xFFFF  }
0x3d: {  	p0 =	sne.s32 s0, $0x0;
	_ =	strace $0x90000056  }
0x3e: {  	s0 =	sadd.s32 @!p0 $0x100000, s2;
	[bflag:$0x2] =	sbarrier.arrive $0xFFFF  }
0x3f: {  	[sflag:s0] =	ssyncadd.tile.s32 @!p0 $0x1;
	_ =	shalt  }
.Lfunc_end2:
_tile_overlayer_lowered:
.L_overlay_start_2:
0x40: {  	(tag) =	ssettag $0x2  }
0x41: {  	s0 =	rddreg [dreg:$0x0];
	s2 =	stileid.u32  }
0x42: {  	s1 =	rddreg [dreg:$0x1];
	p0 =	sne.s32 s2, $0x0  }
0x43: {  	s3 =	rddreg [dreg:$0x2];
	[bflag:$0x3] =	sbarrier.arrive $0xFFFF;
	s2 =	simm.s32 @!p0 $0x1C02  }
0x44: {  	[timem:s3], [sflag:s2] =	dma.local @!p0 [hbm:s0], s1  }
0x45: {  	s0 =	simm.s32 @!p0 $0x2  }
0x46: {  	_ =	swait.ge @!p0 [sflag:s0], s1  }
0x47: {  	s1 =	ssub.s32 @!p0 $0x0, s1;
	[sflag:s0] =	ssyncset.done @!p0 $0x0  }
0x48: {  	[sflag:s0] =	ssyncadd.s32 @!p0 s1  }
0x49: {  	[bflag:$0x3] =	sbarrier.arrive $0xFFFF  }
0x4a: {  	_ =	shalt  }

// kernel: kernel.41.cloned.1.call-start
scs
__scs_entry_jumppad:
0x0: {  	(pc) =	sbr.rel $0x88, $3  }
0x1: {  	(tag) =	ssettag $0x0;
	lr =	simm.s32 $0x1  }
0x2: {  	[smem:$0x3F96] =	sst lr;
	_ =	strace $0xD0000000  }
0x3: {  	_ = 	snop  }
0x4: {  	_ = 	snop  }
0x5: {  	_ = 	snop  }
0x6: {  	_ = 	snop  }
0x7: {  	_ = 	snop  }
__scs_overlays_trampoline_lowered:
0x8: {  	[smem:$0x3FA5] =	sst s0  }
0x9: {  	[smem:$0x3FA6] =	sst s1  }
0xa: {  	[smem:$0x3FA7] =	sst s2  }
0xb: {  	[smem:$0x3FA8] =	sst s3  }
0xc: {  	[smem:$0x3FA9] =	sst s4  }
0xd: {  	[smem:$0x3FAA] =	sst s5  }
0xe: {  	[smem:$0x3FAB] =	sst s6  }
0xf: {  	[smem:$0x3FAC] =	sst s7  }
0x10: {  	[smem:$0x3FAD] =	sst s8  }
0x11: {  	[smem:$0x3FAE] =	sst s9;
	s0 =	simm.s32 @!p0 $0x0  }
0x12: {  	s1 =	sld [smem:$0x3F94];
	s0 =	simm.s32 @p0 $0x1  }
0x13: {  	[smem:$0x3FAF] =	sst s0;
	s0 =	simm.s32 @!p1 $0x0  }
0x14: {  	s2 =	sld [smem:$0x3F93];
	s0 =	simm.s32 @p1 $0x1  }
0x15: {  	[smem:$0x3FB0] =	sst s0;
	s0 =	simm.s32 @!p2 $0x0  }
0x16: {  	s3 =	sld [smem:$0x3FDB];
	s0 =	simm.s32 @p2 $0x1  }
0x17: {  	s4 =	simm.s32 $0x1BF5;
	[smem:$0x3FB2] =	sst s0  }
0x18: {  	s0 =	sld [smem:$0x3F95];
	_ =	swait.ge [sflag:s4], $0x0  }
0x19: {  	s7 =	sld [smem:$0x3F96]  }
0x1a: {  	s8 =	sadd.s32 $0xFFFFE003, lr  }
0x1b: {  	s9 =	sadd.s32 $0xFFFFFEF7, lr;
	s5 =	simm.s32 $0xFFFFFFFF;
	p2 =	slt.u32 s8, $0xFFFFF086  }
0x1c: {  	p1 =	slt.u32 s9, $0xF7A;
	s5 =	simm.s32 @!p2 $0x0  }
0x1d: {  	s5 =	simm.s32 @p1 $0x1;
	p0 =	seq.s32 s7, s2  }
0x1e: {  	s7 =	smul.u32 @!p0 $0xF7A, s2;
	p2 =	seq.s32 @!p0 s5, $0x0  }
0x1f: {  	s9 =	smul.u32 $0xF7A, s1;
	s8 =	simm.s32 @!p0 $0x1BF5;
	p2 =	por !p2, p0  }
0x20: {  	[sflag:s8] =	ssyncset.s32 @!p0 $0xFFFFF086;
	s6 =	sadd.s32 @!p0 s3, s7;
	s7 =	simm.s32 @!p0 $0x108  }
0x21: {  	s3 =	sadd.s32 s3, s9;
	s6 =	sadd.s32 @!p0 $0x88, s6;
	s7 =	simm.s32 @p2 $0x1082  }
0x22: {  	[simem:s7], [sflag:s8] =	dma.local @!p0 [hbm:s6], $0xF7A  }
0x23: {  	s9 =	sor.u32 $0xD0000000, s2;
	s6 =	simm.s32 $0x108;
	_ =	swait.ge @!p0 [sflag:s8], $0x0  }
0x24: {  	s3 =	sadd.s32 $0x88, s3;
	s6 =	simm.s32 @!p1 $0x1082;
	[sflag:s4] =	ssyncset.s32 $0xFFFFF086  }
0x25: {  	[simem:s6], [sflag:s4] =	dma.local [hbm:s3], $0xF7A  }
0x26: {  	[smem:$0x3F96] =	sst s1;
	(tag) =	ssettag s2;
	_ =	strace s9  }
0x27: {  	s1 =	sld [smem:$0x3FA6]  }
0x28: {  	s2 =	sld [smem:$0x3FA7]  }
0x29: {  	s4 =	sld [smem:$0x3FA9]  }
0x2a: {  	p0 =	seq.s32 s5, $0x0;
	s5 =	sld [smem:$0x3FAA]  }
0x2b: {  	s6 =	sld [smem:$0x3FAB]  }
0x2c: {  	s7 =	sld [smem:$0x3FAC]  }
0x2d: {  	s3 =	simm.s32 $0x108;
	s8 =	sld [smem:$0x3FAD]  }
0x2e: {  	s3 =	simm.s32 @!p0 $0x1082;
	s9 =	sld [smem:$0x3FAE]  }
0x2f: {  	lr =	sadd.s32 s0, s3;
	s0 =	sld [smem:$0x3FA5]  }
0x30: {  	s3 =	sld [smem:$0x3FA8]  }
0x31: {  	[smem:$0x3FB1] =	sst s10  }
0x32: {  	s10 =	sld [smem:$0x3FAF];
	_ =	sdelay $0x3  }
0x33: {  	p0 =	seq.s32 s10, $0x1;
	s10 =	sld [smem:$0x3FB1];
	_ =	sdelay $0x3  }
0x34: {  	[smem:$0x3FB1] =	sst s10  }
0x35: {  	s10 =	sld [smem:$0x3FB0];
	_ =	sdelay $0x3  }
0x36: {  	p1 =	seq.s32 s10, $0x1;
	s10 =	sld [smem:$0x3FB1];
	_ =	sdelay $0x3  }
0x37: {  	[smem:$0x3FB1] =	sst s10  }
0x38: {  	s10 =	sld [smem:$0x3FB2]  }
0x39: {  	_ = 	snop;
	(pc) =	sbr.ind lr, $3  }
0x3a: {  	_ = 	snop  }
0x3b: {  	_ = 	snop  }
0x3c: {  	p2 =	seq.s32 s10, $0x1;
	s10 =	sld [smem:$0x3FB1]  }
0x3d: {  	_ =	shalt  }
0x3e: {  	_ =	shalt  }
0x3f: {  	_ =	shalt  }
0x40: {  	_ =	shalt  }
0x41: {  	_ =	shalt  }
0x42: {  	_ =	shalt  }
0x43: {  	_ =	shalt  }
0x44: {  	_ =	shalt  }
0x45: {  	_ =	shalt  }
0x46: {  	_ =	shalt  }
0x47: {  	_ =	shalt  }
0x48: {  	_ =	shalt  }
0x49: {  	_ =	shalt  }
0x4a: {  	_ =	shalt  }
0x4b: {  	_ =	shalt  }
0x4c: {  	_ =	shalt  }
0x4d: {  	_ =	shalt  }
0x4e: {  	_ =	shalt  }
0x4f: {  	_ =	shalt  }
0x50: {  	_ =	shalt  }
0x51: {  	_ =	shalt  }
0x52: {  	_ =	shalt  }
0x53: {  	_ =	shalt  }
0x54: {  	_ =	shalt  }
0x55: {  	_ =	shalt  }
0x56: {  	_ =	shalt  }
0x57: {  	_ =	shalt  }
0x58: {  	_ =	shalt  }
0x59: {  	_ =	shalt  }
0x5a: {  	_ =	shalt  }
0x5b: {  	_ =	shalt  }
0x5c: {  	_ =	shalt  }
0x5d: {  	_ =	shalt  }
0x5e: {  	_ =	shalt  }
0x5f: {  	_ =	shalt  }
0x60: {  	_ =	shalt  }
0x61: {  	_ =	shalt  }
0x62: {  	_ =	shalt  }
0x63: {  	_ =	shalt  }
0x64: {  	_ =	shalt  }
0x65: {  	_ =	shalt  }
0x66: {  	_ =	shalt  }
0x67: {  	_ =	shalt  }
0x68: {  	_ =	shalt  }
0x69: {  	_ =	shalt  }
0x6a: {  	_ =	shalt  }
0x6b: {  	_ =	shalt  }
0x6c: {  	_ =	shalt  }
0x6d: {  	_ =	shalt  }
0x6e: {  	_ =	shalt  }
0x6f: {  	_ =	shalt  }
0x70: {  	_ =	shalt  }
0x71: {  	_ =	shalt  }
0x72: {  	_ =	shalt  }
0x73: {  	_ =	shalt  }
0x74: {  	_ =	shalt  }
0x75: {  	_ =	shalt  }
0x76: {  	_ =	shalt  }
0x77: {  	_ =	shalt  }
0x78: {  	_ =	shalt  }
0x79: {  	_ =	shalt  }
0x7a: {  	_ =	shalt  }
0x7b: {  	_ =	shalt  }
0x7c: {  	_ =	shalt  }
0x7d: {  	_ =	shalt  }
0x7e: {  	_ =	shalt  }
0x7f: {  	_ =	shalt  }
0x80: {  	_ =	shalt  }
0x81: {  	_ =	shalt  }
0x82: {  	_ =	shalt  }
0x83: {  	_ =	shalt  }
0x84: {  	_ =	shalt  }
0x85: {  	_ =	shalt  }
0x86: {  	_ =	shalt  }
0x87: {  	_ =	shalt  }
.Lfunc_end0:
.L_simem_size_0:
called_computation.6_lowered:
.L_overlay_start_0:
0x88: {  	s2 =	sld [smem:$0x3FD9]  }
0x89: {  	s3 =	sld [smem:$0x3FFE];
	_ =	sdelay $0x1  }
0x8a: {  	s1 =	srdreg.scid  }
0x8b: {  	s0 =	sand.u32 $0x1, s1  }
0x8c: {  	s17 =	sshll.u32 s0, $0xA;
	s2 =	sadd.s32 s3, s2  }
0x8d: {  	s2 =	sadd.s32 s2, s17  }
0x8e: {  	[smem:$0x3FBD] =	sst s2  }
0x8f: {  	_ = 	snop  }
0x90: {  	s2 =	sld [smem:$0x3FD0];
	(tm) =	ssettm $0x1  }
0x91: {  	s18 =	sld [smem:$0x3FFB];
	_ =	sdelay $0x3  }
0x92: {  	_ =	strace s18  }
0x93: {  	s3 =	sld [smem:$0x3FFC];
	_ =	sdelay $0x3  }
0x94: {  	_ =	strace s3  }
0x95: {  	s3 =	sld [smem:$0x3FFD];
	_ =	sdelay $0x3  }
0x96: {  	_ =	strace s3  }
0x97: {  	_ =	strace $0x8FFFFFFF  }
0x98: {  	s19 =	sld [smem:$0x3FDB];
	_ =	sdelay $0x1  }
0x99: {  	s4 =	simm.s32 $_scs_section_size  }
0x9a: {  	s5 =	simm.s32 $_size__tile_overlayer_lowered;
	s6 =	simm.s32 $_tile_overlayer_lowered  }
0x9b: {  	s22 =	simm.s32 $0x1BFF;
	s21 =	sshll.u32 s6, $0x1;
	s3 =	sadd.s32 s4, s19  }
0x9c: {  	s7 =	simm.s32 $0x0;
	s20 =	sshll.u32 s5, $0x1;
	s5 =	sadd.s32 s21, s3  }
0x9d: {  	[timem:s7], [sflag:s22] =	dma.local [hbm:s5], s20  }
0x9e: {  	_ =	swait.ge [sflag:s22], s20  }
0x9f: {  	s4 =	ssub.s32 $0x0, s20;
	[sflag:s22] =	ssyncset.done $0x0  }
0xa0: {  	[sflag:s22] =	ssyncadd.s32 s4;
	_ =	sdelay $0x1  }
0xa1: {  	s23 =	simm.s32 $0x1B8B  }
0xa2: {  	_ =	swait.ge [sflag:s23], $0x1  }
0xa3: {  	[sflag:s23] =	ssyncset.done $0x0  }
0xa4: {  	s25 =	simm.s32 $0x1B8E;
	s24 =	sld [smem:$0x3FFE];
	[sflag:s23] =	ssyncadd.s32 $0xFFFFFFFF  }
0xa5: {  	s26 =	simm.s32 $execute0_lowered;
	[smem:$0x3FD2] =	sst s25  }
0xa6: {  	s5 =	sshll.u32 s26, $0x1;
	_ =	strace $0x80000058;
	[dreg:$0x1] =	wrdreg $0xFFFFFFFF  }
0xa7: {  	s28 =	simm.s32 $_size_execute0_lowered;
	s3 =	sadd.s32 s3, s5;
	[dreg:$0x0] =	wrdreg $0x0  }
0xa8: {  	s5 =	sshll.u32 s28, $0x1;
	[dreg:$0x2] =	wrdreg s3  }
0xa9: {  	[dreg:$0x3] =	wrdreg s5  }
0xaa: {  	[dreg:$0x4] =	wrdreg $0xC0  }
0xab: {  	_ =	task [dreg:s7], $0x5FFFF  }
0xac: {  	[dreg:$0x1] =	wrdreg $0xFFFFFFFF  }
0xad: {  	[dreg:$0x0] =	wrdreg $0x60  }
0xae: {  	[dreg:$0x2] =	wrdreg s2  }
0xaf: {  	[dreg:$0x3] =	wrdreg s24  }
0xb0: {  	[dreg:$0x4] =	wrdreg $0x68000  }
0xb1: {  	[dreg:$0x5] =	wrdreg $0x9  }
0xb2: {  	_ =	task.clear_ibuf [dreg:s7], $0x6FFFF;
	_ =	strace $0x90000058  }
0xb3: {  	s29 =	simm.s32 $0x9;
	_ =	strace $0x8000005A  }
0xb4: {  	_ =	swait.ge [sflag:s29], $0x1  }
0xb5: {  	[sflag:s29] =	ssyncadd.s32 $0xFFFFFFFF  }
0xb6: {  	_ =	strace $0x9000005A  }
0xb7: {  	_ =	sfence  }
0xb8: {  	s30 =	sld [smem:$0x0];
	_ =	sdelay $0x2  }
0xb9: {  	s31 =	sshll.u32 s1, $0xD;
	s1 =	sshrl.u32 s1, $0x2  }
0xba: {  	s3 =	sand.u32 $0x4000, s31;
	s1 =	sadd.s32 s1, s30  }
0xbb: {  	s0 =	sor.u32 s3, s0;
	s1 =	sshll.u32 s1, $0x11  }
0xbc: {  	s0 =	sor.u32 s1, s0  }
0xbd: {  	s0 =	sadd.s32 $0x8F2B, s0  }
0xbe: {  	[sflag:s0] =	ssyncadd.remote.s32 $0x1  }
0xbf: {  	_ =	sfence.sel $0xFFFF  }
0xc0: {  	[dreg:$0x0] =	wrdreg $0xFFFFFFFF;
	(pc) =	sbr.abs _section_cstart, $3  }
0xc1: {  	[dreg:$0x1] =	wrdreg $0xFFFFFFFF  }
0xc2: {  	_ =	task.clear_ibuf [dreg:s7], $0x2FFFF;
	_ =	strace $0x9FFFFFFF  }
0xc3: {  	(tm) =	ssettm $0x7FFFFFFF  }
tec
execute0_lowered:
.L_overlay_start_1:
0x0: {  	(tag) =	ssettag $0x1  }
0x1: {  	s1 =	rddreg [dreg:$0x0]  }
0x2: {  	s2 =	srdreg.scid;
	s6 =	rddreg [dreg:$0x1]  }
0x3: {  	s0 =	stileid.u32;
	s3 =	rddreg [dreg:$0x2]  }
0x4: {  	s4 =	simm.s32 $0x0;
	s14 =	simm.s32 $0x80;
	s15 =	simm.s32 $0x2800  }
0x5: {  	s16 =	simm.s32 $0x1;
	s17 =	simm.s32 $0x0;
	s8 =	smul.u32 $0x13C00, s0  }
0x6: {  	s5 =	sand.u32 $0x1, s2;
	s26 =	sshll.u32 s0, $0x1;
	s11 =	smul.u32 $0x4F000, s0  }
0x7: {  	[smem:$0x7FF] =	sst s4;
	s2 =	sor.u32 s5, s26;
	s9 =	smul.u32 $0x13C000, s5  }
0x8: {  	s30 =	sshll.u32 s0, $0x6;
	s5 =	ssub.s32 $0x2, s5;
	s7 =	smul.u32 $0x280, s2  }
0x9: {  	s2 =	rddreg [dreg:$0x3];
	_ =	strace $0x80000059;
	s28 =	sshrl.u32 s8, $0x3  }
0xa: {  	s29 =	sshrl.u32 s5, $0x1;
	s31 =	sshrl.u32 s11, $0x2;
	s8 =	sadd.s32 s8, s9  }
0xb: {  	s13 =	ssub.s32 s5, s29;
	s11 =	sadd.s32 s31, s3;
	s10 =	sadd.s32 s7, s6  }
0xc: {  	s7 =	sadd.s32 s28, s6;
	s8 =	sshrl.u32 s8, $0x3;
	s11 =	sshrl.u32 s11, $0x3  }
0xd: {  	s12 =	sadd.s32 s8, s6;
	s5 =	sadd.s32 $0x6A00, s7;
	s6 =	sor.u32 $0x1C02, s30  }
0xe: {  	s7 =	sadd.s32 $0x277A00, s10;
	s8 =	sadd.s32 $0x27CA00, s10;
	s10 =	smax.u32 s13, $0x1  }
0xf: {  	s13 =	simm.s32 $0x1400;
	s9 =	sadd.s32 $0x2E200, s12;
	s12 =	simm.s32 $0x2  }
.LBB2_1:
0x10: {  	[spmem:s11], [sflag:s6] =	dma.local [hbm:s5], $0x2780  }
0x11: {  	_ =	swait.ge [sflag:s12], $0x2780  }
0x12: {  	[sflag:s12] =	ssyncset.done $0x0  }
0x13: {  	[sflag:s12] =	ssyncadd.s32 $0xFFFFD880  }
0x14: {  	[tilespmem:s4], [sflag:$0x2] =	stream.linear.gather [hbm4b:s7+s4], $0x1400, $0x38;
	[tilespmem:$0x1A400] =	vst v63  }
0x15: {  	_ =	swait.ge [sflag:s12], $0x1400  }
0x16: {  	[sflag:s12] =	ssyncset.done $0x0  }
0x17: {  	[sflag:s12] =	ssyncadd.s32 $0xFFFFEC00  }
0x18: {  	[tilespmem:s13], [sflag:$0x2] =	stream.linear.gather [hbm4b:s8+s4], $0x1400, $0x38;
	[tilespmem:$0x1A400] =	vst v63  }
0x19: {  	_ =	swait.ge [sflag:s12], $0x1400  }
0x1a: {  	[sflag:s12] =	ssyncset.done $0x0  }
0x1b: {  	[sflag:s12] =	ssyncadd.s32 $0xFFFFEC00  }
0x1c: {  	s18 =	simm.s32 $0x0;
	[bflag:$0x0] =	sbarrier.arrive $0xFFFF  }
0x1d: {  	[tilespmem:s15], [sflag:$0x1] =	stream.indirect.gather [hbm4b:s1+s14], $0x80, s18, s14, $0xb8;
	[tilespmem:$0x1A400] =	vst v63  }
0x1e: {  	_ =	swait.ge [sflag:s16], $0x4000  }
0x1f: {  	[sflag:s16] =	ssyncset.done $0x0  }
0x20: {  	s31 =	simm.s32 $0x1400;
	[sflag:s16] =	ssyncadd.s32 $0xFFFFC000  }
0x21: {  	[spmem:s3] =	stream.indirect.scatter.add.f32 [tilespmem:s15], [sflag:$0x2], $0x80, s31, s14, $0xb8;
	[tilespmem:$0x1A400] =	vst v63  }
0x22: {  	_ =	swait.ge [sflag:s12], $0x4000  }
0x23: {  	s19 =	simm.s32 $0x400;
	s18 =	simm.s32 $0x200;
	[sflag:s12] =	ssyncset.done $0x0  }
.LBB2_2:
0x24: {  	s20 =	sshra.s32 s18, $0x2  }
0x25: {  	[sflag:s12] =	ssyncadd.s32 $0xFFFFC000;
	s18 =	smov.u32 s19;
	s21 =	sadd.s32 $0x200, s19  }
0x26: {  	[tilespmem:s15], [sflag:$0x1] =	stream.indirect.gather [hbm4b:s1+s14], $0x80, s20, s14, $0xb8;
	[tilespmem:$0x1A400] =	vst v63  }
0x27: {  	p0 =	sne.s32 s19, $0x4E00;
	_ =	swait.ge [sflag:s16], $0x4000  }
.Ltmp0:
0x28: {  	[sflag:s16] =	ssyncset.done $0x0;
	(pc) =	sbr.rel @p0 .LBB2_2-.Ltmp0, $4  }
0x29: {  	s19 =	sadd.s32 $0x1400, s20;
	[sflag:s16] =	ssyncadd.s32 $0xFFFFC000  }
0x2a: {  	[spmem:s3] =	stream.indirect.scatter.add.f32 [tilespmem:s15], [sflag:$0x2], $0x80, s19, s14, $0xb8;
	[tilespmem:$0x1A400] =	vst v63  }
0x2b: {  	_ =	swait.ge [sflag:s12], $0x4000  }
0x2c: {  	s19 =	smov.u32 s21;
	[sflag:s12] =	ssyncset.done $0x0  }
0x2d: {  	s18 =	sshra.s32 s18, $0x2;
	[sflag:s12] =	ssyncadd.s32 $0xFFFFC000  }
0x2e: {  	[tilespmem:s15], [sflag:$0x1] =	stream.indirect.gather [hbm4b:s1+s14], $0x80, s18, s14, $0xb8;
	[tilespmem:$0x1A400] =	vst v63  }
0x2f: {  	_ =	swait.ge [sflag:s16], $0x4000  }
0x30: {  	[sflag:s16] =	ssyncset.done $0x0  }
0x31: {  	s18 =	sadd.s32 $0x1400, s18;
	[sflag:s16] =	ssyncadd.s32 $0xFFFFC000  }
0x32: {  	[spmem:s3] =	stream.indirect.scatter.add.f32 [tilespmem:s15], [sflag:$0x2], $0x80, s18, s14, $0xb8;
	[tilespmem:$0x1A400] =	vst v63  }
0x33: {  	_ =	swait.ge [sflag:s12], $0x4000  }
0x34: {  	s17 =	sadd.s32 $0x1, s17;
	[sflag:s12] =	ssyncset.done $0x0  }
0x35: {  	p0 =	sne.s32 s17, s10;
	[sflag:s12] =	ssyncadd.s32 $0xFFFFC000  }
.Ltmp1:
0x36: {  	[bflag:$0x0] =	sbarrier.arrive $0xFFFF;
	(pc) =	sbr.rel @p0 .LBB2_1-.Ltmp1, $4  }
0x37: {  	[hbm:s9], [sflag:s6] =	dma.local [spmem:s11], $0x2780  }
0x38: {  	_ =	swait.ge [sflag:s12], $0x2780  }
0x39: {  	[sflag:s12] =	ssyncset.done $0x0  }
0x3a: {  	[sflag:s12] =	ssyncadd.s32 $0xFFFFD880  }
0x3b: {  	_ =	sfence.sel $0x180000  }
0x3c: {  	[bflag:$0x0] =	sbarrier.arrive $0xFFFF  }
0x3d: {  	p0 =	sne.s32 s0, $0x0;
	_ =	strace $0x90000059  }
0x3e: {  	s0 =	sadd.s32 @!p0 $0x100000, s2;
	[bflag:$0x2] =	sbarrier.arrive $0xFFFF  }
0x3f: {  	[sflag:s0] =	ssyncadd.tile.s32 @!p0 $0x1;
	_ =	shalt  }
.Lfunc_end2:
_tile_overlayer_lowered:
.L_overlay_start_2:
0x40: {  	(tag) =	ssettag $0x2  }
0x41: {  	s0 =	rddreg [dreg:$0x0];
	s2 =	stileid.u32  }
0x42: {  	s1 =	rddreg [dreg:$0x1];
	p0 =	sne.s32 s2, $0x0  }
0x43: {  	s3 =	rddreg [dreg:$0x2];
	[bflag:$0x3] =	sbarrier.arrive $0xFFFF;
	s2 =	simm.s32 @!p0 $0x1C02  }
0x44: {  	[timem:s3], [sflag:s2] =	dma.local @!p0 [hbm:s0], s1  }
0x45: {  	s0 =	simm.s32 @!p0 $0x2  }
0x46: {  	_ =	swait.ge @!p0 [sflag:s0], s1  }
0x47: {  	s1 =	ssub.s32 @!p0 $0x0, s1;
	[sflag:s0] =	ssyncset.done @!p0 $0x0  }
0x48: {  	[sflag:s0] =	ssyncadd.s32 @!p0 s1  }
0x49: {  	[bflag:$0x3] =	sbarrier.arrive $0xFFFF  }
0x4a: {  	_ =	shalt  }

// kernel: kernel.44.cloned.1.call-start
scs
__scs_entry_jumppad:
0x0: {  	(pc) =	sbr.rel $0x88, $3  }
0x1: {  	(tag) =	ssettag $0x0;
	lr =	simm.s32 $0x1  }
0x2: {  	[smem:$0x3F96] =	sst lr;
	_ =	strace $0xD0000000  }
0x3: {  	_ = 	snop  }
0x4: {  	_ = 	snop  }
0x5: {  	_ = 	snop  }
0x6: {  	_ = 	snop  }
0x7: {  	_ = 	snop  }
__scs_overlays_trampoline_lowered:
0x8: {  	[smem:$0x3FA5] =	sst s0  }
0x9: {  	[smem:$0x3FA6] =	sst s1  }
0xa: {  	[smem:$0x3FA7] =	sst s2  }
0xb: {  	[smem:$0x3FA8] =	sst s3  }
0xc: {  	[smem:$0x3FA9] =	sst s4  }
0xd: {  	[smem:$0x3FAA] =	sst s5  }
0xe: {  	[smem:$0x3FAB] =	sst s6  }
0xf: {  	[smem:$0x3FAC] =	sst s7  }
0x10: {  	[smem:$0x3FAD] =	sst s8  }
0x11: {  	[smem:$0x3FAE] =	sst s9;
	s0 =	simm.s32 @!p0 $0x0  }
0x12: {  	s1 =	sld [smem:$0x3F94];
	s0 =	simm.s32 @p0 $0x1  }
0x13: {  	[smem:$0x3FAF] =	sst s0;
	s0 =	simm.s32 @!p1 $0x0  }
0x14: {  	s2 =	sld [smem:$0x3F93];
	s0 =	simm.s32 @p1 $0x1  }
0x15: {  	[smem:$0x3FB0] =	sst s0;
	s0 =	simm.s32 @!p2 $0x0  }
0x16: {  	s3 =	sld [smem:$0x3FDB];
	s0 =	simm.s32 @p2 $0x1  }
0x17: {  	s4 =	simm.s32 $0x1BF5;
	[smem:$0x3FB2] =	sst s0  }
0x18: {  	s0 =	sld [smem:$0x3F95];
	_ =	swait.ge [sflag:s4], $0x0  }
0x19: {  	s7 =	sld [smem:$0x3F96]  }
0x1a: {  	s8 =	sadd.s32 $0xFFFFE003, lr  }
0x1b: {  	s9 =	sadd.s32 $0xFFFFFEF7, lr;
	s5 =	simm.s32 $0xFFFFFFFF;
	p2 =	slt.u32 s8, $0xFFFFF086  }
0x1c: {  	p1 =	slt.u32 s9, $0xF7A;
	s5 =	simm.s32 @!p2 $0x0  }
0x1d: {  	s5 =	simm.s32 @p1 $0x1;
	p0 =	seq.s32 s7, s2  }
0x1e: {  	s7 =	smul.u32 @!p0 $0xF7A, s2;
	p2 =	seq.s32 @!p0 s5, $0x0  }
0x1f: {  	s9 =	smul.u32 $0xF7A, s1;
	s8 =	simm.s32 @!p0 $0x1BF5;
	p2 =	por !p2, p0  }
0x20: {  	[sflag:s8] =	ssyncset.s32 @!p0 $0xFFFFF086;
	s6 =	sadd.s32 @!p0 s3, s7;
	s7 =	simm.s32 @!p0 $0x108  }
0x21: {  	s3 =	sadd.s32 s3, s9;
	s6 =	sadd.s32 @!p0 $0x88, s6;
	s7 =	simm.s32 @p2 $0x1082  }
0x22: {  	[simem:s7], [sflag:s8] =	dma.local @!p0 [hbm:s6], $0xF7A  }
0x23: {  	s9 =	sor.u32 $0xD0000000, s2;
	s6 =	simm.s32 $0x108;
	_ =	swait.ge @!p0 [sflag:s8], $0x0  }
0x24: {  	s3 =	sadd.s32 $0x88, s3;
	s6 =	simm.s32 @!p1 $0x1082;
	[sflag:s4] =	ssyncset.s32 $0xFFFFF086  }
0x25: {  	[simem:s6], [sflag:s4] =	dma.local [hbm:s3], $0xF7A  }
0x26: {  	[smem:$0x3F96] =	sst s1;
	(tag) =	ssettag s2;
	_ =	strace s9  }
0x27: {  	s1 =	sld [smem:$0x3FA6]  }
0x28: {  	s2 =	sld [smem:$0x3FA7]  }
0x29: {  	s4 =	sld [smem:$0x3FA9]  }
0x2a: {  	p0 =	seq.s32 s5, $0x0;
	s5 =	sld [smem:$0x3FAA]  }
0x2b: {  	s6 =	sld [smem:$0x3FAB]  }
0x2c: {  	s7 =	sld [smem:$0x3FAC]  }
0x2d: {  	s3 =	simm.s32 $0x108;
	s8 =	sld [smem:$0x3FAD]  }
0x2e: {  	s3 =	simm.s32 @!p0 $0x1082;
	s9 =	sld [smem:$0x3FAE]  }
0x2f: {  	lr =	sadd.s32 s0, s3;
	s0 =	sld [smem:$0x3FA5]  }
0x30: {  	s3 =	sld [smem:$0x3FA8]  }
0x31: {  	[smem:$0x3FB1] =	sst s10  }
0x32: {  	s10 =	sld [smem:$0x3FAF];
	_ =	sdelay $0x3  }
0x33: {  	p0 =	seq.s32 s10, $0x1;
	s10 =	sld [smem:$0x3FB1];
	_ =	sdelay $0x3  }
0x34: {  	[smem:$0x3FB1] =	sst s10  }
0x35: {  	s10 =	sld [smem:$0x3FB0];
	_ =	sdelay $0x3  }
0x36: {  	p1 =	seq.s32 s10, $0x1;
	s10 =	sld [smem:$0x3FB1];
	_ =	sdelay $0x3  }
0x37: {  	[smem:$0x3FB1] =	sst s10  }
0x38: {  	s10 =	sld [smem:$0x3FB2]  }
0x39: {  	_ = 	snop;
	(pc) =	sbr.ind lr, $3  }
0x3a: {  	_ = 	snop  }
0x3b: {  	_ = 	snop  }
0x3c: {  	p2 =	seq.s32 s10, $0x1;
	s10 =	sld [smem:$0x3FB1]  }
0x3d: {  	_ =	shalt  }
0x3e: {  	_ =	shalt  }
0x3f: {  	_ =	shalt  }
0x40: {  	_ =	shalt  }
0x41: {  	_ =	shalt  }
0x42: {  	_ =	shalt  }
0x43: {  	_ =	shalt  }
0x44: {  	_ =	shalt  }
0x45: {  	_ =	shalt  }
0x46: {  	_ =	shalt  }
0x47: {  	_ =	shalt  }
0x48: {  	_ =	shalt  }
0x49: {  	_ =	shalt  }
0x4a: {  	_ =	shalt  }
0x4b: {  	_ =	shalt  }
0x4c: {  	_ =	shalt  }
0x4d: {  	_ =	shalt  }
0x4e: {  	_ =	shalt  }
0x4f: {  	_ =	shalt  }
0x50: {  	_ =	shalt  }
0x51: {  	_ =	shalt  }
0x52: {  	_ =	shalt  }
0x53: {  	_ =	shalt  }
0x54: {  	_ =	shalt  }
0x55: {  	_ =	shalt  }
0x56: {  	_ =	shalt  }
0x57: {  	_ =	shalt  }
0x58: {  	_ =	shalt  }
0x59: {  	_ =	shalt  }
0x5a: {  	_ =	shalt  }
0x5b: {  	_ =	shalt  }
0x5c: {  	_ =	shalt  }
0x5d: {  	_ =	shalt  }
0x5e: {  	_ =	shalt  }
0x5f: {  	_ =	shalt  }
0x60: {  	_ =	shalt  }
0x61: {  	_ =	shalt  }
0x62: {  	_ =	shalt  }
0x63: {  	_ =	shalt  }
0x64: {  	_ =	shalt  }
0x65: {  	_ =	shalt  }
0x66: {  	_ =	shalt  }
0x67: {  	_ =	shalt  }
0x68: {  	_ =	shalt  }
0x69: {  	_ =	shalt  }
0x6a: {  	_ =	shalt  }
0x6b: {  	_ =	shalt  }
0x6c: {  	_ =	shalt  }
0x6d: {  	_ =	shalt  }
0x6e: {  	_ =	shalt  }
0x6f: {  	_ =	shalt  }
0x70: {  	_ =	shalt  }
0x71: {  	_ =	shalt  }
0x72: {  	_ =	shalt  }
0x73: {  	_ =	shalt  }
0x74: {  	_ =	shalt  }
0x75: {  	_ =	shalt  }
0x76: {  	_ =	shalt  }
0x77: {  	_ =	shalt  }
0x78: {  	_ =	shalt  }
0x79: {  	_ =	shalt  }
0x7a: {  	_ =	shalt  }
0x7b: {  	_ =	shalt  }
0x7c: {  	_ =	shalt  }
0x7d: {  	_ =	shalt  }
0x7e: {  	_ =	shalt  }
0x7f: {  	_ =	shalt  }
0x80: {  	_ =	shalt  }
0x81: {  	_ =	shalt  }
0x82: {  	_ =	shalt  }
0x83: {  	_ =	shalt  }
0x84: {  	_ =	shalt  }
0x85: {  	_ =	shalt  }
0x86: {  	_ =	shalt  }
0x87: {  	_ =	shalt  }
.Lfunc_end0:
.L_simem_size_0:
called_computation.7_lowered:
.L_overlay_start_0:
0x88: {  	s2 =	sld [smem:$0x3FD9]  }
0x89: {  	s3 =	sld [smem:$0x3FFE];
	_ =	sdelay $0x1  }
0x8a: {  	s1 =	srdreg.scid  }
0x8b: {  	s0 =	sand.u32 $0x1, s1  }
0x8c: {  	s16 =	sshll.u32 s0, $0xA;
	s2 =	sadd.s32 s3, s2  }
0x8d: {  	s2 =	sadd.s32 s2, s16  }
0x8e: {  	[smem:$0x3FBD] =	sst s2  }
0x8f: {  	_ = 	snop  }
0x90: {  	(tm) =	ssettm $0x1  }
0x91: {  	s17 =	sld [smem:$0x3FFB];
	_ =	sdelay $0x3  }
0x92: {  	_ =	strace s17  }
0x93: {  	s2 =	sld [smem:$0x3FFC];
	_ =	sdelay $0x3  }
0x94: {  	_ =	strace s2  }
0x95: {  	s2 =	sld [smem:$0x3FFD];
	_ =	sdelay $0x3  }
0x96: {  	_ =	strace s2  }
0x97: {  	_ =	strace $0x8FFFFFFF  }
0x98: {  	s18 =	sld [smem:$0x3FDB];
	_ =	sdelay $0x1  }
0x99: {  	s19 =	simm.s32 $_scs_section_size  }
0x9a: {  	s4 =	simm.s32 $_size__tile_overlayer_lowered;
	s5 =	simm.s32 $_tile_overlayer_lowered  }
0x9b: {  	s22 =	simm.s32 $0x1BFF;
	s21 =	sshll.u32 s5, $0x1;
	s2 =	sadd.s32 s19, s18  }
0x9c: {  	s6 =	simm.s32 $0x0;
	s20 =	sshll.u32 s4, $0x1;
	s4 =	sadd.s32 s21, s2  }
0x9d: {  	[timem:s6], [sflag:s22] =	dma.local [hbm:s4], s20  }
0x9e: {  	_ =	swait.ge [sflag:s22], s20  }
0x9f: {  	s3 =	ssub.s32 $0x0, s20;
	[sflag:s22] =	ssyncset.done $0x0  }
0xa0: {  	[sflag:s22] =	ssyncadd.s32 s3;
	_ =	sdelay $0x1  }
0xa1: {  	s23 =	simm.s32 $0x1B8B  }
0xa2: {  	_ =	swait.ge [sflag:s23], $0x1  }
0xa3: {  	[sflag:s23] =	ssyncset.done $0x0  }
0xa4: {  	s25 =	simm.s32 $0x1B8E;
	s24 =	sld [smem:$0x3FFE];
	[sflag:s23] =	ssyncadd.s32 $0xFFFFFFFF  }
0xa5: {  	s26 =	simm.s32 $execute0_lowered;
	[smem:$0x3FD2] =	sst s25  }
0xa6: {  	s4 =	sshll.u32 s26, $0x1;
	_ =	strace $0x8000005B;
	[dreg:$0x1] =	wrdreg $0xFFFFFFFF  }
0xa7: {  	s28 =	simm.s32 $_size_execute0_lowered;
	s2 =	sadd.s32 s2, s4;
	[dreg:$0x0] =	wrdreg $0x0  }
0xa8: {  	s4 =	sshll.u32 s28, $0x1;
	[dreg:$0x2] =	wrdreg s2  }
0xa9: {  	[dreg:$0x3] =	wrdreg s4  }
0xaa: {  	[dreg:$0x4] =	wrdreg $0xC0  }
0xab: {  	_ =	task [dreg:s6], $0x5FFFF  }
0xac: {  	[dreg:$0x1] =	wrdreg $0xFFFFFFFF  }
0xad: {  	[dreg:$0x0] =	wrdreg $0x60  }
0xae: {  	[dreg:$0x2] =	wrdreg s24  }
0xaf: {  	[dreg:$0x3] =	wrdreg $0x68000  }
0xb0: {  	[dreg:$0x4] =	wrdreg $0x9  }
0xb1: {  	_ =	task.clear_ibuf [dreg:s6], $0x5FFFF;
	_ =	strace $0x9000005B  }
0xb2: {  	s29 =	simm.s32 $0x9;
	_ =	strace $0x8000005D  }
0xb3: {  	_ =	swait.ge [sflag:s29], $0x1  }
0xb4: {  	[sflag:s29] =	ssyncadd.s32 $0xFFFFFFFF  }
0xb5: {  	_ =	strace $0x9000005D  }
0xb6: {  	_ =	sfence  }
0xb7: {  	s30 =	sld [smem:$0x0];
	_ =	sdelay $0x2  }
0xb8: {  	s31 =	sshll.u32 s1, $0xD;
	s1 =	sshrl.u32 s1, $0x2  }
0xb9: {  	s3 =	sand.u32 $0x4000, s31;
	s1 =	sadd.s32 s1, s30  }
0xba: {  	s0 =	sor.u32 s3, s0;
	s1 =	sshll.u32 s1, $0x11  }
0xbb: {  	s0 =	sor.u32 s1, s0  }
0xbc: {  	s0 =	sadd.s32 $0x8F2B, s0  }
0xbd: {  	[sflag:s0] =	ssyncadd.remote.s32 $0x1  }
0xbe: {  	_ =	sfence.sel $0xFFFF  }
0xbf: {  	[dreg:$0x0] =	wrdreg $0xFFFFFFFF;
	(pc) =	sbr.abs _section_cstart, $3  }
0xc0: {  	[dreg:$0x1] =	wrdreg $0xFFFFFFFF  }
0xc1: {  	_ =	task.clear_ibuf [dreg:s6], $0x2FFFF;
	_ =	strace $0x9FFFFFFF  }
0xc2: {  	(tm) =	ssettm $0x7FFFFFFF  }
0xc3: {  	_ =	shalt  }
tec
execute0_lowered:
.L_overlay_start_1:
0x0: {  	(tag) =	ssettag $0x1  }
0x1: {  	s1 =	srdreg.scid;
	s5 =	rddreg [dreg:$0x0]  }
0x2: {  	s0 =	stileid.u32;
	s2 =	rddreg [dreg:$0x1];
	s3 =	simm.s32 $0x0  }
0x3: {  	s14 =	simm.s32 $0x80;
	s15 =	simm.s32 $0x2800;
	s16 =	simm.s32 $0x1  }
0x4: {  	s17 =	simm.s32 $0x0;
	s6 =	sand.u32 $0x1, s1;
	s1 =	rddreg [dreg:$0x2]  }
0x5: {  	s26 =	sshll.u32 s0, $0x1;
	[smem:$0x7FF] =	sst s3;
	s8 =	smul.u32 $0x13C00, s0  }
0x6: {  	s11 =	smul.u32 $0x4F000, s0;
	s30 =	sshll.u32 s0, $0x6;
	s4 =	sor.u32 s6, s26  }
0x7: {  	_ =	strace $0x8000005C;
	s9 =	smul.u32 $0x13C000, s6;
	s6 =	ssub.s32 $0x2, s6  }
0x8: {  	s7 =	smul.u32 $0x280, s4;
	s4 =	sadd.s32 $0x2E200, s5;
	s28 =	sshrl.u32 s8, $0x3  }
0x9: {  	s29 =	sshrl.u32 s6, $0x1;
	s31 =	sshrl.u32 s11, $0x2;
	s8 =	sadd.s32 s8, s9  }
0xa: {  	s13 =	ssub.s32 s6, s29;
	s6 =	sor.u32 $0x1C02, s30;
	s11 =	sadd.s32 s31, s2  }
0xb: {  	s10 =	sadd.s32 s7, s5;
	s7 =	sadd.s32 s28, s5;
	s8 =	sshrl.u32 s8, $0x3  }
0xc: {  	s11 =	sshrl.u32 s11, $0x3;
	s12 =	sadd.s32 s8, s5;
	s5 =	sadd.s32 $0x6A00, s7  }
0xd: {  	s7 =	sadd.s32 $0x277A00, s10;
	s8 =	sadd.s32 $0x27CA00, s10;
	s10 =	smax.u32 s13, $0x1  }
0xe: {  	s13 =	simm.s32 $0x1400;
	s9 =	sadd.s32 $0x55400, s12;
	s12 =	simm.s32 $0x2  }
.LBB2_1:
0xf: {  	[spmem:s11], [sflag:s6] =	dma.local [hbm:s5], $0x2780  }
0x10: {  	_ =	swait.ge [sflag:s12], $0x2780  }
0x11: {  	[sflag:s12] =	ssyncset.done $0x0  }
0x12: {  	[sflag:s12] =	ssyncadd.s32 $0xFFFFD880  }
0x13: {  	[tilespmem:s3], [sflag:$0x2] =	stream.linear.gather [hbm4b:s7+s3], $0x1400, $0x38;
	[tilespmem:$0x1A400] =	vst v63  }
0x14: {  	_ =	swait.ge [sflag:s12], $0x1400  }
0x15: {  	[sflag:s12] =	ssyncset.done $0x0  }
0x16: {  	[sflag:s12] =	ssyncadd.s32 $0xFFFFEC00  }
0x17: {  	[tilespmem:s13], [sflag:$0x2] =	stream.linear.gather [hbm4b:s8+s3], $0x1400, $0x38;
	[tilespmem:$0x1A400] =	vst v63  }
0x18: {  	_ =	swait.ge [sflag:s12], $0x1400  }
0x19: {  	[sflag:s12] =	ssyncset.done $0x0  }
0x1a: {  	[sflag:s12] =	ssyncadd.s32 $0xFFFFEC00  }
0x1b: {  	s18 =	simm.s32 $0x0;
	[bflag:$0x0] =	sbarrier.arrive $0xFFFF  }
0x1c: {  	[tilespmem:s15], [sflag:$0x1] =	stream.indirect.gather [hbm4b:s4+s14], $0x80, s18, s14, $0xb8;
	[tilespmem:$0x1A400] =	vst v63  }
0x1d: {  	_ =	swait.ge [sflag:s16], $0x4000  }
0x1e: {  	[sflag:s16] =	ssyncset.done $0x0  }
0x1f: {  	s31 =	simm.s32 $0x1400;
	[sflag:s16] =	ssyncadd.s32 $0xFFFFC000  }
0x20: {  	[spmem:s2] =	stream.indirect.scatter.add.f32 [tilespmem:s15], [sflag:$0x2], $0x80, s31, s14, $0xb8;
	[tilespmem:$0x1A400] =	vst v63  }
0x21: {  	_ =	swait.ge [sflag:s12], $0x4000  }
0x22: {  	s19 =	simm.s32 $0x400;
	s18 =	simm.s32 $0x200;
	[sflag:s12] =	ssyncset.done $0x0  }
.LBB2_2:
0x23: {  	s20 =	sshra.s32 s18, $0x2  }
0x24: {  	[sflag:s12] =	ssyncadd.s32 $0xFFFFC000;
	s18 =	smov.u32 s19;
	s21 =	sadd.s32 $0x200, s19  }
0x25: {  	[tilespmem:s15], [sflag:$0x1] =	stream.indirect.gather [hbm4b:s4+s14], $0x80, s20, s14, $0xb8;
	[tilespmem:$0x1A400] =	vst v63  }
0x26: {  	p0 =	sne.s32 s19, $0x4E00;
	_ =	swait.ge [sflag:s16], $0x4000  }
.Ltmp0:
0x27: {  	[sflag:s16] =	ssyncset.done $0x0;
	(pc) =	sbr.rel @p0 .LBB2_2-.Ltmp0, $4  }
0x28: {  	s19 =	sadd.s32 $0x1400, s20;
	[sflag:s16] =	ssyncadd.s32 $0xFFFFC000  }
0x29: {  	[spmem:s2] =	stream.indirect.scatter.add.f32 [tilespmem:s15], [sflag:$0x2], $0x80, s19, s14, $0xb8;
	[tilespmem:$0x1A400] =	vst v63  }
0x2a: {  	_ =	swait.ge [sflag:s12], $0x4000  }
0x2b: {  	s19 =	smov.u32 s21;
	[sflag:s12] =	ssyncset.done $0x0  }
0x2c: {  	s18 =	sshra.s32 s18, $0x2;
	[sflag:s12] =	ssyncadd.s32 $0xFFFFC000  }
0x2d: {  	[tilespmem:s15], [sflag:$0x1] =	stream.indirect.gather [hbm4b:s4+s14], $0x80, s18, s14, $0xb8;
	[tilespmem:$0x1A400] =	vst v63  }
0x2e: {  	_ =	swait.ge [sflag:s16], $0x4000  }
0x2f: {  	[sflag:s16] =	ssyncset.done $0x0  }
0x30: {  	s18 =	sadd.s32 $0x1400, s18;
	[sflag:s16] =	ssyncadd.s32 $0xFFFFC000  }
0x31: {  	[spmem:s2] =	stream.indirect.scatter.add.f32 [tilespmem:s15], [sflag:$0x2], $0x80, s18, s14, $0xb8;
	[tilespmem:$0x1A400] =	vst v63  }
0x32: {  	_ =	swait.ge [sflag:s12], $0x4000  }
0x33: {  	s17 =	sadd.s32 $0x1, s17;
	[sflag:s12] =	ssyncset.done $0x0  }
0x34: {  	p0 =	sne.s32 s17, s10;
	[sflag:s12] =	ssyncadd.s32 $0xFFFFC000  }
.Ltmp1:
0x35: {  	[bflag:$0x0] =	sbarrier.arrive $0xFFFF;
	(pc) =	sbr.rel @p0 .LBB2_1-.Ltmp1, $4  }
0x36: {  	[hbm:s9], [sflag:s6] =	dma.local [spmem:s11], $0x2780  }
0x37: {  	_ =	swait.ge [sflag:s12], $0x2780  }
0x38: {  	[sflag:s12] =	ssyncset.done $0x0  }
0x39: {  	[sflag:s12] =	ssyncadd.s32 $0xFFFFD880  }
0x3a: {  	_ =	sfence.sel $0x180000  }
0x3b: {  	[bflag:$0x0] =	sbarrier.arrive $0xFFFF  }
0x3c: {  	p0 =	sne.s32 s0, $0x0;
	_ =	strace $0x9000005C  }
0x3d: {  	s0 =	sadd.s32 @!p0 $0x100000, s1;
	[bflag:$0x2] =	sbarrier.arrive $0xFFFF  }
0x3e: {  	[sflag:s0] =	ssyncadd.tile.s32 @!p0 $0x1;
	_ =	shalt  }
.Lfunc_end2:
_tile_overlayer_lowered:
.L_overlay_start_2:
0x3f: {  	(tag) =	ssettag $0x2  }
0x40: {  	s0 =	rddreg [dreg:$0x0];
	s2 =	stileid.u32  }
0x41: {  	s1 =	rddreg [dreg:$0x1];
	p0 =	sne.s32 s2, $0x0  }
0x42: {  	s3 =	rddreg [dreg:$0x2];
	[bflag:$0x3] =	sbarrier.arrive $0xFFFF;
	s2 =	simm.s32 @!p0 $0x1C02  }
0x43: {  	[timem:s3], [sflag:s2] =	dma.local @!p0 [hbm:s0], s1  }
0x44: {  	s0 =	simm.s32 @!p0 $0x2  }
0x45: {  	_ =	swait.ge @!p0 [sflag:s0], s1  }
0x46: {  	s1 =	ssub.s32 @!p0 $0x0, s1;
	[sflag:s0] =	ssyncset.done @!p0 $0x0  }
0x47: {  	[sflag:s0] =	ssyncadd.s32 @!p0 s1  }
0x48: {  	[bflag:$0x3] =	sbarrier.arrive $0xFFFF  }
0x49: {  	_ =	shalt  }

</sc_bundles>
